<compile_context>
chip_gen: v7x
topology: tpu7x:2x2x1
jax: 0.10.2.dev20260603
libtpu: 0.0.44.dev20260713+nightly
codegen_flags: <defaults>
</compile_context>

<pallas_src>
import functools

import jax
import jax.numpy as jnp
from jax import lax
from jax.experimental import pallas as pl
from jax.experimental.pallas import tpu as pltpu
from jax.experimental.pallas import tpu_sc as plsc

_N = 10000
_D = 128
_E = 320000
_NC = 2
_NS = 16
_L = 16
_NW = _NC * _NS
_CH = 128
_CPW = 80
_EP = _NW * _CPW * _CH
_NP = 10240
_RPT = _NP // _NS

_mesh = plsc.VectorSubcoreMesh(
    core_axis_name="c", subcore_axis_name="s",
    num_cores=_NC, num_subcores=_NS)



@functools.partial(
    pl.kernel,
    compiler_params=pltpu.CompilerParams(needs_layout_passes=False),
    out_type=jax.ShapeDtypeStruct((_NC, _N), jnp.float32),
    mesh=_mesh,
    scratch_types=[
        pltpu.VMEM((_CPW, _CH), jnp.int32),
        pltpu.VMEM((_CPW, _CH), jnp.int32),
        pltpu.VMEM((_CPW, _CH), jnp.float32),
        pltpu.VMEM((_CPW, _CH), jnp.float32),
        pltpu.VMEM((_N,), jnp.float32),
        pltpu.VMEM((_N,), jnp.float32),
        pltpu.VMEM_SHARED((_N,), jnp.float32),
    ],
)
def _agg_narrow(y_hbm, src_hbm, dst_hbm, ew_hbm, out_hbm,
                src_v, dst_v, ew_v, msg_v, y_v, stage_v, acc_sh):
    c = lax.axis_index("c")
    s = lax.axis_index("s")
    w = c * _NS + s
    pltpu.sync_copy(src_hbm.at[w], src_v)
    pltpu.sync_copy(dst_hbm.at[w], dst_v)
    pltpu.sync_copy(ew_hbm.at[w], ew_v)
    pltpu.sync_copy(y_hbm, y_v)

    @pl.when(s == 0)
    def _():
        def zero_body(i, carry):
            stage_v[pl.ds(i * _L, _L)] = jnp.zeros((_L,), jnp.float32)
            return carry
        lax.fori_loop(0, _N // _L, zero_body, 0)
        pltpu.sync_copy(stage_v, acc_sh)

    plsc.subcore_barrier()

    def chunk_body(j, carry):
        for g in range(_CH // _L):
            sl = pl.ds(g * _L, _L)
            vals = plsc.load_gather(y_v, [src_v[j, sl]])
            msg_v[j, sl] = vals * ew_v[j, sl]
        pltpu.sync_copy(msg_v.at[j], acc_sh.at[dst_v.at[j]], add=True)
        return carry
    lax.fori_loop(0, _CPW, chunk_body, 0)

    plsc.subcore_barrier()

    @pl.when(s == 0)
    def _():
        pltpu.sync_copy(acc_sh, out_hbm.at[c])


_SCH = 32
_NSUB = _CH // _SCH
_TCH = _CPW * _NSUB
_NB = 4
_OUTER = _TCH // _NB


@functools.partial(
    pl.kernel,
    compiler_params=pltpu.CompilerParams(needs_layout_passes=False),
    out_type=jax.ShapeDtypeStruct((_NC, _NP, _D), jnp.float32),
    mesh=_mesh,
    scratch_types=[
        pltpu.VMEM((_CPW, _CH), jnp.int32),
        pltpu.VMEM((_CPW, _CH), jnp.int32),
        pltpu.VMEM((_CPW, _CH), jnp.float32),
        pltpu.VMEM((_SCH, _D), jnp.float32),
        pltpu.VMEM((_SCH, _D), jnp.float32),
        pltpu.VMEM((_SCH, _D), jnp.float32),
        pltpu.VMEM((_SCH, _D), jnp.float32),
        pltpu.VMEM_SHARED((_NP, _D), jnp.float32),
        pltpu.SemaphoreType.DMA,
        pltpu.SemaphoreType.DMA,
        pltpu.SemaphoreType.DMA,
        pltpu.SemaphoreType.DMA,
        pltpu.SemaphoreType.DMA,
        pltpu.SemaphoreType.DMA,
        pltpu.SemaphoreType.DMA,
        pltpu.SemaphoreType.DMA,
    ],
)
def _agg_wide(y_hbm, src_hbm, dst_hbm, ew_hbm, out_hbm,
              src_v, dst_v, ew_v, rows0, rows1, rows2, rows3,
              acc_sh, gs0, gs1, gs2, gs3, ss0, ss1, ss2, ss3):
    bufs = (rows0, rows1, rows2, rows3)
    gsems = (gs0, gs1, gs2, gs3)
    ssems = (ss0, ss1, ss2, ss3)
    c = lax.axis_index("c")
    s = lax.axis_index("s")
    w = c * _NS + s
    pltpu.sync_copy(src_hbm.at[w], src_v)
    pltpu.sync_copy(dst_hbm.at[w], dst_v)
    pltpu.sync_copy(ew_hbm.at[w], ew_v)

    def zero_body(i, carry):
        for f in range(_D // _L):
            rows0[i, pl.ds(f * _L, _L)] = jnp.zeros((_L,), jnp.float32)
        return carry
    lax.fori_loop(0, _SCH, zero_body, 0)
    for p in range(_RPT // _SCH):
        pltpu.async_copy(
            rows0, acc_sh.at[pl.ds(s * _RPT + p * _SCH, _SCH)],
            gsems[p % _NB])
    for p in range(_RPT // _SCH):
        pltpu.make_async_copy(
            rows0, acc_sh.at[pl.ds(s * _RPT + p * _SCH, _SCH)],
            gsems[p % _NB]).wait()

    plsc.subcore_barrier()

    def _gather_descr(t, buf, sem):
        j = t // _NSUB
        o = (t % _NSUB) * _SCH
        return pltpu.make_async_copy(
            y_hbm.at[src_v.at[j, pl.ds(o, _SCH)]], buf, sem)

    def _scatter_descr(t, buf, sem):
        j = t // _NSUB
        o = (t % _NSUB) * _SCH
        return pltpu.make_async_copy(
            buf, acc_sh.at[dst_v.at[j, pl.ds(o, _SCH)]], sem)

    for b in range(2):
        _gather_descr(b, bufs[b], gsems[b]).start()

    def outer_body(i, carry):
        for b in range(_NB):
            t = i * _NB + b
            j = t // _NSUB
            o = (t % _NSUB) * _SCH
            buf = bufs[b]
            nb = (b + 2) % _NB
            _gather_descr(t, buf, gsems[b]).wait()
            jv = jnp.full((_L,), j, jnp.int32)
            ov = jnp.full((_L,), o, jnp.int32)

            def edge_body(e, c2, buf=buf, jv=jv, ov=ov):
                scale = plsc.load_gather(
                    ew_v, [jv, ov + jnp.full((_L,), e, jnp.int32)])
                for f in range(_D // _L):
                    sl = pl.ds(f * _L, _L)
                    buf[e, sl] = buf[e, sl] * scale
                return c2
            lax.fori_loop(0, _SCH, edge_body, 0)
            _scatter_descr(t, buf, ssems[b]).start(add=True)

            if b < 2:
                @pl.when(i > 0)
                def _(t=t, nb=nb):
                    _scatter_descr(t - 2, bufs[nb], ssems[nb]).wait()
                _gather_descr(t + 2, bufs[nb], gsems[nb]).start()
            else:
                _scatter_descr(t - 2, bufs[nb], ssems[nb]).wait()

                @pl.when(i < _OUTER - 1)
                def _(t=t, nb=nb):
                    _gather_descr(t + 2, bufs[nb], gsems[nb]).start()
        return carry
    lax.fori_loop(0, _OUTER, outer_body, 0)

    for b in range(2, _NB):
        _scatter_descr(_TCH - _NB + b, bufs[b], ssems[b]).wait()

    plsc.subcore_barrier()

    pltpu.sync_copy(acc_sh.at[pl.ds(s * _RPT, _RPT)],
                    out_hbm.at[c, pl.ds(s * _RPT, _RPT)])



_R = 1000
_G = _N // _R


def _row_spec():
    return pl.BlockSpec((_R, _D), lambda i: (i, 0))


def _col_spec():
    return pl.BlockSpec((_R, 1), lambda i: (i, 0))


def _dense1_body(d0_ref, d1_ref, x_ref, w_ref, dis_ref, y_ref):
    deg = d0_ref[...] + d1_ref[...] + 1.0
    dis = lax.rsqrt(deg)
    xw = jnp.dot(x_ref[...], w_ref[...], preferred_element_type=jnp.float32)
    dis_ref[...] = dis
    y_ref[...] = dis * xw


def _dense1(d0, d1, x, W):
    return pl.pallas_call(
        _dense1_body,
        grid=(_G,),
        in_specs=[_col_spec(), _col_spec(), _row_spec(),
                  pl.BlockSpec((_D, _D), lambda i: (0, 0))],
        out_specs=[_col_spec(), _row_spec()],
        out_shape=[jax.ShapeDtypeStruct((_N, 1), jnp.float32),
                   jax.ShapeDtypeStruct((_N, _D), jnp.float32)],
    )(d0, d1, x, W)


def _dense_mid_body(p0_ref, p1_ref, y_ref, dis_ref, w_ref, b_ref, yn_ref):
    dis = dis_ref[...]
    h = jnp.maximum(
        dis * (p0_ref[...] + p1_ref[...] + y_ref[...]) + b_ref[...], 0.0)
    yn_ref[...] = dis * jnp.dot(h, w_ref[...],
                                preferred_element_type=jnp.float32)


def _dense_mid(p0, p1, y, dis, W, b):
    return pl.pallas_call(
        _dense_mid_body,
        grid=(_G,),
        in_specs=[_row_spec(), _row_spec(), _row_spec(), _col_spec(),
                  pl.BlockSpec((_D, _D), lambda i: (0, 0)),
                  pl.BlockSpec((1, _D), lambda i: (0, 0))],
        out_specs=_row_spec(),
        out_shape=jax.ShapeDtypeStruct((_N, _D), jnp.float32),
    )(p0, p1, y, dis, W, b)


def _dense3_body(p0_ref, p1_ref, y_ref, dis_ref, w3_ref, b_ref, y3_ref):
    dis = dis_ref[...]
    h = jnp.maximum(
        dis * (p0_ref[...] + p1_ref[...] + y_ref[...]) + b_ref[...], 0.0)
    y3_ref[...] = dis * jnp.sum(h * w3_ref[...], axis=1, keepdims=True)


def _dense3(p0, p1, y, dis, w3row, b):
    return pl.pallas_call(
        _dense3_body,
        grid=(_G,),
        in_specs=[_row_spec(), _row_spec(), _row_spec(), _col_spec(),
                  pl.BlockSpec((1, _D), lambda i: (0, 0)),
                  pl.BlockSpec((1, _D), lambda i: (0, 0))],
        out_specs=_col_spec(),
        out_shape=jax.ShapeDtypeStruct((_N, 1), jnp.float32),
    )(p0, p1, y, dis, w3row, b)


def _final_body(q0_ref, q1_ref, y3_ref, dis_ref, b3_ref, o_ref):
    o_ref[...] = (dis_ref[...] * (q0_ref[...] + q1_ref[...] + y3_ref[...])
                  + b3_ref[...])


def _final(q0, q1, y3, dis, b3):
    return pl.pallas_call(
        _final_body,
        grid=(_G,),
        in_specs=[_col_spec(), _col_spec(), _col_spec(), _col_spec(),
                  pl.BlockSpec((1, 1), lambda i: (0, 0))],
        out_specs=_col_spec(),
        out_shape=jax.ShapeDtypeStruct((_N, 1), jnp.float32),
    )(q0, q1, y3, dis, b3)



def kernel(x, edge_index, edge_attr, W1, b1, W2, b2, W3, b3):
    ei = edge_index.astype(jnp.int32)
    src, dst = ei[0], ei[1]
    ew = edge_attr[:, 0].astype(jnp.float32)

    pad = _EP - _E
    srcp = jnp.concatenate([src, jnp.zeros((pad,), jnp.int32)])
    dstp = jnp.concatenate([dst, jnp.zeros((pad,), jnp.int32)])
    ewp = jnp.concatenate([ew, jnp.zeros((pad,), jnp.float32)])
    srcp = srcp.reshape(_NW, _CPW, _CH)
    dstp = dstp.reshape(_NW, _CPW, _CH)
    ewp = ewp.reshape(_NW, _CPW, _CH)

    ones_n = jnp.ones((_N,), jnp.float32)
    degp = _agg_narrow(ones_n, srcp, dstp, ewp)
    dis, y1 = _dense1(degp[0][:, None], degp[1][:, None], x, W1)

    p1 = _agg_wide(y1, srcp, dstp, ewp)
    y2 = _dense_mid(p1[0, :_N], p1[1, :_N], y1, dis, W2, b1.reshape(1, _D))

    p2 = _agg_wide(y2, srcp, dstp, ewp)
    y3 = _dense3(p2[0, :_N], p2[1, :_N], y2, dis, W3.reshape(1, _D), b2.reshape(1, _D))

    q = _agg_narrow(y3[:, 0], srcp, dstp, ewp)
    out = _final(q[0][:, None], q[1][:, None], y3, dis, b3.reshape(1, 1))
    return out[:, 0]

# --- scband reference (transcript-rebuilt; emitter-appended) ---
"""Pipeline reference for scband-gcn-34626026340524 (READ-ONLY COPY).

The authoritative reference and input builder live on the scoring server;
editing this copy changes nothing except your own understanding.
"""

import jax, jax.numpy as jnp
import numpy as np

N_NODES = 10000
N_EDGES = 320000
D_IN = 128
D_HID = 128


def setup_inputs(seed: int = 0) -> dict:
    key = jax.random.key(seed)
    ks = jax.random.split(key, 10)
    x = jax.random.normal(ks[0], (N_NODES, D_IN), dtype=jnp.float32)
    edge_index = jax.random.randint(ks[1], (2, N_EDGES), 0, N_NODES, dtype=jnp.int64)
    edge_attr = jax.random.uniform(ks[2], (N_EDGES, 1), dtype=jnp.float32)
    # GCNConv weights (glorot-ish) and zero biases, per init_kwargs:
    # layer1: in=128 -> hid=128; layer2: hid -> hid; layer3: hid -> 1
    s1 = (6.0 / (D_IN + D_HID)) ** 0.5
    s2 = (6.0 / (D_HID + D_HID)) ** 0.5
    s3 = (6.0 / (D_HID + 1)) ** 0.5
    W1 = jax.random.uniform(ks[3], (D_IN, D_HID), dtype=jnp.float32, minval=-s1, maxval=s1)
    b1 = jnp.zeros((D_HID,), dtype=jnp.float32)
    W2 = jax.random.uniform(ks[4], (D_HID, D_HID), dtype=jnp.float32, minval=-s2, maxval=s2)
    b2 = jnp.zeros((D_HID,), dtype=jnp.float32)
    W3 = jax.random.uniform(ks[5], (D_HID, 1), dtype=jnp.float32, minval=-s3, maxval=s3)
    b3 = jnp.zeros((1,), dtype=jnp.float32)
    return {"x": x, "edge_index": edge_index, "edge_attr": edge_attr,
            "W1": W1, "b1": b1, "W2": W2, "b2": b2, "W3": W3, "b3": b3}


def _gcn_conv(x, src, dst, edge_weight, W, b):
    # PyG GCNConv: add self-loops (weight 1), symmetric normalization, scatter-add aggregate
    n = x.shape[0]
    loop = jnp.arange(n, dtype=src.dtype)
    src_f = jnp.concatenate([src, loop])
    dst_f = jnp.concatenate([dst, loop])
    ew = jnp.concatenate([edge_weight, jnp.ones((n,), dtype=x.dtype)])
    deg = jnp.zeros((n,), dtype=x.dtype).at[dst_f].add(ew)
    dis = jnp.where(deg > 0, jax.lax.rsqrt(jnp.maximum(deg, 1e-12)), 0.0)
    norm = dis[src_f] * ew * dis[dst_f]
    xw = x @ W
    msgs = jnp.take(xw, src_f, axis=0) * norm[:, None]
    out = jnp.zeros((n, xw.shape[1]), dtype=x.dtype).at[dst_f].add(msgs)
    return out + b


def reference(x, edge_index, edge_attr, W1, b1, W2, b2, W3, b3):
    src, dst = edge_index[0], edge_index[1]
    ew = edge_attr.squeeze()
    h = _gcn_conv(x, src, dst, ew, W1, b1)
    h = jax.nn.relu(h)  # dropout is identity in eval mode
    h = _gcn_conv(h, src, dst, ew, W2, b2)
    h = jax.nn.relu(h)
    h = _gcn_conv(h, src, dst, ew, W3, b3)
    return h.squeeze()

if __name__ == "__main__":
    import jax
    _d = setup_inputs()
    print(jax.jit(kernel)(*tuple(_d.values())))

</pallas_src>

<mosaic_0001>
#map = affine_map<(d0, d1) -> (0)>
#map1 = affine_map<(d0, d1) -> (0, 0, 0)>
#map2 = affine_map<(d0, d1) -> (0, 0)>
module attributes {stable_mosaic.version = 14 : i64} {
  func.func @_agg_narrow(%arg0: i32, %arg1: i32, %arg2: memref<10000xf32, #tpu.memory_space<hbm>>, %arg3: memref<32x80x128xi32, #tpu.memory_space<hbm>>, %arg4: memref<32x80x128xi32, #tpu.memory_space<hbm>>, %arg5: memref<32x80x128xf32, #tpu.memory_space<hbm>>, %arg6: memref<2x10000xf32, #tpu.memory_space<hbm>>, %arg7: memref<80x128xi32, #tpu.memory_space<vmem>>, %arg8: memref<80x128xi32, #tpu.memory_space<vmem>>, %arg9: memref<80x128xf32, #tpu.memory_space<vmem>>, %arg10: memref<80x128xf32, #tpu.memory_space<vmem>>, %arg11: memref<10000xf32, #tpu.memory_space<vmem>>, %arg12: memref<10000xf32, #tpu.memory_space<vmem>>, %arg13: memref<10000xf32, #tpu.memory_space<vmem_shared>>) attributes {dimension_semantics = [#tpu.dimension_semantics<core_parallel>, #tpu.dimension_semantics<subcore_parallel>], iteration_bounds = array<i64: 2, 16>, scalar_prefetch = 0 : i64, scratch_operands = 7 : i64, tpu.core_type = #tpu.core_type<sc_vector_subcore>, window_params = [{transform_indices = #map}, {transform_indices = #map1}, {transform_indices = #map1}, {transform_indices = #map1}, {transform_indices = #map2}]} {
    %mul3A = arith.constant 16 : i32
    %mul3A_0 = arith.muli %arg0, %mul3A : i32
    %add3A = arith.addi %mul3A_0, %arg1 : i32
    "tpu.region"() ({
      %run_scoped3A = tpu.sem_alloc : memref<!tpu.dma_semaphore, #tpu.memory_space<semaphore_mem>>
      %dma_start3A = arith.constant 0 : i32
      %dma_start3A_14 = arith.constant 0 : i32
      %dma_start3A_15 = tpu.memref_slice %arg3[%add3A, %dma_start3A, %dma_start3A_14] : memref<32x80x128xi32, #tpu.memory_space<hbm>> -> memref<1x80x128xi32, #tpu.memory_space<hbm>>
      %dma_start3A_16 = tpu.memref_squeeze %dma_start3A_15 : memref<1x80x128xi32, #tpu.memory_space<hbm>> -> memref<80x128xi32, #tpu.memory_space<hbm>>
      %dma_start3A_17 = arith.constant 0 : i32
      %dma_start3A_18 = arith.constant 0 : i32
      %dma_start3A_19 = tpu.memref_slice %arg3[%add3A, %dma_start3A_17, %dma_start3A_18] : memref<32x80x128xi32, #tpu.memory_space<hbm>> -> memref<1x80x128xi32, #tpu.memory_space<hbm>>
      %dma_start3A_20 = tpu.memref_squeeze %dma_start3A_19 : memref<1x80x128xi32, #tpu.memory_space<hbm>> -> memref<80x128xi32, #tpu.memory_space<hbm>>
      tpu.enqueue_dma source(%dma_start3A_20 : memref<80x128xi32, #tpu.memory_space<hbm>>) target(%arg7 : memref<80x128xi32, #tpu.memory_space<vmem>>) target_semaphore(%run_scoped3A : memref<!tpu.dma_semaphore, #tpu.memory_space<semaphore_mem>>)
      %dma_wait3A = arith.constant 0 : i32
      %dma_wait3A_21 = arith.constant 0 : i32
      %dma_wait3A_22 = tpu.memref_slice %arg3[%add3A, %dma_wait3A, %dma_wait3A_21] : memref<32x80x128xi32, #tpu.memory_space<hbm>> -> memref<1x80x128xi32, #tpu.memory_space<hbm>>
      %dma_wait3A_23 = tpu.memref_squeeze %dma_wait3A_22 : memref<1x80x128xi32, #tpu.memory_space<hbm>> -> memref<80x128xi32, #tpu.memory_space<hbm>>
      %dma_wait3A_24 = arith.constant 0 : i32
      %dma_wait3A_25 = arith.constant 0 : i32
      %dma_wait3A_26 = tpu.memref_slice %arg3[%add3A, %dma_wait3A_24, %dma_wait3A_25] : memref<32x80x128xi32, #tpu.memory_space<hbm>> -> memref<1x80x128xi32, #tpu.memory_space<hbm>>
      %dma_wait3A_27 = tpu.memref_squeeze %dma_wait3A_26 : memref<1x80x128xi32, #tpu.memory_space<hbm>> -> memref<80x128xi32, #tpu.memory_space<hbm>>
      tpu.wait_dma2 semaphore(%run_scoped3A : memref<!tpu.dma_semaphore, #tpu.memory_space<semaphore_mem>>) src(%dma_wait3A_27 : memref<80x128xi32, #tpu.memory_space<hbm>>) dst(%arg7 : memref<80x128xi32, #tpu.memory_space<vmem>>)
      tpu.yield
    }) : () -> ()
    "tpu.region"() ({
      %run_scoped3A = tpu.sem_alloc : memref<!tpu.dma_semaphore, #tpu.memory_space<semaphore_mem>>
      %dma_start3A = arith.constant 0 : i32
      %dma_start3A_14 = arith.constant 0 : i32
      %dma_start3A_15 = tpu.memref_slice %arg4[%add3A, %dma_start3A, %dma_start3A_14] : memref<32x80x128xi32, #tpu.memory_space<hbm>> -> memref<1x80x128xi32, #tpu.memory_space<hbm>>
      %dma_start3A_16 = tpu.memref_squeeze %dma_start3A_15 : memref<1x80x128xi32, #tpu.memory_space<hbm>> -> memref<80x128xi32, #tpu.memory_space<hbm>>
      %dma_start3A_17 = arith.constant 0 : i32
      %dma_start3A_18 = arith.constant 0 : i32
      %dma_start3A_19 = tpu.memref_slice %arg4[%add3A, %dma_start3A_17, %dma_start3A_18] : memref<32x80x128xi32, #tpu.memory_space<hbm>> -> memref<1x80x128xi32, #tpu.memory_space<hbm>>
      %dma_start3A_20 = tpu.memref_squeeze %dma_start3A_19 : memref<1x80x128xi32, #tpu.memory_space<hbm>> -> memref<80x128xi32, #tpu.memory_space<hbm>>
      tpu.enqueue_dma source(%dma_start3A_20 : memref<80x128xi32, #tpu.memory_space<hbm>>) target(%arg8 : memref<80x128xi32, #tpu.memory_space<vmem>>) target_semaphore(%run_scoped3A : memref<!tpu.dma_semaphore, #tpu.memory_space<semaphore_mem>>)
      %dma_wait3A = arith.constant 0 : i32
      %dma_wait3A_21 = arith.constant 0 : i32
      %dma_wait3A_22 = tpu.memref_slice %arg4[%add3A, %dma_wait3A, %dma_wait3A_21] : memref<32x80x128xi32, #tpu.memory_space<hbm>> -> memref<1x80x128xi32, #tpu.memory_space<hbm>>
      %dma_wait3A_23 = tpu.memref_squeeze %dma_wait3A_22 : memref<1x80x128xi32, #tpu.memory_space<hbm>> -> memref<80x128xi32, #tpu.memory_space<hbm>>
      %dma_wait3A_24 = arith.constant 0 : i32
      %dma_wait3A_25 = arith.constant 0 : i32
      %dma_wait3A_26 = tpu.memref_slice %arg4[%add3A, %dma_wait3A_24, %dma_wait3A_25] : memref<32x80x128xi32, #tpu.memory_space<hbm>> -> memref<1x80x128xi32, #tpu.memory_space<hbm>>
      %dma_wait3A_27 = tpu.memref_squeeze %dma_wait3A_26 : memref<1x80x128xi32, #tpu.memory_space<hbm>> -> memref<80x128xi32, #tpu.memory_space<hbm>>
      tpu.wait_dma2 semaphore(%run_scoped3A : memref<!tpu.dma_semaphore, #tpu.memory_space<semaphore_mem>>) src(%dma_wait3A_27 : memref<80x128xi32, #tpu.memory_space<hbm>>) dst(%arg8 : memref<80x128xi32, #tpu.memory_space<vmem>>)
      tpu.yield
    }) : () -> ()
    "tpu.region"() ({
      %run_scoped3A = tpu.sem_alloc : memref<!tpu.dma_semaphore, #tpu.memory_space<semaphore_mem>>
      %dma_start3A = arith.constant 0 : i32
      %dma_start3A_14 = arith.constant 0 : i32
      %dma_start3A_15 = tpu.memref_slice %arg5[%add3A, %dma_start3A, %dma_start3A_14] : memref<32x80x128xf32, #tpu.memory_space<hbm>> -> memref<1x80x128xf32, #tpu.memory_space<hbm>>
      %dma_start3A_16 = tpu.memref_squeeze %dma_start3A_15 : memref<1x80x128xf32, #tpu.memory_space<hbm>> -> memref<80x128xf32, #tpu.memory_space<hbm>>
      %dma_start3A_17 = arith.constant 0 : i32
      %dma_start3A_18 = arith.constant 0 : i32
      %dma_start3A_19 = tpu.memref_slice %arg5[%add3A, %dma_start3A_17, %dma_start3A_18] : memref<32x80x128xf32, #tpu.memory_space<hbm>> -> memref<1x80x128xf32, #tpu.memory_space<hbm>>
      %dma_start3A_20 = tpu.memref_squeeze %dma_start3A_19 : memref<1x80x128xf32, #tpu.memory_space<hbm>> -> memref<80x128xf32, #tpu.memory_space<hbm>>
      tpu.enqueue_dma source(%dma_start3A_20 : memref<80x128xf32, #tpu.memory_space<hbm>>) target(%arg9 : memref<80x128xf32, #tpu.memory_space<vmem>>) target_semaphore(%run_scoped3A : memref<!tpu.dma_semaphore, #tpu.memory_space<semaphore_mem>>)
      %dma_wait3A = arith.constant 0 : i32
      %dma_wait3A_21 = arith.constant 0 : i32
      %dma_wait3A_22 = tpu.memref_slice %arg5[%add3A, %dma_wait3A, %dma_wait3A_21] : memref<32x80x128xf32, #tpu.memory_space<hbm>> -> memref<1x80x128xf32, #tpu.memory_space<hbm>>
      %dma_wait3A_23 = tpu.memref_squeeze %dma_wait3A_22 : memref<1x80x128xf32, #tpu.memory_space<hbm>> -> memref<80x128xf32, #tpu.memory_space<hbm>>
      %dma_wait3A_24 = arith.constant 0 : i32
      %dma_wait3A_25 = arith.constant 0 : i32
      %dma_wait3A_26 = tpu.memref_slice %arg5[%add3A, %dma_wait3A_24, %dma_wait3A_25] : memref<32x80x128xf32, #tpu.memory_space<hbm>> -> memref<1x80x128xf32, #tpu.memory_space<hbm>>
      %dma_wait3A_27 = tpu.memref_squeeze %dma_wait3A_26 : memref<1x80x128xf32, #tpu.memory_space<hbm>> -> memref<80x128xf32, #tpu.memory_space<hbm>>
      tpu.wait_dma2 semaphore(%run_scoped3A : memref<!tpu.dma_semaphore, #tpu.memory_space<semaphore_mem>>) src(%dma_wait3A_27 : memref<80x128xf32, #tpu.memory_space<hbm>>) dst(%arg9 : memref<80x128xf32, #tpu.memory_space<vmem>>)
      tpu.yield
    }) : () -> ()
    "tpu.region"() ({
      %run_scoped3A = tpu.sem_alloc : memref<!tpu.dma_semaphore, #tpu.memory_space<semaphore_mem>>
      tpu.enqueue_dma source(%arg2 : memref<10000xf32, #tpu.memory_space<hbm>>) target(%arg11 : memref<10000xf32, #tpu.memory_space<vmem>>) target_semaphore(%run_scoped3A : memref<!tpu.dma_semaphore, #tpu.memory_space<semaphore_mem>>)
      tpu.wait_dma2 semaphore(%run_scoped3A : memref<!tpu.dma_semaphore, #tpu.memory_space<semaphore_mem>>) src(%arg2 : memref<10000xf32, #tpu.memory_space<hbm>>) dst(%arg11 : memref<10000xf32, #tpu.memory_space<vmem>>)
      tpu.yield
    }) : () -> ()
    %eq3A = arith.constant 0 : i32
    %eq3A_1 = arith.cmpi eq, %arg1, %eq3A : i32
    %convert_element_type3A = arith.extui %eq3A_1 : i1 to i32
    %cond3A = arith.constant 0 : i32
    %cond3A_2 = arith.cmpi ne, %convert_element_type3A, %cond3A : i32
    scf.if %cond3A_2 {
      %scan3A_14 = arith.constant 0 : i32
      %scan3A_15 = arith.constant 0 : i32
      %scan3A_16 = arith.constant 625 : i32
      %scan3A_17 = arith.addi %scan3A_15, %scan3A_16 : i32
      %scan3A_18 = arith.constant 1 : i32
      scf.for %scan3A_20 = %scan3A_15 to %scan3A_17 step %scan3A_18  : i32 {
        %broadcast_in_dim3A = arith.constant 0.000000e+00 : f32
        %broadcast_in_dim3A_21 = vector.broadcast %broadcast_in_dim3A : f32 to vector<16xf32>
        %mul3A_22 = arith.constant 16 : i32
        %mul3A_23 = arith.muli %scan3A_20, %mul3A_22 : i32
        %swap3A = arith.index_cast %mul3A_23 : i32 to index
        %swap3A_24 = tpu.vector_load %arg12[%swap3A] {strides = array<i32>} : memref<10000xf32, #tpu.memory_space<vmem>>, vector<16xf32>,
        tpu.vector_store %arg12[%swap3A], %broadcast_in_dim3A_21 {strides = array<i32>} : memref<10000xf32, #tpu.memory_space<vmem>>, vector<16xf32>,
      }
      %scan3A_19 = arith.constant 625 : i32
      "tpu.region"() ({
        %run_scoped3A = tpu.sem_alloc : memref<!tpu.dma_semaphore, #tpu.memory_space<semaphore_mem>>
        tpu.enqueue_dma source(%arg12 : memref<10000xf32, #tpu.memory_space<vmem>>) target(%arg13 : memref<10000xf32, #tpu.memory_space<vmem_shared>>) target_semaphore(%run_scoped3A : memref<!tpu.dma_semaphore, #tpu.memory_space<semaphore_mem>>)
        tpu.wait_dma2 semaphore(%run_scoped3A : memref<!tpu.dma_semaphore, #tpu.memory_space<semaphore_mem>>) src(%arg12 : memref<10000xf32, #tpu.memory_space<vmem>>) dst(%arg13 : memref<10000xf32, #tpu.memory_space<vmem_shared>>)
        tpu.yield
      }) : () -> ()
    } else {
    }
    %barrier3A = arith.constant 0 : index
    tpu.barrier barrier_id(%barrier3A)
    %scan3A = arith.constant 0 : i32
    %scan3A_3 = arith.constant 0 : i32
    %scan3A_4 = arith.constant 80 : i32
    %scan3A_5 = arith.addi %scan3A_3, %scan3A_4 : i32
    %scan3A_6 = arith.constant 1 : i32
    scf.for %scan3A_14 = %scan3A_3 to %scan3A_5 step %scan3A_6  : i32 {
      %get3A = arith.index_cast %scan3A_14 : i32 to index
      %get3A_15 = arith.constant 0 : index
      %get3A_16 = tpu.vector_load %arg7[%get3A, %get3A_15] {strides = array<i32>} : memref<80x128xi32, #tpu.memory_space<vmem>>, vector<16xi32>,
      %gather3A = tpu.vector_load_idx %arg11[%get3A_16] : memref<10000xf32, #tpu.memory_space<vmem>>[vector<16xi32>], vector<16xf32>,
      %get3A_17 = arith.index_cast %scan3A_14 : i32 to index
      %get3A_18 = arith.constant 0 : index
      %get3A_19 = tpu.vector_load %arg9[%get3A_17, %get3A_18] {strides = array<i32>} : memref<80x128xf32, #tpu.memory_space<vmem>>, vector<16xf32>,
      %mul3A_20 = arith.mulf %gather3A, %get3A_19 : vector<16xf32>
      %swap3A = arith.index_cast %scan3A_14 : i32 to index
      %swap3A_21 = arith.constant 0 : index
      %swap3A_22 = tpu.vector_load %arg10[%swap3A, %swap3A_21] {strides = array<i32>} : memref<80x128xf32, #tpu.memory_space<vmem>>, vector<16xf32>,
      tpu.vector_store %arg10[%swap3A, %swap3A_21], %mul3A_20 {strides = array<i32>} : memref<80x128xf32, #tpu.memory_space<vmem>>, vector<16xf32>,
      %get3A_23 = arith.index_cast %scan3A_14 : i32 to index
      %get3A_24 = arith.constant 16 : index
      %get3A_25 = tpu.vector_load %arg7[%get3A_23, %get3A_24] {strides = array<i32>} : memref<80x128xi32, #tpu.memory_space<vmem>>, vector<16xi32>,
      %gather3A_26 = tpu.vector_load_idx %arg11[%get3A_25] : memref<10000xf32, #tpu.memory_space<vmem>>[vector<16xi32>], vector<16xf32>,
      %get3A_27 = arith.index_cast %scan3A_14 : i32 to index
      %get3A_28 = arith.constant 16 : index
      %get3A_29 = tpu.vector_load %arg9[%get3A_27, %get3A_28] {strides = array<i32>} : memref<80x128xf32, #tpu.memory_space<vmem>>, vector<16xf32>,
      %mul3A_30 = arith.mulf %gather3A_26, %get3A_29 : vector<16xf32>
      %swap3A_31 = arith.index_cast %scan3A_14 : i32 to index
      %swap3A_32 = arith.constant 16 : index
      %swap3A_33 = tpu.vector_load %arg10[%swap3A_31, %swap3A_32] {strides = array<i32>} : memref<80x128xf32, #tpu.memory_space<vmem>>, vector<16xf32>,
      tpu.vector_store %arg10[%swap3A_31, %swap3A_32], %mul3A_30 {strides = array<i32>} : memref<80x128xf32, #tpu.memory_space<vmem>>, vector<16xf32>,
      %get3A_34 = arith.index_cast %scan3A_14 : i32 to index
      %get3A_35 = arith.constant 32 : index
      %get3A_36 = tpu.vector_load %arg7[%get3A_34, %get3A_35] {strides = array<i32>} : memref<80x128xi32, #tpu.memory_space<vmem>>, vector<16xi32>,
      %gather3A_37 = tpu.vector_load_idx %arg11[%get3A_36] : memref<10000xf32, #tpu.memory_space<vmem>>[vector<16xi32>], vector<16xf32>,
      %get3A_38 = arith.index_cast %scan3A_14 : i32 to index
      %get3A_39 = arith.constant 32 : index
      %get3A_40 = tpu.vector_load %arg9[%get3A_38, %get3A_39] {strides = array<i32>} : memref<80x128xf32, #tpu.memory_space<vmem>>, vector<16xf32>,
      %mul3A_41 = arith.mulf %gather3A_37, %get3A_40 : vector<16xf32>
      %swap3A_42 = arith.index_cast %scan3A_14 : i32 to index
      %swap3A_43 = arith.constant 32 : index
      %swap3A_44 = tpu.vector_load %arg10[%swap3A_42, %swap3A_43] {strides = array<i32>} : memref<80x128xf32, #tpu.memory_space<vmem>>, vector<16xf32>,
      tpu.vector_store %arg10[%swap3A_42, %swap3A_43], %mul3A_41 {strides = array<i32>} : memref<80x128xf32, #tpu.memory_space<vmem>>, vector<16xf32>,
      %get3A_45 = arith.index_cast %scan3A_14 : i32 to index
      %get3A_46 = arith.constant 48 : index
      %get3A_47 = tpu.vector_load %arg7[%get3A_45, %get3A_46] {strides = array<i32>} : memref<80x128xi32, #tpu.memory_space<vmem>>, vector<16xi32>,
      %gather3A_48 = tpu.vector_load_idx %arg11[%get3A_47] : memref<10000xf32, #tpu.memory_space<vmem>>[vector<16xi32>], vector<16xf32>,
      %get3A_49 = arith.index_cast %scan3A_14 : i32 to index
      %get3A_50 = arith.constant 48 : index
      %get3A_51 = tpu.vector_load %arg9[%get3A_49, %get3A_50] {strides = array<i32>} : memref<80x128xf32, #tpu.memory_space<vmem>>, vector<16xf32>,
      %mul3A_52 = arith.mulf %gather3A_48, %get3A_51 : vector<16xf32>
      %swap3A_53 = arith.index_cast %scan3A_14 : i32 to index
      %swap3A_54 = arith.constant 48 : index
      %swap3A_55 = tpu.vector_load %arg10[%swap3A_53, %swap3A_54] {strides = array<i32>} : memref<80x128xf32, #tpu.memory_space<vmem>>, vector<16xf32>,
      tpu.vector_store %arg10[%swap3A_53, %swap3A_54], %mul3A_52 {strides = array<i32>} : memref<80x128xf32, #tpu.memory_space<vmem>>, vector<16xf32>,
      %get3A_56 = arith.index_cast %scan3A_14 : i32 to index
      %get3A_57 = arith.constant 64 : index
      %get3A_58 = tpu.vector_load %arg7[%get3A_56, %get3A_57] {strides = array<i32>} : memref<80x128xi32, #tpu.memory_space<vmem>>, vector<16xi32>,
      %gather3A_59 = tpu.vector_load_idx %arg11[%get3A_58] : memref<10000xf32, #tpu.memory_space<vmem>>[vector<16xi32>], vector<16xf32>,
      %get3A_60 = arith.index_cast %scan3A_14 : i32 to index
      %get3A_61 = arith.constant 64 : index
      %get3A_62 = tpu.vector_load %arg9[%get3A_60, %get3A_61] {strides = array<i32>} : memref<80x128xf32, #tpu.memory_space<vmem>>, vector<16xf32>,
      %mul3A_63 = arith.mulf %gather3A_59, %get3A_62 : vector<16xf32>
      %swap3A_64 = arith.index_cast %scan3A_14 : i32 to index
      %swap3A_65 = arith.constant 64 : index
      %swap3A_66 = tpu.vector_load %arg10[%swap3A_64, %swap3A_65] {strides = array<i32>} : memref<80x128xf32, #tpu.memory_space<vmem>>, vector<16xf32>,
      tpu.vector_store %arg10[%swap3A_64, %swap3A_65], %mul3A_63 {strides = array<i32>} : memref<80x128xf32, #tpu.memory_space<vmem>>, vector<16xf32>,
      %get3A_67 = arith.index_cast %scan3A_14 : i32 to index
      %get3A_68 = arith.constant 80 : index
      %get3A_69 = tpu.vector_load %arg7[%get3A_67, %get3A_68] {strides = array<i32>} : memref<80x128xi32, #tpu.memory_space<vmem>>, vector<16xi32>,
      %gather3A_70 = tpu.vector_load_idx %arg11[%get3A_69] : memref<10000xf32, #tpu.memory_space<vmem>>[vector<16xi32>], vector<16xf32>,
      %get3A_71 = arith.index_cast %scan3A_14 : i32 to index
      %get3A_72 = arith.constant 80 : index
      %get3A_73 = tpu.vector_load %arg9[%get3A_71, %get3A_72] {strides = array<i32>} : memref<80x128xf32, #tpu.memory_space<vmem>>, vector<16xf32>,
      %mul3A_74 = arith.mulf %gather3A_70, %get3A_73 : vector<16xf32>
      %swap3A_75 = arith.index_cast %scan3A_14 : i32 to index
      %swap3A_76 = arith.constant 80 : index
      %swap3A_77 = tpu.vector_load %arg10[%swap3A_75, %swap3A_76] {strides = array<i32>} : memref<80x128xf32, #tpu.memory_space<vmem>>, vector<16xf32>,
      tpu.vector_store %arg10[%swap3A_75, %swap3A_76], %mul3A_74 {strides = array<i32>} : memref<80x128xf32, #tpu.memory_space<vmem>>, vector<16xf32>,
      %get3A_78 = arith.index_cast %scan3A_14 : i32 to index
      %get3A_79 = arith.constant 96 : index
      %get3A_80 = tpu.vector_load %arg7[%get3A_78, %get3A_79] {strides = array<i32>} : memref<80x128xi32, #tpu.memory_space<vmem>>, vector<16xi32>,
      %gather3A_81 = tpu.vector_load_idx %arg11[%get3A_80] : memref<10000xf32, #tpu.memory_space<vmem>>[vector<16xi32>], vector<16xf32>,
      %get3A_82 = arith.index_cast %scan3A_14 : i32 to index
      %get3A_83 = arith.constant 96 : index
      %get3A_84 = tpu.vector_load %arg9[%get3A_82, %get3A_83] {strides = array<i32>} : memref<80x128xf32, #tpu.memory_space<vmem>>, vector<16xf32>,
      %mul3A_85 = arith.mulf %gather3A_81, %get3A_84 : vector<16xf32>
      %swap3A_86 = arith.index_cast %scan3A_14 : i32 to index
      %swap3A_87 = arith.constant 96 : index
      %swap3A_88 = tpu.vector_load %arg10[%swap3A_86, %swap3A_87] {strides = array<i32>} : memref<80x128xf32, #tpu.memory_space<vmem>>, vector<16xf32>,
      tpu.vector_store %arg10[%swap3A_86, %swap3A_87], %mul3A_85 {strides = array<i32>} : memref<80x128xf32, #tpu.memory_space<vmem>>, vector<16xf32>,
      %get3A_89 = arith.index_cast %scan3A_14 : i32 to index
      %get3A_90 = arith.constant 112 : index
      %get3A_91 = tpu.vector_load %arg7[%get3A_89, %get3A_90] {strides = array<i32>} : memref<80x128xi32, #tpu.memory_space<vmem>>, vector<16xi32>,
      %gather3A_92 = tpu.vector_load_idx %arg11[%get3A_91] : memref<10000xf32, #tpu.memory_space<vmem>>[vector<16xi32>], vector<16xf32>,
      %get3A_93 = arith.index_cast %scan3A_14 : i32 to index
      %get3A_94 = arith.constant 112 : index
      %get3A_95 = tpu.vector_load %arg9[%get3A_93, %get3A_94] {strides = array<i32>} : memref<80x128xf32, #tpu.memory_space<vmem>>, vector<16xf32>,
      %mul3A_96 = arith.mulf %gather3A_92, %get3A_95 : vector<16xf32>
      %swap3A_97 = arith.index_cast %scan3A_14 : i32 to index
      %swap3A_98 = arith.constant 112 : index
      %swap3A_99 = tpu.vector_load %arg10[%swap3A_97, %swap3A_98] {strides = array<i32>} : memref<80x128xf32, #tpu.memory_space<vmem>>, vector<16xf32>,
      tpu.vector_store %arg10[%swap3A_97, %swap3A_98], %mul3A_96 {strides = array<i32>} : memref<80x128xf32, #tpu.memory_space<vmem>>, vector<16xf32>,
      "tpu.region"() ({
        %run_scoped3A = tpu.sem_alloc : memref<!tpu.dma_semaphore, #tpu.memory_space<semaphore_mem>>
        %dma_start3A = arith.constant 0 : i32
        %dma_start3A_100 = tpu.memref_slice %arg10[%scan3A_14, %dma_start3A] : memref<80x128xf32, #tpu.memory_space<vmem>> -> memref<1x128xf32, #tpu.memory_space<vmem>>
        %dma_start3A_101 = tpu.memref_squeeze %dma_start3A_100 : memref<1x128xf32, #tpu.memory_space<vmem>> -> memref<128xf32, #tpu.memory_space<vmem>>
        %dma_start3A_102 = arith.constant 0 : i32
        %dma_start3A_103 = tpu.memref_slice %arg8[%scan3A_14, %dma_start3A_102] : memref<80x128xi32, #tpu.memory_space<vmem>> -> memref<1x128xi32, #tpu.memory_space<vmem>>
        %dma_start3A_104 = tpu.memref_squeeze %dma_start3A_103 : memref<1x128xi32, #tpu.memory_space<vmem>> -> memref<128xi32, #tpu.memory_space<vmem>>
        %dma_start3A_105 = arith.constant 0 : i32
        %dma_start3A_106 = tpu.memref_slice %arg13[%dma_start3A_105] : memref<10000xf32, #tpu.memory_space<vmem_shared>> -> memref<10000xf32, #tpu.memory_space<vmem_shared>>
        tpu.enqueue_indirect_dma source(%dma_start3A_101 : memref<128xf32, #tpu.memory_space<vmem>>) target(%dma_start3A_106 : memref<10000xf32, #tpu.memory_space<vmem_shared>>) offsets(%dma_start3A_104 : memref<128xi32, #tpu.memory_space<vmem>>) semaphore(%run_scoped3A : memref<!tpu.dma_semaphore, #tpu.memory_space<semaphore_mem>>) {add = true}
        %dma_wait3A = arith.constant 0 : i32
        %dma_wait3A_107 = tpu.memref_slice %arg10[%scan3A_14, %dma_wait3A] : memref<80x128xf32, #tpu.memory_space<vmem>> -> memref<1x128xf32, #tpu.memory_space<vmem>>
        %dma_wait3A_108 = tpu.memref_squeeze %dma_wait3A_107 : memref<1x128xf32, #tpu.memory_space<vmem>> -> memref<128xf32, #tpu.memory_space<vmem>>
        %dma_wait3A_109 = arith.constant 0 : i32
        %dma_wait3A_110 = tpu.memref_slice %arg8[%scan3A_14, %dma_wait3A_109] : memref<80x128xi32, #tpu.memory_space<vmem>> -> memref<1x128xi32, #tpu.memory_space<vmem>>
        %dma_wait3A_111 = tpu.memref_squeeze %dma_wait3A_110 : memref<1x128xi32, #tpu.memory_space<vmem>> -> memref<128xi32, #tpu.memory_space<vmem>>
        %dma_wait3A_112 = arith.constant 0 : i32
        %dma_wait3A_113 = tpu.memref_slice %arg13[%dma_wait3A_112] : memref<10000xf32, #tpu.memory_space<vmem_shared>> -> memref<10000xf32, #tpu.memory_space<vmem_shared>>
        tpu.wait_indirect_dma semaphore(%run_scoped3A : memref<!tpu.dma_semaphore, #tpu.memory_space<semaphore_mem>>) src(%dma_wait3A_108 : memref<128xf32, #tpu.memory_space<vmem>>) dst(%dma_wait3A_113 : memref<10000xf32, #tpu.memory_space<vmem_shared>>)
        tpu.yield
      }) : () -> ()
    }
    %scan3A_7 = arith.constant 80 : i32
    %barrier3A_8 = arith.constant 0 : index
    tpu.barrier barrier_id(%barrier3A_8)
    %eq3A_9 = arith.constant 0 : i32
    %eq3A_10 = arith.cmpi eq, %arg1, %eq3A_9 : i32
    %convert_element_type3A_11 = arith.extui %eq3A_10 : i1 to i32
    %cond3A_12 = arith.constant 0 : i32
    %cond3A_13 = arith.cmpi ne, %convert_element_type3A_11, %cond3A_12 : i32
    scf.if %cond3A_13 {
      "tpu.region"() ({
        %run_scoped3A = tpu.sem_alloc : memref<!tpu.dma_semaphore, #tpu.memory_space<semaphore_mem>>
        %dma_start3A = arith.constant 0 : i32
        %dma_start3A_14 = tpu.memref_slice %arg6[%arg0, %dma_start3A] : memref<2x10000xf32, #tpu.memory_space<hbm>> -> memref<1x10000xf32, #tpu.memory_space<hbm>>
        %dma_start3A_15 = tpu.memref_squeeze %dma_start3A_14 : memref<1x10000xf32, #tpu.memory_space<hbm>> -> memref<10000xf32, #tpu.memory_space<hbm>>
        tpu.enqueue_dma source(%arg13 : memref<10000xf32, #tpu.memory_space<vmem_shared>>) target(%dma_start3A_15 : memref<10000xf32, #tpu.memory_space<hbm>>) target_semaphore(%run_scoped3A : memref<!tpu.dma_semaphore, #tpu.memory_space<semaphore_mem>>)
        %dma_wait3A = arith.constant 0 : i32
        %dma_wait3A_16 = tpu.memref_slice %arg6[%arg0, %dma_wait3A] : memref<2x10000xf32, #tpu.memory_space<hbm>> -> memref<1x10000xf32, #tpu.memory_space<hbm>>
        %dma_wait3A_17 = tpu.memref_squeeze %dma_wait3A_16 : memref<1x10000xf32, #tpu.memory_space<hbm>> -> memref<10000xf32, #tpu.memory_space<hbm>>
        tpu.wait_dma2 semaphore(%run_scoped3A : memref<!tpu.dma_semaphore, #tpu.memory_space<semaphore_mem>>) src(%arg13 : memref<10000xf32, #tpu.memory_space<vmem_shared>>) dst(%dma_wait3A_17 : memref<10000xf32, #tpu.memory_space<hbm>>)
        tpu.yield
      }) : () -> ()
    } else {
    }
    return
  }
}

#map = affine_map<(d0, d1) -> (0, 0)>
#map1 = affine_map<(d0, d1) -> (0, 0, 0)>
module attributes {stable_mosaic.version = 14 : i64} {
  func.func @_agg_wide(%arg0: i32, %arg1: i32, %arg2: memref<10000x128xf32, #tpu.memory_space<hbm>>, %arg3: memref<32x80x128xi32, #tpu.memory_space<hbm>>, %arg4: memref<32x80x128xi32, #tpu.memory_space<hbm>>, %arg5: memref<32x80x128xf32, #tpu.memory_space<hbm>>, %arg6: memref<2x10240x128xf32, #tpu.memory_space<hbm>>, %arg7: memref<80x128xi32, #tpu.memory_space<vmem>>, %arg8: memref<80x128xi32, #tpu.memory_space<vmem>>, %arg9: memref<80x128xf32, #tpu.memory_space<vmem>>, %arg10: memref<32x128xf32, #tpu.memory_space<vmem>>, %arg11: memref<32x128xf32, #tpu.memory_space<vmem>>, %arg12: memref<32x128xf32, #tpu.memory_space<vmem>>, %arg13: memref<32x128xf32, #tpu.memory_space<vmem>>, %arg14: memref<10240x128xf32, #tpu.memory_space<vmem_shared>>, %arg15: memref<!tpu.dma_semaphore, #tpu.memory_space<semaphore_mem>>, %arg16: memref<!tpu.dma_semaphore, #tpu.memory_space<semaphore_mem>>, %arg17: memref<!tpu.dma_semaphore, #tpu.memory_space<semaphore_mem>>, %arg18: memref<!tpu.dma_semaphore, #tpu.memory_space<semaphore_mem>>, %arg19: memref<!tpu.dma_semaphore, #tpu.memory_space<semaphore_mem>>, %arg20: memref<!tpu.dma_semaphore, #tpu.memory_space<semaphore_mem>>, %arg21: memref<!tpu.dma_semaphore, #tpu.memory_space<semaphore_mem>>, %arg22: memref<!tpu.dma_semaphore, #tpu.memory_space<semaphore_mem>>) attributes {dimension_semantics = [#tpu.dimension_semantics<core_parallel>, #tpu.dimension_semantics<subcore_parallel>], iteration_bounds = array<i64: 2, 16>, scalar_prefetch = 0 : i64, scratch_operands = 16 : i64, tpu.core_type = #tpu.core_type<sc_vector_subcore>, window_params = [{transform_indices = #map}, {transform_indices = #map1}, {transform_indices = #map1}, {transform_indices = #map1}, {transform_indices = #map1}]} {
    %mul3A = arith.constant 16 : i32
    %mul3A_0 = arith.muli %arg0, %mul3A : i32
    %add3A = arith.addi %mul3A_0, %arg1 : i32
    "tpu.region"() ({
      %run_scoped3A = tpu.sem_alloc : memref<!tpu.dma_semaphore, #tpu.memory_space<semaphore_mem>>
      %dma_start3A_363 = arith.constant 0 : i32
      %dma_start3A_364 = arith.constant 0 : i32
      %dma_start3A_365 = tpu.memref_slice %arg3[%add3A, %dma_start3A_363, %dma_start3A_364] : memref<32x80x128xi32, #tpu.memory_space<hbm>> -> memref<1x80x128xi32, #tpu.memory_space<hbm>>
      %dma_start3A_366 = tpu.memref_squeeze %dma_start3A_365 : memref<1x80x128xi32, #tpu.memory_space<hbm>> -> memref<80x128xi32, #tpu.memory_space<hbm>>
      %dma_start3A_367 = arith.constant 0 : i32
      %dma_start3A_368 = arith.constant 0 : i32
      %dma_start3A_369 = tpu.memref_slice %arg3[%add3A, %dma_start3A_367, %dma_start3A_368] : memref<32x80x128xi32, #tpu.memory_space<hbm>> -> memref<1x80x128xi32, #tpu.memory_space<hbm>>
      %dma_start3A_370 = tpu.memref_squeeze %dma_start3A_369 : memref<1x80x128xi32, #tpu.memory_space<hbm>> -> memref<80x128xi32, #tpu.memory_space<hbm>>
      tpu.enqueue_dma source(%dma_start3A_370 : memref<80x128xi32, #tpu.memory_space<hbm>>) target(%arg7 : memref<80x128xi32, #tpu.memory_space<vmem>>) target_semaphore(%run_scoped3A : memref<!tpu.dma_semaphore, #tpu.memory_space<semaphore_mem>>)
      %dma_wait3A_371 = arith.constant 0 : i32
      %dma_wait3A_372 = arith.constant 0 : i32
      %dma_wait3A_373 = tpu.memref_slice %arg3[%add3A, %dma_wait3A_371, %dma_wait3A_372] : memref<32x80x128xi32, #tpu.memory_space<hbm>> -> memref<1x80x128xi32, #tpu.memory_space<hbm>>
      %dma_wait3A_374 = tpu.memref_squeeze %dma_wait3A_373 : memref<1x80x128xi32, #tpu.memory_space<hbm>> -> memref<80x128xi32, #tpu.memory_space<hbm>>
      %dma_wait3A_375 = arith.constant 0 : i32
      %dma_wait3A_376 = arith.constant 0 : i32
      %dma_wait3A_377 = tpu.memref_slice %arg3[%add3A, %dma_wait3A_375, %dma_wait3A_376] : memref<32x80x128xi32, #tpu.memory_space<hbm>> -> memref<1x80x128xi32, #tpu.memory_space<hbm>>
      %dma_wait3A_378 = tpu.memref_squeeze %dma_wait3A_377 : memref<1x80x128xi32, #tpu.memory_space<hbm>> -> memref<80x128xi32, #tpu.memory_space<hbm>>
      tpu.wait_dma2 semaphore(%run_scoped3A : memref<!tpu.dma_semaphore, #tpu.memory_space<semaphore_mem>>) src(%dma_wait3A_378 : memref<80x128xi32, #tpu.memory_space<hbm>>) dst(%arg7 : memref<80x128xi32, #tpu.memory_space<vmem>>)
      tpu.yield
    }) : () -> ()
    "tpu.region"() ({
      %run_scoped3A = tpu.sem_alloc : memref<!tpu.dma_semaphore, #tpu.memory_space<semaphore_mem>>
      %dma_start3A_363 = arith.constant 0 : i32
      %dma_start3A_364 = arith.constant 0 : i32
      %dma_start3A_365 = tpu.memref_slice %arg4[%add3A, %dma_start3A_363, %dma_start3A_364] : memref<32x80x128xi32, #tpu.memory_space<hbm>> -> memref<1x80x128xi32, #tpu.memory_space<hbm>>
      %dma_start3A_366 = tpu.memref_squeeze %dma_start3A_365 : memref<1x80x128xi32, #tpu.memory_space<hbm>> -> memref<80x128xi32, #tpu.memory_space<hbm>>
      %dma_start3A_367 = arith.constant 0 : i32
      %dma_start3A_368 = arith.constant 0 : i32
      %dma_start3A_369 = tpu.memref_slice %arg4[%add3A, %dma_start3A_367, %dma_start3A_368] : memref<32x80x128xi32, #tpu.memory_space<hbm>> -> memref<1x80x128xi32, #tpu.memory_space<hbm>>
      %dma_start3A_370 = tpu.memref_squeeze %dma_start3A_369 : memref<1x80x128xi32, #tpu.memory_space<hbm>> -> memref<80x128xi32, #tpu.memory_space<hbm>>
      tpu.enqueue_dma source(%dma_start3A_370 : memref<80x128xi32, #tpu.memory_space<hbm>>) target(%arg8 : memref<80x128xi32, #tpu.memory_space<vmem>>) target_semaphore(%run_scoped3A : memref<!tpu.dma_semaphore, #tpu.memory_space<semaphore_mem>>)
      %dma_wait3A_371 = arith.constant 0 : i32
      %dma_wait3A_372 = arith.constant 0 : i32
      %dma_wait3A_373 = tpu.memref_slice %arg4[%add3A, %dma_wait3A_371, %dma_wait3A_372] : memref<32x80x128xi32, #tpu.memory_space<hbm>> -> memref<1x80x128xi32, #tpu.memory_space<hbm>>
      %dma_wait3A_374 = tpu.memref_squeeze %dma_wait3A_373 : memref<1x80x128xi32, #tpu.memory_space<hbm>> -> memref<80x128xi32, #tpu.memory_space<hbm>>
      %dma_wait3A_375 = arith.constant 0 : i32
      %dma_wait3A_376 = arith.constant 0 : i32
      %dma_wait3A_377 = tpu.memref_slice %arg4[%add3A, %dma_wait3A_375, %dma_wait3A_376] : memref<32x80x128xi32, #tpu.memory_space<hbm>> -> memref<1x80x128xi32, #tpu.memory_space<hbm>>
      %dma_wait3A_378 = tpu.memref_squeeze %dma_wait3A_377 : memref<1x80x128xi32, #tpu.memory_space<hbm>> -> memref<80x128xi32, #tpu.memory_space<hbm>>
      tpu.wait_dma2 semaphore(%run_scoped3A : memref<!tpu.dma_semaphore, #tpu.memory_space<semaphore_mem>>) src(%dma_wait3A_378 : memref<80x128xi32, #tpu.memory_space<hbm>>) dst(%arg8 : memref<80x128xi32, #tpu.memory_space<vmem>>)
      tpu.yield
    }) : () -> ()
    "tpu.region"() ({
      %run_scoped3A = tpu.sem_alloc : memref<!tpu.dma_semaphore, #tpu.memory_space<semaphore_mem>>
      %dma_start3A_363 = arith.constant 0 : i32
      %dma_start3A_364 = arith.constant 0 : i32
      %dma_start3A_365 = tpu.memref_slice %arg5[%add3A, %dma_start3A_363, %dma_start3A_364] : memref<32x80x128xf32, #tpu.memory_space<hbm>> -> memref<1x80x128xf32, #tpu.memory_space<hbm>>
      %dma_start3A_366 = tpu.memref_squeeze %dma_start3A_365 : memref<1x80x128xf32, #tpu.memory_space<hbm>> -> memref<80x128xf32, #tpu.memory_space<hbm>>
      %dma_start3A_367 = arith.constant 0 : i32
      %dma_start3A_368 = arith.constant 0 : i32
      %dma_start3A_369 = tpu.memref_slice %arg5[%add3A, %dma_start3A_367, %dma_start3A_368] : memref<32x80x128xf32, #tpu.memory_space<hbm>> -> memref<1x80x128xf32, #tpu.memory_space<hbm>>
      %dma_start3A_370 = tpu.memref_squeeze %dma_start3A_369 : memref<1x80x128xf32, #tpu.memory_space<hbm>> -> memref<80x128xf32, #tpu.memory_space<hbm>>
      tpu.enqueue_dma source(%dma_start3A_370 : memref<80x128xf32, #tpu.memory_space<hbm>>) target(%arg9 : memref<80x128xf32, #tpu.memory_space<vmem>>) target_semaphore(%run_scoped3A : memref<!tpu.dma_semaphore, #tpu.memory_space<semaphore_mem>>)
      %dma_wait3A_371 = arith.constant 0 : i32
      %dma_wait3A_372 = arith.constant 0 : i32
      %dma_wait3A_373 = tpu.memref_slice %arg5[%add3A, %dma_wait3A_371, %dma_wait3A_372] : memref<32x80x128xf32, #tpu.memory_space<hbm>> -> memref<1x80x128xf32, #tpu.memory_space<hbm>>
      %dma_wait3A_374 = tpu.memref_squeeze %dma_wait3A_373 : memref<1x80x128xf32, #tpu.memory_space<hbm>> -> memref<80x128xf32, #tpu.memory_space<hbm>>
      %dma_wait3A_375 = arith.constant 0 : i32
      %dma_wait3A_376 = arith.constant 0 : i32
      %dma_wait3A_377 = tpu.memref_slice %arg5[%add3A, %dma_wait3A_375, %dma_wait3A_376] : memref<32x80x128xf32, #tpu.memory_space<hbm>> -> memref<1x80x128xf32, #tpu.memory_space<hbm>>
      %dma_wait3A_378 = tpu.memref_squeeze %dma_wait3A_377 : memref<1x80x128xf32, #tpu.memory_space<hbm>> -> memref<80x128xf32, #tpu.memory_space<hbm>>
      tpu.wait_dma2 semaphore(%run_scoped3A : memref<!tpu.dma_semaphore, #tpu.memory_space<semaphore_mem>>) src(%dma_wait3A_378 : memref<80x128xf32, #tpu.memory_space<hbm>>) dst(%arg9 : memref<80x128xf32, #tpu.memory_space<vmem>>)
      tpu.yield
    }) : () -> ()
    %scan3A = arith.constant 0 : i32
    %scan3A_1 = arith.constant 0 : i32
    %scan3A_2 = arith.constant 32 : i32
    %scan3A_3 = arith.addi %scan3A_1, %scan3A_2 : i32
    %scan3A_4 = arith.constant 1 : i32
    scf.for %scan3A_363 = %scan3A_1 to %scan3A_3 step %scan3A_4  : i32 {
      %broadcast_in_dim3A = arith.constant 0.000000e+00 : f32
      %broadcast_in_dim3A_364 = vector.broadcast %broadcast_in_dim3A : f32 to vector<16xf32>
      %swap3A = arith.index_cast %scan3A_363 : i32 to index
      %swap3A_365 = arith.constant 0 : index
      %swap3A_366 = tpu.vector_load %arg10[%swap3A, %swap3A_365] {strides = array<i32>} : memref<32x128xf32, #tpu.memory_space<vmem>>, vector<16xf32>,
      tpu.vector_store %arg10[%swap3A, %swap3A_365], %broadcast_in_dim3A_364 {strides = array<i32>} : memref<32x128xf32, #tpu.memory_space<vmem>>, vector<16xf32>,
      %broadcast_in_dim3A_367 = arith.constant 0.000000e+00 : f32
      %broadcast_in_dim3A_368 = vector.broadcast %broadcast_in_dim3A_367 : f32 to vector<16xf32>
      %swap3A_369 = arith.index_cast %scan3A_363 : i32 to index
      %swap3A_370 = arith.constant 16 : index
      %swap3A_371 = tpu.vector_load %arg10[%swap3A_369, %swap3A_370] {strides = array<i32>} : memref<32x128xf32, #tpu.memory_space<vmem>>, vector<16xf32>,
      tpu.vector_store %arg10[%swap3A_369, %swap3A_370], %broadcast_in_dim3A_368 {strides = array<i32>} : memref<32x128xf32, #tpu.memory_space<vmem>>, vector<16xf32>,
      %broadcast_in_dim3A_372 = arith.constant 0.000000e+00 : f32
      %broadcast_in_dim3A_373 = vector.broadcast %broadcast_in_dim3A_372 : f32 to vector<16xf32>
      %swap3A_374 = arith.index_cast %scan3A_363 : i32 to index
      %swap3A_375 = arith.constant 32 : index
      %swap3A_376 = tpu.vector_load %arg10[%swap3A_374, %swap3A_375] {strides = array<i32>} : memref<32x128xf32, #tpu.memory_space<vmem>>, vector<16xf32>,
      tpu.vector_store %arg10[%swap3A_374, %swap3A_375], %broadcast_in_dim3A_373 {strides = array<i32>} : memref<32x128xf32, #tpu.memory_space<vmem>>, vector<16xf32>,
      %broadcast_in_dim3A_377 = arith.constant 0.000000e+00 : f32
      %broadcast_in_dim3A_378 = vector.broadcast %broadcast_in_dim3A_377 : f32 to vector<16xf32>
      %swap3A_379 = arith.index_cast %scan3A_363 : i32 to index
      %swap3A_380 = arith.constant 48 : index
      %swap3A_381 = tpu.vector_load %arg10[%swap3A_379, %swap3A_380] {strides = array<i32>} : memref<32x128xf32, #tpu.memory_space<vmem>>, vector<16xf32>,
      tpu.vector_store %arg10[%swap3A_379, %swap3A_380], %broadcast_in_dim3A_378 {strides = array<i32>} : memref<32x128xf32, #tpu.memory_space<vmem>>, vector<16xf32>,
      %broadcast_in_dim3A_382 = arith.constant 0.000000e+00 : f32
      %broadcast_in_dim3A_383 = vector.broadcast %broadcast_in_dim3A_382 : f32 to vector<16xf32>
      %swap3A_384 = arith.index_cast %scan3A_363 : i32 to index
      %swap3A_385 = arith.constant 64 : index
      %swap3A_386 = tpu.vector_load %arg10[%swap3A_384, %swap3A_385] {strides = array<i32>} : memref<32x128xf32, #tpu.memory_space<vmem>>, vector<16xf32>,
      tpu.vector_store %arg10[%swap3A_384, %swap3A_385], %broadcast_in_dim3A_383 {strides = array<i32>} : memref<32x128xf32, #tpu.memory_space<vmem>>, vector<16xf32>,
      %broadcast_in_dim3A_387 = arith.constant 0.000000e+00 : f32
      %broadcast_in_dim3A_388 = vector.broadcast %broadcast_in_dim3A_387 : f32 to vector<16xf32>
      %swap3A_389 = arith.index_cast %scan3A_363 : i32 to index
      %swap3A_390 = arith.constant 80 : index
      %swap3A_391 = tpu.vector_load %arg10[%swap3A_389, %swap3A_390] {strides = array<i32>} : memref<32x128xf32, #tpu.memory_space<vmem>>, vector<16xf32>,
      tpu.vector_store %arg10[%swap3A_389, %swap3A_390], %broadcast_in_dim3A_388 {strides = array<i32>} : memref<32x128xf32, #tpu.memory_space<vmem>>, vector<16xf32>,
      %broadcast_in_dim3A_392 = arith.constant 0.000000e+00 : f32
      %broadcast_in_dim3A_393 = vector.broadcast %broadcast_in_dim3A_392 : f32 to vector<16xf32>
      %swap3A_394 = arith.index_cast %scan3A_363 : i32 to index
      %swap3A_395 = arith.constant 96 : index
      %swap3A_396 = tpu.vector_load %arg10[%swap3A_394, %swap3A_395] {strides = array<i32>} : memref<32x128xf32, #tpu.memory_space<vmem>>, vector<16xf32>,
      tpu.vector_store %arg10[%swap3A_394, %swap3A_395], %broadcast_in_dim3A_393 {strides = array<i32>} : memref<32x128xf32, #tpu.memory_space<vmem>>, vector<16xf32>,
      %broadcast_in_dim3A_397 = arith.constant 0.000000e+00 : f32
      %broadcast_in_dim3A_398 = vector.broadcast %broadcast_in_dim3A_397 : f32 to vector<16xf32>
      %swap3A_399 = arith.index_cast %scan3A_363 : i32 to index
      %swap3A_400 = arith.constant 112 : index
      %swap3A_401 = tpu.vector_load %arg10[%swap3A_399, %swap3A_400] {strides = array<i32>} : memref<32x128xf32, #tpu.memory_space<vmem>>, vector<16xf32>,
      tpu.vector_store %arg10[%swap3A_399, %swap3A_400], %broadcast_in_dim3A_398 {strides = array<i32>} : memref<32x128xf32, #tpu.memory_space<vmem>>, vector<16xf32>,
    }
    %scan3A_5 = arith.constant 32 : i32
    %mul3A_6 = arith.constant 640 : i32
    %mul3A_7 = arith.muli %arg1, %mul3A_6 : i32
    %add3A_8 = arith.constant 0 : i32
    %add3A_9 = arith.addi %mul3A_7, %add3A_8 : i32
    %dma_start3A = arith.constant 0 : i32
    %dma_start3A_10 = tpu.memref_slice %arg14[%add3A_9, %dma_start3A] : memref<10240x128xf32, #tpu.memory_space<vmem_shared>> -> memref<32x128xf32, #tpu.memory_space<vmem_shared>>
    %dma_start3A_11 = arith.constant 0 : i32
    %dma_start3A_12 = tpu.memref_slice %arg14[%add3A_9, %dma_start3A_11] : memref<10240x128xf32, #tpu.memory_space<vmem_shared>> -> memref<32x128xf32, #tpu.memory_space<vmem_shared>>
    tpu.enqueue_dma source(%arg10 : memref<32x128xf32, #tpu.memory_space<vmem>>) target(%dma_start3A_12 : memref<32x128xf32, #tpu.memory_space<vmem_shared>>) target_semaphore(%arg15 : memref<!tpu.dma_semaphore, #tpu.memory_space<semaphore_mem>>)
    %mul3A_13 = arith.constant 640 : i32
    %mul3A_14 = arith.muli %arg1, %mul3A_13 : i32
    %add3A_15 = arith.constant 32 : i32
    %add3A_16 = arith.addi %mul3A_14, %add3A_15 : i32
    %dma_start3A_17 = arith.constant 0 : i32
    %dma_start3A_18 = tpu.memref_slice %arg14[%add3A_16, %dma_start3A_17] : memref<10240x128xf32, #tpu.memory_space<vmem_shared>> -> memref<32x128xf32, #tpu.memory_space<vmem_shared>>
    %dma_start3A_19 = arith.constant 0 : i32
    %dma_start3A_20 = tpu.memref_slice %arg14[%add3A_16, %dma_start3A_19] : memref<10240x128xf32, #tpu.memory_space<vmem_shared>> -> memref<32x128xf32, #tpu.memory_space<vmem_shared>>
    tpu.enqueue_dma source(%arg10 : memref<32x128xf32, #tpu.memory_space<vmem>>) target(%dma_start3A_20 : memref<32x128xf32, #tpu.memory_space<vmem_shared>>) target_semaphore(%arg16 : memref<!tpu.dma_semaphore, #tpu.memory_space<semaphore_mem>>)
    %mul3A_21 = arith.constant 640 : i32
    %mul3A_22 = arith.muli %arg1, %mul3A_21 : i32
    %add3A_23 = arith.constant 64 : i32
    %add3A_24 = arith.addi %mul3A_22, %add3A_23 : i32
    %dma_start3A_25 = arith.constant 0 : i32
    %dma_start3A_26 = tpu.memref_slice %arg14[%add3A_24, %dma_start3A_25] : memref<10240x128xf32, #tpu.memory_space<vmem_shared>> -> memref<32x128xf32, #tpu.memory_space<vmem_shared>>
    %dma_start3A_27 = arith.constant 0 : i32
    %dma_start3A_28 = tpu.memref_slice %arg14[%add3A_24, %dma_start3A_27] : memref<10240x128xf32, #tpu.memory_space<vmem_shared>> -> memref<32x128xf32, #tpu.memory_space<vmem_shared>>
    tpu.enqueue_dma source(%arg10 : memref<32x128xf32, #tpu.memory_space<vmem>>) target(%dma_start3A_28 : memref<32x128xf32, #tpu.memory_space<vmem_shared>>) target_semaphore(%arg17 : memref<!tpu.dma_semaphore, #tpu.memory_space<semaphore_mem>>)
    %mul3A_29 = arith.constant 640 : i32
    %mul3A_30 = arith.muli %arg1, %mul3A_29 : i32
    %add3A_31 = arith.constant 96 : i32
    %add3A_32 = arith.addi %mul3A_30, %add3A_31 : i32
    %dma_start3A_33 = arith.constant 0 : i32
    %dma_start3A_34 = tpu.memref_slice %arg14[%add3A_32, %dma_start3A_33] : memref<10240x128xf32, #tpu.memory_space<vmem_shared>> -> memref<32x128xf32, #tpu.memory_space<vmem_shared>>
    %dma_start3A_35 = arith.constant 0 : i32
    %dma_start3A_36 = tpu.memref_slice %arg14[%add3A_32, %dma_start3A_35] : memref<10240x128xf32, #tpu.memory_space<vmem_shared>> -> memref<32x128xf32, #tpu.memory_space<vmem_shared>>
    tpu.enqueue_dma source(%arg10 : memref<32x128xf32, #tpu.memory_space<vmem>>) target(%dma_start3A_36 : memref<32x128xf32, #tpu.memory_space<vmem_shared>>) target_semaphore(%arg18 : memref<!tpu.dma_semaphore, #tpu.memory_space<semaphore_mem>>)
    %mul3A_37 = arith.constant 640 : i32
    %mul3A_38 = arith.muli %arg1, %mul3A_37 : i32
    %add3A_39 = arith.constant 128 : i32
    %add3A_40 = arith.addi %mul3A_38, %add3A_39 : i32
    %dma_start3A_41 = arith.constant 0 : i32
    %dma_start3A_42 = tpu.memref_slice %arg14[%add3A_40, %dma_start3A_41] : memref<10240x128xf32, #tpu.memory_space<vmem_shared>> -> memref<32x128xf32, #tpu.memory_space<vmem_shared>>
    %dma_start3A_43 = arith.constant 0 : i32
    %dma_start3A_44 = tpu.memref_slice %arg14[%add3A_40, %dma_start3A_43] : memref<10240x128xf32, #tpu.memory_space<vmem_shared>> -> memref<32x128xf32, #tpu.memory_space<vmem_shared>>
    tpu.enqueue_dma source(%arg10 : memref<32x128xf32, #tpu.memory_space<vmem>>) target(%dma_start3A_44 : memref<32x128xf32, #tpu.memory_space<vmem_shared>>) target_semaphore(%arg15 : memref<!tpu.dma_semaphore, #tpu.memory_space<semaphore_mem>>)
    %mul3A_45 = arith.constant 640 : i32
    %mul3A_46 = arith.muli %arg1, %mul3A_45 : i32
    %add3A_47 = arith.constant 160 : i32
    %add3A_48 = arith.addi %mul3A_46, %add3A_47 : i32
    %dma_start3A_49 = arith.constant 0 : i32
    %dma_start3A_50 = tpu.memref_slice %arg14[%add3A_48, %dma_start3A_49] : memref<10240x128xf32, #tpu.memory_space<vmem_shared>> -> memref<32x128xf32, #tpu.memory_space<vmem_shared>>
    %dma_start3A_51 = arith.constant 0 : i32
    %dma_start3A_52 = tpu.memref_slice %arg14[%add3A_48, %dma_start3A_51] : memref<10240x128xf32, #tpu.memory_space<vmem_shared>> -> memref<32x128xf32, #tpu.memory_space<vmem_shared>>
    tpu.enqueue_dma source(%arg10 : memref<32x128xf32, #tpu.memory_space<vmem>>) target(%dma_start3A_52 : memref<32x128xf32, #tpu.memory_space<vmem_shared>>) target_semaphore(%arg16 : memref<!tpu.dma_semaphore, #tpu.memory_space<semaphore_mem>>)
    %mul3A_53 = arith.constant 640 : i32
    %mul3A_54 = arith.muli %arg1, %mul3A_53 : i32
    %add3A_55 = arith.constant 192 : i32
    %add3A_56 = arith.addi %mul3A_54, %add3A_55 : i32
    %dma_start3A_57 = arith.constant 0 : i32
    %dma_start3A_58 = tpu.memref_slice %arg14[%add3A_56, %dma_start3A_57] : memref<10240x128xf32, #tpu.memory_space<vmem_shared>> -> memref<32x128xf32, #tpu.memory_space<vmem_shared>>
    %dma_start3A_59 = arith.constant 0 : i32
    %dma_start3A_60 = tpu.memref_slice %arg14[%add3A_56, %dma_start3A_59] : memref<10240x128xf32, #tpu.memory_space<vmem_shared>> -> memref<32x128xf32, #tpu.memory_space<vmem_shared>>
    tpu.enqueue_dma source(%arg10 : memref<32x128xf32, #tpu.memory_space<vmem>>) target(%dma_start3A_60 : memref<32x128xf32, #tpu.memory_space<vmem_shared>>) target_semaphore(%arg17 : memref<!tpu.dma_semaphore, #tpu.memory_space<semaphore_mem>>)
    %mul3A_61 = arith.constant 640 : i32
    %mul3A_62 = arith.muli %arg1, %mul3A_61 : i32
    %add3A_63 = arith.constant 224 : i32
    %add3A_64 = arith.addi %mul3A_62, %add3A_63 : i32
    %dma_start3A_65 = arith.constant 0 : i32
    %dma_start3A_66 = tpu.memref_slice %arg14[%add3A_64, %dma_start3A_65] : memref<10240x128xf32, #tpu.memory_space<vmem_shared>> -> memref<32x128xf32, #tpu.memory_space<vmem_shared>>
    %dma_start3A_67 = arith.constant 0 : i32
    %dma_start3A_68 = tpu.memref_slice %arg14[%add3A_64, %dma_start3A_67] : memref<10240x128xf32, #tpu.memory_space<vmem_shared>> -> memref<32x128xf32, #tpu.memory_space<vmem_shared>>
    tpu.enqueue_dma source(%arg10 : memref<32x128xf32, #tpu.memory_space<vmem>>) target(%dma_start3A_68 : memref<32x128xf32, #tpu.memory_space<vmem_shared>>) target_semaphore(%arg18 : memref<!tpu.dma_semaphore, #tpu.memory_space<semaphore_mem>>)
    %mul3A_69 = arith.constant 640 : i32
    %mul3A_70 = arith.muli %arg1, %mul3A_69 : i32
    %add3A_71 = arith.constant 256 : i32
    %add3A_72 = arith.addi %mul3A_70, %add3A_71 : i32
    %dma_start3A_73 = arith.constant 0 : i32
    %dma_start3A_74 = tpu.memref_slice %arg14[%add3A_72, %dma_start3A_73] : memref<10240x128xf32, #tpu.memory_space<vmem_shared>> -> memref<32x128xf32, #tpu.memory_space<vmem_shared>>
    %dma_start3A_75 = arith.constant 0 : i32
    %dma_start3A_76 = tpu.memref_slice %arg14[%add3A_72, %dma_start3A_75] : memref<10240x128xf32, #tpu.memory_space<vmem_shared>> -> memref<32x128xf32, #tpu.memory_space<vmem_shared>>
    tpu.enqueue_dma source(%arg10 : memref<32x128xf32, #tpu.memory_space<vmem>>) target(%dma_start3A_76 : memref<32x128xf32, #tpu.memory_space<vmem_shared>>) target_semaphore(%arg15 : memref<!tpu.dma_semaphore, #tpu.memory_space<semaphore_mem>>)
    %mul3A_77 = arith.constant 640 : i32
    %mul3A_78 = arith.muli %arg1, %mul3A_77 : i32
    %add3A_79 = arith.constant 288 : i32
    %add3A_80 = arith.addi %mul3A_78, %add3A_79 : i32
    %dma_start3A_81 = arith.constant 0 : i32
    %dma_start3A_82 = tpu.memref_slice %arg14[%add3A_80, %dma_start3A_81] : memref<10240x128xf32, #tpu.memory_space<vmem_shared>> -> memref<32x128xf32, #tpu.memory_space<vmem_shared>>
    %dma_start3A_83 = arith.constant 0 : i32
    %dma_start3A_84 = tpu.memref_slice %arg14[%add3A_80, %dma_start3A_83] : memref<10240x128xf32, #tpu.memory_space<vmem_shared>> -> memref<32x128xf32, #tpu.memory_space<vmem_shared>>
    tpu.enqueue_dma source(%arg10 : memref<32x128xf32, #tpu.memory_space<vmem>>) target(%dma_start3A_84 : memref<32x128xf32, #tpu.memory_space<vmem_shared>>) target_semaphore(%arg16 : memref<!tpu.dma_semaphore, #tpu.memory_space<semaphore_mem>>)
    %mul3A_85 = arith.constant 640 : i32
    %mul3A_86 = arith.muli %arg1, %mul3A_85 : i32
    %add3A_87 = arith.constant 320 : i32
    %add3A_88 = arith.addi %mul3A_86, %add3A_87 : i32
    %dma_start3A_89 = arith.constant 0 : i32
    %dma_start3A_90 = tpu.memref_slice %arg14[%add3A_88, %dma_start3A_89] : memref<10240x128xf32, #tpu.memory_space<vmem_shared>> -> memref<32x128xf32, #tpu.memory_space<vmem_shared>>
    %dma_start3A_91 = arith.constant 0 : i32
    %dma_start3A_92 = tpu.memref_slice %arg14[%add3A_88, %dma_start3A_91] : memref<10240x128xf32, #tpu.memory_space<vmem_shared>> -> memref<32x128xf32, #tpu.memory_space<vmem_shared>>
    tpu.enqueue_dma source(%arg10 : memref<32x128xf32, #tpu.memory_space<vmem>>) target(%dma_start3A_92 : memref<32x128xf32, #tpu.memory_space<vmem_shared>>) target_semaphore(%arg17 : memref<!tpu.dma_semaphore, #tpu.memory_space<semaphore_mem>>)
    %mul3A_93 = arith.constant 640 : i32
    %mul3A_94 = arith.muli %arg1, %mul3A_93 : i32
    %add3A_95 = arith.constant 352 : i32
    %add3A_96 = arith.addi %mul3A_94, %add3A_95 : i32
    %dma_start3A_97 = arith.constant 0 : i32
    %dma_start3A_98 = tpu.memref_slice %arg14[%add3A_96, %dma_start3A_97] : memref<10240x128xf32, #tpu.memory_space<vmem_shared>> -> memref<32x128xf32, #tpu.memory_space<vmem_shared>>
    %dma_start3A_99 = arith.constant 0 : i32
    %dma_start3A_100 = tpu.memref_slice %arg14[%add3A_96, %dma_start3A_99] : memref<10240x128xf32, #tpu.memory_space<vmem_shared>> -> memref<32x128xf32, #tpu.memory_space<vmem_shared>>
    tpu.enqueue_dma source(%arg10 : memref<32x128xf32, #tpu.memory_space<vmem>>) target(%dma_start3A_100 : memref<32x128xf32, #tpu.memory_space<vmem_shared>>) target_semaphore(%arg18 : memref<!tpu.dma_semaphore, #tpu.memory_space<semaphore_mem>>)
    %mul3A_101 = arith.constant 640 : i32
    %mul3A_102 = arith.muli %arg1, %mul3A_101 : i32
    %add3A_103 = arith.constant 384 : i32
    %add3A_104 = arith.addi %mul3A_102, %add3A_103 : i32
    %dma_start3A_105 = arith.constant 0 : i32
    %dma_start3A_106 = tpu.memref_slice %arg14[%add3A_104, %dma_start3A_105] : memref<10240x128xf32, #tpu.memory_space<vmem_shared>> -> memref<32x128xf32, #tpu.memory_space<vmem_shared>>
    %dma_start3A_107 = arith.constant 0 : i32
    %dma_start3A_108 = tpu.memref_slice %arg14[%add3A_104, %dma_start3A_107] : memref<10240x128xf32, #tpu.memory_space<vmem_shared>> -> memref<32x128xf32, #tpu.memory_space<vmem_shared>>
    tpu.enqueue_dma source(%arg10 : memref<32x128xf32, #tpu.memory_space<vmem>>) target(%dma_start3A_108 : memref<32x128xf32, #tpu.memory_space<vmem_shared>>) target_semaphore(%arg15 : memref<!tpu.dma_semaphore, #tpu.memory_space<semaphore_mem>>)
    %mul3A_109 = arith.constant 640 : i32
    %mul3A_110 = arith.muli %arg1, %mul3A_109 : i32
    %add3A_111 = arith.constant 416 : i32
    %add3A_112 = arith.addi %mul3A_110, %add3A_111 : i32
    %dma_start3A_113 = arith.constant 0 : i32
    %dma_start3A_114 = tpu.memref_slice %arg14[%add3A_112, %dma_start3A_113] : memref<10240x128xf32, #tpu.memory_space<vmem_shared>> -> memref<32x128xf32, #tpu.memory_space<vmem_shared>>
    %dma_start3A_115 = arith.constant 0 : i32
    %dma_start3A_116 = tpu.memref_slice %arg14[%add3A_112, %dma_start3A_115] : memref<10240x128xf32, #tpu.memory_space<vmem_shared>> -> memref<32x128xf32, #tpu.memory_space<vmem_shared>>
    tpu.enqueue_dma source(%arg10 : memref<32x128xf32, #tpu.memory_space<vmem>>) target(%dma_start3A_116 : memref<32x128xf32, #tpu.memory_space<vmem_shared>>) target_semaphore(%arg16 : memref<!tpu.dma_semaphore, #tpu.memory_space<semaphore_mem>>)
    %mul3A_117 = arith.constant 640 : i32
    %mul3A_118 = arith.muli %arg1, %mul3A_117 : i32
    %add3A_119 = arith.constant 448 : i32
    %add3A_120 = arith.addi %mul3A_118, %add3A_119 : i32
    %dma_start3A_121 = arith.constant 0 : i32
    %dma_start3A_122 = tpu.memref_slice %arg14[%add3A_120, %dma_start3A_121] : memref<10240x128xf32, #tpu.memory_space<vmem_shared>> -> memref<32x128xf32, #tpu.memory_space<vmem_shared>>
    %dma_start3A_123 = arith.constant 0 : i32
    %dma_start3A_124 = tpu.memref_slice %arg14[%add3A_120, %dma_start3A_123] : memref<10240x128xf32, #tpu.memory_space<vmem_shared>> -> memref<32x128xf32, #tpu.memory_space<vmem_shared>>
    tpu.enqueue_dma source(%arg10 : memref<32x128xf32, #tpu.memory_space<vmem>>) target(%dma_start3A_124 : memref<32x128xf32, #tpu.memory_space<vmem_shared>>) target_semaphore(%arg17 : memref<!tpu.dma_semaphore, #tpu.memory_space<semaphore_mem>>)
    %mul3A_125 = arith.constant 640 : i32
    %mul3A_126 = arith.muli %arg1, %mul3A_125 : i32
    %add3A_127 = arith.constant 480 : i32
    %add3A_128 = arith.addi %mul3A_126, %add3A_127 : i32
    %dma_start3A_129 = arith.constant 0 : i32
    %dma_start3A_130 = tpu.memref_slice %arg14[%add3A_128, %dma_start3A_129] : memref<10240x128xf32, #tpu.memory_space<vmem_shared>> -> memref<32x128xf32, #tpu.memory_space<vmem_shared>>
    %dma_start3A_131 = arith.constant 0 : i32
    %dma_start3A_132 = tpu.memref_slice %arg14[%add3A_128, %dma_start3A_131] : memref<10240x128xf32, #tpu.memory_space<vmem_shared>> -> memref<32x128xf32, #tpu.memory_space<vmem_shared>>
    tpu.enqueue_dma source(%arg10 : memref<32x128xf32, #tpu.memory_space<vmem>>) target(%dma_start3A_132 : memref<32x128xf32, #tpu.memory_space<vmem_shared>>) target_semaphore(%arg18 : memref<!tpu.dma_semaphore, #tpu.memory_space<semaphore_mem>>)
    %mul3A_133 = arith.constant 640 : i32
    %mul3A_134 = arith.muli %arg1, %mul3A_133 : i32
    %add3A_135 = arith.constant 512 : i32
    %add3A_136 = arith.addi %mul3A_134, %add3A_135 : i32
    %dma_start3A_137 = arith.constant 0 : i32
    %dma_start3A_138 = tpu.memref_slice %arg14[%add3A_136, %dma_start3A_137] : memref<10240x128xf32, #tpu.memory_space<vmem_shared>> -> memref<32x128xf32, #tpu.memory_space<vmem_shared>>
    %dma_start3A_139 = arith.constant 0 : i32
    %dma_start3A_140 = tpu.memref_slice %arg14[%add3A_136, %dma_start3A_139] : memref<10240x128xf32, #tpu.memory_space<vmem_shared>> -> memref<32x128xf32, #tpu.memory_space<vmem_shared>>
    tpu.enqueue_dma source(%arg10 : memref<32x128xf32, #tpu.memory_space<vmem>>) target(%dma_start3A_140 : memref<32x128xf32, #tpu.memory_space<vmem_shared>>) target_semaphore(%arg15 : memref<!tpu.dma_semaphore, #tpu.memory_space<semaphore_mem>>)
    %mul3A_141 = arith.constant 640 : i32
    %mul3A_142 = arith.muli %arg1, %mul3A_141 : i32
    %add3A_143 = arith.constant 544 : i32
    %add3A_144 = arith.addi %mul3A_142, %add3A_143 : i32
    %dma_start3A_145 = arith.constant 0 : i32
    %dma_start3A_146 = tpu.memref_slice %arg14[%add3A_144, %dma_start3A_145] : memref<10240x128xf32, #tpu.memory_space<vmem_shared>> -> memref<32x128xf32, #tpu.memory_space<vmem_shared>>
    %dma_start3A_147 = arith.constant 0 : i32
    %dma_start3A_148 = tpu.memref_slice %arg14[%add3A_144, %dma_start3A_147] : memref<10240x128xf32, #tpu.memory_space<vmem_shared>> -> memref<32x128xf32, #tpu.memory_space<vmem_shared>>
    tpu.enqueue_dma source(%arg10 : memref<32x128xf32, #tpu.memory_space<vmem>>) target(%dma_start3A_148 : memref<32x128xf32, #tpu.memory_space<vmem_shared>>) target_semaphore(%arg16 : memref<!tpu.dma_semaphore, #tpu.memory_space<semaphore_mem>>)
    %mul3A_149 = arith.constant 640 : i32
    %mul3A_150 = arith.muli %arg1, %mul3A_149 : i32
    %add3A_151 = arith.constant 576 : i32
    %add3A_152 = arith.addi %mul3A_150, %add3A_151 : i32
    %dma_start3A_153 = arith.constant 0 : i32
    %dma_start3A_154 = tpu.memref_slice %arg14[%add3A_152, %dma_start3A_153] : memref<10240x128xf32, #tpu.memory_space<vmem_shared>> -> memref<32x128xf32, #tpu.memory_space<vmem_shared>>
    %dma_start3A_155 = arith.constant 0 : i32
    %dma_start3A_156 = tpu.memref_slice %arg14[%add3A_152, %dma_start3A_155] : memref<10240x128xf32, #tpu.memory_space<vmem_shared>> -> memref<32x128xf32, #tpu.memory_space<vmem_shared>>
    tpu.enqueue_dma source(%arg10 : memref<32x128xf32, #tpu.memory_space<vmem>>) target(%dma_start3A_156 : memref<32x128xf32, #tpu.memory_space<vmem_shared>>) target_semaphore(%arg17 : memref<!tpu.dma_semaphore, #tpu.memory_space<semaphore_mem>>)
    %mul3A_157 = arith.constant 640 : i32
    %mul3A_158 = arith.muli %arg1, %mul3A_157 : i32
    %add3A_159 = arith.constant 608 : i32
    %add3A_160 = arith.addi %mul3A_158, %add3A_159 : i32
    %dma_start3A_161 = arith.constant 0 : i32
    %dma_start3A_162 = tpu.memref_slice %arg14[%add3A_160, %dma_start3A_161] : memref<10240x128xf32, #tpu.memory_space<vmem_shared>> -> memref<32x128xf32, #tpu.memory_space<vmem_shared>>
    %dma_start3A_163 = arith.constant 0 : i32
    %dma_start3A_164 = tpu.memref_slice %arg14[%add3A_160, %dma_start3A_163] : memref<10240x128xf32, #tpu.memory_space<vmem_shared>> -> memref<32x128xf32, #tpu.memory_space<vmem_shared>>
    tpu.enqueue_dma source(%arg10 : memref<32x128xf32, #tpu.memory_space<vmem>>) target(%dma_start3A_164 : memref<32x128xf32, #tpu.memory_space<vmem_shared>>) target_semaphore(%arg18 : memref<!tpu.dma_semaphore, #tpu.memory_space<semaphore_mem>>)
    %mul3A_165 = arith.constant 640 : i32
    %mul3A_166 = arith.muli %arg1, %mul3A_165 : i32
    %add3A_167 = arith.constant 0 : i32
    %add3A_168 = arith.addi %mul3A_166, %add3A_167 : i32
    %dma_wait3A = arith.constant 0 : i32
    %dma_wait3A_169 = tpu.memref_slice %arg14[%add3A_168, %dma_wait3A] : memref<10240x128xf32, #tpu.memory_space<vmem_shared>> -> memref<32x128xf32, #tpu.memory_space<vmem_shared>>
    %dma_wait3A_170 = arith.constant 0 : i32
    %dma_wait3A_171 = tpu.memref_slice %arg14[%add3A_168, %dma_wait3A_170] : memref<10240x128xf32, #tpu.memory_space<vmem_shared>> -> memref<32x128xf32, #tpu.memory_space<vmem_shared>>
    tpu.wait_dma2 semaphore(%arg15 : memref<!tpu.dma_semaphore, #tpu.memory_space<semaphore_mem>>) src(%arg10 : memref<32x128xf32, #tpu.memory_space<vmem>>) dst(%dma_wait3A_171 : memref<32x128xf32, #tpu.memory_space<vmem_shared>>)
    %mul3A_172 = arith.constant 640 : i32
    %mul3A_173 = arith.muli %arg1, %mul3A_172 : i32
    %add3A_174 = arith.constant 32 : i32
    %add3A_175 = arith.addi %mul3A_173, %add3A_174 : i32
    %dma_wait3A_176 = arith.constant 0 : i32
    %dma_wait3A_177 = tpu.memref_slice %arg14[%add3A_175, %dma_wait3A_176] : memref<10240x128xf32, #tpu.memory_space<vmem_shared>> -> memref<32x128xf32, #tpu.memory_space<vmem_shared>>
    %dma_wait3A_178 = arith.constant 0 : i32
    %dma_wait3A_179 = tpu.memref_slice %arg14[%add3A_175, %dma_wait3A_178] : memref<10240x128xf32, #tpu.memory_space<vmem_shared>> -> memref<32x128xf32, #tpu.memory_space<vmem_shared>>
    tpu.wait_dma2 semaphore(%arg16 : memref<!tpu.dma_semaphore, #tpu.memory_space<semaphore_mem>>) src(%arg10 : memref<32x128xf32, #tpu.memory_space<vmem>>) dst(%dma_wait3A_179 : memref<32x128xf32, #tpu.memory_space<vmem_shared>>)
    %mul3A_180 = arith.constant 640 : i32
    %mul3A_181 = arith.muli %arg1, %mul3A_180 : i32
    %add3A_182 = arith.constant 64 : i32
    %add3A_183 = arith.addi %mul3A_181, %add3A_182 : i32
    %dma_wait3A_184 = arith.constant 0 : i32
    %dma_wait3A_185 = tpu.memref_slice %arg14[%add3A_183, %dma_wait3A_184] : memref<10240x128xf32, #tpu.memory_space<vmem_shared>> -> memref<32x128xf32, #tpu.memory_space<vmem_shared>>
    %dma_wait3A_186 = arith.constant 0 : i32
    %dma_wait3A_187 = tpu.memref_slice %arg14[%add3A_183, %dma_wait3A_186] : memref<10240x128xf32, #tpu.memory_space<vmem_shared>> -> memref<32x128xf32, #tpu.memory_space<vmem_shared>>
    tpu.wait_dma2 semaphore(%arg17 : memref<!tpu.dma_semaphore, #tpu.memory_space<semaphore_mem>>) src(%arg10 : memref<32x128xf32, #tpu.memory_space<vmem>>) dst(%dma_wait3A_187 : memref<32x128xf32, #tpu.memory_space<vmem_shared>>)
    %mul3A_188 = arith.constant 640 : i32
    %mul3A_189 = arith.muli %arg1, %mul3A_188 : i32
    %add3A_190 = arith.constant 96 : i32
    %add3A_191 = arith.addi %mul3A_189, %add3A_190 : i32
    %dma_wait3A_192 = arith.constant 0 : i32
    %dma_wait3A_193 = tpu.memref_slice %arg14[%add3A_191, %dma_wait3A_192] : memref<10240x128xf32, #tpu.memory_space<vmem_shared>> -> memref<32x128xf32, #tpu.memory_space<vmem_shared>>
    %dma_wait3A_194 = arith.constant 0 : i32
    %dma_wait3A_195 = tpu.memref_slice %arg14[%add3A_191, %dma_wait3A_194] : memref<10240x128xf32, #tpu.memory_space<vmem_shared>> -> memref<32x128xf32, #tpu.memory_space<vmem_shared>>
    tpu.wait_dma2 semaphore(%arg18 : memref<!tpu.dma_semaphore, #tpu.memory_space<semaphore_mem>>) src(%arg10 : memref<32x128xf32, #tpu.memory_space<vmem>>) dst(%dma_wait3A_195 : memref<32x128xf32, #tpu.memory_space<vmem_shared>>)
    %mul3A_196 = arith.constant 640 : i32
    %mul3A_197 = arith.muli %arg1, %mul3A_196 : i32
    %add3A_198 = arith.constant 128 : i32
    %add3A_199 = arith.addi %mul3A_197, %add3A_198 : i32
    %dma_wait3A_200 = arith.constant 0 : i32
    %dma_wait3A_201 = tpu.memref_slice %arg14[%add3A_199, %dma_wait3A_200] : memref<10240x128xf32, #tpu.memory_space<vmem_shared>> -> memref<32x128xf32, #tpu.memory_space<vmem_shared>>
    %dma_wait3A_202 = arith.constant 0 : i32
    %dma_wait3A_203 = tpu.memref_slice %arg14[%add3A_199, %dma_wait3A_202] : memref<10240x128xf32, #tpu.memory_space<vmem_shared>> -> memref<32x128xf32, #tpu.memory_space<vmem_shared>>
    tpu.wait_dma2 semaphore(%arg15 : memref<!tpu.dma_semaphore, #tpu.memory_space<semaphore_mem>>) src(%arg10 : memref<32x128xf32, #tpu.memory_space<vmem>>) dst(%dma_wait3A_203 : memref<32x128xf32, #tpu.memory_space<vmem_shared>>)
    %mul3A_204 = arith.constant 640 : i32
    %mul3A_205 = arith.muli %arg1, %mul3A_204 : i32
    %add3A_206 = arith.constant 160 : i32
    %add3A_207 = arith.addi %mul3A_205, %add3A_206 : i32
    %dma_wait3A_208 = arith.constant 0 : i32
    %dma_wait3A_209 = tpu.memref_slice %arg14[%add3A_207, %dma_wait3A_208] : memref<10240x128xf32, #tpu.memory_space<vmem_shared>> -> memref<32x128xf32, #tpu.memory_space<vmem_shared>>
    %dma_wait3A_210 = arith.constant 0 : i32
    %dma_wait3A_211 = tpu.memref_slice %arg14[%add3A_207, %dma_wait3A_210] : memref<10240x128xf32, #tpu.memory_space<vmem_shared>> -> memref<32x128xf32, #tpu.memory_space<vmem_shared>>
    tpu.wait_dma2 semaphore(%arg16 : memref<!tpu.dma_semaphore, #tpu.memory_space<semaphore_mem>>) src(%arg10 : memref<32x128xf32, #tpu.memory_space<vmem>>) dst(%dma_wait3A_211 : memref<32x128xf32, #tpu.memory_space<vmem_shared>>)
    %mul3A_212 = arith.constant 640 : i32
    %mul3A_213 = arith.muli %arg1, %mul3A_212 : i32
    %add3A_214 = arith.constant 192 : i32
    %add3A_215 = arith.addi %mul3A_213, %add3A_214 : i32
    %dma_wait3A_216 = arith.constant 0 : i32
    %dma_wait3A_217 = tpu.memref_slice %arg14[%add3A_215, %dma_wait3A_216] : memref<10240x128xf32, #tpu.memory_space<vmem_shared>> -> memref<32x128xf32, #tpu.memory_space<vmem_shared>>
    %dma_wait3A_218 = arith.constant 0 : i32
    %dma_wait3A_219 = tpu.memref_slice %arg14[%add3A_215, %dma_wait3A_218] : memref<10240x128xf32, #tpu.memory_space<vmem_shared>> -> memref<32x128xf32, #tpu.memory_space<vmem_shared>>
    tpu.wait_dma2 semaphore(%arg17 : memref<!tpu.dma_semaphore, #tpu.memory_space<semaphore_mem>>) src(%arg10 : memref<32x128xf32, #tpu.memory_space<vmem>>) dst(%dma_wait3A_219 : memref<32x128xf32, #tpu.memory_space<vmem_shared>>)
    %mul3A_220 = arith.constant 640 : i32
    %mul3A_221 = arith.muli %arg1, %mul3A_220 : i32
    %add3A_222 = arith.constant 224 : i32
    %add3A_223 = arith.addi %mul3A_221, %add3A_222 : i32
    %dma_wait3A_224 = arith.constant 0 : i32
    %dma_wait3A_225 = tpu.memref_slice %arg14[%add3A_223, %dma_wait3A_224] : memref<10240x128xf32, #tpu.memory_space<vmem_shared>> -> memref<32x128xf32, #tpu.memory_space<vmem_shared>>
    %dma_wait3A_226 = arith.constant 0 : i32
    %dma_wait3A_227 = tpu.memref_slice %arg14[%add3A_223, %dma_wait3A_226] : memref<10240x128xf32, #tpu.memory_space<vmem_shared>> -> memref<32x128xf32, #tpu.memory_space<vmem_shared>>
    tpu.wait_dma2 semaphore(%arg18 : memref<!tpu.dma_semaphore, #tpu.memory_space<semaphore_mem>>) src(%arg10 : memref<32x128xf32, #tpu.memory_space<vmem>>) dst(%dma_wait3A_227 : memref<32x128xf32, #tpu.memory_space<vmem_shared>>)
    %mul3A_228 = arith.constant 640 : i32
    %mul3A_229 = arith.muli %arg1, %mul3A_228 : i32
    %add3A_230 = arith.constant 256 : i32
    %add3A_231 = arith.addi %mul3A_229, %add3A_230 : i32
    %dma_wait3A_232 = arith.constant 0 : i32
    %dma_wait3A_233 = tpu.memref_slice %arg14[%add3A_231, %dma_wait3A_232] : memref<10240x128xf32, #tpu.memory_space<vmem_shared>> -> memref<32x128xf32, #tpu.memory_space<vmem_shared>>
    %dma_wait3A_234 = arith.constant 0 : i32
    %dma_wait3A_235 = tpu.memref_slice %arg14[%add3A_231, %dma_wait3A_234] : memref<10240x128xf32, #tpu.memory_space<vmem_shared>> -> memref<32x128xf32, #tpu.memory_space<vmem_shared>>
    tpu.wait_dma2 semaphore(%arg15 : memref<!tpu.dma_semaphore, #tpu.memory_space<semaphore_mem>>) src(%arg10 : memref<32x128xf32, #tpu.memory_space<vmem>>) dst(%dma_wait3A_235 : memref<32x128xf32, #tpu.memory_space<vmem_shared>>)
    %mul3A_236 = arith.constant 640 : i32
    %mul3A_237 = arith.muli %arg1, %mul3A_236 : i32
    %add3A_238 = arith.constant 288 : i32
    %add3A_239 = arith.addi %mul3A_237, %add3A_238 : i32
    %dma_wait3A_240 = arith.constant 0 : i32
    %dma_wait3A_241 = tpu.memref_slice %arg14[%add3A_239, %dma_wait3A_240] : memref<10240x128xf32, #tpu.memory_space<vmem_shared>> -> memref<32x128xf32, #tpu.memory_space<vmem_shared>>
    %dma_wait3A_242 = arith.constant 0 : i32
    %dma_wait3A_243 = tpu.memref_slice %arg14[%add3A_239, %dma_wait3A_242] : memref<10240x128xf32, #tpu.memory_space<vmem_shared>> -> memref<32x128xf32, #tpu.memory_space<vmem_shared>>
    tpu.wait_dma2 semaphore(%arg16 : memref<!tpu.dma_semaphore, #tpu.memory_space<semaphore_mem>>) src(%arg10 : memref<32x128xf32, #tpu.memory_space<vmem>>) dst(%dma_wait3A_243 : memref<32x128xf32, #tpu.memory_space<vmem_shared>>)
    %mul3A_244 = arith.constant 640 : i32
    %mul3A_245 = arith.muli %arg1, %mul3A_244 : i32
    %add3A_246 = arith.constant 320 : i32
    %add3A_247 = arith.addi %mul3A_245, %add3A_246 : i32
    %dma_wait3A_248 = arith.constant 0 : i32
    %dma_wait3A_249 = tpu.memref_slice %arg14[%add3A_247, %dma_wait3A_248] : memref<10240x128xf32, #tpu.memory_space<vmem_shared>> -> memref<32x128xf32, #tpu.memory_space<vmem_shared>>
    %dma_wait3A_250 = arith.constant 0 : i32
    %dma_wait3A_251 = tpu.memref_slice %arg14[%add3A_247, %dma_wait3A_250] : memref<10240x128xf32, #tpu.memory_space<vmem_shared>> -> memref<32x128xf32, #tpu.memory_space<vmem_shared>>
    tpu.wait_dma2 semaphore(%arg17 : memref<!tpu.dma_semaphore, #tpu.memory_space<semaphore_mem>>) src(%arg10 : memref<32x128xf32, #tpu.memory_space<vmem>>) dst(%dma_wait3A_251 : memref<32x128xf32, #tpu.memory_space<vmem_shared>>)
    %mul3A_252 = arith.constant 640 : i32
    %mul3A_253 = arith.muli %arg1, %mul3A_252 : i32
    %add3A_254 = arith.constant 352 : i32
    %add3A_255 = arith.addi %mul3A_253, %add3A_254 : i32
    %dma_wait3A_256 = arith.constant 0 : i32
    %dma_wait3A_257 = tpu.memref_slice %arg14[%add3A_255, %dma_wait3A_256] : memref<10240x128xf32, #tpu.memory_space<vmem_shared>> -> memref<32x128xf32, #tpu.memory_space<vmem_shared>>
    %dma_wait3A_258 = arith.constant 0 : i32
    %dma_wait3A_259 = tpu.memref_slice %arg14[%add3A_255, %dma_wait3A_258] : memref<10240x128xf32, #tpu.memory_space<vmem_shared>> -> memref<32x128xf32, #tpu.memory_space<vmem_shared>>
    tpu.wait_dma2 semaphore(%arg18 : memref<!tpu.dma_semaphore, #tpu.memory_space<semaphore_mem>>) src(%arg10 : memref<32x128xf32, #tpu.memory_space<vmem>>) dst(%dma_wait3A_259 : memref<32x128xf32, #tpu.memory_space<vmem_shared>>)
    %mul3A_260 = arith.constant 640 : i32
    %mul3A_261 = arith.muli %arg1, %mul3A_260 : i32
    %add3A_262 = arith.constant 384 : i32
    %add3A_263 = arith.addi %mul3A_261, %add3A_262 : i32
    %dma_wait3A_264 = arith.constant 0 : i32
    %dma_wait3A_265 = tpu.memref_slice %arg14[%add3A_263, %dma_wait3A_264] : memref<10240x128xf32, #tpu.memory_space<vmem_shared>> -> memref<32x128xf32, #tpu.memory_space<vmem_shared>>
    %dma_wait3A_266 = arith.constant 0 : i32
    %dma_wait3A_267 = tpu.memref_slice %arg14[%add3A_263, %dma_wait3A_266] : memref<10240x128xf32, #tpu.memory_space<vmem_shared>> -> memref<32x128xf32, #tpu.memory_space<vmem_shared>>
    tpu.wait_dma2 semaphore(%arg15 : memref<!tpu.dma_semaphore, #tpu.memory_space<semaphore_mem>>) src(%arg10 : memref<32x128xf32, #tpu.memory_space<vmem>>) dst(%dma_wait3A_267 : memref<32x128xf32, #tpu.memory_space<vmem_shared>>)
    %mul3A_268 = arith.constant 640 : i32
    %mul3A_269 = arith.muli %arg1, %mul3A_268 : i32
    %add3A_270 = arith.constant 416 : i32
    %add3A_271 = arith.addi %mul3A_269, %add3A_270 : i32
    %dma_wait3A_272 = arith.constant 0 : i32
    %dma_wait3A_273 = tpu.memref_slice %arg14[%add3A_271, %dma_wait3A_272] : memref<10240x128xf32, #tpu.memory_space<vmem_shared>> -> memref<32x128xf32, #tpu.memory_space<vmem_shared>>
    %dma_wait3A_274 = arith.constant 0 : i32
    %dma_wait3A_275 = tpu.memref_slice %arg14[%add3A_271, %dma_wait3A_274] : memref<10240x128xf32, #tpu.memory_space<vmem_shared>> -> memref<32x128xf32, #tpu.memory_space<vmem_shared>>
    tpu.wait_dma2 semaphore(%arg16 : memref<!tpu.dma_semaphore, #tpu.memory_space<semaphore_mem>>) src(%arg10 : memref<32x128xf32, #tpu.memory_space<vmem>>) dst(%dma_wait3A_275 : memref<32x128xf32, #tpu.memory_space<vmem_shared>>)
    %mul3A_276 = arith.constant 640 : i32
    %mul3A_277 = arith.muli %arg1, %mul3A_276 : i32
    %add3A_278 = arith.constant 448 : i32
    %add3A_279 = arith.addi %mul3A_277, %add3A_278 : i32
    %dma_wait3A_280 = arith.constant 0 : i32
    %dma_wait3A_281 = tpu.memref_slice %arg14[%add3A_279, %dma_wait3A_280] : memref<10240x128xf32, #tpu.memory_space<vmem_shared>> -> memref<32x128xf32, #tpu.memory_space<vmem_shared>>
    %dma_wait3A_282 = arith.constant 0 : i32
    %dma_wait3A_283 = tpu.memref_slice %arg14[%add3A_279, %dma_wait3A_282] : memref<10240x128xf32, #tpu.memory_space<vmem_shared>> -> memref<32x128xf32, #tpu.memory_space<vmem_shared>>
    tpu.wait_dma2 semaphore(%arg17 : memref<!tpu.dma_semaphore, #tpu.memory_space<semaphore_mem>>) src(%arg10 : memref<32x128xf32, #tpu.memory_space<vmem>>) dst(%dma_wait3A_283 : memref<32x128xf32, #tpu.memory_space<vmem_shared>>)
    %mul3A_284 = arith.constant 640 : i32
    %mul3A_285 = arith.muli %arg1, %mul3A_284 : i32
    %add3A_286 = arith.constant 480 : i32
    %add3A_287 = arith.addi %mul3A_285, %add3A_286 : i32
    %dma_wait3A_288 = arith.constant 0 : i32
    %dma_wait3A_289 = tpu.memref_slice %arg14[%add3A_287, %dma_wait3A_288] : memref<10240x128xf32, #tpu.memory_space<vmem_shared>> -> memref<32x128xf32, #tpu.memory_space<vmem_shared>>
    %dma_wait3A_290 = arith.constant 0 : i32
    %dma_wait3A_291 = tpu.memref_slice %arg14[%add3A_287, %dma_wait3A_290] : memref<10240x128xf32, #tpu.memory_space<vmem_shared>> -> memref<32x128xf32, #tpu.memory_space<vmem_shared>>
    tpu.wait_dma2 semaphore(%arg18 : memref<!tpu.dma_semaphore, #tpu.memory_space<semaphore_mem>>) src(%arg10 : memref<32x128xf32, #tpu.memory_space<vmem>>) dst(%dma_wait3A_291 : memref<32x128xf32, #tpu.memory_space<vmem_shared>>)
    %mul3A_292 = arith.constant 640 : i32
    %mul3A_293 = arith.muli %arg1, %mul3A_292 : i32
    %add3A_294 = arith.constant 512 : i32
    %add3A_295 = arith.addi %mul3A_293, %add3A_294 : i32
    %dma_wait3A_296 = arith.constant 0 : i32
    %dma_wait3A_297 = tpu.memref_slice %arg14[%add3A_295, %dma_wait3A_296] : memref<10240x128xf32, #tpu.memory_space<vmem_shared>> -> memref<32x128xf32, #tpu.memory_space<vmem_shared>>
    %dma_wait3A_298 = arith.constant 0 : i32
    %dma_wait3A_299 = tpu.memref_slice %arg14[%add3A_295, %dma_wait3A_298] : memref<10240x128xf32, #tpu.memory_space<vmem_shared>> -> memref<32x128xf32, #tpu.memory_space<vmem_shared>>
    tpu.wait_dma2 semaphore(%arg15 : memref<!tpu.dma_semaphore, #tpu.memory_space<semaphore_mem>>) src(%arg10 : memref<32x128xf32, #tpu.memory_space<vmem>>) dst(%dma_wait3A_299 : memref<32x128xf32, #tpu.memory_space<vmem_shared>>)
    %mul3A_300 = arith.constant 640 : i32
    %mul3A_301 = arith.muli %arg1, %mul3A_300 : i32
    %add3A_302 = arith.constant 544 : i32
    %add3A_303 = arith.addi %mul3A_301, %add3A_302 : i32
    %dma_wait3A_304 = arith.constant 0 : i32
    %dma_wait3A_305 = tpu.memref_slice %arg14[%add3A_303, %dma_wait3A_304] : memref<10240x128xf32, #tpu.memory_space<vmem_shared>> -> memref<32x128xf32, #tpu.memory_space<vmem_shared>>
    %dma_wait3A_306 = arith.constant 0 : i32
    %dma_wait3A_307 = tpu.memref_slice %arg14[%add3A_303, %dma_wait3A_306] : memref<10240x128xf32, #tpu.memory_space<vmem_shared>> -> memref<32x128xf32, #tpu.memory_space<vmem_shared>>
    tpu.wait_dma2 semaphore(%arg16 : memref<!tpu.dma_semaphore, #tpu.memory_space<semaphore_mem>>) src(%arg10 : memref<32x128xf32, #tpu.memory_space<vmem>>) dst(%dma_wait3A_307 : memref<32x128xf32, #tpu.memory_space<vmem_shared>>)
    %mul3A_308 = arith.constant 640 : i32
    %mul3A_309 = arith.muli %arg1, %mul3A_308 : i32
    %add3A_310 = arith.constant 576 : i32
    %add3A_311 = arith.addi %mul3A_309, %add3A_310 : i32
    %dma_wait3A_312 = arith.constant 0 : i32
    %dma_wait3A_313 = tpu.memref_slice %arg14[%add3A_311, %dma_wait3A_312] : memref<10240x128xf32, #tpu.memory_space<vmem_shared>> -> memref<32x128xf32, #tpu.memory_space<vmem_shared>>
    %dma_wait3A_314 = arith.constant 0 : i32
    %dma_wait3A_315 = tpu.memref_slice %arg14[%add3A_311, %dma_wait3A_314] : memref<10240x128xf32, #tpu.memory_space<vmem_shared>> -> memref<32x128xf32, #tpu.memory_space<vmem_shared>>
    tpu.wait_dma2 semaphore(%arg17 : memref<!tpu.dma_semaphore, #tpu.memory_space<semaphore_mem>>) src(%arg10 : memref<32x128xf32, #tpu.memory_space<vmem>>) dst(%dma_wait3A_315 : memref<32x128xf32, #tpu.memory_space<vmem_shared>>)
    %mul3A_316 = arith.constant 640 : i32
    %mul3A_317 = arith.muli %arg1, %mul3A_316 : i32
    %add3A_318 = arith.constant 608 : i32
    %add3A_319 = arith.addi %mul3A_317, %add3A_318 : i32
    %dma_wait3A_320 = arith.constant 0 : i32
    %dma_wait3A_321 = tpu.memref_slice %arg14[%add3A_319, %dma_wait3A_320] : memref<10240x128xf32, #tpu.memory_space<vmem_shared>> -> memref<32x128xf32, #tpu.memory_space<vmem_shared>>
    %dma_wait3A_322 = arith.constant 0 : i32
    %dma_wait3A_323 = tpu.memref_slice %arg14[%add3A_319, %dma_wait3A_322] : memref<10240x128xf32, #tpu.memory_space<vmem_shared>> -> memref<32x128xf32, #tpu.memory_space<vmem_shared>>
    tpu.wait_dma2 semaphore(%arg18 : memref<!tpu.dma_semaphore, #tpu.memory_space<semaphore_mem>>) src(%arg10 : memref<32x128xf32, #tpu.memory_space<vmem>>) dst(%dma_wait3A_323 : memref<32x128xf32, #tpu.memory_space<vmem_shared>>)
    %barrier3A = arith.constant 0 : index
    tpu.barrier barrier_id(%barrier3A)
    %dma_start3A_324 = arith.constant 0 : i32
    %dma_start3A_325 = arith.constant 0 : i32
    %dma_start3A_326 = tpu.memref_slice %arg7[%dma_start3A_324, %dma_start3A_325] : memref<80x128xi32, #tpu.memory_space<vmem>> -> memref<1x32xi32, #tpu.memory_space<vmem>>
    %dma_start3A_327 = tpu.memref_squeeze %dma_start3A_326 : memref<1x32xi32, #tpu.memory_space<vmem>> -> memref<32xi32, #tpu.memory_space<vmem>>
    %dma_start3A_328 = arith.constant 0 : i32
    %dma_start3A_329 = arith.constant 0 : i32
    %dma_start3A_330 = tpu.memref_slice %arg2[%dma_start3A_328, %dma_start3A_329] : memref<10000x128xf32, #tpu.memory_space<hbm>> -> memref<10000x128xf32, #tpu.memory_space<hbm>>
    tpu.enqueue_indirect_dma source(%dma_start3A_330 : memref<10000x128xf32, #tpu.memory_space<hbm>>) target(%arg10 : memref<32x128xf32, #tpu.memory_space<vmem>>) offsets(%dma_start3A_327 : memref<32xi32, #tpu.memory_space<vmem>>) semaphore(%arg15 : memref<!tpu.dma_semaphore, #tpu.memory_space<semaphore_mem>>)
    %dma_start3A_331 = arith.constant 0 : i32
    %dma_start3A_332 = arith.constant 32 : i32
    %dma_start3A_333 = tpu.memref_slice %arg7[%dma_start3A_331, %dma_start3A_332] : memref<80x128xi32, #tpu.memory_space<vmem>> -> memref<1x32xi32, #tpu.memory_space<vmem>>
    %dma_start3A_334 = tpu.memref_squeeze %dma_start3A_333 : memref<1x32xi32, #tpu.memory_space<vmem>> -> memref<32xi32, #tpu.memory_space<vmem>>
    %dma_start3A_335 = arith.constant 0 : i32
    %dma_start3A_336 = arith.constant 0 : i32
    %dma_start3A_337 = tpu.memref_slice %arg2[%dma_start3A_335, %dma_start3A_336] : memref<10000x128xf32, #tpu.memory_space<hbm>> -> memref<10000x128xf32, #tpu.memory_space<hbm>>
    tpu.enqueue_indirect_dma source(%dma_start3A_337 : memref<10000x128xf32, #tpu.memory_space<hbm>>) target(%arg11 : memref<32x128xf32, #tpu.memory_space<vmem>>) offsets(%dma_start3A_334 : memref<32xi32, #tpu.memory_space<vmem>>) semaphore(%arg16 : memref<!tpu.dma_semaphore, #tpu.memory_space<semaphore_mem>>)
    %scan3A_338 = arith.constant 0 : i32
    %scan3A_339 = arith.constant 0 : i32
    %scan3A_340 = arith.constant 80 : i32
    %scan3A_341 = arith.addi %scan3A_339, %scan3A_340 : i32
    %scan3A_342 = arith.constant 1 : i32
    scf.for %scan3A_363 = %scan3A_339 to %scan3A_341 step %scan3A_342  : i32 {
      %mul3A_364 = arith.constant 4 : i32
      %mul3A_365 = arith.muli %scan3A_363, %mul3A_364 : i32
      %add3A_366 = arith.constant 0 : i32
      %add3A_367 = arith.addi %mul3A_365, %add3A_366 : i32
      %jit3A = arith.constant 4 : i32
      %div3A = arith.divsi %add3A_367, %jit3A : i32
      %sign3A = arith.constant 0 : i32
      %sign3A_368 = arith.cmpi sgt, %add3A_367, %sign3A : i32
      %sign3A_369 = arith.extui %sign3A_368 : i1 to i32
      %sign3A_370 = arith.constant 0 : i32
      %sign3A_371 = arith.cmpi slt, %add3A_367, %sign3A_370 : i32
      %sign3A_372 = arith.extui %sign3A_371 : i1 to i32
      %sign3A_373 = arith.subi %sign3A_369, %sign3A_372 : i32
      %sign3A_374 = arith.constant 0 : i32
      %sign3A_375 = arith.cmpi sgt, %jit3A, %sign3A_374 : i32
      %sign3A_376 = arith.extui %sign3A_375 : i1 to i32
      %sign3A_377 = arith.constant 0 : i32
      %sign3A_378 = arith.cmpi slt, %jit3A, %sign3A_377 : i32
      %sign3A_379 = arith.extui %sign3A_378 : i1 to i32
      %sign3A_380 = arith.subi %sign3A_376, %sign3A_379 : i32
      %ne3A = arith.cmpi ne, %sign3A_373, %sign3A_380 : i32
      %rem3A = arith.remsi %add3A_367, %jit3A : i32
      %ne3A_381 = arith.constant 0 : i32
      %ne3A_382 = arith.cmpi ne, %rem3A, %ne3A_381 : i32
      %and3A = arith.andi %ne3A, %ne3A_382 : i1
      %sub3A = arith.constant 1 : i32
      %sub3A_383 = arith.subi %div3A, %sub3A : i32
      %select_n3A = arith.select %and3A, %sub3A_383, %div3A : i32
      %jit3A_384 = arith.constant 4 : i32
      %eq3A = arith.constant 0 : i32
      %eq3A_385 = arith.cmpi eq, %jit3A_384, %eq3A : i32
      %jit3A_386 = arith.constant 1 : i32
      %select_n3A_387 = arith.select %eq3A_385, %jit3A_386, %jit3A_384 : i32
      %rem3A_388 = arith.remsi %add3A_367, %select_n3A_387 : i32
      %ne3A_389 = arith.constant 0 : i32
      %ne3A_390 = arith.cmpi ne, %rem3A_388, %ne3A_389 : i32
      %lt3A = arith.constant 0 : i32
      %lt3A_391 = arith.cmpi slt, %rem3A_388, %lt3A : i32
      %lt3A_392 = arith.constant 0 : i32
      %lt3A_393 = arith.cmpi slt, %select_n3A_387, %lt3A_392 : i32
      %ne3A_394 = arith.xori %lt3A_391, %lt3A_393 : i1
      %and3A_395 = arith.andi %ne3A_394, %ne3A_390 : i1
      %add3A_396 = arith.addi %rem3A_388, %select_n3A_387 : i32
      %select_n3A_397 = arith.select %and3A_395, %add3A_396, %rem3A_388 : i32
      %mul3A_398 = arith.constant 32 : i32
      %mul3A_399 = arith.muli %select_n3A_397, %mul3A_398 : i32
      %jit3A_400 = arith.constant 4 : i32
      %div3A_401 = arith.divsi %add3A_367, %jit3A_400 : i32
      %sign3A_402 = arith.constant 0 : i32
      %sign3A_403 = arith.cmpi sgt, %add3A_367, %sign3A_402 : i32
      %sign3A_404 = arith.extui %sign3A_403 : i1 to i32
      %sign3A_405 = arith.constant 0 : i32
      %sign3A_406 = arith.cmpi slt, %add3A_367, %sign3A_405 : i32
      %sign3A_407 = arith.extui %sign3A_406 : i1 to i32
      %sign3A_408 = arith.subi %sign3A_404, %sign3A_407 : i32
      %sign3A_409 = arith.constant 0 : i32
      %sign3A_410 = arith.cmpi sgt, %jit3A_400, %sign3A_409 : i32
      %sign3A_411 = arith.extui %sign3A_410 : i1 to i32
      %sign3A_412 = arith.constant 0 : i32
      %sign3A_413 = arith.cmpi slt, %jit3A_400, %sign3A_412 : i32
      %sign3A_414 = arith.extui %sign3A_413 : i1 to i32
      %sign3A_415 = arith.subi %sign3A_411, %sign3A_414 : i32
      %ne3A_416 = arith.cmpi ne, %sign3A_408, %sign3A_415 : i32
      %rem3A_417 = arith.remsi %add3A_367, %jit3A_400 : i32
      %ne3A_418 = arith.constant 0 : i32
      %ne3A_419 = arith.cmpi ne, %rem3A_417, %ne3A_418 : i32
      %and3A_420 = arith.andi %ne3A_416, %ne3A_419 : i1
      %sub3A_421 = arith.constant 1 : i32
      %sub3A_422 = arith.subi %div3A_401, %sub3A_421 : i32
      %select_n3A_423 = arith.select %and3A_420, %sub3A_422, %div3A_401 : i32
      %jit3A_424 = arith.constant 4 : i32
      %eq3A_425 = arith.constant 0 : i32
      %eq3A_426 = arith.cmpi eq, %jit3A_424, %eq3A_425 : i32
      %jit3A_427 = arith.constant 1 : i32
      %select_n3A_428 = arith.select %eq3A_426, %jit3A_427, %jit3A_424 : i32
      %rem3A_429 = arith.remsi %add3A_367, %select_n3A_428 : i32
      %ne3A_430 = arith.constant 0 : i32
      %ne3A_431 = arith.cmpi ne, %rem3A_429, %ne3A_430 : i32
      %lt3A_432 = arith.constant 0 : i32
      %lt3A_433 = arith.cmpi slt, %rem3A_429, %lt3A_432 : i32
      %lt3A_434 = arith.constant 0 : i32
      %lt3A_435 = arith.cmpi slt, %select_n3A_428, %lt3A_434 : i32
      %ne3A_436 = arith.xori %lt3A_433, %lt3A_435 : i1
      %and3A_437 = arith.andi %ne3A_436, %ne3A_431 : i1
      %add3A_438 = arith.addi %rem3A_429, %select_n3A_428 : i32
      %select_n3A_439 = arith.select %and3A_437, %add3A_438, %rem3A_429 : i32
      %mul3A_440 = arith.constant 32 : i32
      %mul3A_441 = arith.muli %select_n3A_439, %mul3A_440 : i32
      %dma_wait3A_442 = tpu.memref_slice %arg7[%select_n3A_423, %mul3A_441] : memref<80x128xi32, #tpu.memory_space<vmem>> -> memref<1x32xi32, #tpu.memory_space<vmem>>
      %dma_wait3A_443 = tpu.memref_squeeze %dma_wait3A_442 : memref<1x32xi32, #tpu.memory_space<vmem>> -> memref<32xi32, #tpu.memory_space<vmem>>
      %dma_wait3A_444 = arith.constant 0 : i32
      %dma_wait3A_445 = arith.constant 0 : i32
      %dma_wait3A_446 = tpu.memref_slice %arg2[%dma_wait3A_444, %dma_wait3A_445] : memref<10000x128xf32, #tpu.memory_space<hbm>> -> memref<10000x128xf32, #tpu.memory_space<hbm>>
      tpu.wait_indirect_dma semaphore(%arg15 : memref<!tpu.dma_semaphore, #tpu.memory_space<semaphore_mem>>) src(%dma_wait3A_446 : memref<10000x128xf32, #tpu.memory_space<hbm>>) dst(%arg10 : memref<32x128xf32, #tpu.memory_space<vmem>>)
      %broadcast_in_dim3A = vector.broadcast %select_n3A : i32 to vector<16xi32>
      %broadcast_in_dim3A_447 = vector.broadcast %mul3A_399 : i32 to vector<16xi32>
      %scan3A_448 = arith.constant 0 : i32
      %scan3A_449 = arith.constant 0 : i32
      %scan3A_450 = arith.constant 32 : i32
      %scan3A_451 = arith.addi %scan3A_449, %scan3A_450 : i32
      %scan3A_452 = arith.constant 1 : i32
      scf.for %scan3A_1158 = %scan3A_449 to %scan3A_451 step %scan3A_452  : i32 {
        %broadcast_in_dim3A_1159 = vector.broadcast %scan3A_1158 : i32 to vector<16xi32>
        %add3A_1160 = arith.addi %broadcast_in_dim3A_447, %broadcast_in_dim3A_1159 : vector<16xi32>
        %gather3A = tpu.vector_load_idx %arg9[%broadcast_in_dim3A, %add3A_1160] : memref<80x128xf32, #tpu.memory_space<vmem>>[vector<16xi32>, vector<16xi32>], vector<16xf32>,
        %get3A = arith.index_cast %scan3A_1158 : i32 to index
        %get3A_1161 = arith.constant 0 : index
        %get3A_1162 = tpu.vector_load %arg10[%get3A, %get3A_1161] {strides = array<i32>} : memref<32x128xf32, #tpu.memory_space<vmem>>, vector<16xf32>,
        %mul3A_1163 = arith.mulf %get3A_1162, %gather3A : vector<16xf32>
        %swap3A = arith.index_cast %scan3A_1158 : i32 to index
        %swap3A_1164 = arith.constant 0 : index
        %swap3A_1165 = tpu.vector_load %arg10[%swap3A, %swap3A_1164] {strides = array<i32>} : memref<32x128xf32, #tpu.memory_space<vmem>>, vector<16xf32>,
        tpu.vector_store %arg10[%swap3A, %swap3A_1164], %mul3A_1163 {strides = array<i32>} : memref<32x128xf32, #tpu.memory_space<vmem>>, vector<16xf32>,
        %get3A_1166 = arith.index_cast %scan3A_1158 : i32 to index
        %get3A_1167 = arith.constant 16 : index
        %get3A_1168 = tpu.vector_load %arg10[%get3A_1166, %get3A_1167] {strides = array<i32>} : memref<32x128xf32, #tpu.memory_space<vmem>>, vector<16xf32>,
        %mul3A_1169 = arith.mulf %get3A_1168, %gather3A : vector<16xf32>
        %swap3A_1170 = arith.index_cast %scan3A_1158 : i32 to index
        %swap3A_1171 = arith.constant 16 : index
        %swap3A_1172 = tpu.vector_load %arg10[%swap3A_1170, %swap3A_1171] {strides = array<i32>} : memref<32x128xf32, #tpu.memory_space<vmem>>, vector<16xf32>,
        tpu.vector_store %arg10[%swap3A_1170, %swap3A_1171], %mul3A_1169 {strides = array<i32>} : memref<32x128xf32, #tpu.memory_space<vmem>>, vector<16xf32>,
        %get3A_1173 = arith.index_cast %scan3A_1158 : i32 to index
        %get3A_1174 = arith.constant 32 : index
        %get3A_1175 = tpu.vector_load %arg10[%get3A_1173, %get3A_1174] {strides = array<i32>} : memref<32x128xf32, #tpu.memory_space<vmem>>, vector<16xf32>,
        %mul3A_1176 = arith.mulf %get3A_1175, %gather3A : vector<16xf32>
        %swap3A_1177 = arith.index_cast %scan3A_1158 : i32 to index
        %swap3A_1178 = arith.constant 32 : index
        %swap3A_1179 = tpu.vector_load %arg10[%swap3A_1177, %swap3A_1178] {strides = array<i32>} : memref<32x128xf32, #tpu.memory_space<vmem>>, vector<16xf32>,
        tpu.vector_store %arg10[%swap3A_1177, %swap3A_1178], %mul3A_1176 {strides = array<i32>} : memref<32x128xf32, #tpu.memory_space<vmem>>, vector<16xf32>,
        %get3A_1180 = arith.index_cast %scan3A_1158 : i32 to index
        %get3A_1181 = arith.constant 48 : index
        %get3A_1182 = tpu.vector_load %arg10[%get3A_1180, %get3A_1181] {strides = array<i32>} : memref<32x128xf32, #tpu.memory_space<vmem>>, vector<16xf32>,
        %mul3A_1183 = arith.mulf %get3A_1182, %gather3A : vector<16xf32>
        %swap3A_1184 = arith.index_cast %scan3A_1158 : i32 to index
        %swap3A_1185 = arith.constant 48 : index
        %swap3A_1186 = tpu.vector_load %arg10[%swap3A_1184, %swap3A_1185] {strides = array<i32>} : memref<32x128xf32, #tpu.memory_space<vmem>>, vector<16xf32>,
        tpu.vector_store %arg10[%swap3A_1184, %swap3A_1185], %mul3A_1183 {strides = array<i32>} : memref<32x128xf32, #tpu.memory_space<vmem>>, vector<16xf32>,
        %get3A_1187 = arith.index_cast %scan3A_1158 : i32 to index
        %get3A_1188 = arith.constant 64 : index
        %get3A_1189 = tpu.vector_load %arg10[%get3A_1187, %get3A_1188] {strides = array<i32>} : memref<32x128xf32, #tpu.memory_space<vmem>>, vector<16xf32>,
        %mul3A_1190 = arith.mulf %get3A_1189, %gather3A : vector<16xf32>
        %swap3A_1191 = arith.index_cast %scan3A_1158 : i32 to index
        %swap3A_1192 = arith.constant 64 : index
        %swap3A_1193 = tpu.vector_load %arg10[%swap3A_1191, %swap3A_1192] {strides = array<i32>} : memref<32x128xf32, #tpu.memory_space<vmem>>, vector<16xf32>,
        tpu.vector_store %arg10[%swap3A_1191, %swap3A_1192], %mul3A_1190 {strides = array<i32>} : memref<32x128xf32, #tpu.memory_space<vmem>>, vector<16xf32>,
        %get3A_1194 = arith.index_cast %scan3A_1158 : i32 to index
        %get3A_1195 = arith.constant 80 : index
        %get3A_1196 = tpu.vector_load %arg10[%get3A_1194, %get3A_1195] {strides = array<i32>} : memref<32x128xf32, #tpu.memory_space<vmem>>, vector<16xf32>,
        %mul3A_1197 = arith.mulf %get3A_1196, %gather3A : vector<16xf32>
        %swap3A_1198 = arith.index_cast %scan3A_1158 : i32 to index
        %swap3A_1199 = arith.constant 80 : index
        %swap3A_1200 = tpu.vector_load %arg10[%swap3A_1198, %swap3A_1199] {strides = array<i32>} : memref<32x128xf32, #tpu.memory_space<vmem>>, vector<16xf32>,
        tpu.vector_store %arg10[%swap3A_1198, %swap3A_1199], %mul3A_1197 {strides = array<i32>} : memref<32x128xf32, #tpu.memory_space<vmem>>, vector<16xf32>,
        %get3A_1201 = arith.index_cast %scan3A_1158 : i32 to index
        %get3A_1202 = arith.constant 96 : index
        %get3A_1203 = tpu.vector_load %arg10[%get3A_1201, %get3A_1202] {strides = array<i32>} : memref<32x128xf32, #tpu.memory_space<vmem>>, vector<16xf32>,
        %mul3A_1204 = arith.mulf %get3A_1203, %gather3A : vector<16xf32>
        %swap3A_1205 = arith.index_cast %scan3A_1158 : i32 to index
        %swap3A_1206 = arith.constant 96 : index
        %swap3A_1207 = tpu.vector_load %arg10[%swap3A_1205, %swap3A_1206] {strides = array<i32>} : memref<32x128xf32, #tpu.memory_space<vmem>>, vector<16xf32>,
        tpu.vector_store %arg10[%swap3A_1205, %swap3A_1206], %mul3A_1204 {strides = array<i32>} : memref<32x128xf32, #tpu.memory_space<vmem>>, vector<16xf32>,
        %get3A_1208 = arith.index_cast %scan3A_1158 : i32 to index
        %get3A_1209 = arith.constant 112 : index
        %get3A_1210 = tpu.vector_load %arg10[%get3A_1208, %get3A_1209] {strides = array<i32>} : memref<32x128xf32, #tpu.memory_space<vmem>>, vector<16xf32>,
        %mul3A_1211 = arith.mulf %get3A_1210, %gather3A : vector<16xf32>
        %swap3A_1212 = arith.index_cast %scan3A_1158 : i32 to index
        %swap3A_1213 = arith.constant 112 : index
        %swap3A_1214 = tpu.vector_load %arg10[%swap3A_1212, %swap3A_1213] {strides = array<i32>} : memref<32x128xf32, #tpu.memory_space<vmem>>, vector<16xf32>,
        tpu.vector_store %arg10[%swap3A_1212, %swap3A_1213], %mul3A_1211 {strides = array<i32>} : memref<32x128xf32, #tpu.memory_space<vmem>>, vector<16xf32>,
      }
      %scan3A_453 = arith.constant 32 : i32
      %jit3A_454 = arith.constant 4 : i32
      %div3A_455 = arith.divsi %add3A_367, %jit3A_454 : i32
      %sign3A_456 = arith.constant 0 : i32
      %sign3A_457 = arith.cmpi sgt, %add3A_367, %sign3A_456 : i32
      %sign3A_458 = arith.extui %sign3A_457 : i1 to i32
      %sign3A_459 = arith.constant 0 : i32
      %sign3A_460 = arith.cmpi slt, %add3A_367, %sign3A_459 : i32
      %sign3A_461 = arith.extui %sign3A_460 : i1 to i32
      %sign3A_462 = arith.subi %sign3A_458, %sign3A_461 : i32
      %sign3A_463 = arith.constant 0 : i32
      %sign3A_464 = arith.cmpi sgt, %jit3A_454, %sign3A_463 : i32
      %sign3A_465 = arith.extui %sign3A_464 : i1 to i32
      %sign3A_466 = arith.constant 0 : i32
      %sign3A_467 = arith.cmpi slt, %jit3A_454, %sign3A_466 : i32
      %sign3A_468 = arith.extui %sign3A_467 : i1 to i32
      %sign3A_469 = arith.subi %sign3A_465, %sign3A_468 : i32
      %ne3A_470 = arith.cmpi ne, %sign3A_462, %sign3A_469 : i32
      %rem3A_471 = arith.remsi %add3A_367, %jit3A_454 : i32
      %ne3A_472 = arith.constant 0 : i32
      %ne3A_473 = arith.cmpi ne, %rem3A_471, %ne3A_472 : i32
      %and3A_474 = arith.andi %ne3A_470, %ne3A_473 : i1
      %sub3A_475 = arith.constant 1 : i32
      %sub3A_476 = arith.subi %div3A_455, %sub3A_475 : i32
      %select_n3A_477 = arith.select %and3A_474, %sub3A_476, %div3A_455 : i32
      %jit3A_478 = arith.constant 4 : i32
      %eq3A_479 = arith.constant 0 : i32
      %eq3A_480 = arith.cmpi eq, %jit3A_478, %eq3A_479 : i32
      %jit3A_481 = arith.constant 1 : i32
      %select_n3A_482 = arith.select %eq3A_480, %jit3A_481, %jit3A_478 : i32
      %rem3A_483 = arith.remsi %add3A_367, %select_n3A_482 : i32
      %ne3A_484 = arith.constant 0 : i32
      %ne3A_485 = arith.cmpi ne, %rem3A_483, %ne3A_484 : i32
      %lt3A_486 = arith.constant 0 : i32
      %lt3A_487 = arith.cmpi slt, %rem3A_483, %lt3A_486 : i32
      %lt3A_488 = arith.constant 0 : i32
      %lt3A_489 = arith.cmpi slt, %select_n3A_482, %lt3A_488 : i32
      %ne3A_490 = arith.xori %lt3A_487, %lt3A_489 : i1
      %and3A_491 = arith.andi %ne3A_490, %ne3A_485 : i1
      %add3A_492 = arith.addi %rem3A_483, %select_n3A_482 : i32
      %select_n3A_493 = arith.select %and3A_491, %add3A_492, %rem3A_483 : i32
      %mul3A_494 = arith.constant 32 : i32
      %mul3A_495 = arith.muli %select_n3A_493, %mul3A_494 : i32
      %dma_start3A_496 = tpu.memref_slice %arg8[%select_n3A_477, %mul3A_495] : memref<80x128xi32, #tpu.memory_space<vmem>> -> memref<1x32xi32, #tpu.memory_space<vmem>>
      %dma_start3A_497 = tpu.memref_squeeze %dma_start3A_496 : memref<1x32xi32, #tpu.memory_space<vmem>> -> memref<32xi32, #tpu.memory_space<vmem>>
      %dma_start3A_498 = arith.constant 0 : i32
      %dma_start3A_499 = arith.constant 0 : i32
      %dma_start3A_500 = tpu.memref_slice %arg14[%dma_start3A_498, %dma_start3A_499] : memref<10240x128xf32, #tpu.memory_space<vmem_shared>> -> memref<10240x128xf32, #tpu.memory_space<vmem_shared>>
      tpu.enqueue_indirect_dma source(%arg10 : memref<32x128xf32, #tpu.memory_space<vmem>>) target(%dma_start3A_500 : memref<10240x128xf32, #tpu.memory_space<vmem_shared>>) offsets(%dma_start3A_497 : memref<32xi32, #tpu.memory_space<vmem>>) semaphore(%arg19 : memref<!tpu.dma_semaphore, #tpu.memory_space<semaphore_mem>>) {add = true}
      %gt3A = arith.constant 0 : i32
      %gt3A_501 = arith.cmpi sgt, %scan3A_363, %gt3A : i32
      %convert_element_type3A = arith.extui %gt3A_501 : i1 to i32
      %cond3A = arith.constant 0 : i32
      %cond3A_502 = arith.cmpi ne, %convert_element_type3A, %cond3A : i32
      scf.if %cond3A_502 {
        %sub3A_1158 = arith.constant 2 : i32
        %sub3A_1159 = arith.subi %add3A_367, %sub3A_1158 : i32
        %jit3A_1160 = arith.constant 4 : i32
        %div3A_1161 = arith.divsi %sub3A_1159, %jit3A_1160 : i32
        %sign3A_1162 = arith.constant 0 : i32
        %sign3A_1163 = arith.cmpi sgt, %sub3A_1159, %sign3A_1162 : i32
        %sign3A_1164 = arith.extui %sign3A_1163 : i1 to i32
        %sign3A_1165 = arith.constant 0 : i32
        %sign3A_1166 = arith.cmpi slt, %sub3A_1159, %sign3A_1165 : i32
        %sign3A_1167 = arith.extui %sign3A_1166 : i1 to i32
        %sign3A_1168 = arith.subi %sign3A_1164, %sign3A_1167 : i32
        %sign3A_1169 = arith.constant 0 : i32
        %sign3A_1170 = arith.cmpi sgt, %jit3A_1160, %sign3A_1169 : i32
        %sign3A_1171 = arith.extui %sign3A_1170 : i1 to i32
        %sign3A_1172 = arith.constant 0 : i32
        %sign3A_1173 = arith.cmpi slt, %jit3A_1160, %sign3A_1172 : i32
        %sign3A_1174 = arith.extui %sign3A_1173 : i1 to i32
        %sign3A_1175 = arith.subi %sign3A_1171, %sign3A_1174 : i32
        %ne3A_1176 = arith.cmpi ne, %sign3A_1168, %sign3A_1175 : i32
        %rem3A_1177 = arith.remsi %sub3A_1159, %jit3A_1160 : i32
        %ne3A_1178 = arith.constant 0 : i32
        %ne3A_1179 = arith.cmpi ne, %rem3A_1177, %ne3A_1178 : i32
        %and3A_1180 = arith.andi %ne3A_1176, %ne3A_1179 : i1
        %sub3A_1181 = arith.constant 1 : i32
        %sub3A_1182 = arith.subi %div3A_1161, %sub3A_1181 : i32
        %select_n3A_1183 = arith.select %and3A_1180, %sub3A_1182, %div3A_1161 : i32
        %jit3A_1184 = arith.constant 4 : i32
        %eq3A_1185 = arith.constant 0 : i32
        %eq3A_1186 = arith.cmpi eq, %jit3A_1184, %eq3A_1185 : i32
        %jit3A_1187 = arith.constant 1 : i32
        %select_n3A_1188 = arith.select %eq3A_1186, %jit3A_1187, %jit3A_1184 : i32
        %rem3A_1189 = arith.remsi %sub3A_1159, %select_n3A_1188 : i32
        %ne3A_1190 = arith.constant 0 : i32
        %ne3A_1191 = arith.cmpi ne, %rem3A_1189, %ne3A_1190 : i32
        %lt3A_1192 = arith.constant 0 : i32
        %lt3A_1193 = arith.cmpi slt, %rem3A_1189, %lt3A_1192 : i32
        %lt3A_1194 = arith.constant 0 : i32
        %lt3A_1195 = arith.cmpi slt, %select_n3A_1188, %lt3A_1194 : i32
        %ne3A_1196 = arith.xori %lt3A_1193, %lt3A_1195 : i1
        %and3A_1197 = arith.andi %ne3A_1196, %ne3A_1191 : i1
        %add3A_1198 = arith.addi %rem3A_1189, %select_n3A_1188 : i32
        %select_n3A_1199 = arith.select %and3A_1197, %add3A_1198, %rem3A_1189 : i32
        %mul3A_1200 = arith.constant 32 : i32
        %mul3A_1201 = arith.muli %select_n3A_1199, %mul3A_1200 : i32
        %dma_wait3A_1202 = tpu.memref_slice %arg8[%select_n3A_1183, %mul3A_1201] : memref<80x128xi32, #tpu.memory_space<vmem>> -> memref<1x32xi32, #tpu.memory_space<vmem>>
        %dma_wait3A_1203 = tpu.memref_squeeze %dma_wait3A_1202 : memref<1x32xi32, #tpu.memory_space<vmem>> -> memref<32xi32, #tpu.memory_space<vmem>>
        %dma_wait3A_1204 = arith.constant 0 : i32
        %dma_wait3A_1205 = arith.constant 0 : i32
        %dma_wait3A_1206 = tpu.memref_slice %arg14[%dma_wait3A_1204, %dma_wait3A_1205] : memref<10240x128xf32, #tpu.memory_space<vmem_shared>> -> memref<10240x128xf32, #tpu.memory_space<vmem_shared>>
        tpu.wait_indirect_dma semaphore(%arg21 : memref<!tpu.dma_semaphore, #tpu.memory_space<semaphore_mem>>) src(%arg12 : memref<32x128xf32, #tpu.memory_space<vmem>>) dst(%dma_wait3A_1206 : memref<10240x128xf32, #tpu.memory_space<vmem_shared>>)
      } else {
      }
      %add3A_503 = arith.constant 2 : i32
      %add3A_504 = arith.addi %add3A_367, %add3A_503 : i32
      %jit3A_505 = arith.constant 4 : i32
      %div3A_506 = arith.divsi %add3A_504, %jit3A_505 : i32
      %sign3A_507 = arith.constant 0 : i32
      %sign3A_508 = arith.cmpi sgt, %add3A_504, %sign3A_507 : i32
      %sign3A_509 = arith.extui %sign3A_508 : i1 to i32
      %sign3A_510 = arith.constant 0 : i32
      %sign3A_511 = arith.cmpi slt, %add3A_504, %sign3A_510 : i32
      %sign3A_512 = arith.extui %sign3A_511 : i1 to i32
      %sign3A_513 = arith.subi %sign3A_509, %sign3A_512 : i32
      %sign3A_514 = arith.constant 0 : i32
      %sign3A_515 = arith.cmpi sgt, %jit3A_505, %sign3A_514 : i32
      %sign3A_516 = arith.extui %sign3A_515 : i1 to i32
      %sign3A_517 = arith.constant 0 : i32
      %sign3A_518 = arith.cmpi slt, %jit3A_505, %sign3A_517 : i32
      %sign3A_519 = arith.extui %sign3A_518 : i1 to i32
      %sign3A_520 = arith.subi %sign3A_516, %sign3A_519 : i32
      %ne3A_521 = arith.cmpi ne, %sign3A_513, %sign3A_520 : i32
      %rem3A_522 = arith.remsi %add3A_504, %jit3A_505 : i32
      %ne3A_523 = arith.constant 0 : i32
      %ne3A_524 = arith.cmpi ne, %rem3A_522, %ne3A_523 : i32
      %and3A_525 = arith.andi %ne3A_521, %ne3A_524 : i1
      %sub3A_526 = arith.constant 1 : i32
      %sub3A_527 = arith.subi %div3A_506, %sub3A_526 : i32
      %select_n3A_528 = arith.select %and3A_525, %sub3A_527, %div3A_506 : i32
      %jit3A_529 = arith.constant 4 : i32
      %eq3A_530 = arith.constant 0 : i32
      %eq3A_531 = arith.cmpi eq, %jit3A_529, %eq3A_530 : i32
      %jit3A_532 = arith.constant 1 : i32
      %select_n3A_533 = arith.select %eq3A_531, %jit3A_532, %jit3A_529 : i32
      %rem3A_534 = arith.remsi %add3A_504, %select_n3A_533 : i32
      %ne3A_535 = arith.constant 0 : i32
      %ne3A_536 = arith.cmpi ne, %rem3A_534, %ne3A_535 : i32
      %lt3A_537 = arith.constant 0 : i32
      %lt3A_538 = arith.cmpi slt, %rem3A_534, %lt3A_537 : i32
      %lt3A_539 = arith.constant 0 : i32
      %lt3A_540 = arith.cmpi slt, %select_n3A_533, %lt3A_539 : i32
      %ne3A_541 = arith.xori %lt3A_538, %lt3A_540 : i1
      %and3A_542 = arith.andi %ne3A_541, %ne3A_536 : i1
      %add3A_543 = arith.addi %rem3A_534, %select_n3A_533 : i32
      %select_n3A_544 = arith.select %and3A_542, %add3A_543, %rem3A_534 : i32
      %mul3A_545 = arith.constant 32 : i32
      %mul3A_546 = arith.muli %select_n3A_544, %mul3A_545 : i32
      %dma_start3A_547 = tpu.memref_slice %arg7[%select_n3A_528, %mul3A_546] : memref<80x128xi32, #tpu.memory_space<vmem>> -> memref<1x32xi32, #tpu.memory_space<vmem>>
      %dma_start3A_548 = tpu.memref_squeeze %dma_start3A_547 : memref<1x32xi32, #tpu.memory_space<vmem>> -> memref<32xi32, #tpu.memory_space<vmem>>
      %dma_start3A_549 = arith.constant 0 : i32
      %dma_start3A_550 = arith.constant 0 : i32
      %dma_start3A_551 = tpu.memref_slice %arg2[%dma_start3A_549, %dma_start3A_550] : memref<10000x128xf32, #tpu.memory_space<hbm>> -> memref<10000x128xf32, #tpu.memory_space<hbm>>
      tpu.enqueue_indirect_dma source(%dma_start3A_551 : memref<10000x128xf32, #tpu.memory_space<hbm>>) target(%arg12 : memref<32x128xf32, #tpu.memory_space<vmem>>) offsets(%dma_start3A_548 : memref<32xi32, #tpu.memory_space<vmem>>) semaphore(%arg17 : memref<!tpu.dma_semaphore, #tpu.memory_space<semaphore_mem>>)
      %mul3A_552 = arith.constant 4 : i32
      %mul3A_553 = arith.muli %scan3A_363, %mul3A_552 : i32
      %add3A_554 = arith.constant 1 : i32
      %add3A_555 = arith.addi %mul3A_553, %add3A_554 : i32
      %jit3A_556 = arith.constant 4 : i32
      %div3A_557 = arith.divsi %add3A_555, %jit3A_556 : i32
      %sign3A_558 = arith.constant 0 : i32
      %sign3A_559 = arith.cmpi sgt, %add3A_555, %sign3A_558 : i32
      %sign3A_560 = arith.extui %sign3A_559 : i1 to i32
      %sign3A_561 = arith.constant 0 : i32
      %sign3A_562 = arith.cmpi slt, %add3A_555, %sign3A_561 : i32
      %sign3A_563 = arith.extui %sign3A_562 : i1 to i32
      %sign3A_564 = arith.subi %sign3A_560, %sign3A_563 : i32
      %sign3A_565 = arith.constant 0 : i32
      %sign3A_566 = arith.cmpi sgt, %jit3A_556, %sign3A_565 : i32
      %sign3A_567 = arith.extui %sign3A_566 : i1 to i32
      %sign3A_568 = arith.constant 0 : i32
      %sign3A_569 = arith.cmpi slt, %jit3A_556, %sign3A_568 : i32
      %sign3A_570 = arith.extui %sign3A_569 : i1 to i32
      %sign3A_571 = arith.subi %sign3A_567, %sign3A_570 : i32
      %ne3A_572 = arith.cmpi ne, %sign3A_564, %sign3A_571 : i32
      %rem3A_573 = arith.remsi %add3A_555, %jit3A_556 : i32
      %ne3A_574 = arith.constant 0 : i32
      %ne3A_575 = arith.cmpi ne, %rem3A_573, %ne3A_574 : i32
      %and3A_576 = arith.andi %ne3A_572, %ne3A_575 : i1
      %sub3A_577 = arith.constant 1 : i32
      %sub3A_578 = arith.subi %div3A_557, %sub3A_577 : i32
      %select_n3A_579 = arith.select %and3A_576, %sub3A_578, %div3A_557 : i32
      %jit3A_580 = arith.constant 4 : i32
      %eq3A_581 = arith.constant 0 : i32
      %eq3A_582 = arith.cmpi eq, %jit3A_580, %eq3A_581 : i32
      %jit3A_583 = arith.constant 1 : i32
      %select_n3A_584 = arith.select %eq3A_582, %jit3A_583, %jit3A_580 : i32
      %rem3A_585 = arith.remsi %add3A_555, %select_n3A_584 : i32
      %ne3A_586 = arith.constant 0 : i32
      %ne3A_587 = arith.cmpi ne, %rem3A_585, %ne3A_586 : i32
      %lt3A_588 = arith.constant 0 : i32
      %lt3A_589 = arith.cmpi slt, %rem3A_585, %lt3A_588 : i32
      %lt3A_590 = arith.constant 0 : i32
      %lt3A_591 = arith.cmpi slt, %select_n3A_584, %lt3A_590 : i32
      %ne3A_592 = arith.xori %lt3A_589, %lt3A_591 : i1
      %and3A_593 = arith.andi %ne3A_592, %ne3A_587 : i1
      %add3A_594 = arith.addi %rem3A_585, %select_n3A_584 : i32
      %select_n3A_595 = arith.select %and3A_593, %add3A_594, %rem3A_585 : i32
      %mul3A_596 = arith.constant 32 : i32
      %mul3A_597 = arith.muli %select_n3A_595, %mul3A_596 : i32
      %jit3A_598 = arith.constant 4 : i32
      %div3A_599 = arith.divsi %add3A_555, %jit3A_598 : i32
      %sign3A_600 = arith.constant 0 : i32
      %sign3A_601 = arith.cmpi sgt, %add3A_555, %sign3A_600 : i32
      %sign3A_602 = arith.extui %sign3A_601 : i1 to i32
      %sign3A_603 = arith.constant 0 : i32
      %sign3A_604 = arith.cmpi slt, %add3A_555, %sign3A_603 : i32
      %sign3A_605 = arith.extui %sign3A_604 : i1 to i32
      %sign3A_606 = arith.subi %sign3A_602, %sign3A_605 : i32
      %sign3A_607 = arith.constant 0 : i32
      %sign3A_608 = arith.cmpi sgt, %jit3A_598, %sign3A_607 : i32
      %sign3A_609 = arith.extui %sign3A_608 : i1 to i32
      %sign3A_610 = arith.constant 0 : i32
      %sign3A_611 = arith.cmpi slt, %jit3A_598, %sign3A_610 : i32
      %sign3A_612 = arith.extui %sign3A_611 : i1 to i32
      %sign3A_613 = arith.subi %sign3A_609, %sign3A_612 : i32
      %ne3A_614 = arith.cmpi ne, %sign3A_606, %sign3A_613 : i32
      %rem3A_615 = arith.remsi %add3A_555, %jit3A_598 : i32
      %ne3A_616 = arith.constant 0 : i32
      %ne3A_617 = arith.cmpi ne, %rem3A_615, %ne3A_616 : i32
      %and3A_618 = arith.andi %ne3A_614, %ne3A_617 : i1
      %sub3A_619 = arith.constant 1 : i32
      %sub3A_620 = arith.subi %div3A_599, %sub3A_619 : i32
      %select_n3A_621 = arith.select %and3A_618, %sub3A_620, %div3A_599 : i32
      %jit3A_622 = arith.constant 4 : i32
      %eq3A_623 = arith.constant 0 : i32
      %eq3A_624 = arith.cmpi eq, %jit3A_622, %eq3A_623 : i32
      %jit3A_625 = arith.constant 1 : i32
      %select_n3A_626 = arith.select %eq3A_624, %jit3A_625, %jit3A_622 : i32
      %rem3A_627 = arith.remsi %add3A_555, %select_n3A_626 : i32
      %ne3A_628 = arith.constant 0 : i32
      %ne3A_629 = arith.cmpi ne, %rem3A_627, %ne3A_628 : i32
      %lt3A_630 = arith.constant 0 : i32
      %lt3A_631 = arith.cmpi slt, %rem3A_627, %lt3A_630 : i32
      %lt3A_632 = arith.constant 0 : i32
      %lt3A_633 = arith.cmpi slt, %select_n3A_626, %lt3A_632 : i32
      %ne3A_634 = arith.xori %lt3A_631, %lt3A_633 : i1
      %and3A_635 = arith.andi %ne3A_634, %ne3A_629 : i1
      %add3A_636 = arith.addi %rem3A_627, %select_n3A_626 : i32
      %select_n3A_637 = arith.select %and3A_635, %add3A_636, %rem3A_627 : i32
      %mul3A_638 = arith.constant 32 : i32
      %mul3A_639 = arith.muli %select_n3A_637, %mul3A_638 : i32
      %dma_wait3A_640 = tpu.memref_slice %arg7[%select_n3A_621, %mul3A_639] : memref<80x128xi32, #tpu.memory_space<vmem>> -> memref<1x32xi32, #tpu.memory_space<vmem>>
      %dma_wait3A_641 = tpu.memref_squeeze %dma_wait3A_640 : memref<1x32xi32, #tpu.memory_space<vmem>> -> memref<32xi32, #tpu.memory_space<vmem>>
      %dma_wait3A_642 = arith.constant 0 : i32
      %dma_wait3A_643 = arith.constant 0 : i32
      %dma_wait3A_644 = tpu.memref_slice %arg2[%dma_wait3A_642, %dma_wait3A_643] : memref<10000x128xf32, #tpu.memory_space<hbm>> -> memref<10000x128xf32, #tpu.memory_space<hbm>>
      tpu.wait_indirect_dma semaphore(%arg16 : memref<!tpu.dma_semaphore, #tpu.memory_space<semaphore_mem>>) src(%dma_wait3A_644 : memref<10000x128xf32, #tpu.memory_space<hbm>>) dst(%arg11 : memref<32x128xf32, #tpu.memory_space<vmem>>)
      %broadcast_in_dim3A_645 = vector.broadcast %select_n3A_579 : i32 to vector<16xi32>
      %broadcast_in_dim3A_646 = vector.broadcast %mul3A_597 : i32 to vector<16xi32>
      %scan3A_647 = arith.constant 0 : i32
      %scan3A_648 = arith.constant 0 : i32
      %scan3A_649 = arith.constant 32 : i32
      %scan3A_650 = arith.addi %scan3A_648, %scan3A_649 : i32
      %scan3A_651 = arith.constant 1 : i32
      scf.for %scan3A_1158 = %scan3A_648 to %scan3A_650 step %scan3A_651  : i32 {
        %broadcast_in_dim3A_1159 = vector.broadcast %scan3A_1158 : i32 to vector<16xi32>
        %add3A_1160 = arith.addi %broadcast_in_dim3A_646, %broadcast_in_dim3A_1159 : vector<16xi32>
        %gather3A = tpu.vector_load_idx %arg9[%broadcast_in_dim3A_645, %add3A_1160] : memref<80x128xf32, #tpu.memory_space<vmem>>[vector<16xi32>, vector<16xi32>], vector<16xf32>,
        %get3A = arith.index_cast %scan3A_1158 : i32 to index
        %get3A_1161 = arith.constant 0 : index
        %get3A_1162 = tpu.vector_load %arg11[%get3A, %get3A_1161] {strides = array<i32>} : memref<32x128xf32, #tpu.memory_space<vmem>>, vector<16xf32>,
        %mul3A_1163 = arith.mulf %get3A_1162, %gather3A : vector<16xf32>
        %swap3A = arith.index_cast %scan3A_1158 : i32 to index
        %swap3A_1164 = arith.constant 0 : index
        %swap3A_1165 = tpu.vector_load %arg11[%swap3A, %swap3A_1164] {strides = array<i32>} : memref<32x128xf32, #tpu.memory_space<vmem>>, vector<16xf32>,
        tpu.vector_store %arg11[%swap3A, %swap3A_1164], %mul3A_1163 {strides = array<i32>} : memref<32x128xf32, #tpu.memory_space<vmem>>, vector<16xf32>,
        %get3A_1166 = arith.index_cast %scan3A_1158 : i32 to index
        %get3A_1167 = arith.constant 16 : index
        %get3A_1168 = tpu.vector_load %arg11[%get3A_1166, %get3A_1167] {strides = array<i32>} : memref<32x128xf32, #tpu.memory_space<vmem>>, vector<16xf32>,
        %mul3A_1169 = arith.mulf %get3A_1168, %gather3A : vector<16xf32>
        %swap3A_1170 = arith.index_cast %scan3A_1158 : i32 to index
        %swap3A_1171 = arith.constant 16 : index
        %swap3A_1172 = tpu.vector_load %arg11[%swap3A_1170, %swap3A_1171] {strides = array<i32>} : memref<32x128xf32, #tpu.memory_space<vmem>>, vector<16xf32>,
        tpu.vector_store %arg11[%swap3A_1170, %swap3A_1171], %mul3A_1169 {strides = array<i32>} : memref<32x128xf32, #tpu.memory_space<vmem>>, vector<16xf32>,
        %get3A_1173 = arith.index_cast %scan3A_1158 : i32 to index
        %get3A_1174 = arith.constant 32 : index
        %get3A_1175 = tpu.vector_load %arg11[%get3A_1173, %get3A_1174] {strides = array<i32>} : memref<32x128xf32, #tpu.memory_space<vmem>>, vector<16xf32>,
        %mul3A_1176 = arith.mulf %get3A_1175, %gather3A : vector<16xf32>
        %swap3A_1177 = arith.index_cast %scan3A_1158 : i32 to index
        %swap3A_1178 = arith.constant 32 : index
        %swap3A_1179 = tpu.vector_load %arg11[%swap3A_1177, %swap3A_1178] {strides = array<i32>} : memref<32x128xf32, #tpu.memory_space<vmem>>, vector<16xf32>,
        tpu.vector_store %arg11[%swap3A_1177, %swap3A_1178], %mul3A_1176 {strides = array<i32>} : memref<32x128xf32, #tpu.memory_space<vmem>>, vector<16xf32>,
        %get3A_1180 = arith.index_cast %scan3A_1158 : i32 to index
        %get3A_1181 = arith.constant 48 : index
        %get3A_1182 = tpu.vector_load %arg11[%get3A_1180, %get3A_1181] {strides = array<i32>} : memref<32x128xf32, #tpu.memory_space<vmem>>, vector<16xf32>,
        %mul3A_1183 = arith.mulf %get3A_1182, %gather3A : vector<16xf32>
        %swap3A_1184 = arith.index_cast %scan3A_1158 : i32 to index
        %swap3A_1185 = arith.constant 48 : index
        %swap3A_1186 = tpu.vector_load %arg11[%swap3A_1184, %swap3A_1185] {strides = array<i32>} : memref<32x128xf32, #tpu.memory_space<vmem>>, vector<16xf32>,
        tpu.vector_store %arg11[%swap3A_1184, %swap3A_1185], %mul3A_1183 {strides = array<i32>} : memref<32x128xf32, #tpu.memory_space<vmem>>, vector<16xf32>,
        %get3A_1187 = arith.index_cast %scan3A_1158 : i32 to index
        %get3A_1188 = arith.constant 64 : index
        %get3A_1189 = tpu.vector_load %arg11[%get3A_1187, %get3A_1188] {strides = array<i32>} : memref<32x128xf32, #tpu.memory_space<vmem>>, vector<16xf32>,
        %mul3A_1190 = arith.mulf %get3A_1189, %gather3A : vector<16xf32>
        %swap3A_1191 = arith.index_cast %scan3A_1158 : i32 to index
        %swap3A_1192 = arith.constant 64 : index
        %swap3A_1193 = tpu.vector_load %arg11[%swap3A_1191, %swap3A_1192] {strides = array<i32>} : memref<32x128xf32, #tpu.memory_space<vmem>>, vector<16xf32>,
        tpu.vector_store %arg11[%swap3A_1191, %swap3A_1192], %mul3A_1190 {strides = array<i32>} : memref<32x128xf32, #tpu.memory_space<vmem>>, vector<16xf32>,
        %get3A_1194 = arith.index_cast %scan3A_1158 : i32 to index
        %get3A_1195 = arith.constant 80 : index
        %get3A_1196 = tpu.vector_load %arg11[%get3A_1194, %get3A_1195] {strides = array<i32>} : memref<32x128xf32, #tpu.memory_space<vmem>>, vector<16xf32>,
        %mul3A_1197 = arith.mulf %get3A_1196, %gather3A : vector<16xf32>
        %swap3A_1198 = arith.index_cast %scan3A_1158 : i32 to index
        %swap3A_1199 = arith.constant 80 : index
        %swap3A_1200 = tpu.vector_load %arg11[%swap3A_1198, %swap3A_1199] {strides = array<i32>} : memref<32x128xf32, #tpu.memory_space<vmem>>, vector<16xf32>,
        tpu.vector_store %arg11[%swap3A_1198, %swap3A_1199], %mul3A_1197 {strides = array<i32>} : memref<32x128xf32, #tpu.memory_space<vmem>>, vector<16xf32>,
        %get3A_1201 = arith.index_cast %scan3A_1158 : i32 to index
        %get3A_1202 = arith.constant 96 : index
        %get3A_1203 = tpu.vector_load %arg11[%get3A_1201, %get3A_1202] {strides = array<i32>} : memref<32x128xf32, #tpu.memory_space<vmem>>, vector<16xf32>,
        %mul3A_1204 = arith.mulf %get3A_1203, %gather3A : vector<16xf32>
        %swap3A_1205 = arith.index_cast %scan3A_1158 : i32 to index
        %swap3A_1206 = arith.constant 96 : index
        %swap3A_1207 = tpu.vector_load %arg11[%swap3A_1205, %swap3A_1206] {strides = array<i32>} : memref<32x128xf32, #tpu.memory_space<vmem>>, vector<16xf32>,
        tpu.vector_store %arg11[%swap3A_1205, %swap3A_1206], %mul3A_1204 {strides = array<i32>} : memref<32x128xf32, #tpu.memory_space<vmem>>, vector<16xf32>,
        %get3A_1208 = arith.index_cast %scan3A_1158 : i32 to index
        %get3A_1209 = arith.constant 112 : index
        %get3A_1210 = tpu.vector_load %arg11[%get3A_1208, %get3A_1209] {strides = array<i32>} : memref<32x128xf32, #tpu.memory_space<vmem>>, vector<16xf32>,
        %mul3A_1211 = arith.mulf %get3A_1210, %gather3A : vector<16xf32>
        %swap3A_1212 = arith.index_cast %scan3A_1158 : i32 to index
        %swap3A_1213 = arith.constant 112 : index
        %swap3A_1214 = tpu.vector_load %arg11[%swap3A_1212, %swap3A_1213] {strides = array<i32>} : memref<32x128xf32, #tpu.memory_space<vmem>>, vector<16xf32>,
        tpu.vector_store %arg11[%swap3A_1212, %swap3A_1213], %mul3A_1211 {strides = array<i32>} : memref<32x128xf32, #tpu.memory_space<vmem>>, vector<16xf32>,
      }
      %scan3A_652 = arith.constant 32 : i32
      %jit3A_653 = arith.constant 4 : i32
      %div3A_654 = arith.divsi %add3A_555, %jit3A_653 : i32
      %sign3A_655 = arith.constant 0 : i32
      %sign3A_656 = arith.cmpi sgt, %add3A_555, %sign3A_655 : i32
      %sign3A_657 = arith.extui %sign3A_656 : i1 to i32
      %sign3A_658 = arith.constant 0 : i32
      %sign3A_659 = arith.cmpi slt, %add3A_555, %sign3A_658 : i32
      %sign3A_660 = arith.extui %sign3A_659 : i1 to i32
      %sign3A_661 = arith.subi %sign3A_657, %sign3A_660 : i32
      %sign3A_662 = arith.constant 0 : i32
      %sign3A_663 = arith.cmpi sgt, %jit3A_653, %sign3A_662 : i32
      %sign3A_664 = arith.extui %sign3A_663 : i1 to i32
      %sign3A_665 = arith.constant 0 : i32
      %sign3A_666 = arith.cmpi slt, %jit3A_653, %sign3A_665 : i32
      %sign3A_667 = arith.extui %sign3A_666 : i1 to i32
      %sign3A_668 = arith.subi %sign3A_664, %sign3A_667 : i32
      %ne3A_669 = arith.cmpi ne, %sign3A_661, %sign3A_668 : i32
      %rem3A_670 = arith.remsi %add3A_555, %jit3A_653 : i32
      %ne3A_671 = arith.constant 0 : i32
      %ne3A_672 = arith.cmpi ne, %rem3A_670, %ne3A_671 : i32
      %and3A_673 = arith.andi %ne3A_669, %ne3A_672 : i1
      %sub3A_674 = arith.constant 1 : i32
      %sub3A_675 = arith.subi %div3A_654, %sub3A_674 : i32
      %select_n3A_676 = arith.select %and3A_673, %sub3A_675, %div3A_654 : i32
      %jit3A_677 = arith.constant 4 : i32
      %eq3A_678 = arith.constant 0 : i32
      %eq3A_679 = arith.cmpi eq, %jit3A_677, %eq3A_678 : i32
      %jit3A_680 = arith.constant 1 : i32
      %select_n3A_681 = arith.select %eq3A_679, %jit3A_680, %jit3A_677 : i32
      %rem3A_682 = arith.remsi %add3A_555, %select_n3A_681 : i32
      %ne3A_683 = arith.constant 0 : i32
      %ne3A_684 = arith.cmpi ne, %rem3A_682, %ne3A_683 : i32
      %lt3A_685 = arith.constant 0 : i32
      %lt3A_686 = arith.cmpi slt, %rem3A_682, %lt3A_685 : i32
      %lt3A_687 = arith.constant 0 : i32
      %lt3A_688 = arith.cmpi slt, %select_n3A_681, %lt3A_687 : i32
      %ne3A_689 = arith.xori %lt3A_686, %lt3A_688 : i1
      %and3A_690 = arith.andi %ne3A_689, %ne3A_684 : i1
      %add3A_691 = arith.addi %rem3A_682, %select_n3A_681 : i32
      %select_n3A_692 = arith.select %and3A_690, %add3A_691, %rem3A_682 : i32
      %mul3A_693 = arith.constant 32 : i32
      %mul3A_694 = arith.muli %select_n3A_692, %mul3A_693 : i32
      %dma_start3A_695 = tpu.memref_slice %arg8[%select_n3A_676, %mul3A_694] : memref<80x128xi32, #tpu.memory_space<vmem>> -> memref<1x32xi32, #tpu.memory_space<vmem>>
      %dma_start3A_696 = tpu.memref_squeeze %dma_start3A_695 : memref<1x32xi32, #tpu.memory_space<vmem>> -> memref<32xi32, #tpu.memory_space<vmem>>
      %dma_start3A_697 = arith.constant 0 : i32
      %dma_start3A_698 = arith.constant 0 : i32
      %dma_start3A_699 = tpu.memref_slice %arg14[%dma_start3A_697, %dma_start3A_698] : memref<10240x128xf32, #tpu.memory_space<vmem_shared>> -> memref<10240x128xf32, #tpu.memory_space<vmem_shared>>
      tpu.enqueue_indirect_dma source(%arg11 : memref<32x128xf32, #tpu.memory_space<vmem>>) target(%dma_start3A_699 : memref<10240x128xf32, #tpu.memory_space<vmem_shared>>) offsets(%dma_start3A_696 : memref<32xi32, #tpu.memory_space<vmem>>) semaphore(%arg20 : memref<!tpu.dma_semaphore, #tpu.memory_space<semaphore_mem>>) {add = true}
      %gt3A_700 = arith.constant 0 : i32
      %gt3A_701 = arith.cmpi sgt, %scan3A_363, %gt3A_700 : i32
      %convert_element_type3A_702 = arith.extui %gt3A_701 : i1 to i32
      %cond3A_703 = arith.constant 0 : i32
      %cond3A_704 = arith.cmpi ne, %convert_element_type3A_702, %cond3A_703 : i32
      scf.if %cond3A_704 {
        %sub3A_1158 = arith.constant 2 : i32
        %sub3A_1159 = arith.subi %add3A_555, %sub3A_1158 : i32
        %jit3A_1160 = arith.constant 4 : i32
        %div3A_1161 = arith.divsi %sub3A_1159, %jit3A_1160 : i32
        %sign3A_1162 = arith.constant 0 : i32
        %sign3A_1163 = arith.cmpi sgt, %sub3A_1159, %sign3A_1162 : i32
        %sign3A_1164 = arith.extui %sign3A_1163 : i1 to i32
        %sign3A_1165 = arith.constant 0 : i32
        %sign3A_1166 = arith.cmpi slt, %sub3A_1159, %sign3A_1165 : i32
        %sign3A_1167 = arith.extui %sign3A_1166 : i1 to i32
        %sign3A_1168 = arith.subi %sign3A_1164, %sign3A_1167 : i32
        %sign3A_1169 = arith.constant 0 : i32
        %sign3A_1170 = arith.cmpi sgt, %jit3A_1160, %sign3A_1169 : i32
        %sign3A_1171 = arith.extui %sign3A_1170 : i1 to i32
        %sign3A_1172 = arith.constant 0 : i32
        %sign3A_1173 = arith.cmpi slt, %jit3A_1160, %sign3A_1172 : i32
        %sign3A_1174 = arith.extui %sign3A_1173 : i1 to i32
        %sign3A_1175 = arith.subi %sign3A_1171, %sign3A_1174 : i32
        %ne3A_1176 = arith.cmpi ne, %sign3A_1168, %sign3A_1175 : i32
        %rem3A_1177 = arith.remsi %sub3A_1159, %jit3A_1160 : i32
        %ne3A_1178 = arith.constant 0 : i32
        %ne3A_1179 = arith.cmpi ne, %rem3A_1177, %ne3A_1178 : i32
        %and3A_1180 = arith.andi %ne3A_1176, %ne3A_1179 : i1
        %sub3A_1181 = arith.constant 1 : i32
        %sub3A_1182 = arith.subi %div3A_1161, %sub3A_1181 : i32
        %select_n3A_1183 = arith.select %and3A_1180, %sub3A_1182, %div3A_1161 : i32
        %jit3A_1184 = arith.constant 4 : i32
        %eq3A_1185 = arith.constant 0 : i32
        %eq3A_1186 = arith.cmpi eq, %jit3A_1184, %eq3A_1185 : i32
        %jit3A_1187 = arith.constant 1 : i32
        %select_n3A_1188 = arith.select %eq3A_1186, %jit3A_1187, %jit3A_1184 : i32
        %rem3A_1189 = arith.remsi %sub3A_1159, %select_n3A_1188 : i32
        %ne3A_1190 = arith.constant 0 : i32
        %ne3A_1191 = arith.cmpi ne, %rem3A_1189, %ne3A_1190 : i32
        %lt3A_1192 = arith.constant 0 : i32
        %lt3A_1193 = arith.cmpi slt, %rem3A_1189, %lt3A_1192 : i32
        %lt3A_1194 = arith.constant 0 : i32
        %lt3A_1195 = arith.cmpi slt, %select_n3A_1188, %lt3A_1194 : i32
        %ne3A_1196 = arith.xori %lt3A_1193, %lt3A_1195 : i1
        %and3A_1197 = arith.andi %ne3A_1196, %ne3A_1191 : i1
        %add3A_1198 = arith.addi %rem3A_1189, %select_n3A_1188 : i32
        %select_n3A_1199 = arith.select %and3A_1197, %add3A_1198, %rem3A_1189 : i32
        %mul3A_1200 = arith.constant 32 : i32
        %mul3A_1201 = arith.muli %select_n3A_1199, %mul3A_1200 : i32
        %dma_wait3A_1202 = tpu.memref_slice %arg8[%select_n3A_1183, %mul3A_1201] : memref<80x128xi32, #tpu.memory_space<vmem>> -> memref<1x32xi32, #tpu.memory_space<vmem>>
        %dma_wait3A_1203 = tpu.memref_squeeze %dma_wait3A_1202 : memref<1x32xi32, #tpu.memory_space<vmem>> -> memref<32xi32, #tpu.memory_space<vmem>>
        %dma_wait3A_1204 = arith.constant 0 : i32
        %dma_wait3A_1205 = arith.constant 0 : i32
        %dma_wait3A_1206 = tpu.memref_slice %arg14[%dma_wait3A_1204, %dma_wait3A_1205] : memref<10240x128xf32, #tpu.memory_space<vmem_shared>> -> memref<10240x128xf32, #tpu.memory_space<vmem_shared>>
        tpu.wait_indirect_dma semaphore(%arg22 : memref<!tpu.dma_semaphore, #tpu.memory_space<semaphore_mem>>) src(%arg13 : memref<32x128xf32, #tpu.memory_space<vmem>>) dst(%dma_wait3A_1206 : memref<10240x128xf32, #tpu.memory_space<vmem_shared>>)
      } else {
      }
      %add3A_705 = arith.constant 2 : i32
      %add3A_706 = arith.addi %add3A_555, %add3A_705 : i32
      %jit3A_707 = arith.constant 4 : i32
      %div3A_708 = arith.divsi %add3A_706, %jit3A_707 : i32
      %sign3A_709 = arith.constant 0 : i32
      %sign3A_710 = arith.cmpi sgt, %add3A_706, %sign3A_709 : i32
      %sign3A_711 = arith.extui %sign3A_710 : i1 to i32
      %sign3A_712 = arith.constant 0 : i32
      %sign3A_713 = arith.cmpi slt, %add3A_706, %sign3A_712 : i32
      %sign3A_714 = arith.extui %sign3A_713 : i1 to i32
      %sign3A_715 = arith.subi %sign3A_711, %sign3A_714 : i32
      %sign3A_716 = arith.constant 0 : i32
      %sign3A_717 = arith.cmpi sgt, %jit3A_707, %sign3A_716 : i32
      %sign3A_718 = arith.extui %sign3A_717 : i1 to i32
      %sign3A_719 = arith.constant 0 : i32
      %sign3A_720 = arith.cmpi slt, %jit3A_707, %sign3A_719 : i32
      %sign3A_721 = arith.extui %sign3A_720 : i1 to i32
      %sign3A_722 = arith.subi %sign3A_718, %sign3A_721 : i32
      %ne3A_723 = arith.cmpi ne, %sign3A_715, %sign3A_722 : i32
      %rem3A_724 = arith.remsi %add3A_706, %jit3A_707 : i32
      %ne3A_725 = arith.constant 0 : i32
      %ne3A_726 = arith.cmpi ne, %rem3A_724, %ne3A_725 : i32
      %and3A_727 = arith.andi %ne3A_723, %ne3A_726 : i1
      %sub3A_728 = arith.constant 1 : i32
      %sub3A_729 = arith.subi %div3A_708, %sub3A_728 : i32
      %select_n3A_730 = arith.select %and3A_727, %sub3A_729, %div3A_708 : i32
      %jit3A_731 = arith.constant 4 : i32
      %eq3A_732 = arith.constant 0 : i32
      %eq3A_733 = arith.cmpi eq, %jit3A_731, %eq3A_732 : i32
      %jit3A_734 = arith.constant 1 : i32
      %select_n3A_735 = arith.select %eq3A_733, %jit3A_734, %jit3A_731 : i32
      %rem3A_736 = arith.remsi %add3A_706, %select_n3A_735 : i32
      %ne3A_737 = arith.constant 0 : i32
      %ne3A_738 = arith.cmpi ne, %rem3A_736, %ne3A_737 : i32
      %lt3A_739 = arith.constant 0 : i32
      %lt3A_740 = arith.cmpi slt, %rem3A_736, %lt3A_739 : i32
      %lt3A_741 = arith.constant 0 : i32
      %lt3A_742 = arith.cmpi slt, %select_n3A_735, %lt3A_741 : i32
      %ne3A_743 = arith.xori %lt3A_740, %lt3A_742 : i1
      %and3A_744 = arith.andi %ne3A_743, %ne3A_738 : i1
      %add3A_745 = arith.addi %rem3A_736, %select_n3A_735 : i32
      %select_n3A_746 = arith.select %and3A_744, %add3A_745, %rem3A_736 : i32
      %mul3A_747 = arith.constant 32 : i32
      %mul3A_748 = arith.muli %select_n3A_746, %mul3A_747 : i32
      %dma_start3A_749 = tpu.memref_slice %arg7[%select_n3A_730, %mul3A_748] : memref<80x128xi32, #tpu.memory_space<vmem>> -> memref<1x32xi32, #tpu.memory_space<vmem>>
      %dma_start3A_750 = tpu.memref_squeeze %dma_start3A_749 : memref<1x32xi32, #tpu.memory_space<vmem>> -> memref<32xi32, #tpu.memory_space<vmem>>
      %dma_start3A_751 = arith.constant 0 : i32
      %dma_start3A_752 = arith.constant 0 : i32
      %dma_start3A_753 = tpu.memref_slice %arg2[%dma_start3A_751, %dma_start3A_752] : memref<10000x128xf32, #tpu.memory_space<hbm>> -> memref<10000x128xf32, #tpu.memory_space<hbm>>
      tpu.enqueue_indirect_dma source(%dma_start3A_753 : memref<10000x128xf32, #tpu.memory_space<hbm>>) target(%arg13 : memref<32x128xf32, #tpu.memory_space<vmem>>) offsets(%dma_start3A_750 : memref<32xi32, #tpu.memory_space<vmem>>) semaphore(%arg18 : memref<!tpu.dma_semaphore, #tpu.memory_space<semaphore_mem>>)
      %mul3A_754 = arith.constant 4 : i32
      %mul3A_755 = arith.muli %scan3A_363, %mul3A_754 : i32
      %add3A_756 = arith.constant 2 : i32
      %add3A_757 = arith.addi %mul3A_755, %add3A_756 : i32
      %jit3A_758 = arith.constant 4 : i32
      %div3A_759 = arith.divsi %add3A_757, %jit3A_758 : i32
      %sign3A_760 = arith.constant 0 : i32
      %sign3A_761 = arith.cmpi sgt, %add3A_757, %sign3A_760 : i32
      %sign3A_762 = arith.extui %sign3A_761 : i1 to i32
      %sign3A_763 = arith.constant 0 : i32
      %sign3A_764 = arith.cmpi slt, %add3A_757, %sign3A_763 : i32
      %sign3A_765 = arith.extui %sign3A_764 : i1 to i32
      %sign3A_766 = arith.subi %sign3A_762, %sign3A_765 : i32
      %sign3A_767 = arith.constant 0 : i32
      %sign3A_768 = arith.cmpi sgt, %jit3A_758, %sign3A_767 : i32
      %sign3A_769 = arith.extui %sign3A_768 : i1 to i32
      %sign3A_770 = arith.constant 0 : i32
      %sign3A_771 = arith.cmpi slt, %jit3A_758, %sign3A_770 : i32
      %sign3A_772 = arith.extui %sign3A_771 : i1 to i32
      %sign3A_773 = arith.subi %sign3A_769, %sign3A_772 : i32
      %ne3A_774 = arith.cmpi ne, %sign3A_766, %sign3A_773 : i32
      %rem3A_775 = arith.remsi %add3A_757, %jit3A_758 : i32
      %ne3A_776 = arith.constant 0 : i32
      %ne3A_777 = arith.cmpi ne, %rem3A_775, %ne3A_776 : i32
      %and3A_778 = arith.andi %ne3A_774, %ne3A_777 : i1
      %sub3A_779 = arith.constant 1 : i32
      %sub3A_780 = arith.subi %div3A_759, %sub3A_779 : i32
      %select_n3A_781 = arith.select %and3A_778, %sub3A_780, %div3A_759 : i32
      %jit3A_782 = arith.constant 4 : i32
      %eq3A_783 = arith.constant 0 : i32
      %eq3A_784 = arith.cmpi eq, %jit3A_782, %eq3A_783 : i32
      %jit3A_785 = arith.constant 1 : i32
      %select_n3A_786 = arith.select %eq3A_784, %jit3A_785, %jit3A_782 : i32
      %rem3A_787 = arith.remsi %add3A_757, %select_n3A_786 : i32
      %ne3A_788 = arith.constant 0 : i32
      %ne3A_789 = arith.cmpi ne, %rem3A_787, %ne3A_788 : i32
      %lt3A_790 = arith.constant 0 : i32
      %lt3A_791 = arith.cmpi slt, %rem3A_787, %lt3A_790 : i32
      %lt3A_792 = arith.constant 0 : i32
      %lt3A_793 = arith.cmpi slt, %select_n3A_786, %lt3A_792 : i32
      %ne3A_794 = arith.xori %lt3A_791, %lt3A_793 : i1
      %and3A_795 = arith.andi %ne3A_794, %ne3A_789 : i1
      %add3A_796 = arith.addi %rem3A_787, %select_n3A_786 : i32
      %select_n3A_797 = arith.select %and3A_795, %add3A_796, %rem3A_787 : i32
      %mul3A_798 = arith.constant 32 : i32
      %mul3A_799 = arith.muli %select_n3A_797, %mul3A_798 : i32
      %jit3A_800 = arith.constant 4 : i32
      %div3A_801 = arith.divsi %add3A_757, %jit3A_800 : i32
      %sign3A_802 = arith.constant 0 : i32
      %sign3A_803 = arith.cmpi sgt, %add3A_757, %sign3A_802 : i32
      %sign3A_804 = arith.extui %sign3A_803 : i1 to i32
      %sign3A_805 = arith.constant 0 : i32
      %sign3A_806 = arith.cmpi slt, %add3A_757, %sign3A_805 : i32
      %sign3A_807 = arith.extui %sign3A_806 : i1 to i32
      %sign3A_808 = arith.subi %sign3A_804, %sign3A_807 : i32
      %sign3A_809 = arith.constant 0 : i32
      %sign3A_810 = arith.cmpi sgt, %jit3A_800, %sign3A_809 : i32
      %sign3A_811 = arith.extui %sign3A_810 : i1 to i32
      %sign3A_812 = arith.constant 0 : i32
      %sign3A_813 = arith.cmpi slt, %jit3A_800, %sign3A_812 : i32
      %sign3A_814 = arith.extui %sign3A_813 : i1 to i32
      %sign3A_815 = arith.subi %sign3A_811, %sign3A_814 : i32
      %ne3A_816 = arith.cmpi ne, %sign3A_808, %sign3A_815 : i32
      %rem3A_817 = arith.remsi %add3A_757, %jit3A_800 : i32
      %ne3A_818 = arith.constant 0 : i32
      %ne3A_819 = arith.cmpi ne, %rem3A_817, %ne3A_818 : i32
      %and3A_820 = arith.andi %ne3A_816, %ne3A_819 : i1
      %sub3A_821 = arith.constant 1 : i32
      %sub3A_822 = arith.subi %div3A_801, %sub3A_821 : i32
      %select_n3A_823 = arith.select %and3A_820, %sub3A_822, %div3A_801 : i32
      %jit3A_824 = arith.constant 4 : i32
      %eq3A_825 = arith.constant 0 : i32
      %eq3A_826 = arith.cmpi eq, %jit3A_824, %eq3A_825 : i32
      %jit3A_827 = arith.constant 1 : i32
      %select_n3A_828 = arith.select %eq3A_826, %jit3A_827, %jit3A_824 : i32
      %rem3A_829 = arith.remsi %add3A_757, %select_n3A_828 : i32
      %ne3A_830 = arith.constant 0 : i32
      %ne3A_831 = arith.cmpi ne, %rem3A_829, %ne3A_830 : i32
      %lt3A_832 = arith.constant 0 : i32
      %lt3A_833 = arith.cmpi slt, %rem3A_829, %lt3A_832 : i32
      %lt3A_834 = arith.constant 0 : i32
      %lt3A_835 = arith.cmpi slt, %select_n3A_828, %lt3A_834 : i32
      %ne3A_836 = arith.xori %lt3A_833, %lt3A_835 : i1
      %and3A_837 = arith.andi %ne3A_836, %ne3A_831 : i1
      %add3A_838 = arith.addi %rem3A_829, %select_n3A_828 : i32
      %select_n3A_839 = arith.select %and3A_837, %add3A_838, %rem3A_829 : i32
      %mul3A_840 = arith.constant 32 : i32
      %mul3A_841 = arith.muli %select_n3A_839, %mul3A_840 : i32
      %dma_wait3A_842 = tpu.memref_slice %arg7[%select_n3A_823, %mul3A_841] : memref<80x128xi32, #tpu.memory_space<vmem>> -> memref<1x32xi32, #tpu.memory_space<vmem>>
      %dma_wait3A_843 = tpu.memref_squeeze %dma_wait3A_842 : memref<1x32xi32, #tpu.memory_space<vmem>> -> memref<32xi32, #tpu.memory_space<vmem>>
      %dma_wait3A_844 = arith.constant 0 : i32
      %dma_wait3A_845 = arith.constant 0 : i32
      %dma_wait3A_846 = tpu.memref_slice %arg2[%dma_wait3A_844, %dma_wait3A_845] : memref<10000x128xf32, #tpu.memory_space<hbm>> -> memref<10000x128xf32, #tpu.memory_space<hbm>>
      tpu.wait_indirect_dma semaphore(%arg17 : memref<!tpu.dma_semaphore, #tpu.memory_space<semaphore_mem>>) src(%dma_wait3A_846 : memref<10000x128xf32, #tpu.memory_space<hbm>>) dst(%arg12 : memref<32x128xf32, #tpu.memory_space<vmem>>)
      %broadcast_in_dim3A_847 = vector.broadcast %select_n3A_781 : i32 to vector<16xi32>
      %broadcast_in_dim3A_848 = vector.broadcast %mul3A_799 : i32 to vector<16xi32>
      %scan3A_849 = arith.constant 0 : i32
      %scan3A_850 = arith.constant 0 : i32
      %scan3A_851 = arith.constant 32 : i32
      %scan3A_852 = arith.addi %scan3A_850, %scan3A_851 : i32
      %scan3A_853 = arith.constant 1 : i32
      scf.for %scan3A_1158 = %scan3A_850 to %scan3A_852 step %scan3A_853  : i32 {
        %broadcast_in_dim3A_1159 = vector.broadcast %scan3A_1158 : i32 to vector<16xi32>
        %add3A_1160 = arith.addi %broadcast_in_dim3A_848, %broadcast_in_dim3A_1159 : vector<16xi32>
        %gather3A = tpu.vector_load_idx %arg9[%broadcast_in_dim3A_847, %add3A_1160] : memref<80x128xf32, #tpu.memory_space<vmem>>[vector<16xi32>, vector<16xi32>], vector<16xf32>,
        %get3A = arith.index_cast %scan3A_1158 : i32 to index
        %get3A_1161 = arith.constant 0 : index
        %get3A_1162 = tpu.vector_load %arg12[%get3A, %get3A_1161] {strides = array<i32>} : memref<32x128xf32, #tpu.memory_space<vmem>>, vector<16xf32>,
        %mul3A_1163 = arith.mulf %get3A_1162, %gather3A : vector<16xf32>
        %swap3A = arith.index_cast %scan3A_1158 : i32 to index
        %swap3A_1164 = arith.constant 0 : index
        %swap3A_1165 = tpu.vector_load %arg12[%swap3A, %swap3A_1164] {strides = array<i32>} : memref<32x128xf32, #tpu.memory_space<vmem>>, vector<16xf32>,
        tpu.vector_store %arg12[%swap3A, %swap3A_1164], %mul3A_1163 {strides = array<i32>} : memref<32x128xf32, #tpu.memory_space<vmem>>, vector<16xf32>,
        %get3A_1166 = arith.index_cast %scan3A_1158 : i32 to index
        %get3A_1167 = arith.constant 16 : index
        %get3A_1168 = tpu.vector_load %arg12[%get3A_1166, %get3A_1167] {strides = array<i32>} : memref<32x128xf32, #tpu.memory_space<vmem>>, vector<16xf32>,
        %mul3A_1169 = arith.mulf %get3A_1168, %gather3A : vector<16xf32>
        %swap3A_1170 = arith.index_cast %scan3A_1158 : i32 to index
        %swap3A_1171 = arith.constant 16 : index
        %swap3A_1172 = tpu.vector_load %arg12[%swap3A_1170, %swap3A_1171] {strides = array<i32>} : memref<32x128xf32, #tpu.memory_space<vmem>>, vector<16xf32>,
        tpu.vector_store %arg12[%swap3A_1170, %swap3A_1171], %mul3A_1169 {strides = array<i32>} : memref<32x128xf32, #tpu.memory_space<vmem>>, vector<16xf32>,
        %get3A_1173 = arith.index_cast %scan3A_1158 : i32 to index
        %get3A_1174 = arith.constant 32 : index
        %get3A_1175 = tpu.vector_load %arg12[%get3A_1173, %get3A_1174] {strides = array<i32>} : memref<32x128xf32, #tpu.memory_space<vmem>>, vector<16xf32>,
        %mul3A_1176 = arith.mulf %get3A_1175, %gather3A : vector<16xf32>
        %swap3A_1177 = arith.index_cast %scan3A_1158 : i32 to index
        %swap3A_1178 = arith.constant 32 : index
        %swap3A_1179 = tpu.vector_load %arg12[%swap3A_1177, %swap3A_1178] {strides = array<i32>} : memref<32x128xf32, #tpu.memory_space<vmem>>, vector<16xf32>,
        tpu.vector_store %arg12[%swap3A_1177, %swap3A_1178], %mul3A_1176 {strides = array<i32>} : memref<32x128xf32, #tpu.memory_space<vmem>>, vector<16xf32>,
        %get3A_1180 = arith.index_cast %scan3A_1158 : i32 to index
        %get3A_1181 = arith.constant 48 : index
        %get3A_1182 = tpu.vector_load %arg12[%get3A_1180, %get3A_1181] {strides = array<i32>} : memref<32x128xf32, #tpu.memory_space<vmem>>, vector<16xf32>,
        %mul3A_1183 = arith.mulf %get3A_1182, %gather3A : vector<16xf32>
        %swap3A_1184 = arith.index_cast %scan3A_1158 : i32 to index
        %swap3A_1185 = arith.constant 48 : index
        %swap3A_1186 = tpu.vector_load %arg12[%swap3A_1184, %swap3A_1185] {strides = array<i32>} : memref<32x128xf32, #tpu.memory_space<vmem>>, vector<16xf32>,
        tpu.vector_store %arg12[%swap3A_1184, %swap3A_1185], %mul3A_1183 {strides = array<i32>} : memref<32x128xf32, #tpu.memory_space<vmem>>, vector<16xf32>,
        %get3A_1187 = arith.index_cast %scan3A_1158 : i32 to index
        %get3A_1188 = arith.constant 64 : index
        %get3A_1189 = tpu.vector_load %arg12[%get3A_1187, %get3A_1188] {strides = array<i32>} : memref<32x128xf32, #tpu.memory_space<vmem>>, vector<16xf32>,
        %mul3A_1190 = arith.mulf %get3A_1189, %gather3A : vector<16xf32>
        %swap3A_1191 = arith.index_cast %scan3A_1158 : i32 to index
        %swap3A_1192 = arith.constant 64 : index
        %swap3A_1193 = tpu.vector_load %arg12[%swap3A_1191, %swap3A_1192] {strides = array<i32>} : memref<32x128xf32, #tpu.memory_space<vmem>>, vector<16xf32>,
        tpu.vector_store %arg12[%swap3A_1191, %swap3A_1192], %mul3A_1190 {strides = array<i32>} : memref<32x128xf32, #tpu.memory_space<vmem>>, vector<16xf32>,
        %get3A_1194 = arith.index_cast %scan3A_1158 : i32 to index
        %get3A_1195 = arith.constant 80 : index
        %get3A_1196 = tpu.vector_load %arg12[%get3A_1194, %get3A_1195] {strides = array<i32>} : memref<32x128xf32, #tpu.memory_space<vmem>>, vector<16xf32>,
        %mul3A_1197 = arith.mulf %get3A_1196, %gather3A : vector<16xf32>
        %swap3A_1198 = arith.index_cast %scan3A_1158 : i32 to index
        %swap3A_1199 = arith.constant 80 : index
        %swap3A_1200 = tpu.vector_load %arg12[%swap3A_1198, %swap3A_1199] {strides = array<i32>} : memref<32x128xf32, #tpu.memory_space<vmem>>, vector<16xf32>,
        tpu.vector_store %arg12[%swap3A_1198, %swap3A_1199], %mul3A_1197 {strides = array<i32>} : memref<32x128xf32, #tpu.memory_space<vmem>>, vector<16xf32>,
        %get3A_1201 = arith.index_cast %scan3A_1158 : i32 to index
        %get3A_1202 = arith.constant 96 : index
        %get3A_1203 = tpu.vector_load %arg12[%get3A_1201, %get3A_1202] {strides = array<i32>} : memref<32x128xf32, #tpu.memory_space<vmem>>, vector<16xf32>,
        %mul3A_1204 = arith.mulf %get3A_1203, %gather3A : vector<16xf32>
        %swap3A_1205 = arith.index_cast %scan3A_1158 : i32 to index
        %swap3A_1206 = arith.constant 96 : index
        %swap3A_1207 = tpu.vector_load %arg12[%swap3A_1205, %swap3A_1206] {strides = array<i32>} : memref<32x128xf32, #tpu.memory_space<vmem>>, vector<16xf32>,
        tpu.vector_store %arg12[%swap3A_1205, %swap3A_1206], %mul3A_1204 {strides = array<i32>} : memref<32x128xf32, #tpu.memory_space<vmem>>, vector<16xf32>,
        %get3A_1208 = arith.index_cast %scan3A_1158 : i32 to index
        %get3A_1209 = arith.constant 112 : index
        %get3A_1210 = tpu.vector_load %arg12[%get3A_1208, %get3A_1209] {strides = array<i32>} : memref<32x128xf32, #tpu.memory_space<vmem>>, vector<16xf32>,
        %mul3A_1211 = arith.mulf %get3A_1210, %gather3A : vector<16xf32>
        %swap3A_1212 = arith.index_cast %scan3A_1158 : i32 to index
        %swap3A_1213 = arith.constant 112 : index
        %swap3A_1214 = tpu.vector_load %arg12[%swap3A_1212, %swap3A_1213] {strides = array<i32>} : memref<32x128xf32, #tpu.memory_space<vmem>>, vector<16xf32>,
        tpu.vector_store %arg12[%swap3A_1212, %swap3A_1213], %mul3A_1211 {strides = array<i32>} : memref<32x128xf32, #tpu.memory_space<vmem>>, vector<16xf32>,
      }
      %scan3A_854 = arith.constant 32 : i32
      %jit3A_855 = arith.constant 4 : i32
      %div3A_856 = arith.divsi %add3A_757, %jit3A_855 : i32
      %sign3A_857 = arith.constant 0 : i32
      %sign3A_858 = arith.cmpi sgt, %add3A_757, %sign3A_857 : i32
      %sign3A_859 = arith.extui %sign3A_858 : i1 to i32
      %sign3A_860 = arith.constant 0 : i32
      %sign3A_861 = arith.cmpi slt, %add3A_757, %sign3A_860 : i32
      %sign3A_862 = arith.extui %sign3A_861 : i1 to i32
      %sign3A_863 = arith.subi %sign3A_859, %sign3A_862 : i32
      %sign3A_864 = arith.constant 0 : i32
      %sign3A_865 = arith.cmpi sgt, %jit3A_855, %sign3A_864 : i32
      %sign3A_866 = arith.extui %sign3A_865 : i1 to i32
      %sign3A_867 = arith.constant 0 : i32
      %sign3A_868 = arith.cmpi slt, %jit3A_855, %sign3A_867 : i32
      %sign3A_869 = arith.extui %sign3A_868 : i1 to i32
      %sign3A_870 = arith.subi %sign3A_866, %sign3A_869 : i32
      %ne3A_871 = arith.cmpi ne, %sign3A_863, %sign3A_870 : i32
      %rem3A_872 = arith.remsi %add3A_757, %jit3A_855 : i32
      %ne3A_873 = arith.constant 0 : i32
      %ne3A_874 = arith.cmpi ne, %rem3A_872, %ne3A_873 : i32
      %and3A_875 = arith.andi %ne3A_871, %ne3A_874 : i1
      %sub3A_876 = arith.constant 1 : i32
      %sub3A_877 = arith.subi %div3A_856, %sub3A_876 : i32
      %select_n3A_878 = arith.select %and3A_875, %sub3A_877, %div3A_856 : i32
      %jit3A_879 = arith.constant 4 : i32
      %eq3A_880 = arith.constant 0 : i32
      %eq3A_881 = arith.cmpi eq, %jit3A_879, %eq3A_880 : i32
      %jit3A_882 = arith.constant 1 : i32
      %select_n3A_883 = arith.select %eq3A_881, %jit3A_882, %jit3A_879 : i32
      %rem3A_884 = arith.remsi %add3A_757, %select_n3A_883 : i32
      %ne3A_885 = arith.constant 0 : i32
      %ne3A_886 = arith.cmpi ne, %rem3A_884, %ne3A_885 : i32
      %lt3A_887 = arith.constant 0 : i32
      %lt3A_888 = arith.cmpi slt, %rem3A_884, %lt3A_887 : i32
      %lt3A_889 = arith.constant 0 : i32
      %lt3A_890 = arith.cmpi slt, %select_n3A_883, %lt3A_889 : i32
      %ne3A_891 = arith.xori %lt3A_888, %lt3A_890 : i1
      %and3A_892 = arith.andi %ne3A_891, %ne3A_886 : i1
      %add3A_893 = arith.addi %rem3A_884, %select_n3A_883 : i32
      %select_n3A_894 = arith.select %and3A_892, %add3A_893, %rem3A_884 : i32
      %mul3A_895 = arith.constant 32 : i32
      %mul3A_896 = arith.muli %select_n3A_894, %mul3A_895 : i32
      %dma_start3A_897 = tpu.memref_slice %arg8[%select_n3A_878, %mul3A_896] : memref<80x128xi32, #tpu.memory_space<vmem>> -> memref<1x32xi32, #tpu.memory_space<vmem>>
      %dma_start3A_898 = tpu.memref_squeeze %dma_start3A_897 : memref<1x32xi32, #tpu.memory_space<vmem>> -> memref<32xi32, #tpu.memory_space<vmem>>
      %dma_start3A_899 = arith.constant 0 : i32
      %dma_start3A_900 = arith.constant 0 : i32
      %dma_start3A_901 = tpu.memref_slice %arg14[%dma_start3A_899, %dma_start3A_900] : memref<10240x128xf32, #tpu.memory_space<vmem_shared>> -> memref<10240x128xf32, #tpu.memory_space<vmem_shared>>
      tpu.enqueue_indirect_dma source(%arg12 : memref<32x128xf32, #tpu.memory_space<vmem>>) target(%dma_start3A_901 : memref<10240x128xf32, #tpu.memory_space<vmem_shared>>) offsets(%dma_start3A_898 : memref<32xi32, #tpu.memory_space<vmem>>) semaphore(%arg21 : memref<!tpu.dma_semaphore, #tpu.memory_space<semaphore_mem>>) {add = true}
      %sub3A_902 = arith.constant 2 : i32
      %sub3A_903 = arith.subi %add3A_757, %sub3A_902 : i32
      %jit3A_904 = arith.constant 4 : i32
      %div3A_905 = arith.divsi %sub3A_903, %jit3A_904 : i32
      %sign3A_906 = arith.constant 0 : i32
      %sign3A_907 = arith.cmpi sgt, %sub3A_903, %sign3A_906 : i32
      %sign3A_908 = arith.extui %sign3A_907 : i1 to i32
      %sign3A_909 = arith.constant 0 : i32
      %sign3A_910 = arith.cmpi slt, %sub3A_903, %sign3A_909 : i32
      %sign3A_911 = arith.extui %sign3A_910 : i1 to i32
      %sign3A_912 = arith.subi %sign3A_908, %sign3A_911 : i32
      %sign3A_913 = arith.constant 0 : i32
      %sign3A_914 = arith.cmpi sgt, %jit3A_904, %sign3A_913 : i32
      %sign3A_915 = arith.extui %sign3A_914 : i1 to i32
      %sign3A_916 = arith.constant 0 : i32
      %sign3A_917 = arith.cmpi slt, %jit3A_904, %sign3A_916 : i32
      %sign3A_918 = arith.extui %sign3A_917 : i1 to i32
      %sign3A_919 = arith.subi %sign3A_915, %sign3A_918 : i32
      %ne3A_920 = arith.cmpi ne, %sign3A_912, %sign3A_919 : i32
      %rem3A_921 = arith.remsi %sub3A_903, %jit3A_904 : i32
      %ne3A_922 = arith.constant 0 : i32
      %ne3A_923 = arith.cmpi ne, %rem3A_921, %ne3A_922 : i32
      %and3A_924 = arith.andi %ne3A_920, %ne3A_923 : i1
      %sub3A_925 = arith.constant 1 : i32
      %sub3A_926 = arith.subi %div3A_905, %sub3A_925 : i32
      %select_n3A_927 = arith.select %and3A_924, %sub3A_926, %div3A_905 : i32
      %jit3A_928 = arith.constant 4 : i32
      %eq3A_929 = arith.constant 0 : i32
      %eq3A_930 = arith.cmpi eq, %jit3A_928, %eq3A_929 : i32
      %jit3A_931 = arith.constant 1 : i32
      %select_n3A_932 = arith.select %eq3A_930, %jit3A_931, %jit3A_928 : i32
      %rem3A_933 = arith.remsi %sub3A_903, %select_n3A_932 : i32
      %ne3A_934 = arith.constant 0 : i32
      %ne3A_935 = arith.cmpi ne, %rem3A_933, %ne3A_934 : i32
      %lt3A_936 = arith.constant 0 : i32
      %lt3A_937 = arith.cmpi slt, %rem3A_933, %lt3A_936 : i32
      %lt3A_938 = arith.constant 0 : i32
      %lt3A_939 = arith.cmpi slt, %select_n3A_932, %lt3A_938 : i32
      %ne3A_940 = arith.xori %lt3A_937, %lt3A_939 : i1
      %and3A_941 = arith.andi %ne3A_940, %ne3A_935 : i1
      %add3A_942 = arith.addi %rem3A_933, %select_n3A_932 : i32
      %select_n3A_943 = arith.select %and3A_941, %add3A_942, %rem3A_933 : i32
      %mul3A_944 = arith.constant 32 : i32
      %mul3A_945 = arith.muli %select_n3A_943, %mul3A_944 : i32
      %dma_wait3A_946 = tpu.memref_slice %arg8[%select_n3A_927, %mul3A_945] : memref<80x128xi32, #tpu.memory_space<vmem>> -> memref<1x32xi32, #tpu.memory_space<vmem>>
      %dma_wait3A_947 = tpu.memref_squeeze %dma_wait3A_946 : memref<1x32xi32, #tpu.memory_space<vmem>> -> memref<32xi32, #tpu.memory_space<vmem>>
      %dma_wait3A_948 = arith.constant 0 : i32
      %dma_wait3A_949 = arith.constant 0 : i32
      %dma_wait3A_950 = tpu.memref_slice %arg14[%dma_wait3A_948, %dma_wait3A_949] : memref<10240x128xf32, #tpu.memory_space<vmem_shared>> -> memref<10240x128xf32, #tpu.memory_space<vmem_shared>>
      tpu.wait_indirect_dma semaphore(%arg19 : memref<!tpu.dma_semaphore, #tpu.memory_space<semaphore_mem>>) src(%arg10 : memref<32x128xf32, #tpu.memory_space<vmem>>) dst(%dma_wait3A_950 : memref<10240x128xf32, #tpu.memory_space<vmem_shared>>)
      %lt3A_951 = arith.constant 79 : i32
      %lt3A_952 = arith.cmpi slt, %scan3A_363, %lt3A_951 : i32
      %convert_element_type3A_953 = arith.extui %lt3A_952 : i1 to i32
      %cond3A_954 = arith.constant 0 : i32
      %cond3A_955 = arith.cmpi ne, %convert_element_type3A_953, %cond3A_954 : i32
      scf.if %cond3A_955 {
        %add3A_1158 = arith.constant 2 : i32
        %add3A_1159 = arith.addi %add3A_757, %add3A_1158 : i32
        %jit3A_1160 = arith.constant 4 : i32
        %div3A_1161 = arith.divsi %add3A_1159, %jit3A_1160 : i32
        %sign3A_1162 = arith.constant 0 : i32
        %sign3A_1163 = arith.cmpi sgt, %add3A_1159, %sign3A_1162 : i32
        %sign3A_1164 = arith.extui %sign3A_1163 : i1 to i32
        %sign3A_1165 = arith.constant 0 : i32
        %sign3A_1166 = arith.cmpi slt, %add3A_1159, %sign3A_1165 : i32
        %sign3A_1167 = arith.extui %sign3A_1166 : i1 to i32
        %sign3A_1168 = arith.subi %sign3A_1164, %sign3A_1167 : i32
        %sign3A_1169 = arith.constant 0 : i32
        %sign3A_1170 = arith.cmpi sgt, %jit3A_1160, %sign3A_1169 : i32
        %sign3A_1171 = arith.extui %sign3A_1170 : i1 to i32
        %sign3A_1172 = arith.constant 0 : i32
        %sign3A_1173 = arith.cmpi slt, %jit3A_1160, %sign3A_1172 : i32
        %sign3A_1174 = arith.extui %sign3A_1173 : i1 to i32
        %sign3A_1175 = arith.subi %sign3A_1171, %sign3A_1174 : i32
        %ne3A_1176 = arith.cmpi ne, %sign3A_1168, %sign3A_1175 : i32
        %rem3A_1177 = arith.remsi %add3A_1159, %jit3A_1160 : i32
        %ne3A_1178 = arith.constant 0 : i32
        %ne3A_1179 = arith.cmpi ne, %rem3A_1177, %ne3A_1178 : i32
        %and3A_1180 = arith.andi %ne3A_1176, %ne3A_1179 : i1
        %sub3A_1181 = arith.constant 1 : i32
        %sub3A_1182 = arith.subi %div3A_1161, %sub3A_1181 : i32
        %select_n3A_1183 = arith.select %and3A_1180, %sub3A_1182, %div3A_1161 : i32
        %jit3A_1184 = arith.constant 4 : i32
        %eq3A_1185 = arith.constant 0 : i32
        %eq3A_1186 = arith.cmpi eq, %jit3A_1184, %eq3A_1185 : i32
        %jit3A_1187 = arith.constant 1 : i32
        %select_n3A_1188 = arith.select %eq3A_1186, %jit3A_1187, %jit3A_1184 : i32
        %rem3A_1189 = arith.remsi %add3A_1159, %select_n3A_1188 : i32
        %ne3A_1190 = arith.constant 0 : i32
        %ne3A_1191 = arith.cmpi ne, %rem3A_1189, %ne3A_1190 : i32
        %lt3A_1192 = arith.constant 0 : i32
        %lt3A_1193 = arith.cmpi slt, %rem3A_1189, %lt3A_1192 : i32
        %lt3A_1194 = arith.constant 0 : i32
        %lt3A_1195 = arith.cmpi slt, %select_n3A_1188, %lt3A_1194 : i32
        %ne3A_1196 = arith.xori %lt3A_1193, %lt3A_1195 : i1
        %and3A_1197 = arith.andi %ne3A_1196, %ne3A_1191 : i1
        %add3A_1198 = arith.addi %rem3A_1189, %select_n3A_1188 : i32
        %select_n3A_1199 = arith.select %and3A_1197, %add3A_1198, %rem3A_1189 : i32
        %mul3A_1200 = arith.constant 32 : i32
        %mul3A_1201 = arith.muli %select_n3A_1199, %mul3A_1200 : i32
        %dma_start3A_1202 = tpu.memref_slice %arg7[%select_n3A_1183, %mul3A_1201] : memref<80x128xi32, #tpu.memory_space<vmem>> -> memref<1x32xi32, #tpu.memory_space<vmem>>
        %dma_start3A_1203 = tpu.memref_squeeze %dma_start3A_1202 : memref<1x32xi32, #tpu.memory_space<vmem>> -> memref<32xi32, #tpu.memory_space<vmem>>
        %dma_start3A_1204 = arith.constant 0 : i32
        %dma_start3A_1205 = arith.constant 0 : i32
        %dma_start3A_1206 = tpu.memref_slice %arg2[%dma_start3A_1204, %dma_start3A_1205] : memref<10000x128xf32, #tpu.memory_space<hbm>> -> memref<10000x128xf32, #tpu.memory_space<hbm>>
        tpu.enqueue_indirect_dma source(%dma_start3A_1206 : memref<10000x128xf32, #tpu.memory_space<hbm>>) target(%arg10 : memref<32x128xf32, #tpu.memory_space<vmem>>) offsets(%dma_start3A_1203 : memref<32xi32, #tpu.memory_space<vmem>>) semaphore(%arg15 : memref<!tpu.dma_semaphore, #tpu.memory_space<semaphore_mem>>)
      } else {
      }
      %mul3A_956 = arith.constant 4 : i32
      %mul3A_957 = arith.muli %scan3A_363, %mul3A_956 : i32
      %add3A_958 = arith.constant 3 : i32
      %add3A_959 = arith.addi %mul3A_957, %add3A_958 : i32
      %jit3A_960 = arith.constant 4 : i32
      %div3A_961 = arith.divsi %add3A_959, %jit3A_960 : i32
      %sign3A_962 = arith.constant 0 : i32
      %sign3A_963 = arith.cmpi sgt, %add3A_959, %sign3A_962 : i32
      %sign3A_964 = arith.extui %sign3A_963 : i1 to i32
      %sign3A_965 = arith.constant 0 : i32
      %sign3A_966 = arith.cmpi slt, %add3A_959, %sign3A_965 : i32
      %sign3A_967 = arith.extui %sign3A_966 : i1 to i32
      %sign3A_968 = arith.subi %sign3A_964, %sign3A_967 : i32
      %sign3A_969 = arith.constant 0 : i32
      %sign3A_970 = arith.cmpi sgt, %jit3A_960, %sign3A_969 : i32
      %sign3A_971 = arith.extui %sign3A_970 : i1 to i32
      %sign3A_972 = arith.constant 0 : i32
      %sign3A_973 = arith.cmpi slt, %jit3A_960, %sign3A_972 : i32
      %sign3A_974 = arith.extui %sign3A_973 : i1 to i32
      %sign3A_975 = arith.subi %sign3A_971, %sign3A_974 : i32
      %ne3A_976 = arith.cmpi ne, %sign3A_968, %sign3A_975 : i32
      %rem3A_977 = arith.remsi %add3A_959, %jit3A_960 : i32
      %ne3A_978 = arith.constant 0 : i32
      %ne3A_979 = arith.cmpi ne, %rem3A_977, %ne3A_978 : i32
      %and3A_980 = arith.andi %ne3A_976, %ne3A_979 : i1
      %sub3A_981 = arith.constant 1 : i32
      %sub3A_982 = arith.subi %div3A_961, %sub3A_981 : i32
      %select_n3A_983 = arith.select %and3A_980, %sub3A_982, %div3A_961 : i32
      %jit3A_984 = arith.constant 4 : i32
      %eq3A_985 = arith.constant 0 : i32
      %eq3A_986 = arith.cmpi eq, %jit3A_984, %eq3A_985 : i32
      %jit3A_987 = arith.constant 1 : i32
      %select_n3A_988 = arith.select %eq3A_986, %jit3A_987, %jit3A_984 : i32
      %rem3A_989 = arith.remsi %add3A_959, %select_n3A_988 : i32
      %ne3A_990 = arith.constant 0 : i32
      %ne3A_991 = arith.cmpi ne, %rem3A_989, %ne3A_990 : i32
      %lt3A_992 = arith.constant 0 : i32
      %lt3A_993 = arith.cmpi slt, %rem3A_989, %lt3A_992 : i32
      %lt3A_994 = arith.constant 0 : i32
      %lt3A_995 = arith.cmpi slt, %select_n3A_988, %lt3A_994 : i32
      %ne3A_996 = arith.xori %lt3A_993, %lt3A_995 : i1
      %and3A_997 = arith.andi %ne3A_996, %ne3A_991 : i1
      %add3A_998 = arith.addi %rem3A_989, %select_n3A_988 : i32
      %select_n3A_999 = arith.select %and3A_997, %add3A_998, %rem3A_989 : i32
      %mul3A_1000 = arith.constant 32 : i32
      %mul3A_1001 = arith.muli %select_n3A_999, %mul3A_1000 : i32
      %jit3A_1002 = arith.constant 4 : i32
      %div3A_1003 = arith.divsi %add3A_959, %jit3A_1002 : i32
      %sign3A_1004 = arith.constant 0 : i32
      %sign3A_1005 = arith.cmpi sgt, %add3A_959, %sign3A_1004 : i32
      %sign3A_1006 = arith.extui %sign3A_1005 : i1 to i32
      %sign3A_1007 = arith.constant 0 : i32
      %sign3A_1008 = arith.cmpi slt, %add3A_959, %sign3A_1007 : i32
      %sign3A_1009 = arith.extui %sign3A_1008 : i1 to i32
      %sign3A_1010 = arith.subi %sign3A_1006, %sign3A_1009 : i32
      %sign3A_1011 = arith.constant 0 : i32
      %sign3A_1012 = arith.cmpi sgt, %jit3A_1002, %sign3A_1011 : i32
      %sign3A_1013 = arith.extui %sign3A_1012 : i1 to i32
      %sign3A_1014 = arith.constant 0 : i32
      %sign3A_1015 = arith.cmpi slt, %jit3A_1002, %sign3A_1014 : i32
      %sign3A_1016 = arith.extui %sign3A_1015 : i1 to i32
      %sign3A_1017 = arith.subi %sign3A_1013, %sign3A_1016 : i32
      %ne3A_1018 = arith.cmpi ne, %sign3A_1010, %sign3A_1017 : i32
      %rem3A_1019 = arith.remsi %add3A_959, %jit3A_1002 : i32
      %ne3A_1020 = arith.constant 0 : i32
      %ne3A_1021 = arith.cmpi ne, %rem3A_1019, %ne3A_1020 : i32
      %and3A_1022 = arith.andi %ne3A_1018, %ne3A_1021 : i1
      %sub3A_1023 = arith.constant 1 : i32
      %sub3A_1024 = arith.subi %div3A_1003, %sub3A_1023 : i32
      %select_n3A_1025 = arith.select %and3A_1022, %sub3A_1024, %div3A_1003 : i32
      %jit3A_1026 = arith.constant 4 : i32
      %eq3A_1027 = arith.constant 0 : i32
      %eq3A_1028 = arith.cmpi eq, %jit3A_1026, %eq3A_1027 : i32
      %jit3A_1029 = arith.constant 1 : i32
      %select_n3A_1030 = arith.select %eq3A_1028, %jit3A_1029, %jit3A_1026 : i32
      %rem3A_1031 = arith.remsi %add3A_959, %select_n3A_1030 : i32
      %ne3A_1032 = arith.constant 0 : i32
      %ne3A_1033 = arith.cmpi ne, %rem3A_1031, %ne3A_1032 : i32
      %lt3A_1034 = arith.constant 0 : i32
      %lt3A_1035 = arith.cmpi slt, %rem3A_1031, %lt3A_1034 : i32
      %lt3A_1036 = arith.constant 0 : i32
      %lt3A_1037 = arith.cmpi slt, %select_n3A_1030, %lt3A_1036 : i32
      %ne3A_1038 = arith.xori %lt3A_1035, %lt3A_1037 : i1
      %and3A_1039 = arith.andi %ne3A_1038, %ne3A_1033 : i1
      %add3A_1040 = arith.addi %rem3A_1031, %select_n3A_1030 : i32
      %select_n3A_1041 = arith.select %and3A_1039, %add3A_1040, %rem3A_1031 : i32
      %mul3A_1042 = arith.constant 32 : i32
      %mul3A_1043 = arith.muli %select_n3A_1041, %mul3A_1042 : i32
      %dma_wait3A_1044 = tpu.memref_slice %arg7[%select_n3A_1025, %mul3A_1043] : memref<80x128xi32, #tpu.memory_space<vmem>> -> memref<1x32xi32, #tpu.memory_space<vmem>>
      %dma_wait3A_1045 = tpu.memref_squeeze %dma_wait3A_1044 : memref<1x32xi32, #tpu.memory_space<vmem>> -> memref<32xi32, #tpu.memory_space<vmem>>
      %dma_wait3A_1046 = arith.constant 0 : i32
      %dma_wait3A_1047 = arith.constant 0 : i32
      %dma_wait3A_1048 = tpu.memref_slice %arg2[%dma_wait3A_1046, %dma_wait3A_1047] : memref<10000x128xf32, #tpu.memory_space<hbm>> -> memref<10000x128xf32, #tpu.memory_space<hbm>>
      tpu.wait_indirect_dma semaphore(%arg18 : memref<!tpu.dma_semaphore, #tpu.memory_space<semaphore_mem>>) src(%dma_wait3A_1048 : memref<10000x128xf32, #tpu.memory_space<hbm>>) dst(%arg13 : memref<32x128xf32, #tpu.memory_space<vmem>>)
      %broadcast_in_dim3A_1049 = vector.broadcast %select_n3A_983 : i32 to vector<16xi32>
      %broadcast_in_dim3A_1050 = vector.broadcast %mul3A_1001 : i32 to vector<16xi32>
      %scan3A_1051 = arith.constant 0 : i32
      %scan3A_1052 = arith.constant 0 : i32
      %scan3A_1053 = arith.constant 32 : i32
      %scan3A_1054 = arith.addi %scan3A_1052, %scan3A_1053 : i32
      %scan3A_1055 = arith.constant 1 : i32
      scf.for %scan3A_1158 = %scan3A_1052 to %scan3A_1054 step %scan3A_1055  : i32 {
        %broadcast_in_dim3A_1159 = vector.broadcast %scan3A_1158 : i32 to vector<16xi32>
        %add3A_1160 = arith.addi %broadcast_in_dim3A_1050, %broadcast_in_dim3A_1159 : vector<16xi32>
        %gather3A = tpu.vector_load_idx %arg9[%broadcast_in_dim3A_1049, %add3A_1160] : memref<80x128xf32, #tpu.memory_space<vmem>>[vector<16xi32>, vector<16xi32>], vector<16xf32>,
        %get3A = arith.index_cast %scan3A_1158 : i32 to index
        %get3A_1161 = arith.constant 0 : index
        %get3A_1162 = tpu.vector_load %arg13[%get3A, %get3A_1161] {strides = array<i32>} : memref<32x128xf32, #tpu.memory_space<vmem>>, vector<16xf32>,
        %mul3A_1163 = arith.mulf %get3A_1162, %gather3A : vector<16xf32>
        %swap3A = arith.index_cast %scan3A_1158 : i32 to index
        %swap3A_1164 = arith.constant 0 : index
        %swap3A_1165 = tpu.vector_load %arg13[%swap3A, %swap3A_1164] {strides = array<i32>} : memref<32x128xf32, #tpu.memory_space<vmem>>, vector<16xf32>,
        tpu.vector_store %arg13[%swap3A, %swap3A_1164], %mul3A_1163 {strides = array<i32>} : memref<32x128xf32, #tpu.memory_space<vmem>>, vector<16xf32>,
        %get3A_1166 = arith.index_cast %scan3A_1158 : i32 to index
        %get3A_1167 = arith.constant 16 : index
        %get3A_1168 = tpu.vector_load %arg13[%get3A_1166, %get3A_1167] {strides = array<i32>} : memref<32x128xf32, #tpu.memory_space<vmem>>, vector<16xf32>,
        %mul3A_1169 = arith.mulf %get3A_1168, %gather3A : vector<16xf32>
        %swap3A_1170 = arith.index_cast %scan3A_1158 : i32 to index
        %swap3A_1171 = arith.constant 16 : index
        %swap3A_1172 = tpu.vector_load %arg13[%swap3A_1170, %swap3A_1171] {strides = array<i32>} : memref<32x128xf32, #tpu.memory_space<vmem>>, vector<16xf32>,
        tpu.vector_store %arg13[%swap3A_1170, %swap3A_1171], %mul3A_1169 {strides = array<i32>} : memref<32x128xf32, #tpu.memory_space<vmem>>, vector<16xf32>,
        %get3A_1173 = arith.index_cast %scan3A_1158 : i32 to index
        %get3A_1174 = arith.constant 32 : index
        %get3A_1175 = tpu.vector_load %arg13[%get3A_1173, %get3A_1174] {strides = array<i32>} : memref<32x128xf32, #tpu.memory_space<vmem>>, vector<16xf32>,
        %mul3A_1176 = arith.mulf %get3A_1175, %gather3A : vector<16xf32>
        %swap3A_1177 = arith.index_cast %scan3A_1158 : i32 to index
        %swap3A_1178 = arith.constant 32 : index
        %swap3A_1179 = tpu.vector_load %arg13[%swap3A_1177, %swap3A_1178] {strides = array<i32>} : memref<32x128xf32, #tpu.memory_space<vmem>>, vector<16xf32>,
        tpu.vector_store %arg13[%swap3A_1177, %swap3A_1178], %mul3A_1176 {strides = array<i32>} : memref<32x128xf32, #tpu.memory_space<vmem>>, vector<16xf32>,
        %get3A_1180 = arith.index_cast %scan3A_1158 : i32 to index
        %get3A_1181 = arith.constant 48 : index
        %get3A_1182 = tpu.vector_load %arg13[%get3A_1180, %get3A_1181] {strides = array<i32>} : memref<32x128xf32, #tpu.memory_space<vmem>>, vector<16xf32>,
        %mul3A_1183 = arith.mulf %get3A_1182, %gather3A : vector<16xf32>
        %swap3A_1184 = arith.index_cast %scan3A_1158 : i32 to index
        %swap3A_1185 = arith.constant 48 : index
        %swap3A_1186 = tpu.vector_load %arg13[%swap3A_1184, %swap3A_1185] {strides = array<i32>} : memref<32x128xf32, #tpu.memory_space<vmem>>, vector<16xf32>,
        tpu.vector_store %arg13[%swap3A_1184, %swap3A_1185], %mul3A_1183 {strides = array<i32>} : memref<32x128xf32, #tpu.memory_space<vmem>>, vector<16xf32>,
        %get3A_1187 = arith.index_cast %scan3A_1158 : i32 to index
        %get3A_1188 = arith.constant 64 : index
        %get3A_1189 = tpu.vector_load %arg13[%get3A_1187, %get3A_1188] {strides = array<i32>} : memref<32x128xf32, #tpu.memory_space<vmem>>, vector<16xf32>,
        %mul3A_1190 = arith.mulf %get3A_1189, %gather3A : vector<16xf32>
        %swap3A_1191 = arith.index_cast %scan3A_1158 : i32 to index
        %swap3A_1192 = arith.constant 64 : index
        %swap3A_1193 = tpu.vector_load %arg13[%swap3A_1191, %swap3A_1192] {strides = array<i32>} : memref<32x128xf32, #tpu.memory_space<vmem>>, vector<16xf32>,
        tpu.vector_store %arg13[%swap3A_1191, %swap3A_1192], %mul3A_1190 {strides = array<i32>} : memref<32x128xf32, #tpu.memory_space<vmem>>, vector<16xf32>,
        %get3A_1194 = arith.index_cast %scan3A_1158 : i32 to index
        %get3A_1195 = arith.constant 80 : index
        %get3A_1196 = tpu.vector_load %arg13[%get3A_1194, %get3A_1195] {strides = array<i32>} : memref<32x128xf32, #tpu.memory_space<vmem>>, vector<16xf32>,
        %mul3A_1197 = arith.mulf %get3A_1196, %gather3A : vector<16xf32>
        %swap3A_1198 = arith.index_cast %scan3A_1158 : i32 to index
        %swap3A_1199 = arith.constant 80 : index
        %swap3A_1200 = tpu.vector_load %arg13[%swap3A_1198, %swap3A_1199] {strides = array<i32>} : memref<32x128xf32, #tpu.memory_space<vmem>>, vector<16xf32>,
        tpu.vector_store %arg13[%swap3A_1198, %swap3A_1199], %mul3A_1197 {strides = array<i32>} : memref<32x128xf32, #tpu.memory_space<vmem>>, vector<16xf32>,
        %get3A_1201 = arith.index_cast %scan3A_1158 : i32 to index
        %get3A_1202 = arith.constant 96 : index
        %get3A_1203 = tpu.vector_load %arg13[%get3A_1201, %get3A_1202] {strides = array<i32>} : memref<32x128xf32, #tpu.memory_space<vmem>>, vector<16xf32>,
        %mul3A_1204 = arith.mulf %get3A_1203, %gather3A : vector<16xf32>
        %swap3A_1205 = arith.index_cast %scan3A_1158 : i32 to index
        %swap3A_1206 = arith.constant 96 : index
        %swap3A_1207 = tpu.vector_load %arg13[%swap3A_1205, %swap3A_1206] {strides = array<i32>} : memref<32x128xf32, #tpu.memory_space<vmem>>, vector<16xf32>,
        tpu.vector_store %arg13[%swap3A_1205, %swap3A_1206], %mul3A_1204 {strides = array<i32>} : memref<32x128xf32, #tpu.memory_space<vmem>>, vector<16xf32>,
        %get3A_1208 = arith.index_cast %scan3A_1158 : i32 to index
        %get3A_1209 = arith.constant 112 : index
        %get3A_1210 = tpu.vector_load %arg13[%get3A_1208, %get3A_1209] {strides = array<i32>} : memref<32x128xf32, #tpu.memory_space<vmem>>, vector<16xf32>,
        %mul3A_1211 = arith.mulf %get3A_1210, %gather3A : vector<16xf32>
        %swap3A_1212 = arith.index_cast %scan3A_1158 : i32 to index
        %swap3A_1213 = arith.constant 112 : index
        %swap3A_1214 = tpu.vector_load %arg13[%swap3A_1212, %swap3A_1213] {strides = array<i32>} : memref<32x128xf32, #tpu.memory_space<vmem>>, vector<16xf32>,
        tpu.vector_store %arg13[%swap3A_1212, %swap3A_1213], %mul3A_1211 {strides = array<i32>} : memref<32x128xf32, #tpu.memory_space<vmem>>, vector<16xf32>,
      }
      %scan3A_1056 = arith.constant 32 : i32
      %jit3A_1057 = arith.constant 4 : i32
      %div3A_1058 = arith.divsi %add3A_959, %jit3A_1057 : i32
      %sign3A_1059 = arith.constant 0 : i32
      %sign3A_1060 = arith.cmpi sgt, %add3A_959, %sign3A_1059 : i32
      %sign3A_1061 = arith.extui %sign3A_1060 : i1 to i32
      %sign3A_1062 = arith.constant 0 : i32
      %sign3A_1063 = arith.cmpi slt, %add3A_959, %sign3A_1062 : i32
      %sign3A_1064 = arith.extui %sign3A_1063 : i1 to i32
      %sign3A_1065 = arith.subi %sign3A_1061, %sign3A_1064 : i32
      %sign3A_1066 = arith.constant 0 : i32
      %sign3A_1067 = arith.cmpi sgt, %jit3A_1057, %sign3A_1066 : i32
      %sign3A_1068 = arith.extui %sign3A_1067 : i1 to i32
      %sign3A_1069 = arith.constant 0 : i32
      %sign3A_1070 = arith.cmpi slt, %jit3A_1057, %sign3A_1069 : i32
      %sign3A_1071 = arith.extui %sign3A_1070 : i1 to i32
      %sign3A_1072 = arith.subi %sign3A_1068, %sign3A_1071 : i32
      %ne3A_1073 = arith.cmpi ne, %sign3A_1065, %sign3A_1072 : i32
      %rem3A_1074 = arith.remsi %add3A_959, %jit3A_1057 : i32
      %ne3A_1075 = arith.constant 0 : i32
      %ne3A_1076 = arith.cmpi ne, %rem3A_1074, %ne3A_1075 : i32
      %and3A_1077 = arith.andi %ne3A_1073, %ne3A_1076 : i1
      %sub3A_1078 = arith.constant 1 : i32
      %sub3A_1079 = arith.subi %div3A_1058, %sub3A_1078 : i32
      %select_n3A_1080 = arith.select %and3A_1077, %sub3A_1079, %div3A_1058 : i32
      %jit3A_1081 = arith.constant 4 : i32
      %eq3A_1082 = arith.constant 0 : i32
      %eq3A_1083 = arith.cmpi eq, %jit3A_1081, %eq3A_1082 : i32
      %jit3A_1084 = arith.constant 1 : i32
      %select_n3A_1085 = arith.select %eq3A_1083, %jit3A_1084, %jit3A_1081 : i32
      %rem3A_1086 = arith.remsi %add3A_959, %select_n3A_1085 : i32
      %ne3A_1087 = arith.constant 0 : i32
      %ne3A_1088 = arith.cmpi ne, %rem3A_1086, %ne3A_1087 : i32
      %lt3A_1089 = arith.constant 0 : i32
      %lt3A_1090 = arith.cmpi slt, %rem3A_1086, %lt3A_1089 : i32
      %lt3A_1091 = arith.constant 0 : i32
      %lt3A_1092 = arith.cmpi slt, %select_n3A_1085, %lt3A_1091 : i32
      %ne3A_1093 = arith.xori %lt3A_1090, %lt3A_1092 : i1
      %and3A_1094 = arith.andi %ne3A_1093, %ne3A_1088 : i1
      %add3A_1095 = arith.addi %rem3A_1086, %select_n3A_1085 : i32
      %select_n3A_1096 = arith.select %and3A_1094, %add3A_1095, %rem3A_1086 : i32
      %mul3A_1097 = arith.constant 32 : i32
      %mul3A_1098 = arith.muli %select_n3A_1096, %mul3A_1097 : i32
      %dma_start3A_1099 = tpu.memref_slice %arg8[%select_n3A_1080, %mul3A_1098] : memref<80x128xi32, #tpu.memory_space<vmem>> -> memref<1x32xi32, #tpu.memory_space<vmem>>
      %dma_start3A_1100 = tpu.memref_squeeze %dma_start3A_1099 : memref<1x32xi32, #tpu.memory_space<vmem>> -> memref<32xi32, #tpu.memory_space<vmem>>
      %dma_start3A_1101 = arith.constant 0 : i32
      %dma_start3A_1102 = arith.constant 0 : i32
      %dma_start3A_1103 = tpu.memref_slice %arg14[%dma_start3A_1101, %dma_start3A_1102] : memref<10240x128xf32, #tpu.memory_space<vmem_shared>> -> memref<10240x128xf32, #tpu.memory_space<vmem_shared>>
      tpu.enqueue_indirect_dma source(%arg13 : memref<32x128xf32, #tpu.memory_space<vmem>>) target(%dma_start3A_1103 : memref<10240x128xf32, #tpu.memory_space<vmem_shared>>) offsets(%dma_start3A_1100 : memref<32xi32, #tpu.memory_space<vmem>>) semaphore(%arg22 : memref<!tpu.dma_semaphore, #tpu.memory_space<semaphore_mem>>) {add = true}
      %sub3A_1104 = arith.constant 2 : i32
      %sub3A_1105 = arith.subi %add3A_959, %sub3A_1104 : i32
      %jit3A_1106 = arith.constant 4 : i32
      %div3A_1107 = arith.divsi %sub3A_1105, %jit3A_1106 : i32
      %sign3A_1108 = arith.constant 0 : i32
      %sign3A_1109 = arith.cmpi sgt, %sub3A_1105, %sign3A_1108 : i32
      %sign3A_1110 = arith.extui %sign3A_1109 : i1 to i32
      %sign3A_1111 = arith.constant 0 : i32
      %sign3A_1112 = arith.cmpi slt, %sub3A_1105, %sign3A_1111 : i32
      %sign3A_1113 = arith.extui %sign3A_1112 : i1 to i32
      %sign3A_1114 = arith.subi %sign3A_1110, %sign3A_1113 : i32
      %sign3A_1115 = arith.constant 0 : i32
      %sign3A_1116 = arith.cmpi sgt, %jit3A_1106, %sign3A_1115 : i32
      %sign3A_1117 = arith.extui %sign3A_1116 : i1 to i32
      %sign3A_1118 = arith.constant 0 : i32
      %sign3A_1119 = arith.cmpi slt, %jit3A_1106, %sign3A_1118 : i32
      %sign3A_1120 = arith.extui %sign3A_1119 : i1 to i32
      %sign3A_1121 = arith.subi %sign3A_1117, %sign3A_1120 : i32
      %ne3A_1122 = arith.cmpi ne, %sign3A_1114, %sign3A_1121 : i32
      %rem3A_1123 = arith.remsi %sub3A_1105, %jit3A_1106 : i32
      %ne3A_1124 = arith.constant 0 : i32
      %ne3A_1125 = arith.cmpi ne, %rem3A_1123, %ne3A_1124 : i32
      %and3A_1126 = arith.andi %ne3A_1122, %ne3A_1125 : i1
      %sub3A_1127 = arith.constant 1 : i32
      %sub3A_1128 = arith.subi %div3A_1107, %sub3A_1127 : i32
      %select_n3A_1129 = arith.select %and3A_1126, %sub3A_1128, %div3A_1107 : i32
      %jit3A_1130 = arith.constant 4 : i32
      %eq3A_1131 = arith.constant 0 : i32
      %eq3A_1132 = arith.cmpi eq, %jit3A_1130, %eq3A_1131 : i32
      %jit3A_1133 = arith.constant 1 : i32
      %select_n3A_1134 = arith.select %eq3A_1132, %jit3A_1133, %jit3A_1130 : i32
      %rem3A_1135 = arith.remsi %sub3A_1105, %select_n3A_1134 : i32
      %ne3A_1136 = arith.constant 0 : i32
      %ne3A_1137 = arith.cmpi ne, %rem3A_1135, %ne3A_1136 : i32
      %lt3A_1138 = arith.constant 0 : i32
      %lt3A_1139 = arith.cmpi slt, %rem3A_1135, %lt3A_1138 : i32
      %lt3A_1140 = arith.constant 0 : i32
      %lt3A_1141 = arith.cmpi slt, %select_n3A_1134, %lt3A_1140 : i32
      %ne3A_1142 = arith.xori %lt3A_1139, %lt3A_1141 : i1
      %and3A_1143 = arith.andi %ne3A_1142, %ne3A_1137 : i1
      %add3A_1144 = arith.addi %rem3A_1135, %select_n3A_1134 : i32
      %select_n3A_1145 = arith.select %and3A_1143, %add3A_1144, %rem3A_1135 : i32
      %mul3A_1146 = arith.constant 32 : i32
      %mul3A_1147 = arith.muli %select_n3A_1145, %mul3A_1146 : i32
      %dma_wait3A_1148 = tpu.memref_slice %arg8[%select_n3A_1129, %mul3A_1147] : memref<80x128xi32, #tpu.memory_space<vmem>> -> memref<1x32xi32, #tpu.memory_space<vmem>>
      %dma_wait3A_1149 = tpu.memref_squeeze %dma_wait3A_1148 : memref<1x32xi32, #tpu.memory_space<vmem>> -> memref<32xi32, #tpu.memory_space<vmem>>
      %dma_wait3A_1150 = arith.constant 0 : i32
      %dma_wait3A_1151 = arith.constant 0 : i32
      %dma_wait3A_1152 = tpu.memref_slice %arg14[%dma_wait3A_1150, %dma_wait3A_1151] : memref<10240x128xf32, #tpu.memory_space<vmem_shared>> -> memref<10240x128xf32, #tpu.memory_space<vmem_shared>>
      tpu.wait_indirect_dma semaphore(%arg20 : memref<!tpu.dma_semaphore, #tpu.memory_space<semaphore_mem>>) src(%arg11 : memref<32x128xf32, #tpu.memory_space<vmem>>) dst(%dma_wait3A_1152 : memref<10240x128xf32, #tpu.memory_space<vmem_shared>>)
      %lt3A_1153 = arith.constant 79 : i32
      %lt3A_1154 = arith.cmpi slt, %scan3A_363, %lt3A_1153 : i32
      %convert_element_type3A_1155 = arith.extui %lt3A_1154 : i1 to i32
      %cond3A_1156 = arith.constant 0 : i32
      %cond3A_1157 = arith.cmpi ne, %convert_element_type3A_1155, %cond3A_1156 : i32
      scf.if %cond3A_1157 {
        %add3A_1158 = arith.constant 2 : i32
        %add3A_1159 = arith.addi %add3A_959, %add3A_1158 : i32
        %jit3A_1160 = arith.constant 4 : i32
        %div3A_1161 = arith.divsi %add3A_1159, %jit3A_1160 : i32
        %sign3A_1162 = arith.constant 0 : i32
        %sign3A_1163 = arith.cmpi sgt, %add3A_1159, %sign3A_1162 : i32
        %sign3A_1164 = arith.extui %sign3A_1163 : i1 to i32
        %sign3A_1165 = arith.constant 0 : i32
        %sign3A_1166 = arith.cmpi slt, %add3A_1159, %sign3A_1165 : i32
        %sign3A_1167 = arith.extui %sign3A_1166 : i1 to i32
        %sign3A_1168 = arith.subi %sign3A_1164, %sign3A_1167 : i32
        %sign3A_1169 = arith.constant 0 : i32
        %sign3A_1170 = arith.cmpi sgt, %jit3A_1160, %sign3A_1169 : i32
        %sign3A_1171 = arith.extui %sign3A_1170 : i1 to i32
        %sign3A_1172 = arith.constant 0 : i32
        %sign3A_1173 = arith.cmpi slt, %jit3A_1160, %sign3A_1172 : i32
        %sign3A_1174 = arith.extui %sign3A_1173 : i1 to i32
        %sign3A_1175 = arith.subi %sign3A_1171, %sign3A_1174 : i32
        %ne3A_1176 = arith.cmpi ne, %sign3A_1168, %sign3A_1175 : i32
        %rem3A_1177 = arith.remsi %add3A_1159, %jit3A_1160 : i32
        %ne3A_1178 = arith.constant 0 : i32
        %ne3A_1179 = arith.cmpi ne, %rem3A_1177, %ne3A_1178 : i32
        %and3A_1180 = arith.andi %ne3A_1176, %ne3A_1179 : i1
        %sub3A_1181 = arith.constant 1 : i32
        %sub3A_1182 = arith.subi %div3A_1161, %sub3A_1181 : i32
        %select_n3A_1183 = arith.select %and3A_1180, %sub3A_1182, %div3A_1161 : i32
        %jit3A_1184 = arith.constant 4 : i32
        %eq3A_1185 = arith.constant 0 : i32
        %eq3A_1186 = arith.cmpi eq, %jit3A_1184, %eq3A_1185 : i32
        %jit3A_1187 = arith.constant 1 : i32
        %select_n3A_1188 = arith.select %eq3A_1186, %jit3A_1187, %jit3A_1184 : i32
        %rem3A_1189 = arith.remsi %add3A_1159, %select_n3A_1188 : i32
        %ne3A_1190 = arith.constant 0 : i32
        %ne3A_1191 = arith.cmpi ne, %rem3A_1189, %ne3A_1190 : i32
        %lt3A_1192 = arith.constant 0 : i32
        %lt3A_1193 = arith.cmpi slt, %rem3A_1189, %lt3A_1192 : i32
        %lt3A_1194 = arith.constant 0 : i32
        %lt3A_1195 = arith.cmpi slt, %select_n3A_1188, %lt3A_1194 : i32
        %ne3A_1196 = arith.xori %lt3A_1193, %lt3A_1195 : i1
        %and3A_1197 = arith.andi %ne3A_1196, %ne3A_1191 : i1
        %add3A_1198 = arith.addi %rem3A_1189, %select_n3A_1188 : i32
        %select_n3A_1199 = arith.select %and3A_1197, %add3A_1198, %rem3A_1189 : i32
        %mul3A_1200 = arith.constant 32 : i32
        %mul3A_1201 = arith.muli %select_n3A_1199, %mul3A_1200 : i32
        %dma_start3A_1202 = tpu.memref_slice %arg7[%select_n3A_1183, %mul3A_1201] : memref<80x128xi32, #tpu.memory_space<vmem>> -> memref<1x32xi32, #tpu.memory_space<vmem>>
        %dma_start3A_1203 = tpu.memref_squeeze %dma_start3A_1202 : memref<1x32xi32, #tpu.memory_space<vmem>> -> memref<32xi32, #tpu.memory_space<vmem>>
        %dma_start3A_1204 = arith.constant 0 : i32
        %dma_start3A_1205 = arith.constant 0 : i32
        %dma_start3A_1206 = tpu.memref_slice %arg2[%dma_start3A_1204, %dma_start3A_1205] : memref<10000x128xf32, #tpu.memory_space<hbm>> -> memref<10000x128xf32, #tpu.memory_space<hbm>>
        tpu.enqueue_indirect_dma source(%dma_start3A_1206 : memref<10000x128xf32, #tpu.memory_space<hbm>>) target(%arg11 : memref<32x128xf32, #tpu.memory_space<vmem>>) offsets(%dma_start3A_1203 : memref<32xi32, #tpu.memory_space<vmem>>) semaphore(%arg16 : memref<!tpu.dma_semaphore, #tpu.memory_space<semaphore_mem>>)
      } else {
      }
    }
    %scan3A_343 = arith.constant 80 : i32
    %dma_wait3A_344 = arith.constant 79 : i32
    %dma_wait3A_345 = arith.constant 64 : i32
    %dma_wait3A_346 = tpu.memref_slice %arg8[%dma_wait3A_344, %dma_wait3A_345] : memref<80x128xi32, #tpu.memory_space<vmem>> -> memref<1x32xi32, #tpu.memory_space<vmem>>
    %dma_wait3A_347 = tpu.memref_squeeze %dma_wait3A_346 : memref<1x32xi32, #tpu.memory_space<vmem>> -> memref<32xi32, #tpu.memory_space<vmem>>
    %dma_wait3A_348 = arith.constant 0 : i32
    %dma_wait3A_349 = arith.constant 0 : i32
    %dma_wait3A_350 = tpu.memref_slice %arg14[%dma_wait3A_348, %dma_wait3A_349] : memref<10240x128xf32, #tpu.memory_space<vmem_shared>> -> memref<10240x128xf32, #tpu.memory_space<vmem_shared>>
    tpu.wait_indirect_dma semaphore(%arg21 : memref<!tpu.dma_semaphore, #tpu.memory_space<semaphore_mem>>) src(%arg12 : memref<32x128xf32, #tpu.memory_space<vmem>>) dst(%dma_wait3A_350 : memref<10240x128xf32, #tpu.memory_space<vmem_shared>>)
    %dma_wait3A_351 = arith.constant 79 : i32
    %dma_wait3A_352 = arith.constant 96 : i32
    %dma_wait3A_353 = tpu.memref_slice %arg8[%dma_wait3A_351, %dma_wait3A_352] : memref<80x128xi32, #tpu.memory_space<vmem>> -> memref<1x32xi32, #tpu.memory_space<vmem>>
    %dma_wait3A_354 = tpu.memref_squeeze %dma_wait3A_353 : memref<1x32xi32, #tpu.memory_space<vmem>> -> memref<32xi32, #tpu.memory_space<vmem>>
    %dma_wait3A_355 = arith.constant 0 : i32
    %dma_wait3A_356 = arith.constant 0 : i32
    %dma_wait3A_357 = tpu.memref_slice %arg14[%dma_wait3A_355, %dma_wait3A_356] : memref<10240x128xf32, #tpu.memory_space<vmem_shared>> -> memref<10240x128xf32, #tpu.memory_space<vmem_shared>>
    tpu.wait_indirect_dma semaphore(%arg22 : memref<!tpu.dma_semaphore, #tpu.memory_space<semaphore_mem>>) src(%arg13 : memref<32x128xf32, #tpu.memory_space<vmem>>) dst(%dma_wait3A_357 : memref<10240x128xf32, #tpu.memory_space<vmem_shared>>)
    %barrier3A_358 = arith.constant 0 : index
    tpu.barrier barrier_id(%barrier3A_358)
    %mul3A_359 = arith.constant 640 : i32
    %mul3A_360 = arith.muli %arg1, %mul3A_359 : i32
    %mul3A_361 = arith.constant 640 : i32
    %mul3A_362 = arith.muli %arg1, %mul3A_361 : i32
    "tpu.region"() ({
      %run_scoped3A = tpu.sem_alloc : memref<!tpu.dma_semaphore, #tpu.memory_space<semaphore_mem>>
      %dma_start3A_363 = arith.constant 0 : i32
      %dma_start3A_364 = tpu.memref_slice %arg6[%arg0, %mul3A_362, %dma_start3A_363] : memref<2x10240x128xf32, #tpu.memory_space<hbm>> -> memref<1x640x128xf32, #tpu.memory_space<hbm>>
      %dma_start3A_365 = tpu.memref_squeeze %dma_start3A_364 : memref<1x640x128xf32, #tpu.memory_space<hbm>> -> memref<640x128xf32, #tpu.memory_space<hbm>>
      %dma_start3A_366 = arith.constant 0 : i32
      %dma_start3A_367 = tpu.memref_slice %arg14[%mul3A_360, %dma_start3A_366] : memref<10240x128xf32, #tpu.memory_space<vmem_shared>> -> memref<640x128xf32, #tpu.memory_space<vmem_shared>>
      tpu.enqueue_dma source(%dma_start3A_367 : memref<640x128xf32, #tpu.memory_space<vmem_shared>>) target(%dma_start3A_365 : memref<640x128xf32, #tpu.memory_space<hbm>>) target_semaphore(%run_scoped3A : memref<!tpu.dma_semaphore, #tpu.memory_space<semaphore_mem>>)
      %dma_wait3A_368 = arith.constant 0 : i32
      %dma_wait3A_369 = tpu.memref_slice %arg6[%arg0, %mul3A_362, %dma_wait3A_368] : memref<2x10240x128xf32, #tpu.memory_space<hbm>> -> memref<1x640x128xf32, #tpu.memory_space<hbm>>
      %dma_wait3A_370 = tpu.memref_squeeze %dma_wait3A_369 : memref<1x640x128xf32, #tpu.memory_space<hbm>> -> memref<640x128xf32, #tpu.memory_space<hbm>>
      %dma_wait3A_371 = arith.constant 0 : i32
      %dma_wait3A_372 = tpu.memref_slice %arg14[%mul3A_360, %dma_wait3A_371] : memref<10240x128xf32, #tpu.memory_space<vmem_shared>> -> memref<640x128xf32, #tpu.memory_space<vmem_shared>>
      tpu.wait_dma2 semaphore(%run_scoped3A : memref<!tpu.dma_semaphore, #tpu.memory_space<semaphore_mem>>) src(%dma_wait3A_372 : memref<640x128xf32, #tpu.memory_space<vmem_shared>>) dst(%dma_wait3A_370 : memref<640x128xf32, #tpu.memory_space<hbm>>)
      tpu.yield
    }) : () -> ()
    return
  }
}

#map = affine_map<(d0, d1) -> (0, 0)>
#map1 = affine_map<(d0, d1) -> (0, 0, 0)>
module attributes {stable_mosaic.version = 14 : i64} {
  func.func @_agg_wide(%arg0: i32, %arg1: i32, %arg2: memref<10000x128xf32, #tpu.memory_space<hbm>>, %arg3: memref<32x80x128xi32, #tpu.memory_space<hbm>>, %arg4: memref<32x80x128xi32, #tpu.memory_space<hbm>>, %arg5: memref<32x80x128xf32, #tpu.memory_space<hbm>>, %arg6: memref<2x10240x128xf32, #tpu.memory_space<hbm>>, %arg7: memref<80x128xi32, #tpu.memory_space<vmem>>, %arg8: memref<80x128xi32, #tpu.memory_space<vmem>>, %arg9: memref<80x128xf32, #tpu.memory_space<vmem>>, %arg10: memref<32x128xf32, #tpu.memory_space<vmem>>, %arg11: memref<32x128xf32, #tpu.memory_space<vmem>>, %arg12: memref<32x128xf32, #tpu.memory_space<vmem>>, %arg13: memref<32x128xf32, #tpu.memory_space<vmem>>, %arg14: memref<10240x128xf32, #tpu.memory_space<vmem_shared>>, %arg15: memref<!tpu.dma_semaphore, #tpu.memory_space<semaphore_mem>>, %arg16: memref<!tpu.dma_semaphore, #tpu.memory_space<semaphore_mem>>, %arg17: memref<!tpu.dma_semaphore, #tpu.memory_space<semaphore_mem>>, %arg18: memref<!tpu.dma_semaphore, #tpu.memory_space<semaphore_mem>>, %arg19: memref<!tpu.dma_semaphore, #tpu.memory_space<semaphore_mem>>, %arg20: memref<!tpu.dma_semaphore, #tpu.memory_space<semaphore_mem>>, %arg21: memref<!tpu.dma_semaphore, #tpu.memory_space<semaphore_mem>>, %arg22: memref<!tpu.dma_semaphore, #tpu.memory_space<semaphore_mem>>) attributes {dimension_semantics = [#tpu.dimension_semantics<core_parallel>, #tpu.dimension_semantics<subcore_parallel>], iteration_bounds = array<i64: 2, 16>, scalar_prefetch = 0 : i64, scratch_operands = 16 : i64, tpu.core_type = #tpu.core_type<sc_vector_subcore>, window_params = [{transform_indices = #map}, {transform_indices = #map1}, {transform_indices = #map1}, {transform_indices = #map1}, {transform_indices = #map1}]} {
    %mul3A = arith.constant 16 : i32
    %mul3A_0 = arith.muli %arg0, %mul3A : i32
    %add3A = arith.addi %mul3A_0, %arg1 : i32
    "tpu.region"() ({
      %run_scoped3A = tpu.sem_alloc : memref<!tpu.dma_semaphore, #tpu.memory_space<semaphore_mem>>
      %dma_start3A_363 = arith.constant 0 : i32
      %dma_start3A_364 = arith.constant 0 : i32
      %dma_start3A_365 = tpu.memref_slice %arg3[%add3A, %dma_start3A_363, %dma_start3A_364] : memref<32x80x128xi32, #tpu.memory_space<hbm>> -> memref<1x80x128xi32, #tpu.memory_space<hbm>>
      %dma_start3A_366 = tpu.memref_squeeze %dma_start3A_365 : memref<1x80x128xi32, #tpu.memory_space<hbm>> -> memref<80x128xi32, #tpu.memory_space<hbm>>
      %dma_start3A_367 = arith.constant 0 : i32
      %dma_start3A_368 = arith.constant 0 : i32
      %dma_start3A_369 = tpu.memref_slice %arg3[%add3A, %dma_start3A_367, %dma_start3A_368] : memref<32x80x128xi32, #tpu.memory_space<hbm>> -> memref<1x80x128xi32, #tpu.memory_space<hbm>>
      %dma_start3A_370 = tpu.memref_squeeze %dma_start3A_369 : memref<1x80x128xi32, #tpu.memory_space<hbm>> -> memref<80x128xi32, #tpu.memory_space<hbm>>
      tpu.enqueue_dma source(%dma_start3A_370 : memref<80x128xi32, #tpu.memory_space<hbm>>) target(%arg7 : memref<80x128xi32, #tpu.memory_space<vmem>>) target_semaphore(%run_scoped3A : memref<!tpu.dma_semaphore, #tpu.memory_space<semaphore_mem>>)
      %dma_wait3A_371 = arith.constant 0 : i32
      %dma_wait3A_372 = arith.constant 0 : i32
      %dma_wait3A_373 = tpu.memref_slice %arg3[%add3A, %dma_wait3A_371, %dma_wait3A_372] : memref<32x80x128xi32, #tpu.memory_space<hbm>> -> memref<1x80x128xi32, #tpu.memory_space<hbm>>
      %dma_wait3A_374 = tpu.memref_squeeze %dma_wait3A_373 : memref<1x80x128xi32, #tpu.memory_space<hbm>> -> memref<80x128xi32, #tpu.memory_space<hbm>>
      %dma_wait3A_375 = arith.constant 0 : i32
      %dma_wait3A_376 = arith.constant 0 : i32
      %dma_wait3A_377 = tpu.memref_slice %arg3[%add3A, %dma_wait3A_375, %dma_wait3A_376] : memref<32x80x128xi32, #tpu.memory_space<hbm>> -> memref<1x80x128xi32, #tpu.memory_space<hbm>>
      %dma_wait3A_378 = tpu.memref_squeeze %dma_wait3A_377 : memref<1x80x128xi32, #tpu.memory_space<hbm>> -> memref<80x128xi32, #tpu.memory_space<hbm>>
      tpu.wait_dma2 semaphore(%run_scoped3A : memref<!tpu.dma_semaphore, #tpu.memory_space<semaphore_mem>>) src(%dma_wait3A_378 : memref<80x128xi32, #tpu.memory_space<hbm>>) dst(%arg7 : memref<80x128xi32, #tpu.memory_space<vmem>>)
      tpu.yield
    }) : () -> ()
    "tpu.region"() ({
      %run_scoped3A = tpu.sem_alloc : memref<!tpu.dma_semaphore, #tpu.memory_space<semaphore_mem>>
      %dma_start3A_363 = arith.constant 0 : i32
      %dma_start3A_364 = arith.constant 0 : i32
      %dma_start3A_365 = tpu.memref_slice %arg4[%add3A, %dma_start3A_363, %dma_start3A_364] : memref<32x80x128xi32, #tpu.memory_space<hbm>> -> memref<1x80x128xi32, #tpu.memory_space<hbm>>
      %dma_start3A_366 = tpu.memref_squeeze %dma_start3A_365 : memref<1x80x128xi32, #tpu.memory_space<hbm>> -> memref<80x128xi32, #tpu.memory_space<hbm>>
      %dma_start3A_367 = arith.constant 0 : i32
      %dma_start3A_368 = arith.constant 0 : i32
      %dma_start3A_369 = tpu.memref_slice %arg4[%add3A, %dma_start3A_367, %dma_start3A_368] : memref<32x80x128xi32, #tpu.memory_space<hbm>> -> memref<1x80x128xi32, #tpu.memory_space<hbm>>
      %dma_start3A_370 = tpu.memref_squeeze %dma_start3A_369 : memref<1x80x128xi32, #tpu.memory_space<hbm>> -> memref<80x128xi32, #tpu.memory_space<hbm>>
      tpu.enqueue_dma source(%dma_start3A_370 : memref<80x128xi32, #tpu.memory_space<hbm>>) target(%arg8 : memref<80x128xi32, #tpu.memory_space<vmem>>) target_semaphore(%run_scoped3A : memref<!tpu.dma_semaphore, #tpu.memory_space<semaphore_mem>>)
      %dma_wait3A_371 = arith.constant 0 : i32
      %dma_wait3A_372 = arith.constant 0 : i32
      %dma_wait3A_373 = tpu.memref_slice %arg4[%add3A, %dma_wait3A_371, %dma_wait3A_372] : memref<32x80x128xi32, #tpu.memory_space<hbm>> -> memref<1x80x128xi32, #tpu.memory_space<hbm>>
      %dma_wait3A_374 = tpu.memref_squeeze %dma_wait3A_373 : memref<1x80x128xi32, #tpu.memory_space<hbm>> -> memref<80x128xi32, #tpu.memory_space<hbm>>
      %dma_wait3A_375 = arith.constant 0 : i32
      %dma_wait3A_376 = arith.constant 0 : i32
      %dma_wait3A_377 = tpu.memref_slice %arg4[%add3A, %dma_wait3A_375, %dma_wait3A_376] : memref<32x80x128xi32, #tpu.memory_space<hbm>> -> memref<1x80x128xi32, #tpu.memory_space<hbm>>
      %dma_wait3A_378 = tpu.memref_squeeze %dma_wait3A_377 : memref<1x80x128xi32, #tpu.memory_space<hbm>> -> memref<80x128xi32, #tpu.memory_space<hbm>>
      tpu.wait_dma2 semaphore(%run_scoped3A : memref<!tpu.dma_semaphore, #tpu.memory_space<semaphore_mem>>) src(%dma_wait3A_378 : memref<80x128xi32, #tpu.memory_space<hbm>>) dst(%arg8 : memref<80x128xi32, #tpu.memory_space<vmem>>)
      tpu.yield
    }) : () -> ()
    "tpu.region"() ({
      %run_scoped3A = tpu.sem_alloc : memref<!tpu.dma_semaphore, #tpu.memory_space<semaphore_mem>>
      %dma_start3A_363 = arith.constant 0 : i32
      %dma_start3A_364 = arith.constant 0 : i32
      %dma_start3A_365 = tpu.memref_slice %arg5[%add3A, %dma_start3A_363, %dma_start3A_364] : memref<32x80x128xf32, #tpu.memory_space<hbm>> -> memref<1x80x128xf32, #tpu.memory_space<hbm>>
      %dma_start3A_366 = tpu.memref_squeeze %dma_start3A_365 : memref<1x80x128xf32, #tpu.memory_space<hbm>> -> memref<80x128xf32, #tpu.memory_space<hbm>>
      %dma_start3A_367 = arith.constant 0 : i32
      %dma_start3A_368 = arith.constant 0 : i32
      %dma_start3A_369 = tpu.memref_slice %arg5[%add3A, %dma_start3A_367, %dma_start3A_368] : memref<32x80x128xf32, #tpu.memory_space<hbm>> -> memref<1x80x128xf32, #tpu.memory_space<hbm>>
      %dma_start3A_370 = tpu.memref_squeeze %dma_start3A_369 : memref<1x80x128xf32, #tpu.memory_space<hbm>> -> memref<80x128xf32, #tpu.memory_space<hbm>>
      tpu.enqueue_dma source(%dma_start3A_370 : memref<80x128xf32, #tpu.memory_space<hbm>>) target(%arg9 : memref<80x128xf32, #tpu.memory_space<vmem>>) target_semaphore(%run_scoped3A : memref<!tpu.dma_semaphore, #tpu.memory_space<semaphore_mem>>)
      %dma_wait3A_371 = arith.constant 0 : i32
      %dma_wait3A_372 = arith.constant 0 : i32
      %dma_wait3A_373 = tpu.memref_slice %arg5[%add3A, %dma_wait3A_371, %dma_wait3A_372] : memref<32x80x128xf32, #tpu.memory_space<hbm>> -> memref<1x80x128xf32, #tpu.memory_space<hbm>>
      %dma_wait3A_374 = tpu.memref_squeeze %dma_wait3A_373 : memref<1x80x128xf32, #tpu.memory_space<hbm>> -> memref<80x128xf32, #tpu.memory_space<hbm>>
      %dma_wait3A_375 = arith.constant 0 : i32
      %dma_wait3A_376 = arith.constant 0 : i32
      %dma_wait3A_377 = tpu.memref_slice %arg5[%add3A, %dma_wait3A_375, %dma_wait3A_376] : memref<32x80x128xf32, #tpu.memory_space<hbm>> -> memref<1x80x128xf32, #tpu.memory_space<hbm>>
      %dma_wait3A_378 = tpu.memref_squeeze %dma_wait3A_377 : memref<1x80x128xf32, #tpu.memory_space<hbm>> -> memref<80x128xf32, #tpu.memory_space<hbm>>
      tpu.wait_dma2 semaphore(%run_scoped3A : memref<!tpu.dma_semaphore, #tpu.memory_space<semaphore_mem>>) src(%dma_wait3A_378 : memref<80x128xf32, #tpu.memory_space<hbm>>) dst(%arg9 : memref<80x128xf32, #tpu.memory_space<vmem>>)
      tpu.yield
    }) : () -> ()
    %scan3A = arith.constant 0 : i32
    %scan3A_1 = arith.constant 0 : i32
    %scan3A_2 = arith.constant 32 : i32
    %scan3A_3 = arith.addi %scan3A_1, %scan3A_2 : i32
    %scan3A_4 = arith.constant 1 : i32
    scf.for %scan3A_363 = %scan3A_1 to %scan3A_3 step %scan3A_4  : i32 {
      %broadcast_in_dim3A = arith.constant 0.000000e+00 : f32
      %broadcast_in_dim3A_364 = vector.broadcast %broadcast_in_dim3A : f32 to vector<16xf32>
      %swap3A = arith.index_cast %scan3A_363 : i32 to index
      %swap3A_365 = arith.constant 0 : index
      %swap3A_366 = tpu.vector_load %arg10[%swap3A, %swap3A_365] {strides = array<i32>} : memref<32x128xf32, #tpu.memory_space<vmem>>, vector<16xf32>,
      tpu.vector_store %arg10[%swap3A, %swap3A_365], %broadcast_in_dim3A_364 {strides = array<i32>} : memref<32x128xf32, #tpu.memory_space<vmem>>, vector<16xf32>,
      %broadcast_in_dim3A_367 = arith.constant 0.000000e+00 : f32
      %broadcast_in_dim3A_368 = vector.broadcast %broadcast_in_dim3A_367 : f32 to vector<16xf32>
      %swap3A_369 = arith.index_cast %scan3A_363 : i32 to index
      %swap3A_370 = arith.constant 16 : index
      %swap3A_371 = tpu.vector_load %arg10[%swap3A_369, %swap3A_370] {strides = array<i32>} : memref<32x128xf32, #tpu.memory_space<vmem>>, vector<16xf32>,
      tpu.vector_store %arg10[%swap3A_369, %swap3A_370], %broadcast_in_dim3A_368 {strides = array<i32>} : memref<32x128xf32, #tpu.memory_space<vmem>>, vector<16xf32>,
      %broadcast_in_dim3A_372 = arith.constant 0.000000e+00 : f32
      %broadcast_in_dim3A_373 = vector.broadcast %broadcast_in_dim3A_372 : f32 to vector<16xf32>
      %swap3A_374 = arith.index_cast %scan3A_363 : i32 to index
      %swap3A_375 = arith.constant 32 : index
      %swap3A_376 = tpu.vector_load %arg10[%swap3A_374, %swap3A_375] {strides = array<i32>} : memref<32x128xf32, #tpu.memory_space<vmem>>, vector<16xf32>,
      tpu.vector_store %arg10[%swap3A_374, %swap3A_375], %broadcast_in_dim3A_373 {strides = array<i32>} : memref<32x128xf32, #tpu.memory_space<vmem>>, vector<16xf32>,
      %broadcast_in_dim3A_377 = arith.constant 0.000000e+00 : f32
      %broadcast_in_dim3A_378 = vector.broadcast %broadcast_in_dim3A_377 : f32 to vector<16xf32>
      %swap3A_379 = arith.index_cast %scan3A_363 : i32 to index
      %swap3A_380 = arith.constant 48 : index
      %swap3A_381 = tpu.vector_load %arg10[%swap3A_379, %swap3A_380] {strides = array<i32>} : memref<32x128xf32, #tpu.memory_space<vmem>>, vector<16xf32>,
      tpu.vector_store %arg10[%swap3A_379, %swap3A_380], %broadcast_in_dim3A_378 {strides = array<i32>} : memref<32x128xf32, #tpu.memory_space<vmem>>, vector<16xf32>,
      %broadcast_in_dim3A_382 = arith.constant 0.000000e+00 : f32
      %broadcast_in_dim3A_383 = vector.broadcast %broadcast_in_dim3A_382 : f32 to vector<16xf32>
      %swap3A_384 = arith.index_cast %scan3A_363 : i32 to index
      %swap3A_385 = arith.constant 64 : index
      %swap3A_386 = tpu.vector_load %arg10[%swap3A_384, %swap3A_385] {strides = array<i32>} : memref<32x128xf32, #tpu.memory_space<vmem>>, vector<16xf32>,
      tpu.vector_store %arg10[%swap3A_384, %swap3A_385], %broadcast_in_dim3A_383 {strides = array<i32>} : memref<32x128xf32, #tpu.memory_space<vmem>>, vector<16xf32>,
      %broadcast_in_dim3A_387 = arith.constant 0.000000e+00 : f32
      %broadcast_in_dim3A_388 = vector.broadcast %broadcast_in_dim3A_387 : f32 to vector<16xf32>
      %swap3A_389 = arith.index_cast %scan3A_363 : i32 to index
      %swap3A_390 = arith.constant 80 : index
      %swap3A_391 = tpu.vector_load %arg10[%swap3A_389, %swap3A_390] {strides = array<i32>} : memref<32x128xf32, #tpu.memory_space<vmem>>, vector<16xf32>,
      tpu.vector_store %arg10[%swap3A_389, %swap3A_390], %broadcast_in_dim3A_388 {strides = array<i32>} : memref<32x128xf32, #tpu.memory_space<vmem>>, vector<16xf32>,
      %broadcast_in_dim3A_392 = arith.constant 0.000000e+00 : f32
      %broadcast_in_dim3A_393 = vector.broadcast %broadcast_in_dim3A_392 : f32 to vector<16xf32>
      %swap3A_394 = arith.index_cast %scan3A_363 : i32 to index
      %swap3A_395 = arith.constant 96 : index
      %swap3A_396 = tpu.vector_load %arg10[%swap3A_394, %swap3A_395] {strides = array<i32>} : memref<32x128xf32, #tpu.memory_space<vmem>>, vector<16xf32>,
      tpu.vector_store %arg10[%swap3A_394, %swap3A_395], %broadcast_in_dim3A_393 {strides = array<i32>} : memref<32x128xf32, #tpu.memory_space<vmem>>, vector<16xf32>,
      %broadcast_in_dim3A_397 = arith.constant 0.000000e+00 : f32
      %broadcast_in_dim3A_398 = vector.broadcast %broadcast_in_dim3A_397 : f32 to vector<16xf32>
      %swap3A_399 = arith.index_cast %scan3A_363 : i32 to index
      %swap3A_400 = arith.constant 112 : index
      %swap3A_401 = tpu.vector_load %arg10[%swap3A_399, %swap3A_400] {strides = array<i32>} : memref<32x128xf32, #tpu.memory_space<vmem>>, vector<16xf32>,
      tpu.vector_store %arg10[%swap3A_399, %swap3A_400], %broadcast_in_dim3A_398 {strides = array<i32>} : memref<32x128xf32, #tpu.memory_space<vmem>>, vector<16xf32>,
    }
    %scan3A_5 = arith.constant 32 : i32
    %mul3A_6 = arith.constant 640 : i32
    %mul3A_7 = arith.muli %arg1, %mul3A_6 : i32
    %add3A_8 = arith.constant 0 : i32
    %add3A_9 = arith.addi %mul3A_7, %add3A_8 : i32
    %dma_start3A = arith.constant 0 : i32
    %dma_start3A_10 = tpu.memref_slice %arg14[%add3A_9, %dma_start3A] : memref<10240x128xf32, #tpu.memory_space<vmem_shared>> -> memref<32x128xf32, #tpu.memory_space<vmem_shared>>
    %dma_start3A_11 = arith.constant 0 : i32
    %dma_start3A_12 = tpu.memref_slice %arg14[%add3A_9, %dma_start3A_11] : memref<10240x128xf32, #tpu.memory_space<vmem_shared>> -> memref<32x128xf32, #tpu.memory_space<vmem_shared>>
    tpu.enqueue_dma source(%arg10 : memref<32x128xf32, #tpu.memory_space<vmem>>) target(%dma_start3A_12 : memref<32x128xf32, #tpu.memory_space<vmem_shared>>) target_semaphore(%arg15 : memref<!tpu.dma_semaphore, #tpu.memory_space<semaphore_mem>>)
    %mul3A_13 = arith.constant 640 : i32
    %mul3A_14 = arith.muli %arg1, %mul3A_13 : i32
    %add3A_15 = arith.constant 32 : i32
    %add3A_16 = arith.addi %mul3A_14, %add3A_15 : i32
    %dma_start3A_17 = arith.constant 0 : i32
    %dma_start3A_18 = tpu.memref_slice %arg14[%add3A_16, %dma_start3A_17] : memref<10240x128xf32, #tpu.memory_space<vmem_shared>> -> memref<32x128xf32, #tpu.memory_space<vmem_shared>>
    %dma_start3A_19 = arith.constant 0 : i32
    %dma_start3A_20 = tpu.memref_slice %arg14[%add3A_16, %dma_start3A_19] : memref<10240x128xf32, #tpu.memory_space<vmem_shared>> -> memref<32x128xf32, #tpu.memory_space<vmem_shared>>
    tpu.enqueue_dma source(%arg10 : memref<32x128xf32, #tpu.memory_space<vmem>>) target(%dma_start3A_20 : memref<32x128xf32, #tpu.memory_space<vmem_shared>>) target_semaphore(%arg16 : memref<!tpu.dma_semaphore, #tpu.memory_space<semaphore_mem>>)
    %mul3A_21 = arith.constant 640 : i32
    %mul3A_22 = arith.muli %arg1, %mul3A_21 : i32
    %add3A_23 = arith.constant 64 : i32
    %add3A_24 = arith.addi %mul3A_22, %add3A_23 : i32
    %dma_start3A_25 = arith.constant 0 : i32
    %dma_start3A_26 = tpu.memref_slice %arg14[%add3A_24, %dma_start3A_25] : memref<10240x128xf32, #tpu.memory_space<vmem_shared>> -> memref<32x128xf32, #tpu.memory_space<vmem_shared>>
    %dma_start3A_27 = arith.constant 0 : i32
    %dma_start3A_28 = tpu.memref_slice %arg14[%add3A_24, %dma_start3A_27] : memref<10240x128xf32, #tpu.memory_space<vmem_shared>> -> memref<32x128xf32, #tpu.memory_space<vmem_shared>>
    tpu.enqueue_dma source(%arg10 : memref<32x128xf32, #tpu.memory_space<vmem>>) target(%dma_start3A_28 : memref<32x128xf32, #tpu.memory_space<vmem_shared>>) target_semaphore(%arg17 : memref<!tpu.dma_semaphore, #tpu.memory_space<semaphore_mem>>)
    %mul3A_29 = arith.constant 640 : i32
    %mul3A_30 = arith.muli %arg1, %mul3A_29 : i32
    %add3A_31 = arith.constant 96 : i32
    %add3A_32 = arith.addi %mul3A_30, %add3A_31 : i32
    %dma_start3A_33 = arith.constant 0 : i32
    %dma_start3A_34 = tpu.memref_slice %arg14[%add3A_32, %dma_start3A_33] : memref<10240x128xf32, #tpu.memory_space<vmem_shared>> -> memref<32x128xf32, #tpu.memory_space<vmem_shared>>
    %dma_start3A_35 = arith.constant 0 : i32
    %dma_start3A_36 = tpu.memref_slice %arg14[%add3A_32, %dma_start3A_35] : memref<10240x128xf32, #tpu.memory_space<vmem_shared>> -> memref<32x128xf32, #tpu.memory_space<vmem_shared>>
    tpu.enqueue_dma source(%arg10 : memref<32x128xf32, #tpu.memory_space<vmem>>) target(%dma_start3A_36 : memref<32x128xf32, #tpu.memory_space<vmem_shared>>) target_semaphore(%arg18 : memref<!tpu.dma_semaphore, #tpu.memory_space<semaphore_mem>>)
    %mul3A_37 = arith.constant 640 : i32
    %mul3A_38 = arith.muli %arg1, %mul3A_37 : i32
    %add3A_39 = arith.constant 128 : i32
    %add3A_40 = arith.addi %mul3A_38, %add3A_39 : i32
    %dma_start3A_41 = arith.constant 0 : i32
    %dma_start3A_42 = tpu.memref_slice %arg14[%add3A_40, %dma_start3A_41] : memref<10240x128xf32, #tpu.memory_space<vmem_shared>> -> memref<32x128xf32, #tpu.memory_space<vmem_shared>>
    %dma_start3A_43 = arith.constant 0 : i32
    %dma_start3A_44 = tpu.memref_slice %arg14[%add3A_40, %dma_start3A_43] : memref<10240x128xf32, #tpu.memory_space<vmem_shared>> -> memref<32x128xf32, #tpu.memory_space<vmem_shared>>
    tpu.enqueue_dma source(%arg10 : memref<32x128xf32, #tpu.memory_space<vmem>>) target(%dma_start3A_44 : memref<32x128xf32, #tpu.memory_space<vmem_shared>>) target_semaphore(%arg15 : memref<!tpu.dma_semaphore, #tpu.memory_space<semaphore_mem>>)
    %mul3A_45 = arith.constant 640 : i32
    %mul3A_46 = arith.muli %arg1, %mul3A_45 : i32
    %add3A_47 = arith.constant 160 : i32
    %add3A_48 = arith.addi %mul3A_46, %add3A_47 : i32
    %dma_start3A_49 = arith.constant 0 : i32
    %dma_start3A_50 = tpu.memref_slice %arg14[%add3A_48, %dma_start3A_49] : memref<10240x128xf32, #tpu.memory_space<vmem_shared>> -> memref<32x128xf32, #tpu.memory_space<vmem_shared>>
    %dma_start3A_51 = arith.constant 0 : i32
    %dma_start3A_52 = tpu.memref_slice %arg14[%add3A_48, %dma_start3A_51] : memref<10240x128xf32, #tpu.memory_space<vmem_shared>> -> memref<32x128xf32, #tpu.memory_space<vmem_shared>>
    tpu.enqueue_dma source(%arg10 : memref<32x128xf32, #tpu.memory_space<vmem>>) target(%dma_start3A_52 : memref<32x128xf32, #tpu.memory_space<vmem_shared>>) target_semaphore(%arg16 : memref<!tpu.dma_semaphore, #tpu.memory_space<semaphore_mem>>)
    %mul3A_53 = arith.constant 640 : i32
    %mul3A_54 = arith.muli %arg1, %mul3A_53 : i32
    %add3A_55 = arith.constant 192 : i32
    %add3A_56 = arith.addi %mul3A_54, %add3A_55 : i32
    %dma_start3A_57 = arith.constant 0 : i32
    %dma_start3A_58 = tpu.memref_slice %arg14[%add3A_56, %dma_start3A_57] : memref<10240x128xf32, #tpu.memory_space<vmem_shared>> -> memref<32x128xf32, #tpu.memory_space<vmem_shared>>
    %dma_start3A_59 = arith.constant 0 : i32
    %dma_start3A_60 = tpu.memref_slice %arg14[%add3A_56, %dma_start3A_59] : memref<10240x128xf32, #tpu.memory_space<vmem_shared>> -> memref<32x128xf32, #tpu.memory_space<vmem_shared>>
    tpu.enqueue_dma source(%arg10 : memref<32x128xf32, #tpu.memory_space<vmem>>) target(%dma_start3A_60 : memref<32x128xf32, #tpu.memory_space<vmem_shared>>) target_semaphore(%arg17 : memref<!tpu.dma_semaphore, #tpu.memory_space<semaphore_mem>>)
    %mul3A_61 = arith.constant 640 : i32
    %mul3A_62 = arith.muli %arg1, %mul3A_61 : i32
    %add3A_63 = arith.constant 224 : i32
    %add3A_64 = arith.addi %mul3A_62, %add3A_63 : i32
    %dma_start3A_65 = arith.constant 0 : i32
    %dma_start3A_66 = tpu.memref_slice %arg14[%add3A_64, %dma_start3A_65] : memref<10240x128xf32, #tpu.memory_space<vmem_shared>> -> memref<32x128xf32, #tpu.memory_space<vmem_shared>>
    %dma_start3A_67 = arith.constant 0 : i32
    %dma_start3A_68 = tpu.memref_slice %arg14[%add3A_64, %dma_start3A_67] : memref<10240x128xf32, #tpu.memory_space<vmem_shared>> -> memref<32x128xf32, #tpu.memory_space<vmem_shared>>
    tpu.enqueue_dma source(%arg10 : memref<32x128xf32, #tpu.memory_space<vmem>>) target(%dma_start3A_68 : memref<32x128xf32, #tpu.memory_space<vmem_shared>>) target_semaphore(%arg18 : memref<!tpu.dma_semaphore, #tpu.memory_space<semaphore_mem>>)
    %mul3A_69 = arith.constant 640 : i32
    %mul3A_70 = arith.muli %arg1, %mul3A_69 : i32
    %add3A_71 = arith.constant 256 : i32
    %add3A_72 = arith.addi %mul3A_70, %add3A_71 : i32
    %dma_start3A_73 = arith.constant 0 : i32
    %dma_start3A_74 = tpu.memref_slice %arg14[%add3A_72, %dma_start3A_73] : memref<10240x128xf32, #tpu.memory_space<vmem_shared>> -> memref<32x128xf32, #tpu.memory_space<vmem_shared>>
    %dma_start3A_75 = arith.constant 0 : i32
    %dma_start3A_76 = tpu.memref_slice %arg14[%add3A_72, %dma_start3A_75] : memref<10240x128xf32, #tpu.memory_space<vmem_shared>> -> memref<32x128xf32, #tpu.memory_space<vmem_shared>>
    tpu.enqueue_dma source(%arg10 : memref<32x128xf32, #tpu.memory_space<vmem>>) target(%dma_start3A_76 : memref<32x128xf32, #tpu.memory_space<vmem_shared>>) target_semaphore(%arg15 : memref<!tpu.dma_semaphore, #tpu.memory_space<semaphore_mem>>)
    %mul3A_77 = arith.constant 640 : i32
    %mul3A_78 = arith.muli %arg1, %mul3A_77 : i32
    %add3A_79 = arith.constant 288 : i32
    %add3A_80 = arith.addi %mul3A_78, %add3A_79 : i32
    %dma_start3A_81 = arith.constant 0 : i32
    %dma_start3A_82 = tpu.memref_slice %arg14[%add3A_80, %dma_start3A_81] : memref<10240x128xf32, #tpu.memory_space<vmem_shared>> -> memref<32x128xf32, #tpu.memory_space<vmem_shared>>
    %dma_start3A_83 = arith.constant 0 : i32
    %dma_start3A_84 = tpu.memref_slice %arg14[%add3A_80, %dma_start3A_83] : memref<10240x128xf32, #tpu.memory_space<vmem_shared>> -> memref<32x128xf32, #tpu.memory_space<vmem_shared>>
    tpu.enqueue_dma source(%arg10 : memref<32x128xf32, #tpu.memory_space<vmem>>) target(%dma_start3A_84 : memref<32x128xf32, #tpu.memory_space<vmem_shared>>) target_semaphore(%arg16 : memref<!tpu.dma_semaphore, #tpu.memory_space<semaphore_mem>>)
    %mul3A_85 = arith.constant 640 : i32
    %mul3A_86 = arith.muli %arg1, %mul3A_85 : i32
    %add3A_87 = arith.constant 320 : i32
    %add3A_88 = arith.addi %mul3A_86, %add3A_87 : i32
    %dma_start3A_89 = arith.constant 0 : i32
    %dma_start3A_90 = tpu.memref_slice %arg14[%add3A_88, %dma_start3A_89] : memref<10240x128xf32, #tpu.memory_space<vmem_shared>> -> memref<32x128xf32, #tpu.memory_space<vmem_shared>>
    %dma_start3A_91 = arith.constant 0 : i32
    %dma_start3A_92 = tpu.memref_slice %arg14[%add3A_88, %dma_start3A_91] : memref<10240x128xf32, #tpu.memory_space<vmem_shared>> -> memref<32x128xf32, #tpu.memory_space<vmem_shared>>
    tpu.enqueue_dma source(%arg10 : memref<32x128xf32, #tpu.memory_space<vmem>>) target(%dma_start3A_92 : memref<32x128xf32, #tpu.memory_space<vmem_shared>>) target_semaphore(%arg17 : memref<!tpu.dma_semaphore, #tpu.memory_space<semaphore_mem>>)
    %mul3A_93 = arith.constant 640 : i32
    %mul3A_94 = arith.muli %arg1, %mul3A_93 : i32
    %add3A_95 = arith.constant 352 : i32
    %add3A_96 = arith.addi %mul3A_94, %add3A_95 : i32
    %dma_start3A_97 = arith.constant 0 : i32
    %dma_start3A_98 = tpu.memref_slice %arg14[%add3A_96, %dma_start3A_97] : memref<10240x128xf32, #tpu.memory_space<vmem_shared>> -> memref<32x128xf32, #tpu.memory_space<vmem_shared>>
    %dma_start3A_99 = arith.constant 0 : i32
    %dma_start3A_100 = tpu.memref_slice %arg14[%add3A_96, %dma_start3A_99] : memref<10240x128xf32, #tpu.memory_space<vmem_shared>> -> memref<32x128xf32, #tpu.memory_space<vmem_shared>>
    tpu.enqueue_dma source(%arg10 : memref<32x128xf32, #tpu.memory_space<vmem>>) target(%dma_start3A_100 : memref<32x128xf32, #tpu.memory_space<vmem_shared>>) target_semaphore(%arg18 : memref<!tpu.dma_semaphore, #tpu.memory_space<semaphore_mem>>)
    %mul3A_101 = arith.constant 640 : i32
    %mul3A_102 = arith.muli %arg1, %mul3A_101 : i32
    %add3A_103 = arith.constant 384 : i32
    %add3A_104 = arith.addi %mul3A_102, %add3A_103 : i32
    %dma_start3A_105 = arith.constant 0 : i32
    %dma_start3A_106 = tpu.memref_slice %arg14[%add3A_104, %dma_start3A_105] : memref<10240x128xf32, #tpu.memory_space<vmem_shared>> -> memref<32x128xf32, #tpu.memory_space<vmem_shared>>
    %dma_start3A_107 = arith.constant 0 : i32
    %dma_start3A_108 = tpu.memref_slice %arg14[%add3A_104, %dma_start3A_107] : memref<10240x128xf32, #tpu.memory_space<vmem_shared>> -> memref<32x128xf32, #tpu.memory_space<vmem_shared>>
    tpu.enqueue_dma source(%arg10 : memref<32x128xf32, #tpu.memory_space<vmem>>) target(%dma_start3A_108 : memref<32x128xf32, #tpu.memory_space<vmem_shared>>) target_semaphore(%arg15 : memref<!tpu.dma_semaphore, #tpu.memory_space<semaphore_mem>>)
    %mul3A_109 = arith.constant 640 : i32
    %mul3A_110 = arith.muli %arg1, %mul3A_109 : i32
    %add3A_111 = arith.constant 416 : i32
    %add3A_112 = arith.addi %mul3A_110, %add3A_111 : i32
    %dma_start3A_113 = arith.constant 0 : i32
    %dma_start3A_114 = tpu.memref_slice %arg14[%add3A_112, %dma_start3A_113] : memref<10240x128xf32, #tpu.memory_space<vmem_shared>> -> memref<32x128xf32, #tpu.memory_space<vmem_shared>>
    %dma_start3A_115 = arith.constant 0 : i32
    %dma_start3A_116 = tpu.memref_slice %arg14[%add3A_112, %dma_start3A_115] : memref<10240x128xf32, #tpu.memory_space<vmem_shared>> -> memref<32x128xf32, #tpu.memory_space<vmem_shared>>
    tpu.enqueue_dma source(%arg10 : memref<32x128xf32, #tpu.memory_space<vmem>>) target(%dma_start3A_116 : memref<32x128xf32, #tpu.memory_space<vmem_shared>>) target_semaphore(%arg16 : memref<!tpu.dma_semaphore, #tpu.memory_space<semaphore_mem>>)
    %mul3A_117 = arith.constant 640 : i32
    %mul3A_118 = arith.muli %arg1, %mul3A_117 : i32
    %add3A_119 = arith.constant 448 : i32
    %add3A_120 = arith.addi %mul3A_118, %add3A_119 : i32
    %dma_start3A_121 = arith.constant 0 : i32
    %dma_start3A_122 = tpu.memref_slice %arg14[%add3A_120, %dma_start3A_121] : memref<10240x128xf32, #tpu.memory_space<vmem_shared>> -> memref<32x128xf32, #tpu.memory_space<vmem_shared>>
    %dma_start3A_123 = arith.constant 0 : i32
    %dma_start3A_124 = tpu.memref_slice %arg14[%add3A_120, %dma_start3A_123] : memref<10240x128xf32, #tpu.memory_space<vmem_shared>> -> memref<32x128xf32, #tpu.memory_space<vmem_shared>>
    tpu.enqueue_dma source(%arg10 : memref<32x128xf32, #tpu.memory_space<vmem>>) target(%dma_start3A_124 : memref<32x128xf32, #tpu.memory_space<vmem_shared>>) target_semaphore(%arg17 : memref<!tpu.dma_semaphore, #tpu.memory_space<semaphore_mem>>)
    %mul3A_125 = arith.constant 640 : i32
    %mul3A_126 = arith.muli %arg1, %mul3A_125 : i32
    %add3A_127 = arith.constant 480 : i32
    %add3A_128 = arith.addi %mul3A_126, %add3A_127 : i32
    %dma_start3A_129 = arith.constant 0 : i32
    %dma_start3A_130 = tpu.memref_slice %arg14[%add3A_128, %dma_start3A_129] : memref<10240x128xf32, #tpu.memory_space<vmem_shared>> -> memref<32x128xf32, #tpu.memory_space<vmem_shared>>
    %dma_start3A_131 = arith.constant 0 : i32
    %dma_start3A_132 = tpu.memref_slice %arg14[%add3A_128, %dma_start3A_131] : memref<10240x128xf32, #tpu.memory_space<vmem_shared>> -> memref<32x128xf32, #tpu.memory_space<vmem_shared>>
    tpu.enqueue_dma source(%arg10 : memref<32x128xf32, #tpu.memory_space<vmem>>) target(%dma_start3A_132 : memref<32x128xf32, #tpu.memory_space<vmem_shared>>) target_semaphore(%arg18 : memref<!tpu.dma_semaphore, #tpu.memory_space<semaphore_mem>>)
    %mul3A_133 = arith.constant 640 : i32
    %mul3A_134 = arith.muli %arg1, %mul3A_133 : i32
    %add3A_135 = arith.constant 512 : i32
    %add3A_136 = arith.addi %mul3A_134, %add3A_135 : i32
    %dma_start3A_137 = arith.constant 0 : i32
    %dma_start3A_138 = tpu.memref_slice %arg14[%add3A_136, %dma_start3A_137] : memref<10240x128xf32, #tpu.memory_space<vmem_shared>> -> memref<32x128xf32, #tpu.memory_space<vmem_shared>>
    %dma_start3A_139 = arith.constant 0 : i32
    %dma_start3A_140 = tpu.memref_slice %arg14[%add3A_136, %dma_start3A_139] : memref<10240x128xf32, #tpu.memory_space<vmem_shared>> -> memref<32x128xf32, #tpu.memory_space<vmem_shared>>
    tpu.enqueue_dma source(%arg10 : memref<32x128xf32, #tpu.memory_space<vmem>>) target(%dma_start3A_140 : memref<32x128xf32, #tpu.memory_space<vmem_shared>>) target_semaphore(%arg15 : memref<!tpu.dma_semaphore, #tpu.memory_space<semaphore_mem>>)
    %mul3A_141 = arith.constant 640 : i32
    %mul3A_142 = arith.muli %arg1, %mul3A_141 : i32
    %add3A_143 = arith.constant 544 : i32
    %add3A_144 = arith.addi %mul3A_142, %add3A_143 : i32
    %dma_start3A_145 = arith.constant 0 : i32
    %dma_start3A_146 = tpu.memref_slice %arg14[%add3A_144, %dma_start3A_145] : memref<10240x128xf32, #tpu.memory_space<vmem_shared>> -> memref<32x128xf32, #tpu.memory_space<vmem_shared>>
    %dma_start3A_147 = arith.constant 0 : i32
    %dma_start3A_148 = tpu.memref_slice %arg14[%add3A_144, %dma_start3A_147] : memref<10240x128xf32, #tpu.memory_space<vmem_shared>> -> memref<32x128xf32, #tpu.memory_space<vmem_shared>>
    tpu.enqueue_dma source(%arg10 : memref<32x128xf32, #tpu.memory_space<vmem>>) target(%dma_start3A_148 : memref<32x128xf32, #tpu.memory_space<vmem_shared>>) target_semaphore(%arg16 : memref<!tpu.dma_semaphore, #tpu.memory_space<semaphore_mem>>)
    %mul3A_149 = arith.constant 640 : i32
    %mul3A_150 = arith.muli %arg1, %mul3A_149 : i32
    %add3A_151 = arith.constant 576 : i32
    %add3A_152 = arith.addi %mul3A_150, %add3A_151 : i32
    %dma_start3A_153 = arith.constant 0 : i32
    %dma_start3A_154 = tpu.memref_slice %arg14[%add3A_152, %dma_start3A_153] : memref<10240x128xf32, #tpu.memory_space<vmem_shared>> -> memref<32x128xf32, #tpu.memory_space<vmem_shared>>
    %dma_start3A_155 = arith.constant 0 : i32
    %dma_start3A_156 = tpu.memref_slice %arg14[%add3A_152, %dma_start3A_155] : memref<10240x128xf32, #tpu.memory_space<vmem_shared>> -> memref<32x128xf32, #tpu.memory_space<vmem_shared>>
    tpu.enqueue_dma source(%arg10 : memref<32x128xf32, #tpu.memory_space<vmem>>) target(%dma_start3A_156 : memref<32x128xf32, #tpu.memory_space<vmem_shared>>) target_semaphore(%arg17 : memref<!tpu.dma_semaphore, #tpu.memory_space<semaphore_mem>>)
    %mul3A_157 = arith.constant 640 : i32
    %mul3A_158 = arith.muli %arg1, %mul3A_157 : i32
    %add3A_159 = arith.constant 608 : i32
    %add3A_160 = arith.addi %mul3A_158, %add3A_159 : i32
    %dma_start3A_161 = arith.constant 0 : i32
    %dma_start3A_162 = tpu.memref_slice %arg14[%add3A_160, %dma_start3A_161] : memref<10240x128xf32, #tpu.memory_space<vmem_shared>> -> memref<32x128xf32, #tpu.memory_space<vmem_shared>>
    %dma_start3A_163 = arith.constant 0 : i32
    %dma_start3A_164 = tpu.memref_slice %arg14[%add3A_160, %dma_start3A_163] : memref<10240x128xf32, #tpu.memory_space<vmem_shared>> -> memref<32x128xf32, #tpu.memory_space<vmem_shared>>
    tpu.enqueue_dma source(%arg10 : memref<32x128xf32, #tpu.memory_space<vmem>>) target(%dma_start3A_164 : memref<32x128xf32, #tpu.memory_space<vmem_shared>>) target_semaphore(%arg18 : memref<!tpu.dma_semaphore, #tpu.memory_space<semaphore_mem>>)
    %mul3A_165 = arith.constant 640 : i32
    %mul3A_166 = arith.muli %arg1, %mul3A_165 : i32
    %add3A_167 = arith.constant 0 : i32
    %add3A_168 = arith.addi %mul3A_166, %add3A_167 : i32
    %dma_wait3A = arith.constant 0 : i32
    %dma_wait3A_169 = tpu.memref_slice %arg14[%add3A_168, %dma_wait3A] : memref<10240x128xf32, #tpu.memory_space<vmem_shared>> -> memref<32x128xf32, #tpu.memory_space<vmem_shared>>
    %dma_wait3A_170 = arith.constant 0 : i32
    %dma_wait3A_171 = tpu.memref_slice %arg14[%add3A_168, %dma_wait3A_170] : memref<10240x128xf32, #tpu.memory_space<vmem_shared>> -> memref<32x128xf32, #tpu.memory_space<vmem_shared>>
    tpu.wait_dma2 semaphore(%arg15 : memref<!tpu.dma_semaphore, #tpu.memory_space<semaphore_mem>>) src(%arg10 : memref<32x128xf32, #tpu.memory_space<vmem>>) dst(%dma_wait3A_171 : memref<32x128xf32, #tpu.memory_space<vmem_shared>>)
    %mul3A_172 = arith.constant 640 : i32
    %mul3A_173 = arith.muli %arg1, %mul3A_172 : i32
    %add3A_174 = arith.constant 32 : i32
    %add3A_175 = arith.addi %mul3A_173, %add3A_174 : i32
    %dma_wait3A_176 = arith.constant 0 : i32
    %dma_wait3A_177 = tpu.memref_slice %arg14[%add3A_175, %dma_wait3A_176] : memref<10240x128xf32, #tpu.memory_space<vmem_shared>> -> memref<32x128xf32, #tpu.memory_space<vmem_shared>>
    %dma_wait3A_178 = arith.constant 0 : i32
    %dma_wait3A_179 = tpu.memref_slice %arg14[%add3A_175, %dma_wait3A_178] : memref<10240x128xf32, #tpu.memory_space<vmem_shared>> -> memref<32x128xf32, #tpu.memory_space<vmem_shared>>
    tpu.wait_dma2 semaphore(%arg16 : memref<!tpu.dma_semaphore, #tpu.memory_space<semaphore_mem>>) src(%arg10 : memref<32x128xf32, #tpu.memory_space<vmem>>) dst(%dma_wait3A_179 : memref<32x128xf32, #tpu.memory_space<vmem_shared>>)
    %mul3A_180 = arith.constant 640 : i32
    %mul3A_181 = arith.muli %arg1, %mul3A_180 : i32
    %add3A_182 = arith.constant 64 : i32
    %add3A_183 = arith.addi %mul3A_181, %add3A_182 : i32
    %dma_wait3A_184 = arith.constant 0 : i32
    %dma_wait3A_185 = tpu.memref_slice %arg14[%add3A_183, %dma_wait3A_184] : memref<10240x128xf32, #tpu.memory_space<vmem_shared>> -> memref<32x128xf32, #tpu.memory_space<vmem_shared>>
    %dma_wait3A_186 = arith.constant 0 : i32
    %dma_wait3A_187 = tpu.memref_slice %arg14[%add3A_183, %dma_wait3A_186] : memref<10240x128xf32, #tpu.memory_space<vmem_shared>> -> memref<32x128xf32, #tpu.memory_space<vmem_shared>>
    tpu.wait_dma2 semaphore(%arg17 : memref<!tpu.dma_semaphore, #tpu.memory_space<semaphore_mem>>) src(%arg10 : memref<32x128xf32, #tpu.memory_space<vmem>>) dst(%dma_wait3A_187 : memref<32x128xf32, #tpu.memory_space<vmem_shared>>)
    %mul3A_188 = arith.constant 640 : i32
    %mul3A_189 = arith.muli %arg1, %mul3A_188 : i32
    %add3A_190 = arith.constant 96 : i32
    %add3A_191 = arith.addi %mul3A_189, %add3A_190 : i32
    %dma_wait3A_192 = arith.constant 0 : i32
    %dma_wait3A_193 = tpu.memref_slice %arg14[%add3A_191, %dma_wait3A_192] : memref<10240x128xf32, #tpu.memory_space<vmem_shared>> -> memref<32x128xf32, #tpu.memory_space<vmem_shared>>
    %dma_wait3A_194 = arith.constant 0 : i32
    %dma_wait3A_195 = tpu.memref_slice %arg14[%add3A_191, %dma_wait3A_194] : memref<10240x128xf32, #tpu.memory_space<vmem_shared>> -> memref<32x128xf32, #tpu.memory_space<vmem_shared>>
    tpu.wait_dma2 semaphore(%arg18 : memref<!tpu.dma_semaphore, #tpu.memory_space<semaphore_mem>>) src(%arg10 : memref<32x128xf32, #tpu.memory_space<vmem>>) dst(%dma_wait3A_195 : memref<32x128xf32, #tpu.memory_space<vmem_shared>>)
    %mul3A_196 = arith.constant 640 : i32
    %mul3A_197 = arith.muli %arg1, %mul3A_196 : i32
    %add3A_198 = arith.constant 128 : i32
    %add3A_199 = arith.addi %mul3A_197, %add3A_198 : i32
    %dma_wait3A_200 = arith.constant 0 : i32
    %dma_wait3A_201 = tpu.memref_slice %arg14[%add3A_199, %dma_wait3A_200] : memref<10240x128xf32, #tpu.memory_space<vmem_shared>> -> memref<32x128xf32, #tpu.memory_space<vmem_shared>>
    %dma_wait3A_202 = arith.constant 0 : i32
    %dma_wait3A_203 = tpu.memref_slice %arg14[%add3A_199, %dma_wait3A_202] : memref<10240x128xf32, #tpu.memory_space<vmem_shared>> -> memref<32x128xf32, #tpu.memory_space<vmem_shared>>
    tpu.wait_dma2 semaphore(%arg15 : memref<!tpu.dma_semaphore, #tpu.memory_space<semaphore_mem>>) src(%arg10 : memref<32x128xf32, #tpu.memory_space<vmem>>) dst(%dma_wait3A_203 : memref<32x128xf32, #tpu.memory_space<vmem_shared>>)
    %mul3A_204 = arith.constant 640 : i32
    %mul3A_205 = arith.muli %arg1, %mul3A_204 : i32
    %add3A_206 = arith.constant 160 : i32
    %add3A_207 = arith.addi %mul3A_205, %add3A_206 : i32
    %dma_wait3A_208 = arith.constant 0 : i32
    %dma_wait3A_209 = tpu.memref_slice %arg14[%add3A_207, %dma_wait3A_208] : memref<10240x128xf32, #tpu.memory_space<vmem_shared>> -> memref<32x128xf32, #tpu.memory_space<vmem_shared>>
    %dma_wait3A_210 = arith.constant 0 : i32
    %dma_wait3A_211 = tpu.memref_slice %arg14[%add3A_207, %dma_wait3A_210] : memref<10240x128xf32, #tpu.memory_space<vmem_shared>> -> memref<32x128xf32, #tpu.memory_space<vmem_shared>>
    tpu.wait_dma2 semaphore(%arg16 : memref<!tpu.dma_semaphore, #tpu.memory_space<semaphore_mem>>) src(%arg10 : memref<32x128xf32, #tpu.memory_space<vmem>>) dst(%dma_wait3A_211 : memref<32x128xf32, #tpu.memory_space<vmem_shared>>)
    %mul3A_212 = arith.constant 640 : i32
    %mul3A_213 = arith.muli %arg1, %mul3A_212 : i32
    %add3A_214 = arith.constant 192 : i32
    %add3A_215 = arith.addi %mul3A_213, %add3A_214 : i32
    %dma_wait3A_216 = arith.constant 0 : i32
    %dma_wait3A_217 = tpu.memref_slice %arg14[%add3A_215, %dma_wait3A_216] : memref<10240x128xf32, #tpu.memory_space<vmem_shared>> -> memref<32x128xf32, #tpu.memory_space<vmem_shared>>
    %dma_wait3A_218 = arith.constant 0 : i32
    %dma_wait3A_219 = tpu.memref_slice %arg14[%add3A_215, %dma_wait3A_218] : memref<10240x128xf32, #tpu.memory_space<vmem_shared>> -> memref<32x128xf32, #tpu.memory_space<vmem_shared>>
    tpu.wait_dma2 semaphore(%arg17 : memref<!tpu.dma_semaphore, #tpu.memory_space<semaphore_mem>>) src(%arg10 : memref<32x128xf32, #tpu.memory_space<vmem>>) dst(%dma_wait3A_219 : memref<32x128xf32, #tpu.memory_space<vmem_shared>>)
    %mul3A_220 = arith.constant 640 : i32
    %mul3A_221 = arith.muli %arg1, %mul3A_220 : i32
    %add3A_222 = arith.constant 224 : i32
    %add3A_223 = arith.addi %mul3A_221, %add3A_222 : i32
    %dma_wait3A_224 = arith.constant 0 : i32
    %dma_wait3A_225 = tpu.memref_slice %arg14[%add3A_223, %dma_wait3A_224] : memref<10240x128xf32, #tpu.memory_space<vmem_shared>> -> memref<32x128xf32, #tpu.memory_space<vmem_shared>>
    %dma_wait3A_226 = arith.constant 0 : i32
    %dma_wait3A_227 = tpu.memref_slice %arg14[%add3A_223, %dma_wait3A_226] : memref<10240x128xf32, #tpu.memory_space<vmem_shared>> -> memref<32x128xf32, #tpu.memory_space<vmem_shared>>
    tpu.wait_dma2 semaphore(%arg18 : memref<!tpu.dma_semaphore, #tpu.memory_space<semaphore_mem>>) src(%arg10 : memref<32x128xf32, #tpu.memory_space<vmem>>) dst(%dma_wait3A_227 : memref<32x128xf32, #tpu.memory_space<vmem_shared>>)
    %mul3A_228 = arith.constant 640 : i32
    %mul3A_229 = arith.muli %arg1, %mul3A_228 : i32
    %add3A_230 = arith.constant 256 : i32
    %add3A_231 = arith.addi %mul3A_229, %add3A_230 : i32
    %dma_wait3A_232 = arith.constant 0 : i32
    %dma_wait3A_233 = tpu.memref_slice %arg14[%add3A_231, %dma_wait3A_232] : memref<10240x128xf32, #tpu.memory_space<vmem_shared>> -> memref<32x128xf32, #tpu.memory_space<vmem_shared>>
    %dma_wait3A_234 = arith.constant 0 : i32
    %dma_wait3A_235 = tpu.memref_slice %arg14[%add3A_231, %dma_wait3A_234] : memref<10240x128xf32, #tpu.memory_space<vmem_shared>> -> memref<32x128xf32, #tpu.memory_space<vmem_shared>>
    tpu.wait_dma2 semaphore(%arg15 : memref<!tpu.dma_semaphore, #tpu.memory_space<semaphore_mem>>) src(%arg10 : memref<32x128xf32, #tpu.memory_space<vmem>>) dst(%dma_wait3A_235 : memref<32x128xf32, #tpu.memory_space<vmem_shared>>)
    %mul3A_236 = arith.constant 640 : i32
    %mul3A_237 = arith.muli %arg1, %mul3A_236 : i32
    %add3A_238 = arith.constant 288 : i32
    %add3A_239 = arith.addi %mul3A_237, %add3A_238 : i32
    %dma_wait3A_240 = arith.constant 0 : i32
    %dma_wait3A_241 = tpu.memref_slice %arg14[%add3A_239, %dma_wait3A_240] : memref<10240x128xf32, #tpu.memory_space<vmem_shared>> -> memref<32x128xf32, #tpu.memory_space<vmem_shared>>
    %dma_wait3A_242 = arith.constant 0 : i32
    %dma_wait3A_243 = tpu.memref_slice %arg14[%add3A_239, %dma_wait3A_242] : memref<10240x128xf32, #tpu.memory_space<vmem_shared>> -> memref<32x128xf32, #tpu.memory_space<vmem_shared>>
    tpu.wait_dma2 semaphore(%arg16 : memref<!tpu.dma_semaphore, #tpu.memory_space<semaphore_mem>>) src(%arg10 : memref<32x128xf32, #tpu.memory_space<vmem>>) dst(%dma_wait3A_243 : memref<32x128xf32, #tpu.memory_space<vmem_shared>>)
    %mul3A_244 = arith.constant 640 : i32
    %mul3A_245 = arith.muli %arg1, %mul3A_244 : i32
    %add3A_246 = arith.constant 320 : i32
    %add3A_247 = arith.addi %mul3A_245, %add3A_246 : i32
    %dma_wait3A_248 = arith.constant 0 : i32
    %dma_wait3A_249 = tpu.memref_slice %arg14[%add3A_247, %dma_wait3A_248] : memref<10240x128xf32, #tpu.memory_space<vmem_shared>> -> memref<32x128xf32, #tpu.memory_space<vmem_shared>>
    %dma_wait3A_250 = arith.constant 0 : i32
    %dma_wait3A_251 = tpu.memref_slice %arg14[%add3A_247, %dma_wait3A_250] : memref<10240x128xf32, #tpu.memory_space<vmem_shared>> -> memref<32x128xf32, #tpu.memory_space<vmem_shared>>
    tpu.wait_dma2 semaphore(%arg17 : memref<!tpu.dma_semaphore, #tpu.memory_space<semaphore_mem>>) src(%arg10 : memref<32x128xf32, #tpu.memory_space<vmem>>) dst(%dma_wait3A_251 : memref<32x128xf32, #tpu.memory_space<vmem_shared>>)
    %mul3A_252 = arith.constant 640 : i32
    %mul3A_253 = arith.muli %arg1, %mul3A_252 : i32
    %add3A_254 = arith.constant 352 : i32
    %add3A_255 = arith.addi %mul3A_253, %add3A_254 : i32
    %dma_wait3A_256 = arith.constant 0 : i32
    %dma_wait3A_257 = tpu.memref_slice %arg14[%add3A_255, %dma_wait3A_256] : memref<10240x128xf32, #tpu.memory_space<vmem_shared>> -> memref<32x128xf32, #tpu.memory_space<vmem_shared>>
    %dma_wait3A_258 = arith.constant 0 : i32
    %dma_wait3A_259 = tpu.memref_slice %arg14[%add3A_255, %dma_wait3A_258] : memref<10240x128xf32, #tpu.memory_space<vmem_shared>> -> memref<32x128xf32, #tpu.memory_space<vmem_shared>>
    tpu.wait_dma2 semaphore(%arg18 : memref<!tpu.dma_semaphore, #tpu.memory_space<semaphore_mem>>) src(%arg10 : memref<32x128xf32, #tpu.memory_space<vmem>>) dst(%dma_wait3A_259 : memref<32x128xf32, #tpu.memory_space<vmem_shared>>)
    %mul3A_260 = arith.constant 640 : i32
    %mul3A_261 = arith.muli %arg1, %mul3A_260 : i32
    %add3A_262 = arith.constant 384 : i32
    %add3A_263 = arith.addi %mul3A_261, %add3A_262 : i32
    %dma_wait3A_264 = arith.constant 0 : i32
    %dma_wait3A_265 = tpu.memref_slice %arg14[%add3A_263, %dma_wait3A_264] : memref<10240x128xf32, #tpu.memory_space<vmem_shared>> -> memref<32x128xf32, #tpu.memory_space<vmem_shared>>
    %dma_wait3A_266 = arith.constant 0 : i32
    %dma_wait3A_267 = tpu.memref_slice %arg14[%add3A_263, %dma_wait3A_266] : memref<10240x128xf32, #tpu.memory_space<vmem_shared>> -> memref<32x128xf32, #tpu.memory_space<vmem_shared>>
    tpu.wait_dma2 semaphore(%arg15 : memref<!tpu.dma_semaphore, #tpu.memory_space<semaphore_mem>>) src(%arg10 : memref<32x128xf32, #tpu.memory_space<vmem>>) dst(%dma_wait3A_267 : memref<32x128xf32, #tpu.memory_space<vmem_shared>>)
    %mul3A_268 = arith.constant 640 : i32
    %mul3A_269 = arith.muli %arg1, %mul3A_268 : i32
    %add3A_270 = arith.constant 416 : i32
    %add3A_271 = arith.addi %mul3A_269, %add3A_270 : i32
    %dma_wait3A_272 = arith.constant 0 : i32
    %dma_wait3A_273 = tpu.memref_slice %arg14[%add3A_271, %dma_wait3A_272] : memref<10240x128xf32, #tpu.memory_space<vmem_shared>> -> memref<32x128xf32, #tpu.memory_space<vmem_shared>>
    %dma_wait3A_274 = arith.constant 0 : i32
    %dma_wait3A_275 = tpu.memref_slice %arg14[%add3A_271, %dma_wait3A_274] : memref<10240x128xf32, #tpu.memory_space<vmem_shared>> -> memref<32x128xf32, #tpu.memory_space<vmem_shared>>
    tpu.wait_dma2 semaphore(%arg16 : memref<!tpu.dma_semaphore, #tpu.memory_space<semaphore_mem>>) src(%arg10 : memref<32x128xf32, #tpu.memory_space<vmem>>) dst(%dma_wait3A_275 : memref<32x128xf32, #tpu.memory_space<vmem_shared>>)
    %mul3A_276 = arith.constant 640 : i32
    %mul3A_277 = arith.muli %arg1, %mul3A_276 : i32
    %add3A_278 = arith.constant 448 : i32
    %add3A_279 = arith.addi %mul3A_277, %add3A_278 : i32
    %dma_wait3A_280 = arith.constant 0 : i32
    %dma_wait3A_281 = tpu.memref_slice %arg14[%add3A_279, %dma_wait3A_280] : memref<10240x128xf32, #tpu.memory_space<vmem_shared>> -> memref<32x128xf32, #tpu.memory_space<vmem_shared>>
    %dma_wait3A_282 = arith.constant 0 : i32
    %dma_wait3A_283 = tpu.memref_slice %arg14[%add3A_279, %dma_wait3A_282] : memref<10240x128xf32, #tpu.memory_space<vmem_shared>> -> memref<32x128xf32, #tpu.memory_space<vmem_shared>>
    tpu.wait_dma2 semaphore(%arg17 : memref<!tpu.dma_semaphore, #tpu.memory_space<semaphore_mem>>) src(%arg10 : memref<32x128xf32, #tpu.memory_space<vmem>>) dst(%dma_wait3A_283 : memref<32x128xf32, #tpu.memory_space<vmem_shared>>)
    %mul3A_284 = arith.constant 640 : i32
    %mul3A_285 = arith.muli %arg1, %mul3A_284 : i32
    %add3A_286 = arith.constant 480 : i32
    %add3A_287 = arith.addi %mul3A_285, %add3A_286 : i32
    %dma_wait3A_288 = arith.constant 0 : i32
    %dma_wait3A_289 = tpu.memref_slice %arg14[%add3A_287, %dma_wait3A_288] : memref<10240x128xf32, #tpu.memory_space<vmem_shared>> -> memref<32x128xf32, #tpu.memory_space<vmem_shared>>
    %dma_wait3A_290 = arith.constant 0 : i32
    %dma_wait3A_291 = tpu.memref_slice %arg14[%add3A_287, %dma_wait3A_290] : memref<10240x128xf32, #tpu.memory_space<vmem_shared>> -> memref<32x128xf32, #tpu.memory_space<vmem_shared>>
    tpu.wait_dma2 semaphore(%arg18 : memref<!tpu.dma_semaphore, #tpu.memory_space<semaphore_mem>>) src(%arg10 : memref<32x128xf32, #tpu.memory_space<vmem>>) dst(%dma_wait3A_291 : memref<32x128xf32, #tpu.memory_space<vmem_shared>>)
    %mul3A_292 = arith.constant 640 : i32
    %mul3A_293 = arith.muli %arg1, %mul3A_292 : i32
    %add3A_294 = arith.constant 512 : i32
    %add3A_295 = arith.addi %mul3A_293, %add3A_294 : i32
    %dma_wait3A_296 = arith.constant 0 : i32
    %dma_wait3A_297 = tpu.memref_slice %arg14[%add3A_295, %dma_wait3A_296] : memref<10240x128xf32, #tpu.memory_space<vmem_shared>> -> memref<32x128xf32, #tpu.memory_space<vmem_shared>>
    %dma_wait3A_298 = arith.constant 0 : i32
    %dma_wait3A_299 = tpu.memref_slice %arg14[%add3A_295, %dma_wait3A_298] : memref<10240x128xf32, #tpu.memory_space<vmem_shared>> -> memref<32x128xf32, #tpu.memory_space<vmem_shared>>
    tpu.wait_dma2 semaphore(%arg15 : memref<!tpu.dma_semaphore, #tpu.memory_space<semaphore_mem>>) src(%arg10 : memref<32x128xf32, #tpu.memory_space<vmem>>) dst(%dma_wait3A_299 : memref<32x128xf32, #tpu.memory_space<vmem_shared>>)
    %mul3A_300 = arith.constant 640 : i32
    %mul3A_301 = arith.muli %arg1, %mul3A_300 : i32
    %add3A_302 = arith.constant 544 : i32
    %add3A_303 = arith.addi %mul3A_301, %add3A_302 : i32
    %dma_wait3A_304 = arith.constant 0 : i32
    %dma_wait3A_305 = tpu.memref_slice %arg14[%add3A_303, %dma_wait3A_304] : memref<10240x128xf32, #tpu.memory_space<vmem_shared>> -> memref<32x128xf32, #tpu.memory_space<vmem_shared>>
    %dma_wait3A_306 = arith.constant 0 : i32
    %dma_wait3A_307 = tpu.memref_slice %arg14[%add3A_303, %dma_wait3A_306] : memref<10240x128xf32, #tpu.memory_space<vmem_shared>> -> memref<32x128xf32, #tpu.memory_space<vmem_shared>>
    tpu.wait_dma2 semaphore(%arg16 : memref<!tpu.dma_semaphore, #tpu.memory_space<semaphore_mem>>) src(%arg10 : memref<32x128xf32, #tpu.memory_space<vmem>>) dst(%dma_wait3A_307 : memref<32x128xf32, #tpu.memory_space<vmem_shared>>)
    %mul3A_308 = arith.constant 640 : i32
    %mul3A_309 = arith.muli %arg1, %mul3A_308 : i32
    %add3A_310 = arith.constant 576 : i32
    %add3A_311 = arith.addi %mul3A_309, %add3A_310 : i32
    %dma_wait3A_312 = arith.constant 0 : i32
    %dma_wait3A_313 = tpu.memref_slice %arg14[%add3A_311, %dma_wait3A_312] : memref<10240x128xf32, #tpu.memory_space<vmem_shared>> -> memref<32x128xf32, #tpu.memory_space<vmem_shared>>
    %dma_wait3A_314 = arith.constant 0 : i32
    %dma_wait3A_315 = tpu.memref_slice %arg14[%add3A_311, %dma_wait3A_314] : memref<10240x128xf32, #tpu.memory_space<vmem_shared>> -> memref<32x128xf32, #tpu.memory_space<vmem_shared>>
    tpu.wait_dma2 semaphore(%arg17 : memref<!tpu.dma_semaphore, #tpu.memory_space<semaphore_mem>>) src(%arg10 : memref<32x128xf32, #tpu.memory_space<vmem>>) dst(%dma_wait3A_315 : memref<32x128xf32, #tpu.memory_space<vmem_shared>>)
    %mul3A_316 = arith.constant 640 : i32
    %mul3A_317 = arith.muli %arg1, %mul3A_316 : i32
    %add3A_318 = arith.constant 608 : i32
    %add3A_319 = arith.addi %mul3A_317, %add3A_318 : i32
    %dma_wait3A_320 = arith.constant 0 : i32
    %dma_wait3A_321 = tpu.memref_slice %arg14[%add3A_319, %dma_wait3A_320] : memref<10240x128xf32, #tpu.memory_space<vmem_shared>> -> memref<32x128xf32, #tpu.memory_space<vmem_shared>>
    %dma_wait3A_322 = arith.constant 0 : i32
    %dma_wait3A_323 = tpu.memref_slice %arg14[%add3A_319, %dma_wait3A_322] : memref<10240x128xf32, #tpu.memory_space<vmem_shared>> -> memref<32x128xf32, #tpu.memory_space<vmem_shared>>
    tpu.wait_dma2 semaphore(%arg18 : memref<!tpu.dma_semaphore, #tpu.memory_space<semaphore_mem>>) src(%arg10 : memref<32x128xf32, #tpu.memory_space<vmem>>) dst(%dma_wait3A_323 : memref<32x128xf32, #tpu.memory_space<vmem_shared>>)
    %barrier3A = arith.constant 0 : index
    tpu.barrier barrier_id(%barrier3A)
    %dma_start3A_324 = arith.constant 0 : i32
    %dma_start3A_325 = arith.constant 0 : i32
    %dma_start3A_326 = tpu.memref_slice %arg7[%dma_start3A_324, %dma_start3A_325] : memref<80x128xi32, #tpu.memory_space<vmem>> -> memref<1x32xi32, #tpu.memory_space<vmem>>
    %dma_start3A_327 = tpu.memref_squeeze %dma_start3A_326 : memref<1x32xi32, #tpu.memory_space<vmem>> -> memref<32xi32, #tpu.memory_space<vmem>>
    %dma_start3A_328 = arith.constant 0 : i32
    %dma_start3A_329 = arith.constant 0 : i32
    %dma_start3A_330 = tpu.memref_slice %arg2[%dma_start3A_328, %dma_start3A_329] : memref<10000x128xf32, #tpu.memory_space<hbm>> -> memref<10000x128xf32, #tpu.memory_space<hbm>>
    tpu.enqueue_indirect_dma source(%dma_start3A_330 : memref<10000x128xf32, #tpu.memory_space<hbm>>) target(%arg10 : memref<32x128xf32, #tpu.memory_space<vmem>>) offsets(%dma_start3A_327 : memref<32xi32, #tpu.memory_space<vmem>>) semaphore(%arg15 : memref<!tpu.dma_semaphore, #tpu.memory_space<semaphore_mem>>)
    %dma_start3A_331 = arith.constant 0 : i32
    %dma_start3A_332 = arith.constant 32 : i32
    %dma_start3A_333 = tpu.memref_slice %arg7[%dma_start3A_331, %dma_start3A_332] : memref<80x128xi32, #tpu.memory_space<vmem>> -> memref<1x32xi32, #tpu.memory_space<vmem>>
    %dma_start3A_334 = tpu.memref_squeeze %dma_start3A_333 : memref<1x32xi32, #tpu.memory_space<vmem>> -> memref<32xi32, #tpu.memory_space<vmem>>
    %dma_start3A_335 = arith.constant 0 : i32
    %dma_start3A_336 = arith.constant 0 : i32
    %dma_start3A_337 = tpu.memref_slice %arg2[%dma_start3A_335, %dma_start3A_336] : memref<10000x128xf32, #tpu.memory_space<hbm>> -> memref<10000x128xf32, #tpu.memory_space<hbm>>
    tpu.enqueue_indirect_dma source(%dma_start3A_337 : memref<10000x128xf32, #tpu.memory_space<hbm>>) target(%arg11 : memref<32x128xf32, #tpu.memory_space<vmem>>) offsets(%dma_start3A_334 : memref<32xi32, #tpu.memory_space<vmem>>) semaphore(%arg16 : memref<!tpu.dma_semaphore, #tpu.memory_space<semaphore_mem>>)
    %scan3A_338 = arith.constant 0 : i32
    %scan3A_339 = arith.constant 0 : i32
    %scan3A_340 = arith.constant 80 : i32
    %scan3A_341 = arith.addi %scan3A_339, %scan3A_340 : i32
    %scan3A_342 = arith.constant 1 : i32
    scf.for %scan3A_363 = %scan3A_339 to %scan3A_341 step %scan3A_342  : i32 {
      %mul3A_364 = arith.constant 4 : i32
      %mul3A_365 = arith.muli %scan3A_363, %mul3A_364 : i32
      %add3A_366 = arith.constant 0 : i32
      %add3A_367 = arith.addi %mul3A_365, %add3A_366 : i32
      %jit3A = arith.constant 4 : i32
      %div3A = arith.divsi %add3A_367, %jit3A : i32
      %sign3A = arith.constant 0 : i32
      %sign3A_368 = arith.cmpi sgt, %add3A_367, %sign3A : i32
      %sign3A_369 = arith.extui %sign3A_368 : i1 to i32
      %sign3A_370 = arith.constant 0 : i32
      %sign3A_371 = arith.cmpi slt, %add3A_367, %sign3A_370 : i32
      %sign3A_372 = arith.extui %sign3A_371 : i1 to i32
      %sign3A_373 = arith.subi %sign3A_369, %sign3A_372 : i32
      %sign3A_374 = arith.constant 0 : i32
      %sign3A_375 = arith.cmpi sgt, %jit3A, %sign3A_374 : i32
      %sign3A_376 = arith.extui %sign3A_375 : i1 to i32
      %sign3A_377 = arith.constant 0 : i32
      %sign3A_378 = arith.cmpi slt, %jit3A, %sign3A_377 : i32
      %sign3A_379 = arith.extui %sign3A_378 : i1 to i32
      %sign3A_380 = arith.subi %sign3A_376, %sign3A_379 : i32
      %ne3A = arith.cmpi ne, %sign3A_373, %sign3A_380 : i32
      %rem3A = arith.remsi %add3A_367, %jit3A : i32
      %ne3A_381 = arith.constant 0 : i32
      %ne3A_382 = arith.cmpi ne, %rem3A, %ne3A_381 : i32
      %and3A = arith.andi %ne3A, %ne3A_382 : i1
      %sub3A = arith.constant 1 : i32
      %sub3A_383 = arith.subi %div3A, %sub3A : i32
      %select_n3A = arith.select %and3A, %sub3A_383, %div3A : i32
      %jit3A_384 = arith.constant 4 : i32
      %eq3A = arith.constant 0 : i32
      %eq3A_385 = arith.cmpi eq, %jit3A_384, %eq3A : i32
      %jit3A_386 = arith.constant 1 : i32
      %select_n3A_387 = arith.select %eq3A_385, %jit3A_386, %jit3A_384 : i32
      %rem3A_388 = arith.remsi %add3A_367, %select_n3A_387 : i32
      %ne3A_389 = arith.constant 0 : i32
      %ne3A_390 = arith.cmpi ne, %rem3A_388, %ne3A_389 : i32
      %lt3A = arith.constant 0 : i32
      %lt3A_391 = arith.cmpi slt, %rem3A_388, %lt3A : i32
      %lt3A_392 = arith.constant 0 : i32
      %lt3A_393 = arith.cmpi slt, %select_n3A_387, %lt3A_392 : i32
      %ne3A_394 = arith.xori %lt3A_391, %lt3A_393 : i1
      %and3A_395 = arith.andi %ne3A_394, %ne3A_390 : i1
      %add3A_396 = arith.addi %rem3A_388, %select_n3A_387 : i32
      %select_n3A_397 = arith.select %and3A_395, %add3A_396, %rem3A_388 : i32
      %mul3A_398 = arith.constant 32 : i32
      %mul3A_399 = arith.muli %select_n3A_397, %mul3A_398 : i32
      %jit3A_400 = arith.constant 4 : i32
      %div3A_401 = arith.divsi %add3A_367, %jit3A_400 : i32
      %sign3A_402 = arith.constant 0 : i32
      %sign3A_403 = arith.cmpi sgt, %add3A_367, %sign3A_402 : i32
      %sign3A_404 = arith.extui %sign3A_403 : i1 to i32
      %sign3A_405 = arith.constant 0 : i32
      %sign3A_406 = arith.cmpi slt, %add3A_367, %sign3A_405 : i32
      %sign3A_407 = arith.extui %sign3A_406 : i1 to i32
      %sign3A_408 = arith.subi %sign3A_404, %sign3A_407 : i32
      %sign3A_409 = arith.constant 0 : i32
      %sign3A_410 = arith.cmpi sgt, %jit3A_400, %sign3A_409 : i32
      %sign3A_411 = arith.extui %sign3A_410 : i1 to i32
      %sign3A_412 = arith.constant 0 : i32
      %sign3A_413 = arith.cmpi slt, %jit3A_400, %sign3A_412 : i32
      %sign3A_414 = arith.extui %sign3A_413 : i1 to i32
      %sign3A_415 = arith.subi %sign3A_411, %sign3A_414 : i32
      %ne3A_416 = arith.cmpi ne, %sign3A_408, %sign3A_415 : i32
      %rem3A_417 = arith.remsi %add3A_367, %jit3A_400 : i32
      %ne3A_418 = arith.constant 0 : i32
      %ne3A_419 = arith.cmpi ne, %rem3A_417, %ne3A_418 : i32
      %and3A_420 = arith.andi %ne3A_416, %ne3A_419 : i1
      %sub3A_421 = arith.constant 1 : i32
      %sub3A_422 = arith.subi %div3A_401, %sub3A_421 : i32
      %select_n3A_423 = arith.select %and3A_420, %sub3A_422, %div3A_401 : i32
      %jit3A_424 = arith.constant 4 : i32
      %eq3A_425 = arith.constant 0 : i32
      %eq3A_426 = arith.cmpi eq, %jit3A_424, %eq3A_425 : i32
      %jit3A_427 = arith.constant 1 : i32
      %select_n3A_428 = arith.select %eq3A_426, %jit3A_427, %jit3A_424 : i32
      %rem3A_429 = arith.remsi %add3A_367, %select_n3A_428 : i32
      %ne3A_430 = arith.constant 0 : i32
      %ne3A_431 = arith.cmpi ne, %rem3A_429, %ne3A_430 : i32
      %lt3A_432 = arith.constant 0 : i32
      %lt3A_433 = arith.cmpi slt, %rem3A_429, %lt3A_432 : i32
      %lt3A_434 = arith.constant 0 : i32
      %lt3A_435 = arith.cmpi slt, %select_n3A_428, %lt3A_434 : i32
      %ne3A_436 = arith.xori %lt3A_433, %lt3A_435 : i1
      %and3A_437 = arith.andi %ne3A_436, %ne3A_431 : i1
      %add3A_438 = arith.addi %rem3A_429, %select_n3A_428 : i32
      %select_n3A_439 = arith.select %and3A_437, %add3A_438, %rem3A_429 : i32
      %mul3A_440 = arith.constant 32 : i32
      %mul3A_441 = arith.muli %select_n3A_439, %mul3A_440 : i32
      %dma_wait3A_442 = tpu.memref_slice %arg7[%select_n3A_423, %mul3A_441] : memref<80x128xi32, #tpu.memory_space<vmem>> -> memref<1x32xi32, #tpu.memory_space<vmem>>
      %dma_wait3A_443 = tpu.memref_squeeze %dma_wait3A_442 : memref<1x32xi32, #tpu.memory_space<vmem>> -> memref<32xi32, #tpu.memory_space<vmem>>
      %dma_wait3A_444 = arith.constant 0 : i32
      %dma_wait3A_445 = arith.constant 0 : i32
      %dma_wait3A_446 = tpu.memref_slice %arg2[%dma_wait3A_444, %dma_wait3A_445] : memref<10000x128xf32, #tpu.memory_space<hbm>> -> memref<10000x128xf32, #tpu.memory_space<hbm>>
      tpu.wait_indirect_dma semaphore(%arg15 : memref<!tpu.dma_semaphore, #tpu.memory_space<semaphore_mem>>) src(%dma_wait3A_446 : memref<10000x128xf32, #tpu.memory_space<hbm>>) dst(%arg10 : memref<32x128xf32, #tpu.memory_space<vmem>>)
      %broadcast_in_dim3A = vector.broadcast %select_n3A : i32 to vector<16xi32>
      %broadcast_in_dim3A_447 = vector.broadcast %mul3A_399 : i32 to vector<16xi32>
      %scan3A_448 = arith.constant 0 : i32
      %scan3A_449 = arith.constant 0 : i32
      %scan3A_450 = arith.constant 32 : i32
      %scan3A_451 = arith.addi %scan3A_449, %scan3A_450 : i32
      %scan3A_452 = arith.constant 1 : i32
      scf.for %scan3A_1158 = %scan3A_449 to %scan3A_451 step %scan3A_452  : i32 {
        %broadcast_in_dim3A_1159 = vector.broadcast %scan3A_1158 : i32 to vector<16xi32>
        %add3A_1160 = arith.addi %broadcast_in_dim3A_447, %broadcast_in_dim3A_1159 : vector<16xi32>
        %gather3A = tpu.vector_load_idx %arg9[%broadcast_in_dim3A, %add3A_1160] : memref<80x128xf32, #tpu.memory_space<vmem>>[vector<16xi32>, vector<16xi32>], vector<16xf32>,
        %get3A = arith.index_cast %scan3A_1158 : i32 to index
        %get3A_1161 = arith.constant 0 : index
        %get3A_1162 = tpu.vector_load %arg10[%get3A, %get3A_1161] {strides = array<i32>} : memref<32x128xf32, #tpu.memory_space<vmem>>, vector<16xf32>,
        %mul3A_1163 = arith.mulf %get3A_1162, %gather3A : vector<16xf32>
        %swap3A = arith.index_cast %scan3A_1158 : i32 to index
        %swap3A_1164 = arith.constant 0 : index
        %swap3A_1165 = tpu.vector_load %arg10[%swap3A, %swap3A_1164] {strides = array<i32>} : memref<32x128xf32, #tpu.memory_space<vmem>>, vector<16xf32>,
        tpu.vector_store %arg10[%swap3A, %swap3A_1164], %mul3A_1163 {strides = array<i32>} : memref<32x128xf32, #tpu.memory_space<vmem>>, vector<16xf32>,
        %get3A_1166 = arith.index_cast %scan3A_1158 : i32 to index
        %get3A_1167 = arith.constant 16 : index
        %get3A_1168 = tpu.vector_load %arg10[%get3A_1166, %get3A_1167] {strides = array<i32>} : memref<32x128xf32, #tpu.memory_space<vmem>>, vector<16xf32>,
        %mul3A_1169 = arith.mulf %get3A_1168, %gather3A : vector<16xf32>
        %swap3A_1170 = arith.index_cast %scan3A_1158 : i32 to index
        %swap3A_1171 = arith.constant 16 : index
        %swap3A_1172 = tpu.vector_load %arg10[%swap3A_1170, %swap3A_1171] {strides = array<i32>} : memref<32x128xf32, #tpu.memory_space<vmem>>, vector<16xf32>,
        tpu.vector_store %arg10[%swap3A_1170, %swap3A_1171], %mul3A_1169 {strides = array<i32>} : memref<32x128xf32, #tpu.memory_space<vmem>>, vector<16xf32>,
        %get3A_1173 = arith.index_cast %scan3A_1158 : i32 to index
        %get3A_1174 = arith.constant 32 : index
        %get3A_1175 = tpu.vector_load %arg10[%get3A_1173, %get3A_1174] {strides = array<i32>} : memref<32x128xf32, #tpu.memory_space<vmem>>, vector<16xf32>,
        %mul3A_1176 = arith.mulf %get3A_1175, %gather3A : vector<16xf32>
        %swap3A_1177 = arith.index_cast %scan3A_1158 : i32 to index
        %swap3A_1178 = arith.constant 32 : index
        %swap3A_1179 = tpu.vector_load %arg10[%swap3A_1177, %swap3A_1178] {strides = array<i32>} : memref<32x128xf32, #tpu.memory_space<vmem>>, vector<16xf32>,
        tpu.vector_store %arg10[%swap3A_1177, %swap3A_1178], %mul3A_1176 {strides = array<i32>} : memref<32x128xf32, #tpu.memory_space<vmem>>, vector<16xf32>,
        %get3A_1180 = arith.index_cast %scan3A_1158 : i32 to index
        %get3A_1181 = arith.constant 48 : index
        %get3A_1182 = tpu.vector_load %arg10[%get3A_1180, %get3A_1181] {strides = array<i32>} : memref<32x128xf32, #tpu.memory_space<vmem>>, vector<16xf32>,
        %mul3A_1183 = arith.mulf %get3A_1182, %gather3A : vector<16xf32>
        %swap3A_1184 = arith.index_cast %scan3A_1158 : i32 to index
        %swap3A_1185 = arith.constant 48 : index
        %swap3A_1186 = tpu.vector_load %arg10[%swap3A_1184, %swap3A_1185] {strides = array<i32>} : memref<32x128xf32, #tpu.memory_space<vmem>>, vector<16xf32>,
        tpu.vector_store %arg10[%swap3A_1184, %swap3A_1185], %mul3A_1183 {strides = array<i32>} : memref<32x128xf32, #tpu.memory_space<vmem>>, vector<16xf32>,
        %get3A_1187 = arith.index_cast %scan3A_1158 : i32 to index
        %get3A_1188 = arith.constant 64 : index
        %get3A_1189 = tpu.vector_load %arg10[%get3A_1187, %get3A_1188] {strides = array<i32>} : memref<32x128xf32, #tpu.memory_space<vmem>>, vector<16xf32>,
        %mul3A_1190 = arith.mulf %get3A_1189, %gather3A : vector<16xf32>
        %swap3A_1191 = arith.index_cast %scan3A_1158 : i32 to index
        %swap3A_1192 = arith.constant 64 : index
        %swap3A_1193 = tpu.vector_load %arg10[%swap3A_1191, %swap3A_1192] {strides = array<i32>} : memref<32x128xf32, #tpu.memory_space<vmem>>, vector<16xf32>,
        tpu.vector_store %arg10[%swap3A_1191, %swap3A_1192], %mul3A_1190 {strides = array<i32>} : memref<32x128xf32, #tpu.memory_space<vmem>>, vector<16xf32>,
        %get3A_1194 = arith.index_cast %scan3A_1158 : i32 to index
        %get3A_1195 = arith.constant 80 : index
        %get3A_1196 = tpu.vector_load %arg10[%get3A_1194, %get3A_1195] {strides = array<i32>} : memref<32x128xf32, #tpu.memory_space<vmem>>, vector<16xf32>,
        %mul3A_1197 = arith.mulf %get3A_1196, %gather3A : vector<16xf32>
        %swap3A_1198 = arith.index_cast %scan3A_1158 : i32 to index
        %swap3A_1199 = arith.constant 80 : index
        %swap3A_1200 = tpu.vector_load %arg10[%swap3A_1198, %swap3A_1199] {strides = array<i32>} : memref<32x128xf32, #tpu.memory_space<vmem>>, vector<16xf32>,
        tpu.vector_store %arg10[%swap3A_1198, %swap3A_1199], %mul3A_1197 {strides = array<i32>} : memref<32x128xf32, #tpu.memory_space<vmem>>, vector<16xf32>,
        %get3A_1201 = arith.index_cast %scan3A_1158 : i32 to index
        %get3A_1202 = arith.constant 96 : index
        %get3A_1203 = tpu.vector_load %arg10[%get3A_1201, %get3A_1202] {strides = array<i32>} : memref<32x128xf32, #tpu.memory_space<vmem>>, vector<16xf32>,
        %mul3A_1204 = arith.mulf %get3A_1203, %gather3A : vector<16xf32>
        %swap3A_1205 = arith.index_cast %scan3A_1158 : i32 to index
        %swap3A_1206 = arith.constant 96 : index
        %swap3A_1207 = tpu.vector_load %arg10[%swap3A_1205, %swap3A_1206] {strides = array<i32>} : memref<32x128xf32, #tpu.memory_space<vmem>>, vector<16xf32>,
        tpu.vector_store %arg10[%swap3A_1205, %swap3A_1206], %mul3A_1204 {strides = array<i32>} : memref<32x128xf32, #tpu.memory_space<vmem>>, vector<16xf32>,
        %get3A_1208 = arith.index_cast %scan3A_1158 : i32 to index
        %get3A_1209 = arith.constant 112 : index
        %get3A_1210 = tpu.vector_load %arg10[%get3A_1208, %get3A_1209] {strides = array<i32>} : memref<32x128xf32, #tpu.memory_space<vmem>>, vector<16xf32>,
        %mul3A_1211 = arith.mulf %get3A_1210, %gather3A : vector<16xf32>
        %swap3A_1212 = arith.index_cast %scan3A_1158 : i32 to index
        %swap3A_1213 = arith.constant 112 : index
        %swap3A_1214 = tpu.vector_load %arg10[%swap3A_1212, %swap3A_1213] {strides = array<i32>} : memref<32x128xf32, #tpu.memory_space<vmem>>, vector<16xf32>,
        tpu.vector_store %arg10[%swap3A_1212, %swap3A_1213], %mul3A_1211 {strides = array<i32>} : memref<32x128xf32, #tpu.memory_space<vmem>>, vector<16xf32>,
      }
      %scan3A_453 = arith.constant 32 : i32
      %jit3A_454 = arith.constant 4 : i32
      %div3A_455 = arith.divsi %add3A_367, %jit3A_454 : i32
      %sign3A_456 = arith.constant 0 : i32
      %sign3A_457 = arith.cmpi sgt, %add3A_367, %sign3A_456 : i32
      %sign3A_458 = arith.extui %sign3A_457 : i1 to i32
      %sign3A_459 = arith.constant 0 : i32
      %sign3A_460 = arith.cmpi slt, %add3A_367, %sign3A_459 : i32
      %sign3A_461 = arith.extui %sign3A_460 : i1 to i32
      %sign3A_462 = arith.subi %sign3A_458, %sign3A_461 : i32
      %sign3A_463 = arith.constant 0 : i32
      %sign3A_464 = arith.cmpi sgt, %jit3A_454, %sign3A_463 : i32
      %sign3A_465 = arith.extui %sign3A_464 : i1 to i32
      %sign3A_466 = arith.constant 0 : i32
      %sign3A_467 = arith.cmpi slt, %jit3A_454, %sign3A_466 : i32
      %sign3A_468 = arith.extui %sign3A_467 : i1 to i32
      %sign3A_469 = arith.subi %sign3A_465, %sign3A_468 : i32
      %ne3A_470 = arith.cmpi ne, %sign3A_462, %sign3A_469 : i32
      %rem3A_471 = arith.remsi %add3A_367, %jit3A_454 : i32
      %ne3A_472 = arith.constant 0 : i32
      %ne3A_473 = arith.cmpi ne, %rem3A_471, %ne3A_472 : i32
      %and3A_474 = arith.andi %ne3A_470, %ne3A_473 : i1
      %sub3A_475 = arith.constant 1 : i32
      %sub3A_476 = arith.subi %div3A_455, %sub3A_475 : i32
      %select_n3A_477 = arith.select %and3A_474, %sub3A_476, %div3A_455 : i32
      %jit3A_478 = arith.constant 4 : i32
      %eq3A_479 = arith.constant 0 : i32
      %eq3A_480 = arith.cmpi eq, %jit3A_478, %eq3A_479 : i32
      %jit3A_481 = arith.constant 1 : i32
      %select_n3A_482 = arith.select %eq3A_480, %jit3A_481, %jit3A_478 : i32
      %rem3A_483 = arith.remsi %add3A_367, %select_n3A_482 : i32
      %ne3A_484 = arith.constant 0 : i32
      %ne3A_485 = arith.cmpi ne, %rem3A_483, %ne3A_484 : i32
      %lt3A_486 = arith.constant 0 : i32
      %lt3A_487 = arith.cmpi slt, %rem3A_483, %lt3A_486 : i32
      %lt3A_488 = arith.constant 0 : i32
      %lt3A_489 = arith.cmpi slt, %select_n3A_482, %lt3A_488 : i32
      %ne3A_490 = arith.xori %lt3A_487, %lt3A_489 : i1
      %and3A_491 = arith.andi %ne3A_490, %ne3A_485 : i1
      %add3A_492 = arith.addi %rem3A_483, %select_n3A_482 : i32
      %select_n3A_493 = arith.select %and3A_491, %add3A_492, %rem3A_483 : i32
      %mul3A_494 = arith.constant 32 : i32
      %mul3A_495 = arith.muli %select_n3A_493, %mul3A_494 : i32
      %dma_start3A_496 = tpu.memref_slice %arg8[%select_n3A_477, %mul3A_495] : memref<80x128xi32, #tpu.memory_space<vmem>> -> memref<1x32xi32, #tpu.memory_space<vmem>>
      %dma_start3A_497 = tpu.memref_squeeze %dma_start3A_496 : memref<1x32xi32, #tpu.memory_space<vmem>> -> memref<32xi32, #tpu.memory_space<vmem>>
      %dma_start3A_498 = arith.constant 0 : i32
      %dma_start3A_499 = arith.constant 0 : i32
      %dma_start3A_500 = tpu.memref_slice %arg14[%dma_start3A_498, %dma_start3A_499] : memref<10240x128xf32, #tpu.memory_space<vmem_shared>> -> memref<10240x128xf32, #tpu.memory_space<vmem_shared>>
      tpu.enqueue_indirect_dma source(%arg10 : memref<32x128xf32, #tpu.memory_space<vmem>>) target(%dma_start3A_500 : memref<10240x128xf32, #tpu.memory_space<vmem_shared>>) offsets(%dma_start3A_497 : memref<32xi32, #tpu.memory_space<vmem>>) semaphore(%arg19 : memref<!tpu.dma_semaphore, #tpu.memory_space<semaphore_mem>>) {add = true}
      %gt3A = arith.constant 0 : i32
      %gt3A_501 = arith.cmpi sgt, %scan3A_363, %gt3A : i32
      %convert_element_type3A = arith.extui %gt3A_501 : i1 to i32
      %cond3A = arith.constant 0 : i32
      %cond3A_502 = arith.cmpi ne, %convert_element_type3A, %cond3A : i32
      scf.if %cond3A_502 {
        %sub3A_1158 = arith.constant 2 : i32
        %sub3A_1159 = arith.subi %add3A_367, %sub3A_1158 : i32
        %jit3A_1160 = arith.constant 4 : i32
        %div3A_1161 = arith.divsi %sub3A_1159, %jit3A_1160 : i32
        %sign3A_1162 = arith.constant 0 : i32
        %sign3A_1163 = arith.cmpi sgt, %sub3A_1159, %sign3A_1162 : i32
        %sign3A_1164 = arith.extui %sign3A_1163 : i1 to i32
        %sign3A_1165 = arith.constant 0 : i32
        %sign3A_1166 = arith.cmpi slt, %sub3A_1159, %sign3A_1165 : i32
        %sign3A_1167 = arith.extui %sign3A_1166 : i1 to i32
        %sign3A_1168 = arith.subi %sign3A_1164, %sign3A_1167 : i32
        %sign3A_1169 = arith.constant 0 : i32
        %sign3A_1170 = arith.cmpi sgt, %jit3A_1160, %sign3A_1169 : i32
        %sign3A_1171 = arith.extui %sign3A_1170 : i1 to i32
        %sign3A_1172 = arith.constant 0 : i32
        %sign3A_1173 = arith.cmpi slt, %jit3A_1160, %sign3A_1172 : i32
        %sign3A_1174 = arith.extui %sign3A_1173 : i1 to i32
        %sign3A_1175 = arith.subi %sign3A_1171, %sign3A_1174 : i32
        %ne3A_1176 = arith.cmpi ne, %sign3A_1168, %sign3A_1175 : i32
        %rem3A_1177 = arith.remsi %sub3A_1159, %jit3A_1160 : i32
        %ne3A_1178 = arith.constant 0 : i32
        %ne3A_1179 = arith.cmpi ne, %rem3A_1177, %ne3A_1178 : i32
        %and3A_1180 = arith.andi %ne3A_1176, %ne3A_1179 : i1
        %sub3A_1181 = arith.constant 1 : i32
        %sub3A_1182 = arith.subi %div3A_1161, %sub3A_1181 : i32
        %select_n3A_1183 = arith.select %and3A_1180, %sub3A_1182, %div3A_1161 : i32
        %jit3A_1184 = arith.constant 4 : i32
        %eq3A_1185 = arith.constant 0 : i32
        %eq3A_1186 = arith.cmpi eq, %jit3A_1184, %eq3A_1185 : i32
        %jit3A_1187 = arith.constant 1 : i32
        %select_n3A_1188 = arith.select %eq3A_1186, %jit3A_1187, %jit3A_1184 : i32
        %rem3A_1189 = arith.remsi %sub3A_1159, %select_n3A_1188 : i32
        %ne3A_1190 = arith.constant 0 : i32
        %ne3A_1191 = arith.cmpi ne, %rem3A_1189, %ne3A_1190 : i32
        %lt3A_1192 = arith.constant 0 : i32
        %lt3A_1193 = arith.cmpi slt, %rem3A_1189, %lt3A_1192 : i32
        %lt3A_1194 = arith.constant 0 : i32
        %lt3A_1195 = arith.cmpi slt, %select_n3A_1188, %lt3A_1194 : i32
        %ne3A_1196 = arith.xori %lt3A_1193, %lt3A_1195 : i1
        %and3A_1197 = arith.andi %ne3A_1196, %ne3A_1191 : i1
        %add3A_1198 = arith.addi %rem3A_1189, %select_n3A_1188 : i32
        %select_n3A_1199 = arith.select %and3A_1197, %add3A_1198, %rem3A_1189 : i32
        %mul3A_1200 = arith.constant 32 : i32
        %mul3A_1201 = arith.muli %select_n3A_1199, %mul3A_1200 : i32
        %dma_wait3A_1202 = tpu.memref_slice %arg8[%select_n3A_1183, %mul3A_1201] : memref<80x128xi32, #tpu.memory_space<vmem>> -> memref<1x32xi32, #tpu.memory_space<vmem>>
        %dma_wait3A_1203 = tpu.memref_squeeze %dma_wait3A_1202 : memref<1x32xi32, #tpu.memory_space<vmem>> -> memref<32xi32, #tpu.memory_space<vmem>>
        %dma_wait3A_1204 = arith.constant 0 : i32
        %dma_wait3A_1205 = arith.constant 0 : i32
        %dma_wait3A_1206 = tpu.memref_slice %arg14[%dma_wait3A_1204, %dma_wait3A_1205] : memref<10240x128xf32, #tpu.memory_space<vmem_shared>> -> memref<10240x128xf32, #tpu.memory_space<vmem_shared>>
        tpu.wait_indirect_dma semaphore(%arg21 : memref<!tpu.dma_semaphore, #tpu.memory_space<semaphore_mem>>) src(%arg12 : memref<32x128xf32, #tpu.memory_space<vmem>>) dst(%dma_wait3A_1206 : memref<10240x128xf32, #tpu.memory_space<vmem_shared>>)
      } else {
      }
      %add3A_503 = arith.constant 2 : i32
      %add3A_504 = arith.addi %add3A_367, %add3A_503 : i32
      %jit3A_505 = arith.constant 4 : i32
      %div3A_506 = arith.divsi %add3A_504, %jit3A_505 : i32
      %sign3A_507 = arith.constant 0 : i32
      %sign3A_508 = arith.cmpi sgt, %add3A_504, %sign3A_507 : i32
      %sign3A_509 = arith.extui %sign3A_508 : i1 to i32
      %sign3A_510 = arith.constant 0 : i32
      %sign3A_511 = arith.cmpi slt, %add3A_504, %sign3A_510 : i32
      %sign3A_512 = arith.extui %sign3A_511 : i1 to i32
      %sign3A_513 = arith.subi %sign3A_509, %sign3A_512 : i32
      %sign3A_514 = arith.constant 0 : i32
      %sign3A_515 = arith.cmpi sgt, %jit3A_505, %sign3A_514 : i32
      %sign3A_516 = arith.extui %sign3A_515 : i1 to i32
      %sign3A_517 = arith.constant 0 : i32
      %sign3A_518 = arith.cmpi slt, %jit3A_505, %sign3A_517 : i32
      %sign3A_519 = arith.extui %sign3A_518 : i1 to i32
      %sign3A_520 = arith.subi %sign3A_516, %sign3A_519 : i32
      %ne3A_521 = arith.cmpi ne, %sign3A_513, %sign3A_520 : i32
      %rem3A_522 = arith.remsi %add3A_504, %jit3A_505 : i32
      %ne3A_523 = arith.constant 0 : i32
      %ne3A_524 = arith.cmpi ne, %rem3A_522, %ne3A_523 : i32
      %and3A_525 = arith.andi %ne3A_521, %ne3A_524 : i1
      %sub3A_526 = arith.constant 1 : i32
      %sub3A_527 = arith.subi %div3A_506, %sub3A_526 : i32
      %select_n3A_528 = arith.select %and3A_525, %sub3A_527, %div3A_506 : i32
      %jit3A_529 = arith.constant 4 : i32
      %eq3A_530 = arith.constant 0 : i32
      %eq3A_531 = arith.cmpi eq, %jit3A_529, %eq3A_530 : i32
      %jit3A_532 = arith.constant 1 : i32
      %select_n3A_533 = arith.select %eq3A_531, %jit3A_532, %jit3A_529 : i32
      %rem3A_534 = arith.remsi %add3A_504, %select_n3A_533 : i32
      %ne3A_535 = arith.constant 0 : i32
      %ne3A_536 = arith.cmpi ne, %rem3A_534, %ne3A_535 : i32
      %lt3A_537 = arith.constant 0 : i32
      %lt3A_538 = arith.cmpi slt, %rem3A_534, %lt3A_537 : i32
      %lt3A_539 = arith.constant 0 : i32
      %lt3A_540 = arith.cmpi slt, %select_n3A_533, %lt3A_539 : i32
      %ne3A_541 = arith.xori %lt3A_538, %lt3A_540 : i1
      %and3A_542 = arith.andi %ne3A_541, %ne3A_536 : i1
      %add3A_543 = arith.addi %rem3A_534, %select_n3A_533 : i32
      %select_n3A_544 = arith.select %and3A_542, %add3A_543, %rem3A_534 : i32
      %mul3A_545 = arith.constant 32 : i32
      %mul3A_546 = arith.muli %select_n3A_544, %mul3A_545 : i32
      %dma_start3A_547 = tpu.memref_slice %arg7[%select_n3A_528, %mul3A_546] : memref<80x128xi32, #tpu.memory_space<vmem>> -> memref<1x32xi32, #tpu.memory_space<vmem>>
      %dma_start3A_548 = tpu.memref_squeeze %dma_start3A_547 : memref<1x32xi32, #tpu.memory_space<vmem>> -> memref<32xi32, #tpu.memory_space<vmem>>
      %dma_start3A_549 = arith.constant 0 : i32
      %dma_start3A_550 = arith.constant 0 : i32
      %dma_start3A_551 = tpu.memref_slice %arg2[%dma_start3A_549, %dma_start3A_550] : memref<10000x128xf32, #tpu.memory_space<hbm>> -> memref<10000x128xf32, #tpu.memory_space<hbm>>
      tpu.enqueue_indirect_dma source(%dma_start3A_551 : memref<10000x128xf32, #tpu.memory_space<hbm>>) target(%arg12 : memref<32x128xf32, #tpu.memory_space<vmem>>) offsets(%dma_start3A_548 : memref<32xi32, #tpu.memory_space<vmem>>) semaphore(%arg17 : memref<!tpu.dma_semaphore, #tpu.memory_space<semaphore_mem>>)
      %mul3A_552 = arith.constant 4 : i32
      %mul3A_553 = arith.muli %scan3A_363, %mul3A_552 : i32
      %add3A_554 = arith.constant 1 : i32
      %add3A_555 = arith.addi %mul3A_553, %add3A_554 : i32
      %jit3A_556 = arith.constant 4 : i32
      %div3A_557 = arith.divsi %add3A_555, %jit3A_556 : i32
      %sign3A_558 = arith.constant 0 : i32
      %sign3A_559 = arith.cmpi sgt, %add3A_555, %sign3A_558 : i32
      %sign3A_560 = arith.extui %sign3A_559 : i1 to i32
      %sign3A_561 = arith.constant 0 : i32
      %sign3A_562 = arith.cmpi slt, %add3A_555, %sign3A_561 : i32
      %sign3A_563 = arith.extui %sign3A_562 : i1 to i32
      %sign3A_564 = arith.subi %sign3A_560, %sign3A_563 : i32
      %sign3A_565 = arith.constant 0 : i32
      %sign3A_566 = arith.cmpi sgt, %jit3A_556, %sign3A_565 : i32
      %sign3A_567 = arith.extui %sign3A_566 : i1 to i32
      %sign3A_568 = arith.constant 0 : i32
      %sign3A_569 = arith.cmpi slt, %jit3A_556, %sign3A_568 : i32
      %sign3A_570 = arith.extui %sign3A_569 : i1 to i32
      %sign3A_571 = arith.subi %sign3A_567, %sign3A_570 : i32
      %ne3A_572 = arith.cmpi ne, %sign3A_564, %sign3A_571 : i32
      %rem3A_573 = arith.remsi %add3A_555, %jit3A_556 : i32
      %ne3A_574 = arith.constant 0 : i32
      %ne3A_575 = arith.cmpi ne, %rem3A_573, %ne3A_574 : i32
      %and3A_576 = arith.andi %ne3A_572, %ne3A_575 : i1
      %sub3A_577 = arith.constant 1 : i32
      %sub3A_578 = arith.subi %div3A_557, %sub3A_577 : i32
      %select_n3A_579 = arith.select %and3A_576, %sub3A_578, %div3A_557 : i32
      %jit3A_580 = arith.constant 4 : i32
      %eq3A_581 = arith.constant 0 : i32
      %eq3A_582 = arith.cmpi eq, %jit3A_580, %eq3A_581 : i32
      %jit3A_583 = arith.constant 1 : i32
      %select_n3A_584 = arith.select %eq3A_582, %jit3A_583, %jit3A_580 : i32
      %rem3A_585 = arith.remsi %add3A_555, %select_n3A_584 : i32
      %ne3A_586 = arith.constant 0 : i32
      %ne3A_587 = arith.cmpi ne, %rem3A_585, %ne3A_586 : i32
      %lt3A_588 = arith.constant 0 : i32
      %lt3A_589 = arith.cmpi slt, %rem3A_585, %lt3A_588 : i32
      %lt3A_590 = arith.constant 0 : i32
      %lt3A_591 = arith.cmpi slt, %select_n3A_584, %lt3A_590 : i32
      %ne3A_592 = arith.xori %lt3A_589, %lt3A_591 : i1
      %and3A_593 = arith.andi %ne3A_592, %ne3A_587 : i1
      %add3A_594 = arith.addi %rem3A_585, %select_n3A_584 : i32
      %select_n3A_595 = arith.select %and3A_593, %add3A_594, %rem3A_585 : i32
      %mul3A_596 = arith.constant 32 : i32
      %mul3A_597 = arith.muli %select_n3A_595, %mul3A_596 : i32
      %jit3A_598 = arith.constant 4 : i32
      %div3A_599 = arith.divsi %add3A_555, %jit3A_598 : i32
      %sign3A_600 = arith.constant 0 : i32
      %sign3A_601 = arith.cmpi sgt, %add3A_555, %sign3A_600 : i32
      %sign3A_602 = arith.extui %sign3A_601 : i1 to i32
      %sign3A_603 = arith.constant 0 : i32
      %sign3A_604 = arith.cmpi slt, %add3A_555, %sign3A_603 : i32
      %sign3A_605 = arith.extui %sign3A_604 : i1 to i32
      %sign3A_606 = arith.subi %sign3A_602, %sign3A_605 : i32
      %sign3A_607 = arith.constant 0 : i32
      %sign3A_608 = arith.cmpi sgt, %jit3A_598, %sign3A_607 : i32
      %sign3A_609 = arith.extui %sign3A_608 : i1 to i32
      %sign3A_610 = arith.constant 0 : i32
      %sign3A_611 = arith.cmpi slt, %jit3A_598, %sign3A_610 : i32
      %sign3A_612 = arith.extui %sign3A_611 : i1 to i32
      %sign3A_613 = arith.subi %sign3A_609, %sign3A_612 : i32
      %ne3A_614 = arith.cmpi ne, %sign3A_606, %sign3A_613 : i32
      %rem3A_615 = arith.remsi %add3A_555, %jit3A_598 : i32
      %ne3A_616 = arith.constant 0 : i32
      %ne3A_617 = arith.cmpi ne, %rem3A_615, %ne3A_616 : i32
      %and3A_618 = arith.andi %ne3A_614, %ne3A_617 : i1
      %sub3A_619 = arith.constant 1 : i32
      %sub3A_620 = arith.subi %div3A_599, %sub3A_619 : i32
      %select_n3A_621 = arith.select %and3A_618, %sub3A_620, %div3A_599 : i32
      %jit3A_622 = arith.constant 4 : i32
      %eq3A_623 = arith.constant 0 : i32
      %eq3A_624 = arith.cmpi eq, %jit3A_622, %eq3A_623 : i32
      %jit3A_625 = arith.constant 1 : i32
      %select_n3A_626 = arith.select %eq3A_624, %jit3A_625, %jit3A_622 : i32
      %rem3A_627 = arith.remsi %add3A_555, %select_n3A_626 : i32
      %ne3A_628 = arith.constant 0 : i32
      %ne3A_629 = arith.cmpi ne, %rem3A_627, %ne3A_628 : i32
      %lt3A_630 = arith.constant 0 : i32
      %lt3A_631 = arith.cmpi slt, %rem3A_627, %lt3A_630 : i32
      %lt3A_632 = arith.constant 0 : i32
      %lt3A_633 = arith.cmpi slt, %select_n3A_626, %lt3A_632 : i32
      %ne3A_634 = arith.xori %lt3A_631, %lt3A_633 : i1
      %and3A_635 = arith.andi %ne3A_634, %ne3A_629 : i1
      %add3A_636 = arith.addi %rem3A_627, %select_n3A_626 : i32
      %select_n3A_637 = arith.select %and3A_635, %add3A_636, %rem3A_627 : i32
      %mul3A_638 = arith.constant 32 : i32
      %mul3A_639 = arith.muli %select_n3A_637, %mul3A_638 : i32
      %dma_wait3A_640 = tpu.memref_slice %arg7[%select_n3A_621, %mul3A_639] : memref<80x128xi32, #tpu.memory_space<vmem>> -> memref<1x32xi32, #tpu.memory_space<vmem>>
      %dma_wait3A_641 = tpu.memref_squeeze %dma_wait3A_640 : memref<1x32xi32, #tpu.memory_space<vmem>> -> memref<32xi32, #tpu.memory_space<vmem>>
      %dma_wait3A_642 = arith.constant 0 : i32
      %dma_wait3A_643 = arith.constant 0 : i32
      %dma_wait3A_644 = tpu.memref_slice %arg2[%dma_wait3A_642, %dma_wait3A_643] : memref<10000x128xf32, #tpu.memory_space<hbm>> -> memref<10000x128xf32, #tpu.memory_space<hbm>>
      tpu.wait_indirect_dma semaphore(%arg16 : memref<!tpu.dma_semaphore, #tpu.memory_space<semaphore_mem>>) src(%dma_wait3A_644 : memref<10000x128xf32, #tpu.memory_space<hbm>>) dst(%arg11 : memref<32x128xf32, #tpu.memory_space<vmem>>)
      %broadcast_in_dim3A_645 = vector.broadcast %select_n3A_579 : i32 to vector<16xi32>
      %broadcast_in_dim3A_646 = vector.broadcast %mul3A_597 : i32 to vector<16xi32>
      %scan3A_647 = arith.constant 0 : i32
      %scan3A_648 = arith.constant 0 : i32
      %scan3A_649 = arith.constant 32 : i32
      %scan3A_650 = arith.addi %scan3A_648, %scan3A_649 : i32
      %scan3A_651 = arith.constant 1 : i32
      scf.for %scan3A_1158 = %scan3A_648 to %scan3A_650 step %scan3A_651  : i32 {
        %broadcast_in_dim3A_1159 = vector.broadcast %scan3A_1158 : i32 to vector<16xi32>
        %add3A_1160 = arith.addi %broadcast_in_dim3A_646, %broadcast_in_dim3A_1159 : vector<16xi32>
        %gather3A = tpu.vector_load_idx %arg9[%broadcast_in_dim3A_645, %add3A_1160] : memref<80x128xf32, #tpu.memory_space<vmem>>[vector<16xi32>, vector<16xi32>], vector<16xf32>,
        %get3A = arith.index_cast %scan3A_1158 : i32 to index
        %get3A_1161 = arith.constant 0 : index
        %get3A_1162 = tpu.vector_load %arg11[%get3A, %get3A_1161] {strides = array<i32>} : memref<32x128xf32, #tpu.memory_space<vmem>>, vector<16xf32>,
        %mul3A_1163 = arith.mulf %get3A_1162, %gather3A : vector<16xf32>
        %swap3A = arith.index_cast %scan3A_1158 : i32 to index
        %swap3A_1164 = arith.constant 0 : index
        %swap3A_1165 = tpu.vector_load %arg11[%swap3A, %swap3A_1164] {strides = array<i32>} : memref<32x128xf32, #tpu.memory_space<vmem>>, vector<16xf32>,
        tpu.vector_store %arg11[%swap3A, %swap3A_1164], %mul3A_1163 {strides = array<i32>} : memref<32x128xf32, #tpu.memory_space<vmem>>, vector<16xf32>,
        %get3A_1166 = arith.index_cast %scan3A_1158 : i32 to index
        %get3A_1167 = arith.constant 16 : index
        %get3A_1168 = tpu.vector_load %arg11[%get3A_1166, %get3A_1167] {strides = array<i32>} : memref<32x128xf32, #tpu.memory_space<vmem>>, vector<16xf32>,
        %mul3A_1169 = arith.mulf %get3A_1168, %gather3A : vector<16xf32>
        %swap3A_1170 = arith.index_cast %scan3A_1158 : i32 to index
        %swap3A_1171 = arith.constant 16 : index
        %swap3A_1172 = tpu.vector_load %arg11[%swap3A_1170, %swap3A_1171] {strides = array<i32>} : memref<32x128xf32, #tpu.memory_space<vmem>>, vector<16xf32>,
        tpu.vector_store %arg11[%swap3A_1170, %swap3A_1171], %mul3A_1169 {strides = array<i32>} : memref<32x128xf32, #tpu.memory_space<vmem>>, vector<16xf32>,
        %get3A_1173 = arith.index_cast %scan3A_1158 : i32 to index
        %get3A_1174 = arith.constant 32 : index
        %get3A_1175 = tpu.vector_load %arg11[%get3A_1173, %get3A_1174] {strides = array<i32>} : memref<32x128xf32, #tpu.memory_space<vmem>>, vector<16xf32>,
        %mul3A_1176 = arith.mulf %get3A_1175, %gather3A : vector<16xf32>
        %swap3A_1177 = arith.index_cast %scan3A_1158 : i32 to index
        %swap3A_1178 = arith.constant 32 : index
        %swap3A_1179 = tpu.vector_load %arg11[%swap3A_1177, %swap3A_1178] {strides = array<i32>} : memref<32x128xf32, #tpu.memory_space<vmem>>, vector<16xf32>,
        tpu.vector_store %arg11[%swap3A_1177, %swap3A_1178], %mul3A_1176 {strides = array<i32>} : memref<32x128xf32, #tpu.memory_space<vmem>>, vector<16xf32>,
        %get3A_1180 = arith.index_cast %scan3A_1158 : i32 to index
        %get3A_1181 = arith.constant 48 : index
        %get3A_1182 = tpu.vector_load %arg11[%get3A_1180, %get3A_1181] {strides = array<i32>} : memref<32x128xf32, #tpu.memory_space<vmem>>, vector<16xf32>,
        %mul3A_1183 = arith.mulf %get3A_1182, %gather3A : vector<16xf32>
        %swap3A_1184 = arith.index_cast %scan3A_1158 : i32 to index
        %swap3A_1185 = arith.constant 48 : index
        %swap3A_1186 = tpu.vector_load %arg11[%swap3A_1184, %swap3A_1185] {strides = array<i32>} : memref<32x128xf32, #tpu.memory_space<vmem>>, vector<16xf32>,
        tpu.vector_store %arg11[%swap3A_1184, %swap3A_1185], %mul3A_1183 {strides = array<i32>} : memref<32x128xf32, #tpu.memory_space<vmem>>, vector<16xf32>,
        %get3A_1187 = arith.index_cast %scan3A_1158 : i32 to index
        %get3A_1188 = arith.constant 64 : index
        %get3A_1189 = tpu.vector_load %arg11[%get3A_1187, %get3A_1188] {strides = array<i32>} : memref<32x128xf32, #tpu.memory_space<vmem>>, vector<16xf32>,
        %mul3A_1190 = arith.mulf %get3A_1189, %gather3A : vector<16xf32>
        %swap3A_1191 = arith.index_cast %scan3A_1158 : i32 to index
        %swap3A_1192 = arith.constant 64 : index
        %swap3A_1193 = tpu.vector_load %arg11[%swap3A_1191, %swap3A_1192] {strides = array<i32>} : memref<32x128xf32, #tpu.memory_space<vmem>>, vector<16xf32>,
        tpu.vector_store %arg11[%swap3A_1191, %swap3A_1192], %mul3A_1190 {strides = array<i32>} : memref<32x128xf32, #tpu.memory_space<vmem>>, vector<16xf32>,
        %get3A_1194 = arith.index_cast %scan3A_1158 : i32 to index
        %get3A_1195 = arith.constant 80 : index
        %get3A_1196 = tpu.vector_load %arg11[%get3A_1194, %get3A_1195] {strides = array<i32>} : memref<32x128xf32, #tpu.memory_space<vmem>>, vector<16xf32>,
        %mul3A_1197 = arith.mulf %get3A_1196, %gather3A : vector<16xf32>
        %swap3A_1198 = arith.index_cast %scan3A_1158 : i32 to index
        %swap3A_1199 = arith.constant 80 : index
        %swap3A_1200 = tpu.vector_load %arg11[%swap3A_1198, %swap3A_1199] {strides = array<i32>} : memref<32x128xf32, #tpu.memory_space<vmem>>, vector<16xf32>,
        tpu.vector_store %arg11[%swap3A_1198, %swap3A_1199], %mul3A_1197 {strides = array<i32>} : memref<32x128xf32, #tpu.memory_space<vmem>>, vector<16xf32>,
        %get3A_1201 = arith.index_cast %scan3A_1158 : i32 to index
        %get3A_1202 = arith.constant 96 : index
        %get3A_1203 = tpu.vector_load %arg11[%get3A_1201, %get3A_1202] {strides = array<i32>} : memref<32x128xf32, #tpu.memory_space<vmem>>, vector<16xf32>,
        %mul3A_1204 = arith.mulf %get3A_1203, %gather3A : vector<16xf32>
        %swap3A_1205 = arith.index_cast %scan3A_1158 : i32 to index
        %swap3A_1206 = arith.constant 96 : index
        %swap3A_1207 = tpu.vector_load %arg11[%swap3A_1205, %swap3A_1206] {strides = array<i32>} : memref<32x128xf32, #tpu.memory_space<vmem>>, vector<16xf32>,
        tpu.vector_store %arg11[%swap3A_1205, %swap3A_1206], %mul3A_1204 {strides = array<i32>} : memref<32x128xf32, #tpu.memory_space<vmem>>, vector<16xf32>,
        %get3A_1208 = arith.index_cast %scan3A_1158 : i32 to index
        %get3A_1209 = arith.constant 112 : index
        %get3A_1210 = tpu.vector_load %arg11[%get3A_1208, %get3A_1209] {strides = array<i32>} : memref<32x128xf32, #tpu.memory_space<vmem>>, vector<16xf32>,
        %mul3A_1211 = arith.mulf %get3A_1210, %gather3A : vector<16xf32>
        %swap3A_1212 = arith.index_cast %scan3A_1158 : i32 to index
        %swap3A_1213 = arith.constant 112 : index
        %swap3A_1214 = tpu.vector_load %arg11[%swap3A_1212, %swap3A_1213] {strides = array<i32>} : memref<32x128xf32, #tpu.memory_space<vmem>>, vector<16xf32>,
        tpu.vector_store %arg11[%swap3A_1212, %swap3A_1213], %mul3A_1211 {strides = array<i32>} : memref<32x128xf32, #tpu.memory_space<vmem>>, vector<16xf32>,
      }
      %scan3A_652 = arith.constant 32 : i32
      %jit3A_653 = arith.constant 4 : i32
      %div3A_654 = arith.divsi %add3A_555, %jit3A_653 : i32
      %sign3A_655 = arith.constant 0 : i32
      %sign3A_656 = arith.cmpi sgt, %add3A_555, %sign3A_655 : i32
      %sign3A_657 = arith.extui %sign3A_656 : i1 to i32
      %sign3A_658 = arith.constant 0 : i32
      %sign3A_659 = arith.cmpi slt, %add3A_555, %sign3A_658 : i32
      %sign3A_660 = arith.extui %sign3A_659 : i1 to i32
      %sign3A_661 = arith.subi %sign3A_657, %sign3A_660 : i32
      %sign3A_662 = arith.constant 0 : i32
      %sign3A_663 = arith.cmpi sgt, %jit3A_653, %sign3A_662 : i32
      %sign3A_664 = arith.extui %sign3A_663 : i1 to i32
      %sign3A_665 = arith.constant 0 : i32
      %sign3A_666 = arith.cmpi slt, %jit3A_653, %sign3A_665 : i32
      %sign3A_667 = arith.extui %sign3A_666 : i1 to i32
      %sign3A_668 = arith.subi %sign3A_664, %sign3A_667 : i32
      %ne3A_669 = arith.cmpi ne, %sign3A_661, %sign3A_668 : i32
      %rem3A_670 = arith.remsi %add3A_555, %jit3A_653 : i32
      %ne3A_671 = arith.constant 0 : i32
      %ne3A_672 = arith.cmpi ne, %rem3A_670, %ne3A_671 : i32
      %and3A_673 = arith.andi %ne3A_669, %ne3A_672 : i1
      %sub3A_674 = arith.constant 1 : i32
      %sub3A_675 = arith.subi %div3A_654, %sub3A_674 : i32
      %select_n3A_676 = arith.select %and3A_673, %sub3A_675, %div3A_654 : i32
      %jit3A_677 = arith.constant 4 : i32
      %eq3A_678 = arith.constant 0 : i32
      %eq3A_679 = arith.cmpi eq, %jit3A_677, %eq3A_678 : i32
      %jit3A_680 = arith.constant 1 : i32
      %select_n3A_681 = arith.select %eq3A_679, %jit3A_680, %jit3A_677 : i32
      %rem3A_682 = arith.remsi %add3A_555, %select_n3A_681 : i32
      %ne3A_683 = arith.constant 0 : i32
      %ne3A_684 = arith.cmpi ne, %rem3A_682, %ne3A_683 : i32
      %lt3A_685 = arith.constant 0 : i32
      %lt3A_686 = arith.cmpi slt, %rem3A_682, %lt3A_685 : i32
      %lt3A_687 = arith.constant 0 : i32
      %lt3A_688 = arith.cmpi slt, %select_n3A_681, %lt3A_687 : i32
      %ne3A_689 = arith.xori %lt3A_686, %lt3A_688 : i1
      %and3A_690 = arith.andi %ne3A_689, %ne3A_684 : i1
      %add3A_691 = arith.addi %rem3A_682, %select_n3A_681 : i32
      %select_n3A_692 = arith.select %and3A_690, %add3A_691, %rem3A_682 : i32
      %mul3A_693 = arith.constant 32 : i32
      %mul3A_694 = arith.muli %select_n3A_692, %mul3A_693 : i32
      %dma_start3A_695 = tpu.memref_slice %arg8[%select_n3A_676, %mul3A_694] : memref<80x128xi32, #tpu.memory_space<vmem>> -> memref<1x32xi32, #tpu.memory_space<vmem>>
      %dma_start3A_696 = tpu.memref_squeeze %dma_start3A_695 : memref<1x32xi32, #tpu.memory_space<vmem>> -> memref<32xi32, #tpu.memory_space<vmem>>
      %dma_start3A_697 = arith.constant 0 : i32
      %dma_start3A_698 = arith.constant 0 : i32
      %dma_start3A_699 = tpu.memref_slice %arg14[%dma_start3A_697, %dma_start3A_698] : memref<10240x128xf32, #tpu.memory_space<vmem_shared>> -> memref<10240x128xf32, #tpu.memory_space<vmem_shared>>
      tpu.enqueue_indirect_dma source(%arg11 : memref<32x128xf32, #tpu.memory_space<vmem>>) target(%dma_start3A_699 : memref<10240x128xf32, #tpu.memory_space<vmem_shared>>) offsets(%dma_start3A_696 : memref<32xi32, #tpu.memory_space<vmem>>) semaphore(%arg20 : memref<!tpu.dma_semaphore, #tpu.memory_space<semaphore_mem>>) {add = true}
      %gt3A_700 = arith.constant 0 : i32
      %gt3A_701 = arith.cmpi sgt, %scan3A_363, %gt3A_700 : i32
      %convert_element_type3A_702 = arith.extui %gt3A_701 : i1 to i32
      %cond3A_703 = arith.constant 0 : i32
      %cond3A_704 = arith.cmpi ne, %convert_element_type3A_702, %cond3A_703 : i32
      scf.if %cond3A_704 {
        %sub3A_1158 = arith.constant 2 : i32
        %sub3A_1159 = arith.subi %add3A_555, %sub3A_1158 : i32
        %jit3A_1160 = arith.constant 4 : i32
        %div3A_1161 = arith.divsi %sub3A_1159, %jit3A_1160 : i32
        %sign3A_1162 = arith.constant 0 : i32
        %sign3A_1163 = arith.cmpi sgt, %sub3A_1159, %sign3A_1162 : i32
        %sign3A_1164 = arith.extui %sign3A_1163 : i1 to i32
        %sign3A_1165 = arith.constant 0 : i32
        %sign3A_1166 = arith.cmpi slt, %sub3A_1159, %sign3A_1165 : i32
        %sign3A_1167 = arith.extui %sign3A_1166 : i1 to i32
        %sign3A_1168 = arith.subi %sign3A_1164, %sign3A_1167 : i32
        %sign3A_1169 = arith.constant 0 : i32
        %sign3A_1170 = arith.cmpi sgt, %jit3A_1160, %sign3A_1169 : i32
        %sign3A_1171 = arith.extui %sign3A_1170 : i1 to i32
        %sign3A_1172 = arith.constant 0 : i32
        %sign3A_1173 = arith.cmpi slt, %jit3A_1160, %sign3A_1172 : i32
        %sign3A_1174 = arith.extui %sign3A_1173 : i1 to i32
        %sign3A_1175 = arith.subi %sign3A_1171, %sign3A_1174 : i32
        %ne3A_1176 = arith.cmpi ne, %sign3A_1168, %sign3A_1175 : i32
        %rem3A_1177 = arith.remsi %sub3A_1159, %jit3A_1160 : i32
        %ne3A_1178 = arith.constant 0 : i32
        %ne3A_1179 = arith.cmpi ne, %rem3A_1177, %ne3A_1178 : i32
        %and3A_1180 = arith.andi %ne3A_1176, %ne3A_1179 : i1
        %sub3A_1181 = arith.constant 1 : i32
        %sub3A_1182 = arith.subi %div3A_1161, %sub3A_1181 : i32
        %select_n3A_1183 = arith.select %and3A_1180, %sub3A_1182, %div3A_1161 : i32
        %jit3A_1184 = arith.constant 4 : i32
        %eq3A_1185 = arith.constant 0 : i32
        %eq3A_1186 = arith.cmpi eq, %jit3A_1184, %eq3A_1185 : i32
        %jit3A_1187 = arith.constant 1 : i32
        %select_n3A_1188 = arith.select %eq3A_1186, %jit3A_1187, %jit3A_1184 : i32
        %rem3A_1189 = arith.remsi %sub3A_1159, %select_n3A_1188 : i32
        %ne3A_1190 = arith.constant 0 : i32
        %ne3A_1191 = arith.cmpi ne, %rem3A_1189, %ne3A_1190 : i32
        %lt3A_1192 = arith.constant 0 : i32
        %lt3A_1193 = arith.cmpi slt, %rem3A_1189, %lt3A_1192 : i32
        %lt3A_1194 = arith.constant 0 : i32
        %lt3A_1195 = arith.cmpi slt, %select_n3A_1188, %lt3A_1194 : i32
        %ne3A_1196 = arith.xori %lt3A_1193, %lt3A_1195 : i1
        %and3A_1197 = arith.andi %ne3A_1196, %ne3A_1191 : i1
        %add3A_1198 = arith.addi %rem3A_1189, %select_n3A_1188 : i32
        %select_n3A_1199 = arith.select %and3A_1197, %add3A_1198, %rem3A_1189 : i32
        %mul3A_1200 = arith.constant 32 : i32
        %mul3A_1201 = arith.muli %select_n3A_1199, %mul3A_1200 : i32
        %dma_wait3A_1202 = tpu.memref_slice %arg8[%select_n3A_1183, %mul3A_1201] : memref<80x128xi32, #tpu.memory_space<vmem>> -> memref<1x32xi32, #tpu.memory_space<vmem>>
        %dma_wait3A_1203 = tpu.memref_squeeze %dma_wait3A_1202 : memref<1x32xi32, #tpu.memory_space<vmem>> -> memref<32xi32, #tpu.memory_space<vmem>>
        %dma_wait3A_1204 = arith.constant 0 : i32
        %dma_wait3A_1205 = arith.constant 0 : i32
        %dma_wait3A_1206 = tpu.memref_slice %arg14[%dma_wait3A_1204, %dma_wait3A_1205] : memref<10240x128xf32, #tpu.memory_space<vmem_shared>> -> memref<10240x128xf32, #tpu.memory_space<vmem_shared>>
        tpu.wait_indirect_dma semaphore(%arg22 : memref<!tpu.dma_semaphore, #tpu.memory_space<semaphore_mem>>) src(%arg13 : memref<32x128xf32, #tpu.memory_space<vmem>>) dst(%dma_wait3A_1206 : memref<10240x128xf32, #tpu.memory_space<vmem_shared>>)
      } else {
      }
      %add3A_705 = arith.constant 2 : i32
      %add3A_706 = arith.addi %add3A_555, %add3A_705 : i32
      %jit3A_707 = arith.constant 4 : i32
      %div3A_708 = arith.divsi %add3A_706, %jit3A_707 : i32
      %sign3A_709 = arith.constant 0 : i32
      %sign3A_710 = arith.cmpi sgt, %add3A_706, %sign3A_709 : i32
      %sign3A_711 = arith.extui %sign3A_710 : i1 to i32
      %sign3A_712 = arith.constant 0 : i32
      %sign3A_713 = arith.cmpi slt, %add3A_706, %sign3A_712 : i32
      %sign3A_714 = arith.extui %sign3A_713 : i1 to i32
      %sign3A_715 = arith.subi %sign3A_711, %sign3A_714 : i32
      %sign3A_716 = arith.constant 0 : i32
      %sign3A_717 = arith.cmpi sgt, %jit3A_707, %sign3A_716 : i32
      %sign3A_718 = arith.extui %sign3A_717 : i1 to i32
      %sign3A_719 = arith.constant 0 : i32
      %sign3A_720 = arith.cmpi slt, %jit3A_707, %sign3A_719 : i32
      %sign3A_721 = arith.extui %sign3A_720 : i1 to i32
      %sign3A_722 = arith.subi %sign3A_718, %sign3A_721 : i32
      %ne3A_723 = arith.cmpi ne, %sign3A_715, %sign3A_722 : i32
      %rem3A_724 = arith.remsi %add3A_706, %jit3A_707 : i32
      %ne3A_725 = arith.constant 0 : i32
      %ne3A_726 = arith.cmpi ne, %rem3A_724, %ne3A_725 : i32
      %and3A_727 = arith.andi %ne3A_723, %ne3A_726 : i1
      %sub3A_728 = arith.constant 1 : i32
      %sub3A_729 = arith.subi %div3A_708, %sub3A_728 : i32
      %select_n3A_730 = arith.select %and3A_727, %sub3A_729, %div3A_708 : i32
      %jit3A_731 = arith.constant 4 : i32
      %eq3A_732 = arith.constant 0 : i32
      %eq3A_733 = arith.cmpi eq, %jit3A_731, %eq3A_732 : i32
      %jit3A_734 = arith.constant 1 : i32
      %select_n3A_735 = arith.select %eq3A_733, %jit3A_734, %jit3A_731 : i32
      %rem3A_736 = arith.remsi %add3A_706, %select_n3A_735 : i32
      %ne3A_737 = arith.constant 0 : i32
      %ne3A_738 = arith.cmpi ne, %rem3A_736, %ne3A_737 : i32
      %lt3A_739 = arith.constant 0 : i32
      %lt3A_740 = arith.cmpi slt, %rem3A_736, %lt3A_739 : i32
      %lt3A_741 = arith.constant 0 : i32
      %lt3A_742 = arith.cmpi slt, %select_n3A_735, %lt3A_741 : i32
      %ne3A_743 = arith.xori %lt3A_740, %lt3A_742 : i1
      %and3A_744 = arith.andi %ne3A_743, %ne3A_738 : i1
      %add3A_745 = arith.addi %rem3A_736, %select_n3A_735 : i32
      %select_n3A_746 = arith.select %and3A_744, %add3A_745, %rem3A_736 : i32
      %mul3A_747 = arith.constant 32 : i32
      %mul3A_748 = arith.muli %select_n3A_746, %mul3A_747 : i32
      %dma_start3A_749 = tpu.memref_slice %arg7[%select_n3A_730, %mul3A_748] : memref<80x128xi32, #tpu.memory_space<vmem>> -> memref<1x32xi32, #tpu.memory_space<vmem>>
      %dma_start3A_750 = tpu.memref_squeeze %dma_start3A_749 : memref<1x32xi32, #tpu.memory_space<vmem>> -> memref<32xi32, #tpu.memory_space<vmem>>
      %dma_start3A_751 = arith.constant 0 : i32
      %dma_start3A_752 = arith.constant 0 : i32
      %dma_start3A_753 = tpu.memref_slice %arg2[%dma_start3A_751, %dma_start3A_752] : memref<10000x128xf32, #tpu.memory_space<hbm>> -> memref<10000x128xf32, #tpu.memory_space<hbm>>
      tpu.enqueue_indirect_dma source(%dma_start3A_753 : memref<10000x128xf32, #tpu.memory_space<hbm>>) target(%arg13 : memref<32x128xf32, #tpu.memory_space<vmem>>) offsets(%dma_start3A_750 : memref<32xi32, #tpu.memory_space<vmem>>) semaphore(%arg18 : memref<!tpu.dma_semaphore, #tpu.memory_space<semaphore_mem>>)
      %mul3A_754 = arith.constant 4 : i32
      %mul3A_755 = arith.muli %scan3A_363, %mul3A_754 : i32
      %add3A_756 = arith.constant 2 : i32
      %add3A_757 = arith.addi %mul3A_755, %add3A_756 : i32
      %jit3A_758 = arith.constant 4 : i32
      %div3A_759 = arith.divsi %add3A_757, %jit3A_758 : i32
      %sign3A_760 = arith.constant 0 : i32
      %sign3A_761 = arith.cmpi sgt, %add3A_757, %sign3A_760 : i32
      %sign3A_762 = arith.extui %sign3A_761 : i1 to i32
      %sign3A_763 = arith.constant 0 : i32
      %sign3A_764 = arith.cmpi slt, %add3A_757, %sign3A_763 : i32
      %sign3A_765 = arith.extui %sign3A_764 : i1 to i32
      %sign3A_766 = arith.subi %sign3A_762, %sign3A_765 : i32
      %sign3A_767 = arith.constant 0 : i32
      %sign3A_768 = arith.cmpi sgt, %jit3A_758, %sign3A_767 : i32
      %sign3A_769 = arith.extui %sign3A_768 : i1 to i32
      %sign3A_770 = arith.constant 0 : i32
      %sign3A_771 = arith.cmpi slt, %jit3A_758, %sign3A_770 : i32
      %sign3A_772 = arith.extui %sign3A_771 : i1 to i32
      %sign3A_773 = arith.subi %sign3A_769, %sign3A_772 : i32
      %ne3A_774 = arith.cmpi ne, %sign3A_766, %sign3A_773 : i32
      %rem3A_775 = arith.remsi %add3A_757, %jit3A_758 : i32
      %ne3A_776 = arith.constant 0 : i32
      %ne3A_777 = arith.cmpi ne, %rem3A_775, %ne3A_776 : i32
      %and3A_778 = arith.andi %ne3A_774, %ne3A_777 : i1
      %sub3A_779 = arith.constant 1 : i32
      %sub3A_780 = arith.subi %div3A_759, %sub3A_779 : i32
      %select_n3A_781 = arith.select %and3A_778, %sub3A_780, %div3A_759 : i32
      %jit3A_782 = arith.constant 4 : i32
      %eq3A_783 = arith.constant 0 : i32
      %eq3A_784 = arith.cmpi eq, %jit3A_782, %eq3A_783 : i32
      %jit3A_785 = arith.constant 1 : i32
      %select_n3A_786 = arith.select %eq3A_784, %jit3A_785, %jit3A_782 : i32
      %rem3A_787 = arith.remsi %add3A_757, %select_n3A_786 : i32
      %ne3A_788 = arith.constant 0 : i32
      %ne3A_789 = arith.cmpi ne, %rem3A_787, %ne3A_788 : i32
      %lt3A_790 = arith.constant 0 : i32
      %lt3A_791 = arith.cmpi slt, %rem3A_787, %lt3A_790 : i32
      %lt3A_792 = arith.constant 0 : i32
      %lt3A_793 = arith.cmpi slt, %select_n3A_786, %lt3A_792 : i32
      %ne3A_794 = arith.xori %lt3A_791, %lt3A_793 : i1
      %and3A_795 = arith.andi %ne3A_794, %ne3A_789 : i1
      %add3A_796 = arith.addi %rem3A_787, %select_n3A_786 : i32
      %select_n3A_797 = arith.select %and3A_795, %add3A_796, %rem3A_787 : i32
      %mul3A_798 = arith.constant 32 : i32
      %mul3A_799 = arith.muli %select_n3A_797, %mul3A_798 : i32
      %jit3A_800 = arith.constant 4 : i32
      %div3A_801 = arith.divsi %add3A_757, %jit3A_800 : i32
      %sign3A_802 = arith.constant 0 : i32
      %sign3A_803 = arith.cmpi sgt, %add3A_757, %sign3A_802 : i32
      %sign3A_804 = arith.extui %sign3A_803 : i1 to i32
      %sign3A_805 = arith.constant 0 : i32
      %sign3A_806 = arith.cmpi slt, %add3A_757, %sign3A_805 : i32
      %sign3A_807 = arith.extui %sign3A_806 : i1 to i32
      %sign3A_808 = arith.subi %sign3A_804, %sign3A_807 : i32
      %sign3A_809 = arith.constant 0 : i32
      %sign3A_810 = arith.cmpi sgt, %jit3A_800, %sign3A_809 : i32
      %sign3A_811 = arith.extui %sign3A_810 : i1 to i32
      %sign3A_812 = arith.constant 0 : i32
      %sign3A_813 = arith.cmpi slt, %jit3A_800, %sign3A_812 : i32
      %sign3A_814 = arith.extui %sign3A_813 : i1 to i32
      %sign3A_815 = arith.subi %sign3A_811, %sign3A_814 : i32
      %ne3A_816 = arith.cmpi ne, %sign3A_808, %sign3A_815 : i32
      %rem3A_817 = arith.remsi %add3A_757, %jit3A_800 : i32
      %ne3A_818 = arith.constant 0 : i32
      %ne3A_819 = arith.cmpi ne, %rem3A_817, %ne3A_818 : i32
      %and3A_820 = arith.andi %ne3A_816, %ne3A_819 : i1
      %sub3A_821 = arith.constant 1 : i32
      %sub3A_822 = arith.subi %div3A_801, %sub3A_821 : i32
      %select_n3A_823 = arith.select %and3A_820, %sub3A_822, %div3A_801 : i32
      %jit3A_824 = arith.constant 4 : i32
      %eq3A_825 = arith.constant 0 : i32
      %eq3A_826 = arith.cmpi eq, %jit3A_824, %eq3A_825 : i32
      %jit3A_827 = arith.constant 1 : i32
      %select_n3A_828 = arith.select %eq3A_826, %jit3A_827, %jit3A_824 : i32
      %rem3A_829 = arith.remsi %add3A_757, %select_n3A_828 : i32
      %ne3A_830 = arith.constant 0 : i32
      %ne3A_831 = arith.cmpi ne, %rem3A_829, %ne3A_830 : i32
      %lt3A_832 = arith.constant 0 : i32
      %lt3A_833 = arith.cmpi slt, %rem3A_829, %lt3A_832 : i32
      %lt3A_834 = arith.constant 0 : i32
      %lt3A_835 = arith.cmpi slt, %select_n3A_828, %lt3A_834 : i32
      %ne3A_836 = arith.xori %lt3A_833, %lt3A_835 : i1
      %and3A_837 = arith.andi %ne3A_836, %ne3A_831 : i1
      %add3A_838 = arith.addi %rem3A_829, %select_n3A_828 : i32
      %select_n3A_839 = arith.select %and3A_837, %add3A_838, %rem3A_829 : i32
      %mul3A_840 = arith.constant 32 : i32
      %mul3A_841 = arith.muli %select_n3A_839, %mul3A_840 : i32
      %dma_wait3A_842 = tpu.memref_slice %arg7[%select_n3A_823, %mul3A_841] : memref<80x128xi32, #tpu.memory_space<vmem>> -> memref<1x32xi32, #tpu.memory_space<vmem>>
      %dma_wait3A_843 = tpu.memref_squeeze %dma_wait3A_842 : memref<1x32xi32, #tpu.memory_space<vmem>> -> memref<32xi32, #tpu.memory_space<vmem>>
      %dma_wait3A_844 = arith.constant 0 : i32
      %dma_wait3A_845 = arith.constant 0 : i32
      %dma_wait3A_846 = tpu.memref_slice %arg2[%dma_wait3A_844, %dma_wait3A_845] : memref<10000x128xf32, #tpu.memory_space<hbm>> -> memref<10000x128xf32, #tpu.memory_space<hbm>>
      tpu.wait_indirect_dma semaphore(%arg17 : memref<!tpu.dma_semaphore, #tpu.memory_space<semaphore_mem>>) src(%dma_wait3A_846 : memref<10000x128xf32, #tpu.memory_space<hbm>>) dst(%arg12 : memref<32x128xf32, #tpu.memory_space<vmem>>)
      %broadcast_in_dim3A_847 = vector.broadcast %select_n3A_781 : i32 to vector<16xi32>
      %broadcast_in_dim3A_848 = vector.broadcast %mul3A_799 : i32 to vector<16xi32>
      %scan3A_849 = arith.constant 0 : i32
      %scan3A_850 = arith.constant 0 : i32
      %scan3A_851 = arith.constant 32 : i32
      %scan3A_852 = arith.addi %scan3A_850, %scan3A_851 : i32
      %scan3A_853 = arith.constant 1 : i32
      scf.for %scan3A_1158 = %scan3A_850 to %scan3A_852 step %scan3A_853  : i32 {
        %broadcast_in_dim3A_1159 = vector.broadcast %scan3A_1158 : i32 to vector<16xi32>
        %add3A_1160 = arith.addi %broadcast_in_dim3A_848, %broadcast_in_dim3A_1159 : vector<16xi32>
        %gather3A = tpu.vector_load_idx %arg9[%broadcast_in_dim3A_847, %add3A_1160] : memref<80x128xf32, #tpu.memory_space<vmem>>[vector<16xi32>, vector<16xi32>], vector<16xf32>,
        %get3A = arith.index_cast %scan3A_1158 : i32 to index
        %get3A_1161 = arith.constant 0 : index
        %get3A_1162 = tpu.vector_load %arg12[%get3A, %get3A_1161] {strides = array<i32>} : memref<32x128xf32, #tpu.memory_space<vmem>>, vector<16xf32>,
        %mul3A_1163 = arith.mulf %get3A_1162, %gather3A : vector<16xf32>
        %swap3A = arith.index_cast %scan3A_1158 : i32 to index
        %swap3A_1164 = arith.constant 0 : index
        %swap3A_1165 = tpu.vector_load %arg12[%swap3A, %swap3A_1164] {strides = array<i32>} : memref<32x128xf32, #tpu.memory_space<vmem>>, vector<16xf32>,
        tpu.vector_store %arg12[%swap3A, %swap3A_1164], %mul3A_1163 {strides = array<i32>} : memref<32x128xf32, #tpu.memory_space<vmem>>, vector<16xf32>,
        %get3A_1166 = arith.index_cast %scan3A_1158 : i32 to index
        %get3A_1167 = arith.constant 16 : index
        %get3A_1168 = tpu.vector_load %arg12[%get3A_1166, %get3A_1167] {strides = array<i32>} : memref<32x128xf32, #tpu.memory_space<vmem>>, vector<16xf32>,
        %mul3A_1169 = arith.mulf %get3A_1168, %gather3A : vector<16xf32>
        %swap3A_1170 = arith.index_cast %scan3A_1158 : i32 to index
        %swap3A_1171 = arith.constant 16 : index
        %swap3A_1172 = tpu.vector_load %arg12[%swap3A_1170, %swap3A_1171] {strides = array<i32>} : memref<32x128xf32, #tpu.memory_space<vmem>>, vector<16xf32>,
        tpu.vector_store %arg12[%swap3A_1170, %swap3A_1171], %mul3A_1169 {strides = array<i32>} : memref<32x128xf32, #tpu.memory_space<vmem>>, vector<16xf32>,
        %get3A_1173 = arith.index_cast %scan3A_1158 : i32 to index
        %get3A_1174 = arith.constant 32 : index
        %get3A_1175 = tpu.vector_load %arg12[%get3A_1173, %get3A_1174] {strides = array<i32>} : memref<32x128xf32, #tpu.memory_space<vmem>>, vector<16xf32>,
        %mul3A_1176 = arith.mulf %get3A_1175, %gather3A : vector<16xf32>
        %swap3A_1177 = arith.index_cast %scan3A_1158 : i32 to index
        %swap3A_1178 = arith.constant 32 : index
        %swap3A_1179 = tpu.vector_load %arg12[%swap3A_1177, %swap3A_1178] {strides = array<i32>} : memref<32x128xf32, #tpu.memory_space<vmem>>, vector<16xf32>,
        tpu.vector_store %arg12[%swap3A_1177, %swap3A_1178], %mul3A_1176 {strides = array<i32>} : memref<32x128xf32, #tpu.memory_space<vmem>>, vector<16xf32>,
        %get3A_1180 = arith.index_cast %scan3A_1158 : i32 to index
        %get3A_1181 = arith.constant 48 : index
        %get3A_1182 = tpu.vector_load %arg12[%get3A_1180, %get3A_1181] {strides = array<i32>} : memref<32x128xf32, #tpu.memory_space<vmem>>, vector<16xf32>,
        %mul3A_1183 = arith.mulf %get3A_1182, %gather3A : vector<16xf32>
        %swap3A_1184 = arith.index_cast %scan3A_1158 : i32 to index
        %swap3A_1185 = arith.constant 48 : index
        %swap3A_1186 = tpu.vector_load %arg12[%swap3A_1184, %swap3A_1185] {strides = array<i32>} : memref<32x128xf32, #tpu.memory_space<vmem>>, vector<16xf32>,
        tpu.vector_store %arg12[%swap3A_1184, %swap3A_1185], %mul3A_1183 {strides = array<i32>} : memref<32x128xf32, #tpu.memory_space<vmem>>, vector<16xf32>,
        %get3A_1187 = arith.index_cast %scan3A_1158 : i32 to index
        %get3A_1188 = arith.constant 64 : index
        %get3A_1189 = tpu.vector_load %arg12[%get3A_1187, %get3A_1188] {strides = array<i32>} : memref<32x128xf32, #tpu.memory_space<vmem>>, vector<16xf32>,
        %mul3A_1190 = arith.mulf %get3A_1189, %gather3A : vector<16xf32>
        %swap3A_1191 = arith.index_cast %scan3A_1158 : i32 to index
        %swap3A_1192 = arith.constant 64 : index
        %swap3A_1193 = tpu.vector_load %arg12[%swap3A_1191, %swap3A_1192] {strides = array<i32>} : memref<32x128xf32, #tpu.memory_space<vmem>>, vector<16xf32>,
        tpu.vector_store %arg12[%swap3A_1191, %swap3A_1192], %mul3A_1190 {strides = array<i32>} : memref<32x128xf32, #tpu.memory_space<vmem>>, vector<16xf32>,
        %get3A_1194 = arith.index_cast %scan3A_1158 : i32 to index
        %get3A_1195 = arith.constant 80 : index
        %get3A_1196 = tpu.vector_load %arg12[%get3A_1194, %get3A_1195] {strides = array<i32>} : memref<32x128xf32, #tpu.memory_space<vmem>>, vector<16xf32>,
        %mul3A_1197 = arith.mulf %get3A_1196, %gather3A : vector<16xf32>
        %swap3A_1198 = arith.index_cast %scan3A_1158 : i32 to index
        %swap3A_1199 = arith.constant 80 : index
        %swap3A_1200 = tpu.vector_load %arg12[%swap3A_1198, %swap3A_1199] {strides = array<i32>} : memref<32x128xf32, #tpu.memory_space<vmem>>, vector<16xf32>,
        tpu.vector_store %arg12[%swap3A_1198, %swap3A_1199], %mul3A_1197 {strides = array<i32>} : memref<32x128xf32, #tpu.memory_space<vmem>>, vector<16xf32>,
        %get3A_1201 = arith.index_cast %scan3A_1158 : i32 to index
        %get3A_1202 = arith.constant 96 : index
        %get3A_1203 = tpu.vector_load %arg12[%get3A_1201, %get3A_1202] {strides = array<i32>} : memref<32x128xf32, #tpu.memory_space<vmem>>, vector<16xf32>,
        %mul3A_1204 = arith.mulf %get3A_1203, %gather3A : vector<16xf32>
        %swap3A_1205 = arith.index_cast %scan3A_1158 : i32 to index
        %swap3A_1206 = arith.constant 96 : index
        %swap3A_1207 = tpu.vector_load %arg12[%swap3A_1205, %swap3A_1206] {strides = array<i32>} : memref<32x128xf32, #tpu.memory_space<vmem>>, vector<16xf32>,
        tpu.vector_store %arg12[%swap3A_1205, %swap3A_1206], %mul3A_1204 {strides = array<i32>} : memref<32x128xf32, #tpu.memory_space<vmem>>, vector<16xf32>,
        %get3A_1208 = arith.index_cast %scan3A_1158 : i32 to index
        %get3A_1209 = arith.constant 112 : index
        %get3A_1210 = tpu.vector_load %arg12[%get3A_1208, %get3A_1209] {strides = array<i32>} : memref<32x128xf32, #tpu.memory_space<vmem>>, vector<16xf32>,
        %mul3A_1211 = arith.mulf %get3A_1210, %gather3A : vector<16xf32>
        %swap3A_1212 = arith.index_cast %scan3A_1158 : i32 to index
        %swap3A_1213 = arith.constant 112 : index
        %swap3A_1214 = tpu.vector_load %arg12[%swap3A_1212, %swap3A_1213] {strides = array<i32>} : memref<32x128xf32, #tpu.memory_space<vmem>>, vector<16xf32>,
        tpu.vector_store %arg12[%swap3A_1212, %swap3A_1213], %mul3A_1211 {strides = array<i32>} : memref<32x128xf32, #tpu.memory_space<vmem>>, vector<16xf32>,
      }
      %scan3A_854 = arith.constant 32 : i32
      %jit3A_855 = arith.constant 4 : i32
      %div3A_856 = arith.divsi %add3A_757, %jit3A_855 : i32
      %sign3A_857 = arith.constant 0 : i32
      %sign3A_858 = arith.cmpi sgt, %add3A_757, %sign3A_857 : i32
      %sign3A_859 = arith.extui %sign3A_858 : i1 to i32
      %sign3A_860 = arith.constant 0 : i32
      %sign3A_861 = arith.cmpi slt, %add3A_757, %sign3A_860 : i32
      %sign3A_862 = arith.extui %sign3A_861 : i1 to i32
      %sign3A_863 = arith.subi %sign3A_859, %sign3A_862 : i32
      %sign3A_864 = arith.constant 0 : i32
      %sign3A_865 = arith.cmpi sgt, %jit3A_855, %sign3A_864 : i32
      %sign3A_866 = arith.extui %sign3A_865 : i1 to i32
      %sign3A_867 = arith.constant 0 : i32
      %sign3A_868 = arith.cmpi slt, %jit3A_855, %sign3A_867 : i32
      %sign3A_869 = arith.extui %sign3A_868 : i1 to i32
      %sign3A_870 = arith.subi %sign3A_866, %sign3A_869 : i32
      %ne3A_871 = arith.cmpi ne, %sign3A_863, %sign3A_870 : i32
      %rem3A_872 = arith.remsi %add3A_757, %jit3A_855 : i32
      %ne3A_873 = arith.constant 0 : i32
      %ne3A_874 = arith.cmpi ne, %rem3A_872, %ne3A_873 : i32
      %and3A_875 = arith.andi %ne3A_871, %ne3A_874 : i1
      %sub3A_876 = arith.constant 1 : i32
      %sub3A_877 = arith.subi %div3A_856, %sub3A_876 : i32
      %select_n3A_878 = arith.select %and3A_875, %sub3A_877, %div3A_856 : i32
      %jit3A_879 = arith.constant 4 : i32
      %eq3A_880 = arith.constant 0 : i32
      %eq3A_881 = arith.cmpi eq, %jit3A_879, %eq3A_880 : i32
      %jit3A_882 = arith.constant 1 : i32
      %select_n3A_883 = arith.select %eq3A_881, %jit3A_882, %jit3A_879 : i32
      %rem3A_884 = arith.remsi %add3A_757, %select_n3A_883 : i32
      %ne3A_885 = arith.constant 0 : i32
      %ne3A_886 = arith.cmpi ne, %rem3A_884, %ne3A_885 : i32
      %lt3A_887 = arith.constant 0 : i32
      %lt3A_888 = arith.cmpi slt, %rem3A_884, %lt3A_887 : i32
      %lt3A_889 = arith.constant 0 : i32
      %lt3A_890 = arith.cmpi slt, %select_n3A_883, %lt3A_889 : i32
      %ne3A_891 = arith.xori %lt3A_888, %lt3A_890 : i1
      %and3A_892 = arith.andi %ne3A_891, %ne3A_886 : i1
      %add3A_893 = arith.addi %rem3A_884, %select_n3A_883 : i32
      %select_n3A_894 = arith.select %and3A_892, %add3A_893, %rem3A_884 : i32
      %mul3A_895 = arith.constant 32 : i32
      %mul3A_896 = arith.muli %select_n3A_894, %mul3A_895 : i32
      %dma_start3A_897 = tpu.memref_slice %arg8[%select_n3A_878, %mul3A_896] : memref<80x128xi32, #tpu.memory_space<vmem>> -> memref<1x32xi32, #tpu.memory_space<vmem>>
      %dma_start3A_898 = tpu.memref_squeeze %dma_start3A_897 : memref<1x32xi32, #tpu.memory_space<vmem>> -> memref<32xi32, #tpu.memory_space<vmem>>
      %dma_start3A_899 = arith.constant 0 : i32
      %dma_start3A_900 = arith.constant 0 : i32
      %dma_start3A_901 = tpu.memref_slice %arg14[%dma_start3A_899, %dma_start3A_900] : memref<10240x128xf32, #tpu.memory_space<vmem_shared>> -> memref<10240x128xf32, #tpu.memory_space<vmem_shared>>
      tpu.enqueue_indirect_dma source(%arg12 : memref<32x128xf32, #tpu.memory_space<vmem>>) target(%dma_start3A_901 : memref<10240x128xf32, #tpu.memory_space<vmem_shared>>) offsets(%dma_start3A_898 : memref<32xi32, #tpu.memory_space<vmem>>) semaphore(%arg21 : memref<!tpu.dma_semaphore, #tpu.memory_space<semaphore_mem>>) {add = true}
      %sub3A_902 = arith.constant 2 : i32
      %sub3A_903 = arith.subi %add3A_757, %sub3A_902 : i32
      %jit3A_904 = arith.constant 4 : i32
      %div3A_905 = arith.divsi %sub3A_903, %jit3A_904 : i32
      %sign3A_906 = arith.constant 0 : i32
      %sign3A_907 = arith.cmpi sgt, %sub3A_903, %sign3A_906 : i32
      %sign3A_908 = arith.extui %sign3A_907 : i1 to i32
      %sign3A_909 = arith.constant 0 : i32
      %sign3A_910 = arith.cmpi slt, %sub3A_903, %sign3A_909 : i32
      %sign3A_911 = arith.extui %sign3A_910 : i1 to i32
      %sign3A_912 = arith.subi %sign3A_908, %sign3A_911 : i32
      %sign3A_913 = arith.constant 0 : i32
      %sign3A_914 = arith.cmpi sgt, %jit3A_904, %sign3A_913 : i32
      %sign3A_915 = arith.extui %sign3A_914 : i1 to i32
      %sign3A_916 = arith.constant 0 : i32
      %sign3A_917 = arith.cmpi slt, %jit3A_904, %sign3A_916 : i32
      %sign3A_918 = arith.extui %sign3A_917 : i1 to i32
      %sign3A_919 = arith.subi %sign3A_915, %sign3A_918 : i32
      %ne3A_920 = arith.cmpi ne, %sign3A_912, %sign3A_919 : i32
      %rem3A_921 = arith.remsi %sub3A_903, %jit3A_904 : i32
      %ne3A_922 = arith.constant 0 : i32
      %ne3A_923 = arith.cmpi ne, %rem3A_921, %ne3A_922 : i32
      %and3A_924 = arith.andi %ne3A_920, %ne3A_923 : i1
      %sub3A_925 = arith.constant 1 : i32
      %sub3A_926 = arith.subi %div3A_905, %sub3A_925 : i32
      %select_n3A_927 = arith.select %and3A_924, %sub3A_926, %div3A_905 : i32
      %jit3A_928 = arith.constant 4 : i32
      %eq3A_929 = arith.constant 0 : i32
      %eq3A_930 = arith.cmpi eq, %jit3A_928, %eq3A_929 : i32
      %jit3A_931 = arith.constant 1 : i32
      %select_n3A_932 = arith.select %eq3A_930, %jit3A_931, %jit3A_928 : i32
      %rem3A_933 = arith.remsi %sub3A_903, %select_n3A_932 : i32
      %ne3A_934 = arith.constant 0 : i32
      %ne3A_935 = arith.cmpi ne, %rem3A_933, %ne3A_934 : i32
      %lt3A_936 = arith.constant 0 : i32
      %lt3A_937 = arith.cmpi slt, %rem3A_933, %lt3A_936 : i32
      %lt3A_938 = arith.constant 0 : i32
      %lt3A_939 = arith.cmpi slt, %select_n3A_932, %lt3A_938 : i32
      %ne3A_940 = arith.xori %lt3A_937, %lt3A_939 : i1
      %and3A_941 = arith.andi %ne3A_940, %ne3A_935 : i1
      %add3A_942 = arith.addi %rem3A_933, %select_n3A_932 : i32
      %select_n3A_943 = arith.select %and3A_941, %add3A_942, %rem3A_933 : i32
      %mul3A_944 = arith.constant 32 : i32
      %mul3A_945 = arith.muli %select_n3A_943, %mul3A_944 : i32
      %dma_wait3A_946 = tpu.memref_slice %arg8[%select_n3A_927, %mul3A_945] : memref<80x128xi32, #tpu.memory_space<vmem>> -> memref<1x32xi32, #tpu.memory_space<vmem>>
      %dma_wait3A_947 = tpu.memref_squeeze %dma_wait3A_946 : memref<1x32xi32, #tpu.memory_space<vmem>> -> memref<32xi32, #tpu.memory_space<vmem>>
      %dma_wait3A_948 = arith.constant 0 : i32
      %dma_wait3A_949 = arith.constant 0 : i32
      %dma_wait3A_950 = tpu.memref_slice %arg14[%dma_wait3A_948, %dma_wait3A_949] : memref<10240x128xf32, #tpu.memory_space<vmem_shared>> -> memref<10240x128xf32, #tpu.memory_space<vmem_shared>>
      tpu.wait_indirect_dma semaphore(%arg19 : memref<!tpu.dma_semaphore, #tpu.memory_space<semaphore_mem>>) src(%arg10 : memref<32x128xf32, #tpu.memory_space<vmem>>) dst(%dma_wait3A_950 : memref<10240x128xf32, #tpu.memory_space<vmem_shared>>)
      %lt3A_951 = arith.constant 79 : i32
      %lt3A_952 = arith.cmpi slt, %scan3A_363, %lt3A_951 : i32
      %convert_element_type3A_953 = arith.extui %lt3A_952 : i1 to i32
      %cond3A_954 = arith.constant 0 : i32
      %cond3A_955 = arith.cmpi ne, %convert_element_type3A_953, %cond3A_954 : i32
      scf.if %cond3A_955 {
        %add3A_1158 = arith.constant 2 : i32
        %add3A_1159 = arith.addi %add3A_757, %add3A_1158 : i32
        %jit3A_1160 = arith.constant 4 : i32
        %div3A_1161 = arith.divsi %add3A_1159, %jit3A_1160 : i32
        %sign3A_1162 = arith.constant 0 : i32
        %sign3A_1163 = arith.cmpi sgt, %add3A_1159, %sign3A_1162 : i32
        %sign3A_1164 = arith.extui %sign3A_1163 : i1 to i32
        %sign3A_1165 = arith.constant 0 : i32
        %sign3A_1166 = arith.cmpi slt, %add3A_1159, %sign3A_1165 : i32
        %sign3A_1167 = arith.extui %sign3A_1166 : i1 to i32
        %sign3A_1168 = arith.subi %sign3A_1164, %sign3A_1167 : i32
        %sign3A_1169 = arith.constant 0 : i32
        %sign3A_1170 = arith.cmpi sgt, %jit3A_1160, %sign3A_1169 : i32
        %sign3A_1171 = arith.extui %sign3A_1170 : i1 to i32
        %sign3A_1172 = arith.constant 0 : i32
        %sign3A_1173 = arith.cmpi slt, %jit3A_1160, %sign3A_1172 : i32
        %sign3A_1174 = arith.extui %sign3A_1173 : i1 to i32
        %sign3A_1175 = arith.subi %sign3A_1171, %sign3A_1174 : i32
        %ne3A_1176 = arith.cmpi ne, %sign3A_1168, %sign3A_1175 : i32
        %rem3A_1177 = arith.remsi %add3A_1159, %jit3A_1160 : i32
        %ne3A_1178 = arith.constant 0 : i32
        %ne3A_1179 = arith.cmpi ne, %rem3A_1177, %ne3A_1178 : i32
        %and3A_1180 = arith.andi %ne3A_1176, %ne3A_1179 : i1
        %sub3A_1181 = arith.constant 1 : i32
        %sub3A_1182 = arith.subi %div3A_1161, %sub3A_1181 : i32
        %select_n3A_1183 = arith.select %and3A_1180, %sub3A_1182, %div3A_1161 : i32
        %jit3A_1184 = arith.constant 4 : i32
        %eq3A_1185 = arith.constant 0 : i32
        %eq3A_1186 = arith.cmpi eq, %jit3A_1184, %eq3A_1185 : i32
        %jit3A_1187 = arith.constant 1 : i32
        %select_n3A_1188 = arith.select %eq3A_1186, %jit3A_1187, %jit3A_1184 : i32
        %rem3A_1189 = arith.remsi %add3A_1159, %select_n3A_1188 : i32
        %ne3A_1190 = arith.constant 0 : i32
        %ne3A_1191 = arith.cmpi ne, %rem3A_1189, %ne3A_1190 : i32
        %lt3A_1192 = arith.constant 0 : i32
        %lt3A_1193 = arith.cmpi slt, %rem3A_1189, %lt3A_1192 : i32
        %lt3A_1194 = arith.constant 0 : i32
        %lt3A_1195 = arith.cmpi slt, %select_n3A_1188, %lt3A_1194 : i32
        %ne3A_1196 = arith.xori %lt3A_1193, %lt3A_1195 : i1
        %and3A_1197 = arith.andi %ne3A_1196, %ne3A_1191 : i1
        %add3A_1198 = arith.addi %rem3A_1189, %select_n3A_1188 : i32
        %select_n3A_1199 = arith.select %and3A_1197, %add3A_1198, %rem3A_1189 : i32
        %mul3A_1200 = arith.constant 32 : i32
        %mul3A_1201 = arith.muli %select_n3A_1199, %mul3A_1200 : i32
        %dma_start3A_1202 = tpu.memref_slice %arg7[%select_n3A_1183, %mul3A_1201] : memref<80x128xi32, #tpu.memory_space<vmem>> -> memref<1x32xi32, #tpu.memory_space<vmem>>
        %dma_start3A_1203 = tpu.memref_squeeze %dma_start3A_1202 : memref<1x32xi32, #tpu.memory_space<vmem>> -> memref<32xi32, #tpu.memory_space<vmem>>
        %dma_start3A_1204 = arith.constant 0 : i32
        %dma_start3A_1205 = arith.constant 0 : i32
        %dma_start3A_1206 = tpu.memref_slice %arg2[%dma_start3A_1204, %dma_start3A_1205] : memref<10000x128xf32, #tpu.memory_space<hbm>> -> memref<10000x128xf32, #tpu.memory_space<hbm>>
        tpu.enqueue_indirect_dma source(%dma_start3A_1206 : memref<10000x128xf32, #tpu.memory_space<hbm>>) target(%arg10 : memref<32x128xf32, #tpu.memory_space<vmem>>) offsets(%dma_start3A_1203 : memref<32xi32, #tpu.memory_space<vmem>>) semaphore(%arg15 : memref<!tpu.dma_semaphore, #tpu.memory_space<semaphore_mem>>)
      } else {
      }
      %mul3A_956 = arith.constant 4 : i32
      %mul3A_957 = arith.muli %scan3A_363, %mul3A_956 : i32
      %add3A_958 = arith.constant 3 : i32
      %add3A_959 = arith.addi %mul3A_957, %add3A_958 : i32
      %jit3A_960 = arith.constant 4 : i32
      %div3A_961 = arith.divsi %add3A_959, %jit3A_960 : i32
      %sign3A_962 = arith.constant 0 : i32
      %sign3A_963 = arith.cmpi sgt, %add3A_959, %sign3A_962 : i32
      %sign3A_964 = arith.extui %sign3A_963 : i1 to i32
      %sign3A_965 = arith.constant 0 : i32
      %sign3A_966 = arith.cmpi slt, %add3A_959, %sign3A_965 : i32
      %sign3A_967 = arith.extui %sign3A_966 : i1 to i32
      %sign3A_968 = arith.subi %sign3A_964, %sign3A_967 : i32
      %sign3A_969 = arith.constant 0 : i32
      %sign3A_970 = arith.cmpi sgt, %jit3A_960, %sign3A_969 : i32
      %sign3A_971 = arith.extui %sign3A_970 : i1 to i32
      %sign3A_972 = arith.constant 0 : i32
      %sign3A_973 = arith.cmpi slt, %jit3A_960, %sign3A_972 : i32
      %sign3A_974 = arith.extui %sign3A_973 : i1 to i32
      %sign3A_975 = arith.subi %sign3A_971, %sign3A_974 : i32
      %ne3A_976 = arith.cmpi ne, %sign3A_968, %sign3A_975 : i32
      %rem3A_977 = arith.remsi %add3A_959, %jit3A_960 : i32
      %ne3A_978 = arith.constant 0 : i32
      %ne3A_979 = arith.cmpi ne, %rem3A_977, %ne3A_978 : i32
      %and3A_980 = arith.andi %ne3A_976, %ne3A_979 : i1
      %sub3A_981 = arith.constant 1 : i32
      %sub3A_982 = arith.subi %div3A_961, %sub3A_981 : i32
      %select_n3A_983 = arith.select %and3A_980, %sub3A_982, %div3A_961 : i32
      %jit3A_984 = arith.constant 4 : i32
      %eq3A_985 = arith.constant 0 : i32
      %eq3A_986 = arith.cmpi eq, %jit3A_984, %eq3A_985 : i32
      %jit3A_987 = arith.constant 1 : i32
      %select_n3A_988 = arith.select %eq3A_986, %jit3A_987, %jit3A_984 : i32
      %rem3A_989 = arith.remsi %add3A_959, %select_n3A_988 : i32
      %ne3A_990 = arith.constant 0 : i32
      %ne3A_991 = arith.cmpi ne, %rem3A_989, %ne3A_990 : i32
      %lt3A_992 = arith.constant 0 : i32
      %lt3A_993 = arith.cmpi slt, %rem3A_989, %lt3A_992 : i32
      %lt3A_994 = arith.constant 0 : i32
      %lt3A_995 = arith.cmpi slt, %select_n3A_988, %lt3A_994 : i32
      %ne3A_996 = arith.xori %lt3A_993, %lt3A_995 : i1
      %and3A_997 = arith.andi %ne3A_996, %ne3A_991 : i1
      %add3A_998 = arith.addi %rem3A_989, %select_n3A_988 : i32
      %select_n3A_999 = arith.select %and3A_997, %add3A_998, %rem3A_989 : i32
      %mul3A_1000 = arith.constant 32 : i32
      %mul3A_1001 = arith.muli %select_n3A_999, %mul3A_1000 : i32
      %jit3A_1002 = arith.constant 4 : i32
      %div3A_1003 = arith.divsi %add3A_959, %jit3A_1002 : i32
      %sign3A_1004 = arith.constant 0 : i32
      %sign3A_1005 = arith.cmpi sgt, %add3A_959, %sign3A_1004 : i32
      %sign3A_1006 = arith.extui %sign3A_1005 : i1 to i32
      %sign3A_1007 = arith.constant 0 : i32
      %sign3A_1008 = arith.cmpi slt, %add3A_959, %sign3A_1007 : i32
      %sign3A_1009 = arith.extui %sign3A_1008 : i1 to i32
      %sign3A_1010 = arith.subi %sign3A_1006, %sign3A_1009 : i32
      %sign3A_1011 = arith.constant 0 : i32
      %sign3A_1012 = arith.cmpi sgt, %jit3A_1002, %sign3A_1011 : i32
      %sign3A_1013 = arith.extui %sign3A_1012 : i1 to i32
      %sign3A_1014 = arith.constant 0 : i32
      %sign3A_1015 = arith.cmpi slt, %jit3A_1002, %sign3A_1014 : i32
      %sign3A_1016 = arith.extui %sign3A_1015 : i1 to i32
      %sign3A_1017 = arith.subi %sign3A_1013, %sign3A_1016 : i32
      %ne3A_1018 = arith.cmpi ne, %sign3A_1010, %sign3A_1017 : i32
      %rem3A_1019 = arith.remsi %add3A_959, %jit3A_1002 : i32
      %ne3A_1020 = arith.constant 0 : i32
      %ne3A_1021 = arith.cmpi ne, %rem3A_1019, %ne3A_1020 : i32
      %and3A_1022 = arith.andi %ne3A_1018, %ne3A_1021 : i1
      %sub3A_1023 = arith.constant 1 : i32
      %sub3A_1024 = arith.subi %div3A_1003, %sub3A_1023 : i32
      %select_n3A_1025 = arith.select %and3A_1022, %sub3A_1024, %div3A_1003 : i32
      %jit3A_1026 = arith.constant 4 : i32
      %eq3A_1027 = arith.constant 0 : i32
      %eq3A_1028 = arith.cmpi eq, %jit3A_1026, %eq3A_1027 : i32
      %jit3A_1029 = arith.constant 1 : i32
      %select_n3A_1030 = arith.select %eq3A_1028, %jit3A_1029, %jit3A_1026 : i32
      %rem3A_1031 = arith.remsi %add3A_959, %select_n3A_1030 : i32
      %ne3A_1032 = arith.constant 0 : i32
      %ne3A_1033 = arith.cmpi ne, %rem3A_1031, %ne3A_1032 : i32
      %lt3A_1034 = arith.constant 0 : i32
      %lt3A_1035 = arith.cmpi slt, %rem3A_1031, %lt3A_1034 : i32
      %lt3A_1036 = arith.constant 0 : i32
      %lt3A_1037 = arith.cmpi slt, %select_n3A_1030, %lt3A_1036 : i32
      %ne3A_1038 = arith.xori %lt3A_1035, %lt3A_1037 : i1
      %and3A_1039 = arith.andi %ne3A_1038, %ne3A_1033 : i1
      %add3A_1040 = arith.addi %rem3A_1031, %select_n3A_1030 : i32
      %select_n3A_1041 = arith.select %and3A_1039, %add3A_1040, %rem3A_1031 : i32
      %mul3A_1042 = arith.constant 32 : i32
      %mul3A_1043 = arith.muli %select_n3A_1041, %mul3A_1042 : i32
      %dma_wait3A_1044 = tpu.memref_slice %arg7[%select_n3A_1025, %mul3A_1043] : memref<80x128xi32, #tpu.memory_space<vmem>> -> memref<1x32xi32, #tpu.memory_space<vmem>>
      %dma_wait3A_1045 = tpu.memref_squeeze %dma_wait3A_1044 : memref<1x32xi32, #tpu.memory_space<vmem>> -> memref<32xi32, #tpu.memory_space<vmem>>
      %dma_wait3A_1046 = arith.constant 0 : i32
      %dma_wait3A_1047 = arith.constant 0 : i32
      %dma_wait3A_1048 = tpu.memref_slice %arg2[%dma_wait3A_1046, %dma_wait3A_1047] : memref<10000x128xf32, #tpu.memory_space<hbm>> -> memref<10000x128xf32, #tpu.memory_space<hbm>>
      tpu.wait_indirect_dma semaphore(%arg18 : memref<!tpu.dma_semaphore, #tpu.memory_space<semaphore_mem>>) src(%dma_wait3A_1048 : memref<10000x128xf32, #tpu.memory_space<hbm>>) dst(%arg13 : memref<32x128xf32, #tpu.memory_space<vmem>>)
      %broadcast_in_dim3A_1049 = vector.broadcast %select_n3A_983 : i32 to vector<16xi32>
      %broadcast_in_dim3A_1050 = vector.broadcast %mul3A_1001 : i32 to vector<16xi32>
      %scan3A_1051 = arith.constant 0 : i32
      %scan3A_1052 = arith.constant 0 : i32
      %scan3A_1053 = arith.constant 32 : i32
      %scan3A_1054 = arith.addi %scan3A_1052, %scan3A_1053 : i32
      %scan3A_1055 = arith.constant 1 : i32
      scf.for %scan3A_1158 = %scan3A_1052 to %scan3A_1054 step %scan3A_1055  : i32 {
        %broadcast_in_dim3A_1159 = vector.broadcast %scan3A_1158 : i32 to vector<16xi32>
        %add3A_1160 = arith.addi %broadcast_in_dim3A_1050, %broadcast_in_dim3A_1159 : vector<16xi32>
        %gather3A = tpu.vector_load_idx %arg9[%broadcast_in_dim3A_1049, %add3A_1160] : memref<80x128xf32, #tpu.memory_space<vmem>>[vector<16xi32>, vector<16xi32>], vector<16xf32>,
        %get3A = arith.index_cast %scan3A_1158 : i32 to index
        %get3A_1161 = arith.constant 0 : index
        %get3A_1162 = tpu.vector_load %arg13[%get3A, %get3A_1161] {strides = array<i32>} : memref<32x128xf32, #tpu.memory_space<vmem>>, vector<16xf32>,
        %mul3A_1163 = arith.mulf %get3A_1162, %gather3A : vector<16xf32>
        %swap3A = arith.index_cast %scan3A_1158 : i32 to index
        %swap3A_1164 = arith.constant 0 : index
        %swap3A_1165 = tpu.vector_load %arg13[%swap3A, %swap3A_1164] {strides = array<i32>} : memref<32x128xf32, #tpu.memory_space<vmem>>, vector<16xf32>,
        tpu.vector_store %arg13[%swap3A, %swap3A_1164], %mul3A_1163 {strides = array<i32>} : memref<32x128xf32, #tpu.memory_space<vmem>>, vector<16xf32>,
        %get3A_1166 = arith.index_cast %scan3A_1158 : i32 to index
        %get3A_1167 = arith.constant 16 : index
        %get3A_1168 = tpu.vector_load %arg13[%get3A_1166, %get3A_1167] {strides = array<i32>} : memref<32x128xf32, #tpu.memory_space<vmem>>, vector<16xf32>,
        %mul3A_1169 = arith.mulf %get3A_1168, %gather3A : vector<16xf32>
        %swap3A_1170 = arith.index_cast %scan3A_1158 : i32 to index
        %swap3A_1171 = arith.constant 16 : index
        %swap3A_1172 = tpu.vector_load %arg13[%swap3A_1170, %swap3A_1171] {strides = array<i32>} : memref<32x128xf32, #tpu.memory_space<vmem>>, vector<16xf32>,
        tpu.vector_store %arg13[%swap3A_1170, %swap3A_1171], %mul3A_1169 {strides = array<i32>} : memref<32x128xf32, #tpu.memory_space<vmem>>, vector<16xf32>,
        %get3A_1173 = arith.index_cast %scan3A_1158 : i32 to index
        %get3A_1174 = arith.constant 32 : index
        %get3A_1175 = tpu.vector_load %arg13[%get3A_1173, %get3A_1174] {strides = array<i32>} : memref<32x128xf32, #tpu.memory_space<vmem>>, vector<16xf32>,
        %mul3A_1176 = arith.mulf %get3A_1175, %gather3A : vector<16xf32>
        %swap3A_1177 = arith.index_cast %scan3A_1158 : i32 to index
        %swap3A_1178 = arith.constant 32 : index
        %swap3A_1179 = tpu.vector_load %arg13[%swap3A_1177, %swap3A_1178] {strides = array<i32>} : memref<32x128xf32, #tpu.memory_space<vmem>>, vector<16xf32>,
        tpu.vector_store %arg13[%swap3A_1177, %swap3A_1178], %mul3A_1176 {strides = array<i32>} : memref<32x128xf32, #tpu.memory_space<vmem>>, vector<16xf32>,
        %get3A_1180 = arith.index_cast %scan3A_1158 : i32 to index
        %get3A_1181 = arith.constant 48 : index
        %get3A_1182 = tpu.vector_load %arg13[%get3A_1180, %get3A_1181] {strides = array<i32>} : memref<32x128xf32, #tpu.memory_space<vmem>>, vector<16xf32>,
        %mul3A_1183 = arith.mulf %get3A_1182, %gather3A : vector<16xf32>
        %swap3A_1184 = arith.index_cast %scan3A_1158 : i32 to index
        %swap3A_1185 = arith.constant 48 : index
        %swap3A_1186 = tpu.vector_load %arg13[%swap3A_1184, %swap3A_1185] {strides = array<i32>} : memref<32x128xf32, #tpu.memory_space<vmem>>, vector<16xf32>,
        tpu.vector_store %arg13[%swap3A_1184, %swap3A_1185], %mul3A_1183 {strides = array<i32>} : memref<32x128xf32, #tpu.memory_space<vmem>>, vector<16xf32>,
        %get3A_1187 = arith.index_cast %scan3A_1158 : i32 to index
        %get3A_1188 = arith.constant 64 : index
        %get3A_1189 = tpu.vector_load %arg13[%get3A_1187, %get3A_1188] {strides = array<i32>} : memref<32x128xf32, #tpu.memory_space<vmem>>, vector<16xf32>,
        %mul3A_1190 = arith.mulf %get3A_1189, %gather3A : vector<16xf32>
        %swap3A_1191 = arith.index_cast %scan3A_1158 : i32 to index
        %swap3A_1192 = arith.constant 64 : index
        %swap3A_1193 = tpu.vector_load %arg13[%swap3A_1191, %swap3A_1192] {strides = array<i32>} : memref<32x128xf32, #tpu.memory_space<vmem>>, vector<16xf32>,
        tpu.vector_store %arg13[%swap3A_1191, %swap3A_1192], %mul3A_1190 {strides = array<i32>} : memref<32x128xf32, #tpu.memory_space<vmem>>, vector<16xf32>,
        %get3A_1194 = arith.index_cast %scan3A_1158 : i32 to index
        %get3A_1195 = arith.constant 80 : index
        %get3A_1196 = tpu.vector_load %arg13[%get3A_1194, %get3A_1195] {strides = array<i32>} : memref<32x128xf32, #tpu.memory_space<vmem>>, vector<16xf32>,
        %mul3A_1197 = arith.mulf %get3A_1196, %gather3A : vector<16xf32>
        %swap3A_1198 = arith.index_cast %scan3A_1158 : i32 to index
        %swap3A_1199 = arith.constant 80 : index
        %swap3A_1200 = tpu.vector_load %arg13[%swap3A_1198, %swap3A_1199] {strides = array<i32>} : memref<32x128xf32, #tpu.memory_space<vmem>>, vector<16xf32>,
        tpu.vector_store %arg13[%swap3A_1198, %swap3A_1199], %mul3A_1197 {strides = array<i32>} : memref<32x128xf32, #tpu.memory_space<vmem>>, vector<16xf32>,
        %get3A_1201 = arith.index_cast %scan3A_1158 : i32 to index
        %get3A_1202 = arith.constant 96 : index
        %get3A_1203 = tpu.vector_load %arg13[%get3A_1201, %get3A_1202] {strides = array<i32>} : memref<32x128xf32, #tpu.memory_space<vmem>>, vector<16xf32>,
        %mul3A_1204 = arith.mulf %get3A_1203, %gather3A : vector<16xf32>
        %swap3A_1205 = arith.index_cast %scan3A_1158 : i32 to index
        %swap3A_1206 = arith.constant 96 : index
        %swap3A_1207 = tpu.vector_load %arg13[%swap3A_1205, %swap3A_1206] {strides = array<i32>} : memref<32x128xf32, #tpu.memory_space<vmem>>, vector<16xf32>,
        tpu.vector_store %arg13[%swap3A_1205, %swap3A_1206], %mul3A_1204 {strides = array<i32>} : memref<32x128xf32, #tpu.memory_space<vmem>>, vector<16xf32>,
        %get3A_1208 = arith.index_cast %scan3A_1158 : i32 to index
        %get3A_1209 = arith.constant 112 : index
        %get3A_1210 = tpu.vector_load %arg13[%get3A_1208, %get3A_1209] {strides = array<i32>} : memref<32x128xf32, #tpu.memory_space<vmem>>, vector<16xf32>,
        %mul3A_1211 = arith.mulf %get3A_1210, %gather3A : vector<16xf32>
        %swap3A_1212 = arith.index_cast %scan3A_1158 : i32 to index
        %swap3A_1213 = arith.constant 112 : index
        %swap3A_1214 = tpu.vector_load %arg13[%swap3A_1212, %swap3A_1213] {strides = array<i32>} : memref<32x128xf32, #tpu.memory_space<vmem>>, vector<16xf32>,
        tpu.vector_store %arg13[%swap3A_1212, %swap3A_1213], %mul3A_1211 {strides = array<i32>} : memref<32x128xf32, #tpu.memory_space<vmem>>, vector<16xf32>,
      }
      %scan3A_1056 = arith.constant 32 : i32
      %jit3A_1057 = arith.constant 4 : i32
      %div3A_1058 = arith.divsi %add3A_959, %jit3A_1057 : i32
      %sign3A_1059 = arith.constant 0 : i32
      %sign3A_1060 = arith.cmpi sgt, %add3A_959, %sign3A_1059 : i32
      %sign3A_1061 = arith.extui %sign3A_1060 : i1 to i32
      %sign3A_1062 = arith.constant 0 : i32
      %sign3A_1063 = arith.cmpi slt, %add3A_959, %sign3A_1062 : i32
      %sign3A_1064 = arith.extui %sign3A_1063 : i1 to i32
      %sign3A_1065 = arith.subi %sign3A_1061, %sign3A_1064 : i32
      %sign3A_1066 = arith.constant 0 : i32
      %sign3A_1067 = arith.cmpi sgt, %jit3A_1057, %sign3A_1066 : i32
      %sign3A_1068 = arith.extui %sign3A_1067 : i1 to i32
      %sign3A_1069 = arith.constant 0 : i32
      %sign3A_1070 = arith.cmpi slt, %jit3A_1057, %sign3A_1069 : i32
      %sign3A_1071 = arith.extui %sign3A_1070 : i1 to i32
      %sign3A_1072 = arith.subi %sign3A_1068, %sign3A_1071 : i32
      %ne3A_1073 = arith.cmpi ne, %sign3A_1065, %sign3A_1072 : i32
      %rem3A_1074 = arith.remsi %add3A_959, %jit3A_1057 : i32
      %ne3A_1075 = arith.constant 0 : i32
      %ne3A_1076 = arith.cmpi ne, %rem3A_1074, %ne3A_1075 : i32
      %and3A_1077 = arith.andi %ne3A_1073, %ne3A_1076 : i1
      %sub3A_1078 = arith.constant 1 : i32
      %sub3A_1079 = arith.subi %div3A_1058, %sub3A_1078 : i32
      %select_n3A_1080 = arith.select %and3A_1077, %sub3A_1079, %div3A_1058 : i32
      %jit3A_1081 = arith.constant 4 : i32
      %eq3A_1082 = arith.constant 0 : i32
      %eq3A_1083 = arith.cmpi eq, %jit3A_1081, %eq3A_1082 : i32
      %jit3A_1084 = arith.constant 1 : i32
      %select_n3A_1085 = arith.select %eq3A_1083, %jit3A_1084, %jit3A_1081 : i32
      %rem3A_1086 = arith.remsi %add3A_959, %select_n3A_1085 : i32
      %ne3A_1087 = arith.constant 0 : i32
      %ne3A_1088 = arith.cmpi ne, %rem3A_1086, %ne3A_1087 : i32
      %lt3A_1089 = arith.constant 0 : i32
      %lt3A_1090 = arith.cmpi slt, %rem3A_1086, %lt3A_1089 : i32
      %lt3A_1091 = arith.constant 0 : i32
      %lt3A_1092 = arith.cmpi slt, %select_n3A_1085, %lt3A_1091 : i32
      %ne3A_1093 = arith.xori %lt3A_1090, %lt3A_1092 : i1
      %and3A_1094 = arith.andi %ne3A_1093, %ne3A_1088 : i1
      %add3A_1095 = arith.addi %rem3A_1086, %select_n3A_1085 : i32
      %select_n3A_1096 = arith.select %and3A_1094, %add3A_1095, %rem3A_1086 : i32
      %mul3A_1097 = arith.constant 32 : i32
      %mul3A_1098 = arith.muli %select_n3A_1096, %mul3A_1097 : i32
      %dma_start3A_1099 = tpu.memref_slice %arg8[%select_n3A_1080, %mul3A_1098] : memref<80x128xi32, #tpu.memory_space<vmem>> -> memref<1x32xi32, #tpu.memory_space<vmem>>
      %dma_start3A_1100 = tpu.memref_squeeze %dma_start3A_1099 : memref<1x32xi32, #tpu.memory_space<vmem>> -> memref<32xi32, #tpu.memory_space<vmem>>
      %dma_start3A_1101 = arith.constant 0 : i32
      %dma_start3A_1102 = arith.constant 0 : i32
      %dma_start3A_1103 = tpu.memref_slice %arg14[%dma_start3A_1101, %dma_start3A_1102] : memref<10240x128xf32, #tpu.memory_space<vmem_shared>> -> memref<10240x128xf32, #tpu.memory_space<vmem_shared>>
      tpu.enqueue_indirect_dma source(%arg13 : memref<32x128xf32, #tpu.memory_space<vmem>>) target(%dma_start3A_1103 : memref<10240x128xf32, #tpu.memory_space<vmem_shared>>) offsets(%dma_start3A_1100 : memref<32xi32, #tpu.memory_space<vmem>>) semaphore(%arg22 : memref<!tpu.dma_semaphore, #tpu.memory_space<semaphore_mem>>) {add = true}
      %sub3A_1104 = arith.constant 2 : i32
      %sub3A_1105 = arith.subi %add3A_959, %sub3A_1104 : i32
      %jit3A_1106 = arith.constant 4 : i32
      %div3A_1107 = arith.divsi %sub3A_1105, %jit3A_1106 : i32
      %sign3A_1108 = arith.constant 0 : i32
      %sign3A_1109 = arith.cmpi sgt, %sub3A_1105, %sign3A_1108 : i32
      %sign3A_1110 = arith.extui %sign3A_1109 : i1 to i32
      %sign3A_1111 = arith.constant 0 : i32
      %sign3A_1112 = arith.cmpi slt, %sub3A_1105, %sign3A_1111 : i32
      %sign3A_1113 = arith.extui %sign3A_1112 : i1 to i32
      %sign3A_1114 = arith.subi %sign3A_1110, %sign3A_1113 : i32
      %sign3A_1115 = arith.constant 0 : i32
      %sign3A_1116 = arith.cmpi sgt, %jit3A_1106, %sign3A_1115 : i32
      %sign3A_1117 = arith.extui %sign3A_1116 : i1 to i32
      %sign3A_1118 = arith.constant 0 : i32
      %sign3A_1119 = arith.cmpi slt, %jit3A_1106, %sign3A_1118 : i32
      %sign3A_1120 = arith.extui %sign3A_1119 : i1 to i32
      %sign3A_1121 = arith.subi %sign3A_1117, %sign3A_1120 : i32
      %ne3A_1122 = arith.cmpi ne, %sign3A_1114, %sign3A_1121 : i32
      %rem3A_1123 = arith.remsi %sub3A_1105, %jit3A_1106 : i32
      %ne3A_1124 = arith.constant 0 : i32
      %ne3A_1125 = arith.cmpi ne, %rem3A_1123, %ne3A_1124 : i32
      %and3A_1126 = arith.andi %ne3A_1122, %ne3A_1125 : i1
      %sub3A_1127 = arith.constant 1 : i32
      %sub3A_1128 = arith.subi %div3A_1107, %sub3A_1127 : i32
      %select_n3A_1129 = arith.select %and3A_1126, %sub3A_1128, %div3A_1107 : i32
      %jit3A_1130 = arith.constant 4 : i32
      %eq3A_1131 = arith.constant 0 : i32
      %eq3A_1132 = arith.cmpi eq, %jit3A_1130, %eq3A_1131 : i32
      %jit3A_1133 = arith.constant 1 : i32
      %select_n3A_1134 = arith.select %eq3A_1132, %jit3A_1133, %jit3A_1130 : i32
      %rem3A_1135 = arith.remsi %sub3A_1105, %select_n3A_1134 : i32
      %ne3A_1136 = arith.constant 0 : i32
      %ne3A_1137 = arith.cmpi ne, %rem3A_1135, %ne3A_1136 : i32
      %lt3A_1138 = arith.constant 0 : i32
      %lt3A_1139 = arith.cmpi slt, %rem3A_1135, %lt3A_1138 : i32
      %lt3A_1140 = arith.constant 0 : i32
      %lt3A_1141 = arith.cmpi slt, %select_n3A_1134, %lt3A_1140 : i32
      %ne3A_1142 = arith.xori %lt3A_1139, %lt3A_1141 : i1
      %and3A_1143 = arith.andi %ne3A_1142, %ne3A_1137 : i1
      %add3A_1144 = arith.addi %rem3A_1135, %select_n3A_1134 : i32
      %select_n3A_1145 = arith.select %and3A_1143, %add3A_1144, %rem3A_1135 : i32
      %mul3A_1146 = arith.constant 32 : i32
      %mul3A_1147 = arith.muli %select_n3A_1145, %mul3A_1146 : i32
      %dma_wait3A_1148 = tpu.memref_slice %arg8[%select_n3A_1129, %mul3A_1147] : memref<80x128xi32, #tpu.memory_space<vmem>> -> memref<1x32xi32, #tpu.memory_space<vmem>>
      %dma_wait3A_1149 = tpu.memref_squeeze %dma_wait3A_1148 : memref<1x32xi32, #tpu.memory_space<vmem>> -> memref<32xi32, #tpu.memory_space<vmem>>
      %dma_wait3A_1150 = arith.constant 0 : i32
      %dma_wait3A_1151 = arith.constant 0 : i32
      %dma_wait3A_1152 = tpu.memref_slice %arg14[%dma_wait3A_1150, %dma_wait3A_1151] : memref<10240x128xf32, #tpu.memory_space<vmem_shared>> -> memref<10240x128xf32, #tpu.memory_space<vmem_shared>>
      tpu.wait_indirect_dma semaphore(%arg20 : memref<!tpu.dma_semaphore, #tpu.memory_space<semaphore_mem>>) src(%arg11 : memref<32x128xf32, #tpu.memory_space<vmem>>) dst(%dma_wait3A_1152 : memref<10240x128xf32, #tpu.memory_space<vmem_shared>>)
      %lt3A_1153 = arith.constant 79 : i32
      %lt3A_1154 = arith.cmpi slt, %scan3A_363, %lt3A_1153 : i32
      %convert_element_type3A_1155 = arith.extui %lt3A_1154 : i1 to i32
      %cond3A_1156 = arith.constant 0 : i32
      %cond3A_1157 = arith.cmpi ne, %convert_element_type3A_1155, %cond3A_1156 : i32
      scf.if %cond3A_1157 {
        %add3A_1158 = arith.constant 2 : i32
        %add3A_1159 = arith.addi %add3A_959, %add3A_1158 : i32
        %jit3A_1160 = arith.constant 4 : i32
        %div3A_1161 = arith.divsi %add3A_1159, %jit3A_1160 : i32
        %sign3A_1162 = arith.constant 0 : i32
        %sign3A_1163 = arith.cmpi sgt, %add3A_1159, %sign3A_1162 : i32
        %sign3A_1164 = arith.extui %sign3A_1163 : i1 to i32
        %sign3A_1165 = arith.constant 0 : i32
        %sign3A_1166 = arith.cmpi slt, %add3A_1159, %sign3A_1165 : i32
        %sign3A_1167 = arith.extui %sign3A_1166 : i1 to i32
        %sign3A_1168 = arith.subi %sign3A_1164, %sign3A_1167 : i32
        %sign3A_1169 = arith.constant 0 : i32
        %sign3A_1170 = arith.cmpi sgt, %jit3A_1160, %sign3A_1169 : i32
        %sign3A_1171 = arith.extui %sign3A_1170 : i1 to i32
        %sign3A_1172 = arith.constant 0 : i32
        %sign3A_1173 = arith.cmpi slt, %jit3A_1160, %sign3A_1172 : i32
        %sign3A_1174 = arith.extui %sign3A_1173 : i1 to i32
        %sign3A_1175 = arith.subi %sign3A_1171, %sign3A_1174 : i32
        %ne3A_1176 = arith.cmpi ne, %sign3A_1168, %sign3A_1175 : i32
        %rem3A_1177 = arith.remsi %add3A_1159, %jit3A_1160 : i32
        %ne3A_1178 = arith.constant 0 : i32
        %ne3A_1179 = arith.cmpi ne, %rem3A_1177, %ne3A_1178 : i32
        %and3A_1180 = arith.andi %ne3A_1176, %ne3A_1179 : i1
        %sub3A_1181 = arith.constant 1 : i32
        %sub3A_1182 = arith.subi %div3A_1161, %sub3A_1181 : i32
        %select_n3A_1183 = arith.select %and3A_1180, %sub3A_1182, %div3A_1161 : i32
        %jit3A_1184 = arith.constant 4 : i32
        %eq3A_1185 = arith.constant 0 : i32
        %eq3A_1186 = arith.cmpi eq, %jit3A_1184, %eq3A_1185 : i32
        %jit3A_1187 = arith.constant 1 : i32
        %select_n3A_1188 = arith.select %eq3A_1186, %jit3A_1187, %jit3A_1184 : i32
        %rem3A_1189 = arith.remsi %add3A_1159, %select_n3A_1188 : i32
        %ne3A_1190 = arith.constant 0 : i32
        %ne3A_1191 = arith.cmpi ne, %rem3A_1189, %ne3A_1190 : i32
        %lt3A_1192 = arith.constant 0 : i32
        %lt3A_1193 = arith.cmpi slt, %rem3A_1189, %lt3A_1192 : i32
        %lt3A_1194 = arith.constant 0 : i32
        %lt3A_1195 = arith.cmpi slt, %select_n3A_1188, %lt3A_1194 : i32
        %ne3A_1196 = arith.xori %lt3A_1193, %lt3A_1195 : i1
        %and3A_1197 = arith.andi %ne3A_1196, %ne3A_1191 : i1
        %add3A_1198 = arith.addi %rem3A_1189, %select_n3A_1188 : i32
        %select_n3A_1199 = arith.select %and3A_1197, %add3A_1198, %rem3A_1189 : i32
        %mul3A_1200 = arith.constant 32 : i32
        %mul3A_1201 = arith.muli %select_n3A_1199, %mul3A_1200 : i32
        %dma_start3A_1202 = tpu.memref_slice %arg7[%select_n3A_1183, %mul3A_1201] : memref<80x128xi32, #tpu.memory_space<vmem>> -> memref<1x32xi32, #tpu.memory_space<vmem>>
        %dma_start3A_1203 = tpu.memref_squeeze %dma_start3A_1202 : memref<1x32xi32, #tpu.memory_space<vmem>> -> memref<32xi32, #tpu.memory_space<vmem>>
        %dma_start3A_1204 = arith.constant 0 : i32
        %dma_start3A_1205 = arith.constant 0 : i32
        %dma_start3A_1206 = tpu.memref_slice %arg2[%dma_start3A_1204, %dma_start3A_1205] : memref<10000x128xf32, #tpu.memory_space<hbm>> -> memref<10000x128xf32, #tpu.memory_space<hbm>>
        tpu.enqueue_indirect_dma source(%dma_start3A_1206 : memref<10000x128xf32, #tpu.memory_space<hbm>>) target(%arg11 : memref<32x128xf32, #tpu.memory_space<vmem>>) offsets(%dma_start3A_1203 : memref<32xi32, #tpu.memory_space<vmem>>) semaphore(%arg16 : memref<!tpu.dma_semaphore, #tpu.memory_space<semaphore_mem>>)
      } else {
      }
    }
    %scan3A_343 = arith.constant 80 : i32
    %dma_wait3A_344 = arith.constant 79 : i32
    %dma_wait3A_345 = arith.constant 64 : i32
    %dma_wait3A_346 = tpu.memref_slice %arg8[%dma_wait3A_344, %dma_wait3A_345] : memref<80x128xi32, #tpu.memory_space<vmem>> -> memref<1x32xi32, #tpu.memory_space<vmem>>
    %dma_wait3A_347 = tpu.memref_squeeze %dma_wait3A_346 : memref<1x32xi32, #tpu.memory_space<vmem>> -> memref<32xi32, #tpu.memory_space<vmem>>
    %dma_wait3A_348 = arith.constant 0 : i32
    %dma_wait3A_349 = arith.constant 0 : i32
    %dma_wait3A_350 = tpu.memref_slice %arg14[%dma_wait3A_348, %dma_wait3A_349] : memref<10240x128xf32, #tpu.memory_space<vmem_shared>> -> memref<10240x128xf32, #tpu.memory_space<vmem_shared>>
    tpu.wait_indirect_dma semaphore(%arg21 : memref<!tpu.dma_semaphore, #tpu.memory_space<semaphore_mem>>) src(%arg12 : memref<32x128xf32, #tpu.memory_space<vmem>>) dst(%dma_wait3A_350 : memref<10240x128xf32, #tpu.memory_space<vmem_shared>>)
    %dma_wait3A_351 = arith.constant 79 : i32
    %dma_wait3A_352 = arith.constant 96 : i32
    %dma_wait3A_353 = tpu.memref_slice %arg8[%dma_wait3A_351, %dma_wait3A_352] : memref<80x128xi32, #tpu.memory_space<vmem>> -> memref<1x32xi32, #tpu.memory_space<vmem>>
    %dma_wait3A_354 = tpu.memref_squeeze %dma_wait3A_353 : memref<1x32xi32, #tpu.memory_space<vmem>> -> memref<32xi32, #tpu.memory_space<vmem>>
    %dma_wait3A_355 = arith.constant 0 : i32
    %dma_wait3A_356 = arith.constant 0 : i32
    %dma_wait3A_357 = tpu.memref_slice %arg14[%dma_wait3A_355, %dma_wait3A_356] : memref<10240x128xf32, #tpu.memory_space<vmem_shared>> -> memref<10240x128xf32, #tpu.memory_space<vmem_shared>>
    tpu.wait_indirect_dma semaphore(%arg22 : memref<!tpu.dma_semaphore, #tpu.memory_space<semaphore_mem>>) src(%arg13 : memref<32x128xf32, #tpu.memory_space<vmem>>) dst(%dma_wait3A_357 : memref<10240x128xf32, #tpu.memory_space<vmem_shared>>)
    %barrier3A_358 = arith.constant 0 : index
    tpu.barrier barrier_id(%barrier3A_358)
    %mul3A_359 = arith.constant 640 : i32
    %mul3A_360 = arith.muli %arg1, %mul3A_359 : i32
    %mul3A_361 = arith.constant 640 : i32
    %mul3A_362 = arith.muli %arg1, %mul3A_361 : i32
    "tpu.region"() ({
      %run_scoped3A = tpu.sem_alloc : memref<!tpu.dma_semaphore, #tpu.memory_space<semaphore_mem>>
      %dma_start3A_363 = arith.constant 0 : i32
      %dma_start3A_364 = tpu.memref_slice %arg6[%arg0, %mul3A_362, %dma_start3A_363] : memref<2x10240x128xf32, #tpu.memory_space<hbm>> -> memref<1x640x128xf32, #tpu.memory_space<hbm>>
      %dma_start3A_365 = tpu.memref_squeeze %dma_start3A_364 : memref<1x640x128xf32, #tpu.memory_space<hbm>> -> memref<640x128xf32, #tpu.memory_space<hbm>>
      %dma_start3A_366 = arith.constant 0 : i32
      %dma_start3A_367 = tpu.memref_slice %arg14[%mul3A_360, %dma_start3A_366] : memref<10240x128xf32, #tpu.memory_space<vmem_shared>> -> memref<640x128xf32, #tpu.memory_space<vmem_shared>>
      tpu.enqueue_dma source(%dma_start3A_367 : memref<640x128xf32, #tpu.memory_space<vmem_shared>>) target(%dma_start3A_365 : memref<640x128xf32, #tpu.memory_space<hbm>>) target_semaphore(%run_scoped3A : memref<!tpu.dma_semaphore, #tpu.memory_space<semaphore_mem>>)
      %dma_wait3A_368 = arith.constant 0 : i32
      %dma_wait3A_369 = tpu.memref_slice %arg6[%arg0, %mul3A_362, %dma_wait3A_368] : memref<2x10240x128xf32, #tpu.memory_space<hbm>> -> memref<1x640x128xf32, #tpu.memory_space<hbm>>
      %dma_wait3A_370 = tpu.memref_squeeze %dma_wait3A_369 : memref<1x640x128xf32, #tpu.memory_space<hbm>> -> memref<640x128xf32, #tpu.memory_space<hbm>>
      %dma_wait3A_371 = arith.constant 0 : i32
      %dma_wait3A_372 = tpu.memref_slice %arg14[%mul3A_360, %dma_wait3A_371] : memref<10240x128xf32, #tpu.memory_space<vmem_shared>> -> memref<640x128xf32, #tpu.memory_space<vmem_shared>>
      tpu.wait_dma2 semaphore(%run_scoped3A : memref<!tpu.dma_semaphore, #tpu.memory_space<semaphore_mem>>) src(%dma_wait3A_372 : memref<640x128xf32, #tpu.memory_space<vmem_shared>>) dst(%dma_wait3A_370 : memref<640x128xf32, #tpu.memory_space<hbm>>)
      tpu.yield
    }) : () -> ()
    return
  }
}

#map = affine_map<(d0, d1) -> (0)>
#map1 = affine_map<(d0, d1) -> (0, 0, 0)>
#map2 = affine_map<(d0, d1) -> (0, 0)>
module attributes {stable_mosaic.version = 14 : i64} {
  func.func @_agg_narrow(%arg0: i32, %arg1: i32, %arg2: memref<10000xf32, #tpu.memory_space<hbm>>, %arg3: memref<32x80x128xi32, #tpu.memory_space<hbm>>, %arg4: memref<32x80x128xi32, #tpu.memory_space<hbm>>, %arg5: memref<32x80x128xf32, #tpu.memory_space<hbm>>, %arg6: memref<2x10000xf32, #tpu.memory_space<hbm>>, %arg7: memref<80x128xi32, #tpu.memory_space<vmem>>, %arg8: memref<80x128xi32, #tpu.memory_space<vmem>>, %arg9: memref<80x128xf32, #tpu.memory_space<vmem>>, %arg10: memref<80x128xf32, #tpu.memory_space<vmem>>, %arg11: memref<10000xf32, #tpu.memory_space<vmem>>, %arg12: memref<10000xf32, #tpu.memory_space<vmem>>, %arg13: memref<10000xf32, #tpu.memory_space<vmem_shared>>) attributes {dimension_semantics = [#tpu.dimension_semantics<core_parallel>, #tpu.dimension_semantics<subcore_parallel>], iteration_bounds = array<i64: 2, 16>, scalar_prefetch = 0 : i64, scratch_operands = 7 : i64, tpu.core_type = #tpu.core_type<sc_vector_subcore>, window_params = [{transform_indices = #map}, {transform_indices = #map1}, {transform_indices = #map1}, {transform_indices = #map1}, {transform_indices = #map2}]} {
    %mul3A = arith.constant 16 : i32
    %mul3A_0 = arith.muli %arg0, %mul3A : i32
    %add3A = arith.addi %mul3A_0, %arg1 : i32
    "tpu.region"() ({
      %run_scoped3A = tpu.sem_alloc : memref<!tpu.dma_semaphore, #tpu.memory_space<semaphore_mem>>
      %dma_start3A = arith.constant 0 : i32
      %dma_start3A_14 = arith.constant 0 : i32
      %dma_start3A_15 = tpu.memref_slice %arg3[%add3A, %dma_start3A, %dma_start3A_14] : memref<32x80x128xi32, #tpu.memory_space<hbm>> -> memref<1x80x128xi32, #tpu.memory_space<hbm>>
      %dma_start3A_16 = tpu.memref_squeeze %dma_start3A_15 : memref<1x80x128xi32, #tpu.memory_space<hbm>> -> memref<80x128xi32, #tpu.memory_space<hbm>>
      %dma_start3A_17 = arith.constant 0 : i32
      %dma_start3A_18 = arith.constant 0 : i32
      %dma_start3A_19 = tpu.memref_slice %arg3[%add3A, %dma_start3A_17, %dma_start3A_18] : memref<32x80x128xi32, #tpu.memory_space<hbm>> -> memref<1x80x128xi32, #tpu.memory_space<hbm>>
      %dma_start3A_20 = tpu.memref_squeeze %dma_start3A_19 : memref<1x80x128xi32, #tpu.memory_space<hbm>> -> memref<80x128xi32, #tpu.memory_space<hbm>>
      tpu.enqueue_dma source(%dma_start3A_20 : memref<80x128xi32, #tpu.memory_space<hbm>>) target(%arg7 : memref<80x128xi32, #tpu.memory_space<vmem>>) target_semaphore(%run_scoped3A : memref<!tpu.dma_semaphore, #tpu.memory_space<semaphore_mem>>)
      %dma_wait3A = arith.constant 0 : i32
      %dma_wait3A_21 = arith.constant 0 : i32
      %dma_wait3A_22 = tpu.memref_slice %arg3[%add3A, %dma_wait3A, %dma_wait3A_21] : memref<32x80x128xi32, #tpu.memory_space<hbm>> -> memref<1x80x128xi32, #tpu.memory_space<hbm>>
      %dma_wait3A_23 = tpu.memref_squeeze %dma_wait3A_22 : memref<1x80x128xi32, #tpu.memory_space<hbm>> -> memref<80x128xi32, #tpu.memory_space<hbm>>
      %dma_wait3A_24 = arith.constant 0 : i32
      %dma_wait3A_25 = arith.constant 0 : i32
      %dma_wait3A_26 = tpu.memref_slice %arg3[%add3A, %dma_wait3A_24, %dma_wait3A_25] : memref<32x80x128xi32, #tpu.memory_space<hbm>> -> memref<1x80x128xi32, #tpu.memory_space<hbm>>
      %dma_wait3A_27 = tpu.memref_squeeze %dma_wait3A_26 : memref<1x80x128xi32, #tpu.memory_space<hbm>> -> memref<80x128xi32, #tpu.memory_space<hbm>>
      tpu.wait_dma2 semaphore(%run_scoped3A : memref<!tpu.dma_semaphore, #tpu.memory_space<semaphore_mem>>) src(%dma_wait3A_27 : memref<80x128xi32, #tpu.memory_space<hbm>>) dst(%arg7 : memref<80x128xi32, #tpu.memory_space<vmem>>)
      tpu.yield
    }) : () -> ()
    "tpu.region"() ({
      %run_scoped3A = tpu.sem_alloc : memref<!tpu.dma_semaphore, #tpu.memory_space<semaphore_mem>>
      %dma_start3A = arith.constant 0 : i32
      %dma_start3A_14 = arith.constant 0 : i32
      %dma_start3A_15 = tpu.memref_slice %arg4[%add3A, %dma_start3A, %dma_start3A_14] : memref<32x80x128xi32, #tpu.memory_space<hbm>> -> memref<1x80x128xi32, #tpu.memory_space<hbm>>
      %dma_start3A_16 = tpu.memref_squeeze %dma_start3A_15 : memref<1x80x128xi32, #tpu.memory_space<hbm>> -> memref<80x128xi32, #tpu.memory_space<hbm>>
      %dma_start3A_17 = arith.constant 0 : i32
      %dma_start3A_18 = arith.constant 0 : i32
      %dma_start3A_19 = tpu.memref_slice %arg4[%add3A, %dma_start3A_17, %dma_start3A_18] : memref<32x80x128xi32, #tpu.memory_space<hbm>> -> memref<1x80x128xi32, #tpu.memory_space<hbm>>
      %dma_start3A_20 = tpu.memref_squeeze %dma_start3A_19 : memref<1x80x128xi32, #tpu.memory_space<hbm>> -> memref<80x128xi32, #tpu.memory_space<hbm>>
      tpu.enqueue_dma source(%dma_start3A_20 : memref<80x128xi32, #tpu.memory_space<hbm>>) target(%arg8 : memref<80x128xi32, #tpu.memory_space<vmem>>) target_semaphore(%run_scoped3A : memref<!tpu.dma_semaphore, #tpu.memory_space<semaphore_mem>>)
      %dma_wait3A = arith.constant 0 : i32
      %dma_wait3A_21 = arith.constant 0 : i32
      %dma_wait3A_22 = tpu.memref_slice %arg4[%add3A, %dma_wait3A, %dma_wait3A_21] : memref<32x80x128xi32, #tpu.memory_space<hbm>> -> memref<1x80x128xi32, #tpu.memory_space<hbm>>
      %dma_wait3A_23 = tpu.memref_squeeze %dma_wait3A_22 : memref<1x80x128xi32, #tpu.memory_space<hbm>> -> memref<80x128xi32, #tpu.memory_space<hbm>>
      %dma_wait3A_24 = arith.constant 0 : i32
      %dma_wait3A_25 = arith.constant 0 : i32
      %dma_wait3A_26 = tpu.memref_slice %arg4[%add3A, %dma_wait3A_24, %dma_wait3A_25] : memref<32x80x128xi32, #tpu.memory_space<hbm>> -> memref<1x80x128xi32, #tpu.memory_space<hbm>>
      %dma_wait3A_27 = tpu.memref_squeeze %dma_wait3A_26 : memref<1x80x128xi32, #tpu.memory_space<hbm>> -> memref<80x128xi32, #tpu.memory_space<hbm>>
      tpu.wait_dma2 semaphore(%run_scoped3A : memref<!tpu.dma_semaphore, #tpu.memory_space<semaphore_mem>>) src(%dma_wait3A_27 : memref<80x128xi32, #tpu.memory_space<hbm>>) dst(%arg8 : memref<80x128xi32, #tpu.memory_space<vmem>>)
      tpu.yield
    }) : () -> ()
    "tpu.region"() ({
      %run_scoped3A = tpu.sem_alloc : memref<!tpu.dma_semaphore, #tpu.memory_space<semaphore_mem>>
      %dma_start3A = arith.constant 0 : i32
      %dma_start3A_14 = arith.constant 0 : i32
      %dma_start3A_15 = tpu.memref_slice %arg5[%add3A, %dma_start3A, %dma_start3A_14] : memref<32x80x128xf32, #tpu.memory_space<hbm>> -> memref<1x80x128xf32, #tpu.memory_space<hbm>>
      %dma_start3A_16 = tpu.memref_squeeze %dma_start3A_15 : memref<1x80x128xf32, #tpu.memory_space<hbm>> -> memref<80x128xf32, #tpu.memory_space<hbm>>
      %dma_start3A_17 = arith.constant 0 : i32
      %dma_start3A_18 = arith.constant 0 : i32
      %dma_start3A_19 = tpu.memref_slice %arg5[%add3A, %dma_start3A_17, %dma_start3A_18] : memref<32x80x128xf32, #tpu.memory_space<hbm>> -> memref<1x80x128xf32, #tpu.memory_space<hbm>>
      %dma_start3A_20 = tpu.memref_squeeze %dma_start3A_19 : memref<1x80x128xf32, #tpu.memory_space<hbm>> -> memref<80x128xf32, #tpu.memory_space<hbm>>
      tpu.enqueue_dma source(%dma_start3A_20 : memref<80x128xf32, #tpu.memory_space<hbm>>) target(%arg9 : memref<80x128xf32, #tpu.memory_space<vmem>>) target_semaphore(%run_scoped3A : memref<!tpu.dma_semaphore, #tpu.memory_space<semaphore_mem>>)
      %dma_wait3A = arith.constant 0 : i32
      %dma_wait3A_21 = arith.constant 0 : i32
      %dma_wait3A_22 = tpu.memref_slice %arg5[%add3A, %dma_wait3A, %dma_wait3A_21] : memref<32x80x128xf32, #tpu.memory_space<hbm>> -> memref<1x80x128xf32, #tpu.memory_space<hbm>>
      %dma_wait3A_23 = tpu.memref_squeeze %dma_wait3A_22 : memref<1x80x128xf32, #tpu.memory_space<hbm>> -> memref<80x128xf32, #tpu.memory_space<hbm>>
      %dma_wait3A_24 = arith.constant 0 : i32
      %dma_wait3A_25 = arith.constant 0 : i32
      %dma_wait3A_26 = tpu.memref_slice %arg5[%add3A, %dma_wait3A_24, %dma_wait3A_25] : memref<32x80x128xf32, #tpu.memory_space<hbm>> -> memref<1x80x128xf32, #tpu.memory_space<hbm>>
      %dma_wait3A_27 = tpu.memref_squeeze %dma_wait3A_26 : memref<1x80x128xf32, #tpu.memory_space<hbm>> -> memref<80x128xf32, #tpu.memory_space<hbm>>
      tpu.wait_dma2 semaphore(%run_scoped3A : memref<!tpu.dma_semaphore, #tpu.memory_space<semaphore_mem>>) src(%dma_wait3A_27 : memref<80x128xf32, #tpu.memory_space<hbm>>) dst(%arg9 : memref<80x128xf32, #tpu.memory_space<vmem>>)
      tpu.yield
    }) : () -> ()
    "tpu.region"() ({
      %run_scoped3A = tpu.sem_alloc : memref<!tpu.dma_semaphore, #tpu.memory_space<semaphore_mem>>
      tpu.enqueue_dma source(%arg2 : memref<10000xf32, #tpu.memory_space<hbm>>) target(%arg11 : memref<10000xf32, #tpu.memory_space<vmem>>) target_semaphore(%run_scoped3A : memref<!tpu.dma_semaphore, #tpu.memory_space<semaphore_mem>>)
      tpu.wait_dma2 semaphore(%run_scoped3A : memref<!tpu.dma_semaphore, #tpu.memory_space<semaphore_mem>>) src(%arg2 : memref<10000xf32, #tpu.memory_space<hbm>>) dst(%arg11 : memref<10000xf32, #tpu.memory_space<vmem>>)
      tpu.yield
    }) : () -> ()
    %eq3A = arith.constant 0 : i32
    %eq3A_1 = arith.cmpi eq, %arg1, %eq3A : i32
    %convert_element_type3A = arith.extui %eq3A_1 : i1 to i32
    %cond3A = arith.constant 0 : i32
    %cond3A_2 = arith.cmpi ne, %convert_element_type3A, %cond3A : i32
    scf.if %cond3A_2 {
      %scan3A_14 = arith.constant 0 : i32
      %scan3A_15 = arith.constant 0 : i32
      %scan3A_16 = arith.constant 625 : i32
      %scan3A_17 = arith.addi %scan3A_15, %scan3A_16 : i32
      %scan3A_18 = arith.constant 1 : i32
      scf.for %scan3A_20 = %scan3A_15 to %scan3A_17 step %scan3A_18  : i32 {
        %broadcast_in_dim3A = arith.constant 0.000000e+00 : f32
        %broadcast_in_dim3A_21 = vector.broadcast %broadcast_in_dim3A : f32 to vector<16xf32>
        %mul3A_22 = arith.constant 16 : i32
        %mul3A_23 = arith.muli %scan3A_20, %mul3A_22 : i32
        %swap3A = arith.index_cast %mul3A_23 : i32 to index
        %swap3A_24 = tpu.vector_load %arg12[%swap3A] {strides = array<i32>} : memref<10000xf32, #tpu.memory_space<vmem>>, vector<16xf32>,
        tpu.vector_store %arg12[%swap3A], %broadcast_in_dim3A_21 {strides = array<i32>} : memref<10000xf32, #tpu.memory_space<vmem>>, vector<16xf32>,
      }
      %scan3A_19 = arith.constant 625 : i32
      "tpu.region"() ({
        %run_scoped3A = tpu.sem_alloc : memref<!tpu.dma_semaphore, #tpu.memory_space<semaphore_mem>>
        tpu.enqueue_dma source(%arg12 : memref<10000xf32, #tpu.memory_space<vmem>>) target(%arg13 : memref<10000xf32, #tpu.memory_space<vmem_shared>>) target_semaphore(%run_scoped3A : memref<!tpu.dma_semaphore, #tpu.memory_space<semaphore_mem>>)
        tpu.wait_dma2 semaphore(%run_scoped3A : memref<!tpu.dma_semaphore, #tpu.memory_space<semaphore_mem>>) src(%arg12 : memref<10000xf32, #tpu.memory_space<vmem>>) dst(%arg13 : memref<10000xf32, #tpu.memory_space<vmem_shared>>)
        tpu.yield
      }) : () -> ()
    } else {
    }
    %barrier3A = arith.constant 0 : index
    tpu.barrier barrier_id(%barrier3A)
    %scan3A = arith.constant 0 : i32
    %scan3A_3 = arith.constant 0 : i32
    %scan3A_4 = arith.constant 80 : i32
    %scan3A_5 = arith.addi %scan3A_3, %scan3A_4 : i32
    %scan3A_6 = arith.constant 1 : i32
    scf.for %scan3A_14 = %scan3A_3 to %scan3A_5 step %scan3A_6  : i32 {
      %get3A = arith.index_cast %scan3A_14 : i32 to index
      %get3A_15 = arith.constant 0 : index
      %get3A_16 = tpu.vector_load %arg7[%get3A, %get3A_15] {strides = array<i32>} : memref<80x128xi32, #tpu.memory_space<vmem>>, vector<16xi32>,
      %gather3A = tpu.vector_load_idx %arg11[%get3A_16] : memref<10000xf32, #tpu.memory_space<vmem>>[vector<16xi32>], vector<16xf32>,
      %get3A_17 = arith.index_cast %scan3A_14 : i32 to index
      %get3A_18 = arith.constant 0 : index
      %get3A_19 = tpu.vector_load %arg9[%get3A_17, %get3A_18] {strides = array<i32>} : memref<80x128xf32, #tpu.memory_space<vmem>>, vector<16xf32>,
      %mul3A_20 = arith.mulf %gather3A, %get3A_19 : vector<16xf32>
      %swap3A = arith.index_cast %scan3A_14 : i32 to index
      %swap3A_21 = arith.constant 0 : index
      %swap3A_22 = tpu.vector_load %arg10[%swap3A, %swap3A_21] {strides = array<i32>} : memref<80x128xf32, #tpu.memory_space<vmem>>, vector<16xf32>,
      tpu.vector_store %arg10[%swap3A, %swap3A_21], %mul3A_20 {strides = array<i32>} : memref<80x128xf32, #tpu.memory_space<vmem>>, vector<16xf32>,
      %get3A_23 = arith.index_cast %scan3A_14 : i32 to index
      %get3A_24 = arith.constant 16 : index
      %get3A_25 = tpu.vector_load %arg7[%get3A_23, %get3A_24] {strides = array<i32>} : memref<80x128xi32, #tpu.memory_space<vmem>>, vector<16xi32>,
      %gather3A_26 = tpu.vector_load_idx %arg11[%get3A_25] : memref<10000xf32, #tpu.memory_space<vmem>>[vector<16xi32>], vector<16xf32>,
      %get3A_27 = arith.index_cast %scan3A_14 : i32 to index
      %get3A_28 = arith.constant 16 : index
      %get3A_29 = tpu.vector_load %arg9[%get3A_27, %get3A_28] {strides = array<i32>} : memref<80x128xf32, #tpu.memory_space<vmem>>, vector<16xf32>,
      %mul3A_30 = arith.mulf %gather3A_26, %get3A_29 : vector<16xf32>
      %swap3A_31 = arith.index_cast %scan3A_14 : i32 to index
      %swap3A_32 = arith.constant 16 : index
      %swap3A_33 = tpu.vector_load %arg10[%swap3A_31, %swap3A_32] {strides = array<i32>} : memref<80x128xf32, #tpu.memory_space<vmem>>, vector<16xf32>,
      tpu.vector_store %arg10[%swap3A_31, %swap3A_32], %mul3A_30 {strides = array<i32>} : memref<80x128xf32, #tpu.memory_space<vmem>>, vector<16xf32>,
      %get3A_34 = arith.index_cast %scan3A_14 : i32 to index
      %get3A_35 = arith.constant 32 : index
      %get3A_36 = tpu.vector_load %arg7[%get3A_34, %get3A_35] {strides = array<i32>} : memref<80x128xi32, #tpu.memory_space<vmem>>, vector<16xi32>,
      %gather3A_37 = tpu.vector_load_idx %arg11[%get3A_36] : memref<10000xf32, #tpu.memory_space<vmem>>[vector<16xi32>], vector<16xf32>,
      %get3A_38 = arith.index_cast %scan3A_14 : i32 to index
      %get3A_39 = arith.constant 32 : index
      %get3A_40 = tpu.vector_load %arg9[%get3A_38, %get3A_39] {strides = array<i32>} : memref<80x128xf32, #tpu.memory_space<vmem>>, vector<16xf32>,
      %mul3A_41 = arith.mulf %gather3A_37, %get3A_40 : vector<16xf32>
      %swap3A_42 = arith.index_cast %scan3A_14 : i32 to index
      %swap3A_43 = arith.constant 32 : index
      %swap3A_44 = tpu.vector_load %arg10[%swap3A_42, %swap3A_43] {strides = array<i32>} : memref<80x128xf32, #tpu.memory_space<vmem>>, vector<16xf32>,
      tpu.vector_store %arg10[%swap3A_42, %swap3A_43], %mul3A_41 {strides = array<i32>} : memref<80x128xf32, #tpu.memory_space<vmem>>, vector<16xf32>,
      %get3A_45 = arith.index_cast %scan3A_14 : i32 to index
      %get3A_46 = arith.constant 48 : index
      %get3A_47 = tpu.vector_load %arg7[%get3A_45, %get3A_46] {strides = array<i32>} : memref<80x128xi32, #tpu.memory_space<vmem>>, vector<16xi32>,
      %gather3A_48 = tpu.vector_load_idx %arg11[%get3A_47] : memref<10000xf32, #tpu.memory_space<vmem>>[vector<16xi32>], vector<16xf32>,
      %get3A_49 = arith.index_cast %scan3A_14 : i32 to index
      %get3A_50 = arith.constant 48 : index
      %get3A_51 = tpu.vector_load %arg9[%get3A_49, %get3A_50] {strides = array<i32>} : memref<80x128xf32, #tpu.memory_space<vmem>>, vector<16xf32>,
      %mul3A_52 = arith.mulf %gather3A_48, %get3A_51 : vector<16xf32>
      %swap3A_53 = arith.index_cast %scan3A_14 : i32 to index
      %swap3A_54 = arith.constant 48 : index
      %swap3A_55 = tpu.vector_load %arg10[%swap3A_53, %swap3A_54] {strides = array<i32>} : memref<80x128xf32, #tpu.memory_space<vmem>>, vector<16xf32>,
      tpu.vector_store %arg10[%swap3A_53, %swap3A_54], %mul3A_52 {strides = array<i32>} : memref<80x128xf32, #tpu.memory_space<vmem>>, vector<16xf32>,
      %get3A_56 = arith.index_cast %scan3A_14 : i32 to index
      %get3A_57 = arith.constant 64 : index
      %get3A_58 = tpu.vector_load %arg7[%get3A_56, %get3A_57] {strides = array<i32>} : memref<80x128xi32, #tpu.memory_space<vmem>>, vector<16xi32>,
      %gather3A_59 = tpu.vector_load_idx %arg11[%get3A_58] : memref<10000xf32, #tpu.memory_space<vmem>>[vector<16xi32>], vector<16xf32>,
      %get3A_60 = arith.index_cast %scan3A_14 : i32 to index
      %get3A_61 = arith.constant 64 : index
      %get3A_62 = tpu.vector_load %arg9[%get3A_60, %get3A_61] {strides = array<i32>} : memref<80x128xf32, #tpu.memory_space<vmem>>, vector<16xf32>,
      %mul3A_63 = arith.mulf %gather3A_59, %get3A_62 : vector<16xf32>
      %swap3A_64 = arith.index_cast %scan3A_14 : i32 to index
      %swap3A_65 = arith.constant 64 : index
      %swap3A_66 = tpu.vector_load %arg10[%swap3A_64, %swap3A_65] {strides = array<i32>} : memref<80x128xf32, #tpu.memory_space<vmem>>, vector<16xf32>,
      tpu.vector_store %arg10[%swap3A_64, %swap3A_65], %mul3A_63 {strides = array<i32>} : memref<80x128xf32, #tpu.memory_space<vmem>>, vector<16xf32>,
      %get3A_67 = arith.index_cast %scan3A_14 : i32 to index
      %get3A_68 = arith.constant 80 : index
      %get3A_69 = tpu.vector_load %arg7[%get3A_67, %get3A_68] {strides = array<i32>} : memref<80x128xi32, #tpu.memory_space<vmem>>, vector<16xi32>,
      %gather3A_70 = tpu.vector_load_idx %arg11[%get3A_69] : memref<10000xf32, #tpu.memory_space<vmem>>[vector<16xi32>], vector<16xf32>,
      %get3A_71 = arith.index_cast %scan3A_14 : i32 to index
      %get3A_72 = arith.constant 80 : index
      %get3A_73 = tpu.vector_load %arg9[%get3A_71, %get3A_72] {strides = array<i32>} : memref<80x128xf32, #tpu.memory_space<vmem>>, vector<16xf32>,
      %mul3A_74 = arith.mulf %gather3A_70, %get3A_73 : vector<16xf32>
      %swap3A_75 = arith.index_cast %scan3A_14 : i32 to index
      %swap3A_76 = arith.constant 80 : index
      %swap3A_77 = tpu.vector_load %arg10[%swap3A_75, %swap3A_76] {strides = array<i32>} : memref<80x128xf32, #tpu.memory_space<vmem>>, vector<16xf32>,
      tpu.vector_store %arg10[%swap3A_75, %swap3A_76], %mul3A_74 {strides = array<i32>} : memref<80x128xf32, #tpu.memory_space<vmem>>, vector<16xf32>,
      %get3A_78 = arith.index_cast %scan3A_14 : i32 to index
      %get3A_79 = arith.constant 96 : index
      %get3A_80 = tpu.vector_load %arg7[%get3A_78, %get3A_79] {strides = array<i32>} : memref<80x128xi32, #tpu.memory_space<vmem>>, vector<16xi32>,
      %gather3A_81 = tpu.vector_load_idx %arg11[%get3A_80] : memref<10000xf32, #tpu.memory_space<vmem>>[vector<16xi32>], vector<16xf32>,
      %get3A_82 = arith.index_cast %scan3A_14 : i32 to index
      %get3A_83 = arith.constant 96 : index
      %get3A_84 = tpu.vector_load %arg9[%get3A_82, %get3A_83] {strides = array<i32>} : memref<80x128xf32, #tpu.memory_space<vmem>>, vector<16xf32>,
      %mul3A_85 = arith.mulf %gather3A_81, %get3A_84 : vector<16xf32>
      %swap3A_86 = arith.index_cast %scan3A_14 : i32 to index
      %swap3A_87 = arith.constant 96 : index
      %swap3A_88 = tpu.vector_load %arg10[%swap3A_86, %swap3A_87] {strides = array<i32>} : memref<80x128xf32, #tpu.memory_space<vmem>>, vector<16xf32>,
      tpu.vector_store %arg10[%swap3A_86, %swap3A_87], %mul3A_85 {strides = array<i32>} : memref<80x128xf32, #tpu.memory_space<vmem>>, vector<16xf32>,
      %get3A_89 = arith.index_cast %scan3A_14 : i32 to index
      %get3A_90 = arith.constant 112 : index
      %get3A_91 = tpu.vector_load %arg7[%get3A_89, %get3A_90] {strides = array<i32>} : memref<80x128xi32, #tpu.memory_space<vmem>>, vector<16xi32>,
      %gather3A_92 = tpu.vector_load_idx %arg11[%get3A_91] : memref<10000xf32, #tpu.memory_space<vmem>>[vector<16xi32>], vector<16xf32>,
      %get3A_93 = arith.index_cast %scan3A_14 : i32 to index
      %get3A_94 = arith.constant 112 : index
      %get3A_95 = tpu.vector_load %arg9[%get3A_93, %get3A_94] {strides = array<i32>} : memref<80x128xf32, #tpu.memory_space<vmem>>, vector<16xf32>,
      %mul3A_96 = arith.mulf %gather3A_92, %get3A_95 : vector<16xf32>
      %swap3A_97 = arith.index_cast %scan3A_14 : i32 to index
      %swap3A_98 = arith.constant 112 : index
      %swap3A_99 = tpu.vector_load %arg10[%swap3A_97, %swap3A_98] {strides = array<i32>} : memref<80x128xf32, #tpu.memory_space<vmem>>, vector<16xf32>,
      tpu.vector_store %arg10[%swap3A_97, %swap3A_98], %mul3A_96 {strides = array<i32>} : memref<80x128xf32, #tpu.memory_space<vmem>>, vector<16xf32>,
      "tpu.region"() ({
        %run_scoped3A = tpu.sem_alloc : memref<!tpu.dma_semaphore, #tpu.memory_space<semaphore_mem>>
        %dma_start3A = arith.constant 0 : i32
        %dma_start3A_100 = tpu.memref_slice %arg10[%scan3A_14, %dma_start3A] : memref<80x128xf32, #tpu.memory_space<vmem>> -> memref<1x128xf32, #tpu.memory_space<vmem>>
        %dma_start3A_101 = tpu.memref_squeeze %dma_start3A_100 : memref<1x128xf32, #tpu.memory_space<vmem>> -> memref<128xf32, #tpu.memory_space<vmem>>
        %dma_start3A_102 = arith.constant 0 : i32
        %dma_start3A_103 = tpu.memref_slice %arg8[%scan3A_14, %dma_start3A_102] : memref<80x128xi32, #tpu.memory_space<vmem>> -> memref<1x128xi32, #tpu.memory_space<vmem>>
        %dma_start3A_104 = tpu.memref_squeeze %dma_start3A_103 : memref<1x128xi32, #tpu.memory_space<vmem>> -> memref<128xi32, #tpu.memory_space<vmem>>
        %dma_start3A_105 = arith.constant 0 : i32
        %dma_start3A_106 = tpu.memref_slice %arg13[%dma_start3A_105] : memref<10000xf32, #tpu.memory_space<vmem_shared>> -> memref<10000xf32, #tpu.memory_space<vmem_shared>>
        tpu.enqueue_indirect_dma source(%dma_start3A_101 : memref<128xf32, #tpu.memory_space<vmem>>) target(%dma_start3A_106 : memref<10000xf32, #tpu.memory_space<vmem_shared>>) offsets(%dma_start3A_104 : memref<128xi32, #tpu.memory_space<vmem>>) semaphore(%run_scoped3A : memref<!tpu.dma_semaphore, #tpu.memory_space<semaphore_mem>>) {add = true}
        %dma_wait3A = arith.constant 0 : i32
        %dma_wait3A_107 = tpu.memref_slice %arg10[%scan3A_14, %dma_wait3A] : memref<80x128xf32, #tpu.memory_space<vmem>> -> memref<1x128xf32, #tpu.memory_space<vmem>>
        %dma_wait3A_108 = tpu.memref_squeeze %dma_wait3A_107 : memref<1x128xf32, #tpu.memory_space<vmem>> -> memref<128xf32, #tpu.memory_space<vmem>>
        %dma_wait3A_109 = arith.constant 0 : i32
        %dma_wait3A_110 = tpu.memref_slice %arg8[%scan3A_14, %dma_wait3A_109] : memref<80x128xi32, #tpu.memory_space<vmem>> -> memref<1x128xi32, #tpu.memory_space<vmem>>
        %dma_wait3A_111 = tpu.memref_squeeze %dma_wait3A_110 : memref<1x128xi32, #tpu.memory_space<vmem>> -> memref<128xi32, #tpu.memory_space<vmem>>
        %dma_wait3A_112 = arith.constant 0 : i32
        %dma_wait3A_113 = tpu.memref_slice %arg13[%dma_wait3A_112] : memref<10000xf32, #tpu.memory_space<vmem_shared>> -> memref<10000xf32, #tpu.memory_space<vmem_shared>>
        tpu.wait_indirect_dma semaphore(%run_scoped3A : memref<!tpu.dma_semaphore, #tpu.memory_space<semaphore_mem>>) src(%dma_wait3A_108 : memref<128xf32, #tpu.memory_space<vmem>>) dst(%dma_wait3A_113 : memref<10000xf32, #tpu.memory_space<vmem_shared>>)
        tpu.yield
      }) : () -> ()
    }
    %scan3A_7 = arith.constant 80 : i32
    %barrier3A_8 = arith.constant 0 : index
    tpu.barrier barrier_id(%barrier3A_8)
    %eq3A_9 = arith.constant 0 : i32
    %eq3A_10 = arith.cmpi eq, %arg1, %eq3A_9 : i32
    %convert_element_type3A_11 = arith.extui %eq3A_10 : i1 to i32
    %cond3A_12 = arith.constant 0 : i32
    %cond3A_13 = arith.cmpi ne, %convert_element_type3A_11, %cond3A_12 : i32
    scf.if %cond3A_13 {
      "tpu.region"() ({
        %run_scoped3A = tpu.sem_alloc : memref<!tpu.dma_semaphore, #tpu.memory_space<semaphore_mem>>
        %dma_start3A = arith.constant 0 : i32
        %dma_start3A_14 = tpu.memref_slice %arg6[%arg0, %dma_start3A] : memref<2x10000xf32, #tpu.memory_space<hbm>> -> memref<1x10000xf32, #tpu.memory_space<hbm>>
        %dma_start3A_15 = tpu.memref_squeeze %dma_start3A_14 : memref<1x10000xf32, #tpu.memory_space<hbm>> -> memref<10000xf32, #tpu.memory_space<hbm>>
        tpu.enqueue_dma source(%arg13 : memref<10000xf32, #tpu.memory_space<vmem_shared>>) target(%dma_start3A_15 : memref<10000xf32, #tpu.memory_space<hbm>>) target_semaphore(%run_scoped3A : memref<!tpu.dma_semaphore, #tpu.memory_space<semaphore_mem>>)
        %dma_wait3A = arith.constant 0 : i32
        %dma_wait3A_16 = tpu.memref_slice %arg6[%arg0, %dma_wait3A] : memref<2x10000xf32, #tpu.memory_space<hbm>> -> memref<1x10000xf32, #tpu.memory_space<hbm>>
        %dma_wait3A_17 = tpu.memref_squeeze %dma_wait3A_16 : memref<1x10000xf32, #tpu.memory_space<hbm>> -> memref<10000xf32, #tpu.memory_space<hbm>>
        tpu.wait_dma2 semaphore(%run_scoped3A : memref<!tpu.dma_semaphore, #tpu.memory_space<semaphore_mem>>) src(%arg13 : memref<10000xf32, #tpu.memory_space<vmem_shared>>) dst(%dma_wait3A_17 : memref<10000xf32, #tpu.memory_space<hbm>>)
        tpu.yield
      }) : () -> ()
    } else {
    }
    return
  }
}

module attributes {stable_mosaic.version = 14 : i64} {
  func.func @_dense1_body(%arg0: i32, %arg1: memref<1000x1xf32, #tpu.memory_space<vmem>>, %arg2: memref<1000x1xf32, #tpu.memory_space<vmem>>, %arg3: memref<1000x128xf32, #tpu.memory_space<vmem>>, %arg4: memref<128x128xf32, #tpu.memory_space<vmem>>, %arg5: memref<1000x1xf32, #tpu.memory_space<vmem>>, %arg6: memref<1000x128xf32, #tpu.memory_space<vmem>>) attributes {dimension_semantics = [#tpu.dimension_semantics<arbitrary>], iteration_bounds = array<i64: 10>, scalar_prefetch = 0 : i64, scratch_operands = 0 : i64, tpu.core_type = #tpu.core_type<tc>, window_params = [{transform_indices = @transform_0, window_bounds = array<i64: 1000, 1>}, {transform_indices = @transform_1, window_bounds = array<i64: 1000, 1>}, {transform_indices = @transform_2, window_bounds = array<i64: 1000, 128>}, {pipeline_mode = #tpu.pipeline_mode<synchronous>, transform_indices = @transform_3, window_bounds = array<i64: 128, 128>}, {transform_indices = @transform_4, window_bounds = array<i64: 1000, 1>}, {transform_indices = @transform_5, window_bounds = array<i64: 1000, 128>}]} {
    %get3A = arith.constant 0 : index
    %get3A_0 = arith.constant 0 : index
    %get3A_1 = vector.load %arg1[%get3A, %get3A_0] : memref<1000x1xf32, #tpu.memory_space<vmem>>, vector<1000x1xf32>
    %get3A_2 = arith.constant 0 : index
    %get3A_3 = arith.constant 0 : index
    %get3A_4 = vector.load %arg2[%get3A_2, %get3A_3] : memref<1000x1xf32, #tpu.memory_space<vmem>>, vector<1000x1xf32>
    %add3A = arith.addf %get3A_1, %get3A_4 : vector<1000x1xf32>
    %add3A_5 = arith.constant 1.000000e+00 : f32
    %add3A_6 = vector.broadcast %add3A_5 : f32 to vector<1000x1xf32>
    %add3A_7 = arith.addf %add3A, %add3A_6 : vector<1000x1xf32>
    %rsqrt3A = math.rsqrt %add3A_7 : vector<1000x1xf32>
    %get3A_8 = arith.constant 0 : index
    %get3A_9 = arith.constant 0 : index
    %get3A_10 = vector.load %arg3[%get3A_8, %get3A_9] : memref<1000x128xf32, #tpu.memory_space<vmem>>, vector<1000x128xf32>
    %get3A_11 = arith.constant 0 : index
    %get3A_12 = arith.constant 0 : index
    %get3A_13 = vector.load %arg4[%get3A_11, %get3A_12] : memref<128x128xf32, #tpu.memory_space<vmem>>, vector<128x128xf32>
    %dot_general3A = arith.constant dense<0.000000e+00> : vector<1000x128xf32>
    %dot_general3A_14 = tpu.matmul %get3A_10, %get3A_13, %dot_general3A {dimension_numbers = #tpu.dot_dimension_numbers<[1], [0], [0], [1], [0, 0, 1, 1], [], []>, transpose_lhs_hint = false} : vector<1000x128xf32>, vector<128x128xf32>, vector<1000x128xf32> -> vector<1000x128xf32>
    %swap3A = arith.constant 0 : index
    %swap3A_15 = arith.constant 0 : index
    %swap3A_16 = vector.load %arg5[%swap3A, %swap3A_15] : memref<1000x1xf32, #tpu.memory_space<vmem>>, vector<1000x1xf32>
    tpu.vector_store %arg5[%swap3A, %swap3A_15], %rsqrt3A {strides = array<i32>} : memref<1000x1xf32, #tpu.memory_space<vmem>>, vector<1000x1xf32>,
    %mul3A = vector.broadcast %rsqrt3A : vector<1000x1xf32> to vector<1000x128xf32>
    %mul3A_17 = arith.mulf %mul3A, %dot_general3A_14 : vector<1000x128xf32>
    %swap3A_18 = arith.constant 0 : index
    %swap3A_19 = arith.constant 0 : index
    %swap3A_20 = vector.load %arg6[%swap3A_18, %swap3A_19] : memref<1000x128xf32, #tpu.memory_space<vmem>>, vector<1000x128xf32>
    tpu.vector_store %arg6[%swap3A_18, %swap3A_19], %mul3A_17 {strides = array<i32>} : memref<1000x128xf32, #tpu.memory_space<vmem>>, vector<1000x128xf32>,
    return
  }
  func.func @transform_0(%arg0: i32) -> (i32, i32) {
    %c0_i32 = arith.constant 0 : i32
    %c0_i32_0 = arith.constant 0 : i32
    return %arg0, %c0_i32 : i32, i32
  }
  func.func @transform_1(%arg0: i32) -> (i32, i32) {
    %c0_i32 = arith.constant 0 : i32
    %c0_i32_0 = arith.constant 0 : i32
    return %arg0, %c0_i32 : i32, i32
  }
  func.func @transform_2(%arg0: i32) -> (i32, i32) {
    %c0_i32 = arith.constant 0 : i32
    %c0_i32_0 = arith.constant 0 : i32
    return %arg0, %c0_i32 : i32, i32
  }
  func.func @transform_3(%arg0: i32) -> (i32, i32) {
    %c0_i32 = arith.constant 0 : i32
    %c0_i32_0 = arith.constant 0 : i32
    %c0_i32_1 = arith.constant 0 : i32
    return %c0_i32, %c0_i32_0 : i32, i32
  }
  func.func @transform_4(%arg0: i32) -> (i32, i32) {
    %c0_i32 = arith.constant 0 : i32
    %c0_i32_0 = arith.constant 0 : i32
    return %arg0, %c0_i32 : i32, i32
  }
  func.func @transform_5(%arg0: i32) -> (i32, i32) {
    %c0_i32 = arith.constant 0 : i32
    %c0_i32_0 = arith.constant 0 : i32
    return %arg0, %c0_i32 : i32, i32
  }
}

module attributes {stable_mosaic.version = 14 : i64} {
  func.func @_dense_mid_body(%arg0: i32, %arg1: memref<1000x128xf32, #tpu.memory_space<vmem>>, %arg2: memref<1000x128xf32, #tpu.memory_space<vmem>>, %arg3: memref<1000x128xf32, #tpu.memory_space<vmem>>, %arg4: memref<1000x1xf32, #tpu.memory_space<vmem>>, %arg5: memref<128x128xf32, #tpu.memory_space<vmem>>, %arg6: memref<1x128xf32, #tpu.memory_space<vmem>>, %arg7: memref<1000x128xf32, #tpu.memory_space<vmem>>) attributes {dimension_semantics = [#tpu.dimension_semantics<arbitrary>], iteration_bounds = array<i64: 10>, scalar_prefetch = 0 : i64, scratch_operands = 0 : i64, tpu.core_type = #tpu.core_type<tc>, window_params = [{transform_indices = @transform_0, window_bounds = array<i64: 1000, 128>}, {transform_indices = @transform_1, window_bounds = array<i64: 1000, 128>}, {transform_indices = @transform_2, window_bounds = array<i64: 1000, 128>}, {transform_indices = @transform_3, window_bounds = array<i64: 1000, 1>}, {pipeline_mode = #tpu.pipeline_mode<synchronous>, transform_indices = @transform_4, window_bounds = array<i64: 128, 128>}, {pipeline_mode = #tpu.pipeline_mode<synchronous>, transform_indices = @transform_5, window_bounds = array<i64: 1, 128>}, {transform_indices = @transform_6, window_bounds = array<i64: 1000, 128>}]} {
    %get3A = arith.constant 0 : index
    %get3A_0 = arith.constant 0 : index
    %get3A_1 = vector.load %arg4[%get3A, %get3A_0] : memref<1000x1xf32, #tpu.memory_space<vmem>>, vector<1000x1xf32>
    %get3A_2 = arith.constant 0 : index
    %get3A_3 = arith.constant 0 : index
    %get3A_4 = vector.load %arg1[%get3A_2, %get3A_3] : memref<1000x128xf32, #tpu.memory_space<vmem>>, vector<1000x128xf32>
    %get3A_5 = arith.constant 0 : index
    %get3A_6 = arith.constant 0 : index
    %get3A_7 = vector.load %arg2[%get3A_5, %get3A_6] : memref<1000x128xf32, #tpu.memory_space<vmem>>, vector<1000x128xf32>
    %add3A = arith.addf %get3A_4, %get3A_7 : vector<1000x128xf32>
    %get3A_8 = arith.constant 0 : index
    %get3A_9 = arith.constant 0 : index
    %get3A_10 = vector.load %arg3[%get3A_8, %get3A_9] : memref<1000x128xf32, #tpu.memory_space<vmem>>, vector<1000x128xf32>
    %add3A_11 = arith.addf %add3A, %get3A_10 : vector<1000x128xf32>
    %mul3A = vector.broadcast %get3A_1 : vector<1000x1xf32> to vector<1000x128xf32>
    %mul3A_12 = arith.mulf %mul3A, %add3A_11 : vector<1000x128xf32>
    %get3A_13 = arith.constant 0 : index
    %get3A_14 = arith.constant 0 : index
    %get3A_15 = vector.load %arg6[%get3A_13, %get3A_14] : memref<1x128xf32, #tpu.memory_space<vmem>>, vector<1x128xf32>
    %add3A_16 = vector.broadcast %get3A_15 : vector<1x128xf32> to vector<1000x128xf32>
    %add3A_17 = arith.addf %mul3A_12, %add3A_16 : vector<1000x128xf32>
    %max3A = arith.constant 0.000000e+00 : f32
    %max3A_18 = vector.broadcast %max3A : f32 to vector<1000x128xf32>
    %max3A_19 = arith.maximumf %add3A_17, %max3A_18 : vector<1000x128xf32>
    %get3A_20 = arith.constant 0 : index
    %get3A_21 = arith.constant 0 : index
    %get3A_22 = vector.load %arg5[%get3A_20, %get3A_21] : memref<128x128xf32, #tpu.memory_space<vmem>>, vector<128x128xf32>
    %dot_general3A = arith.constant dense<0.000000e+00> : vector<1000x128xf32>
    %dot_general3A_23 = tpu.matmul %max3A_19, %get3A_22, %dot_general3A {dimension_numbers = #tpu.dot_dimension_numbers<[1], [0], [0], [1], [0, 0, 1, 1], [], []>, transpose_lhs_hint = false} : vector<1000x128xf32>, vector<128x128xf32>, vector<1000x128xf32> -> vector<1000x128xf32>
    %mul3A_24 = vector.broadcast %get3A_1 : vector<1000x1xf32> to vector<1000x128xf32>
    %mul3A_25 = arith.mulf %mul3A_24, %dot_general3A_23 : vector<1000x128xf32>
    %swap3A = arith.constant 0 : index
    %swap3A_26 = arith.constant 0 : index
    %swap3A_27 = vector.load %arg7[%swap3A, %swap3A_26] : memref<1000x128xf32, #tpu.memory_space<vmem>>, vector<1000x128xf32>
    tpu.vector_store %arg7[%swap3A, %swap3A_26], %mul3A_25 {strides = array<i32>} : memref<1000x128xf32, #tpu.memory_space<vmem>>, vector<1000x128xf32>,
    return
  }
  func.func @transform_0(%arg0: i32) -> (i32, i32) {
    %c0_i32 = arith.constant 0 : i32
    %c0_i32_0 = arith.constant 0 : i32
    return %arg0, %c0_i32 : i32, i32
  }
  func.func @transform_1(%arg0: i32) -> (i32, i32) {
    %c0_i32 = arith.constant 0 : i32
    %c0_i32_0 = arith.constant 0 : i32
    return %arg0, %c0_i32 : i32, i32
  }
  func.func @transform_2(%arg0: i32) -> (i32, i32) {
    %c0_i32 = arith.constant 0 : i32
    %c0_i32_0 = arith.constant 0 : i32
    return %arg0, %c0_i32 : i32, i32
  }
  func.func @transform_3(%arg0: i32) -> (i32, i32) {
    %c0_i32 = arith.constant 0 : i32
    %c0_i32_0 = arith.constant 0 : i32
    return %arg0, %c0_i32 : i32, i32
  }
  func.func @transform_4(%arg0: i32) -> (i32, i32) {
    %c0_i32 = arith.constant 0 : i32
    %c0_i32_0 = arith.constant 0 : i32
    %c0_i32_1 = arith.constant 0 : i32
    return %c0_i32, %c0_i32_0 : i32, i32
  }
  func.func @transform_5(%arg0: i32) -> (i32, i32) {
    %c0_i32 = arith.constant 0 : i32
    %c0_i32_0 = arith.constant 0 : i32
    %c0_i32_1 = arith.constant 0 : i32
    return %c0_i32, %c0_i32_0 : i32, i32
  }
  func.func @transform_6(%arg0: i32) -> (i32, i32) {
    %c0_i32 = arith.constant 0 : i32
    %c0_i32_0 = arith.constant 0 : i32
    return %arg0, %c0_i32 : i32, i32
  }
}

module attributes {stable_mosaic.version = 14 : i64} {
  func.func @_dense3_body(%arg0: i32, %arg1: memref<1000x128xf32, #tpu.memory_space<vmem>>, %arg2: memref<1000x128xf32, #tpu.memory_space<vmem>>, %arg3: memref<1000x128xf32, #tpu.memory_space<vmem>>, %arg4: memref<1000x1xf32, #tpu.memory_space<vmem>>, %arg5: memref<1x128xf32, #tpu.memory_space<vmem>>, %arg6: memref<1x128xf32, #tpu.memory_space<vmem>>, %arg7: memref<1000x1xf32, #tpu.memory_space<vmem>>) attributes {dimension_semantics = [#tpu.dimension_semantics<arbitrary>], iteration_bounds = array<i64: 10>, scalar_prefetch = 0 : i64, scratch_operands = 0 : i64, tpu.core_type = #tpu.core_type<tc>, window_params = [{transform_indices = @transform_0, window_bounds = array<i64: 1000, 128>}, {transform_indices = @transform_1, window_bounds = array<i64: 1000, 128>}, {transform_indices = @transform_2, window_bounds = array<i64: 1000, 128>}, {transform_indices = @transform_3, window_bounds = array<i64: 1000, 1>}, {pipeline_mode = #tpu.pipeline_mode<synchronous>, transform_indices = @transform_4, window_bounds = array<i64: 1, 128>}, {pipeline_mode = #tpu.pipeline_mode<synchronous>, transform_indices = @transform_5, window_bounds = array<i64: 1, 128>}, {transform_indices = @transform_6, window_bounds = array<i64: 1000, 1>}]} {
    %get3A = arith.constant 0 : index
    %get3A_0 = arith.constant 0 : index
    %get3A_1 = vector.load %arg4[%get3A, %get3A_0] : memref<1000x1xf32, #tpu.memory_space<vmem>>, vector<1000x1xf32>
    %get3A_2 = arith.constant 0 : index
    %get3A_3 = arith.constant 0 : index
    %get3A_4 = vector.load %arg1[%get3A_2, %get3A_3] : memref<1000x128xf32, #tpu.memory_space<vmem>>, vector<1000x128xf32>
    %get3A_5 = arith.constant 0 : index
    %get3A_6 = arith.constant 0 : index
    %get3A_7 = vector.load %arg2[%get3A_5, %get3A_6] : memref<1000x128xf32, #tpu.memory_space<vmem>>, vector<1000x128xf32>
    %add3A = arith.addf %get3A_4, %get3A_7 : vector<1000x128xf32>
    %get3A_8 = arith.constant 0 : index
    %get3A_9 = arith.constant 0 : index
    %get3A_10 = vector.load %arg3[%get3A_8, %get3A_9] : memref<1000x128xf32, #tpu.memory_space<vmem>>, vector<1000x128xf32>
    %add3A_11 = arith.addf %add3A, %get3A_10 : vector<1000x128xf32>
    %mul3A = vector.broadcast %get3A_1 : vector<1000x1xf32> to vector<1000x128xf32>
    %mul3A_12 = arith.mulf %mul3A, %add3A_11 : vector<1000x128xf32>
    %get3A_13 = arith.constant 0 : index
    %get3A_14 = arith.constant 0 : index
    %get3A_15 = vector.load %arg6[%get3A_13, %get3A_14] : memref<1x128xf32, #tpu.memory_space<vmem>>, vector<1x128xf32>
    %add3A_16 = vector.broadcast %get3A_15 : vector<1x128xf32> to vector<1000x128xf32>
    %add3A_17 = arith.addf %mul3A_12, %add3A_16 : vector<1000x128xf32>
    %max3A = arith.constant 0.000000e+00 : f32
    %max3A_18 = vector.broadcast %max3A : f32 to vector<1000x128xf32>
    %max3A_19 = arith.maximumf %add3A_17, %max3A_18 : vector<1000x128xf32>
    %get3A_20 = arith.constant 0 : index
    %get3A_21 = arith.constant 0 : index
    %get3A_22 = vector.load %arg5[%get3A_20, %get3A_21] : memref<1x128xf32, #tpu.memory_space<vmem>>, vector<1x128xf32>
    %mul3A_23 = vector.broadcast %get3A_22 : vector<1x128xf32> to vector<1000x128xf32>
    %mul3A_24 = arith.mulf %max3A_19, %mul3A_23 : vector<1000x128xf32>
    %reduce_sum3A = arith.constant dense<0.000000e+00> : vector<1000xf32>
    %reduce_sum3A_25 = vector.multi_reduction <add>, %mul3A_24, %reduce_sum3A [1] : vector<1000x128xf32> to vector<1000xf32>
    %broadcast_in_dim3A = vector.shape_cast %reduce_sum3A_25 : vector<1000xf32> to vector<1000x1xf32>
    %mul3A_26 = arith.mulf %get3A_1, %broadcast_in_dim3A : vector<1000x1xf32>
    %swap3A = arith.constant 0 : index
    %swap3A_27 = arith.constant 0 : index
    %swap3A_28 = vector.load %arg7[%swap3A, %swap3A_27] : memref<1000x1xf32, #tpu.memory_space<vmem>>, vector<1000x1xf32>
    tpu.vector_store %arg7[%swap3A, %swap3A_27], %mul3A_26 {strides = array<i32>} : memref<1000x1xf32, #tpu.memory_space<vmem>>, vector<1000x1xf32>,
    return
  }
  func.func @transform_0(%arg0: i32) -> (i32, i32) {
    %c0_i32 = arith.constant 0 : i32
    %c0_i32_0 = arith.constant 0 : i32
    return %arg0, %c0_i32 : i32, i32
  }
  func.func @transform_1(%arg0: i32) -> (i32, i32) {
    %c0_i32 = arith.constant 0 : i32
    %c0_i32_0 = arith.constant 0 : i32
    return %arg0, %c0_i32 : i32, i32
  }
  func.func @transform_2(%arg0: i32) -> (i32, i32) {
    %c0_i32 = arith.constant 0 : i32
    %c0_i32_0 = arith.constant 0 : i32
    return %arg0, %c0_i32 : i32, i32
  }
  func.func @transform_3(%arg0: i32) -> (i32, i32) {
    %c0_i32 = arith.constant 0 : i32
    %c0_i32_0 = arith.constant 0 : i32
    return %arg0, %c0_i32 : i32, i32
  }
  func.func @transform_4(%arg0: i32) -> (i32, i32) {
    %c0_i32 = arith.constant 0 : i32
    %c0_i32_0 = arith.constant 0 : i32
    %c0_i32_1 = arith.constant 0 : i32
    return %c0_i32, %c0_i32_0 : i32, i32
  }
  func.func @transform_5(%arg0: i32) -> (i32, i32) {
    %c0_i32 = arith.constant 0 : i32
    %c0_i32_0 = arith.constant 0 : i32
    %c0_i32_1 = arith.constant 0 : i32
    return %c0_i32, %c0_i32_0 : i32, i32
  }
  func.func @transform_6(%arg0: i32) -> (i32, i32) {
    %c0_i32 = arith.constant 0 : i32
    %c0_i32_0 = arith.constant 0 : i32
    return %arg0, %c0_i32 : i32, i32
  }
}

module attributes {stable_mosaic.version = 14 : i64} {
  func.func @_final_body(%arg0: i32, %arg1: memref<1000x1xf32, #tpu.memory_space<vmem>>, %arg2: memref<1000x1xf32, #tpu.memory_space<vmem>>, %arg3: memref<1000x1xf32, #tpu.memory_space<vmem>>, %arg4: memref<1000x1xf32, #tpu.memory_space<vmem>>, %arg5: memref<1x1xf32, #tpu.memory_space<vmem>>, %arg6: memref<1000x1xf32, #tpu.memory_space<vmem>>) attributes {dimension_semantics = [#tpu.dimension_semantics<arbitrary>], iteration_bounds = array<i64: 10>, scalar_prefetch = 0 : i64, scratch_operands = 0 : i64, tpu.core_type = #tpu.core_type<tc>, window_params = [{transform_indices = @transform_0, window_bounds = array<i64: 1000, 1>}, {transform_indices = @transform_1, window_bounds = array<i64: 1000, 1>}, {transform_indices = @transform_2, window_bounds = array<i64: 1000, 1>}, {transform_indices = @transform_3, window_bounds = array<i64: 1000, 1>}, {pipeline_mode = #tpu.pipeline_mode<synchronous>, transform_indices = @transform_4, window_bounds = array<i64: 1, 1>}, {transform_indices = @transform_5, window_bounds = array<i64: 1000, 1>}]} {
    %get3A = arith.constant 0 : index
    %get3A_0 = arith.constant 0 : index
    %get3A_1 = vector.load %arg4[%get3A, %get3A_0] : memref<1000x1xf32, #tpu.memory_space<vmem>>, vector<1000x1xf32>
    %get3A_2 = arith.constant 0 : index
    %get3A_3 = arith.constant 0 : index
    %get3A_4 = vector.load %arg1[%get3A_2, %get3A_3] : memref<1000x1xf32, #tpu.memory_space<vmem>>, vector<1000x1xf32>
    %get3A_5 = arith.constant 0 : index
    %get3A_6 = arith.constant 0 : index
    %get3A_7 = vector.load %arg2[%get3A_5, %get3A_6] : memref<1000x1xf32, #tpu.memory_space<vmem>>, vector<1000x1xf32>
    %add3A = arith.addf %get3A_4, %get3A_7 : vector<1000x1xf32>
    %get3A_8 = arith.constant 0 : index
    %get3A_9 = arith.constant 0 : index
    %get3A_10 = vector.load %arg3[%get3A_8, %get3A_9] : memref<1000x1xf32, #tpu.memory_space<vmem>>, vector<1000x1xf32>
    %add3A_11 = arith.addf %add3A, %get3A_10 : vector<1000x1xf32>
    %mul3A = arith.mulf %get3A_1, %add3A_11 : vector<1000x1xf32>
    %get3A_12 = arith.constant 0 : index
    %get3A_13 = arith.constant 0 : index
    %get3A_14 = vector.load %arg5[%get3A_12, %get3A_13] : memref<1x1xf32, #tpu.memory_space<vmem>>, vector<1x1xf32>
    %add3A_15 = vector.broadcast %get3A_14 : vector<1x1xf32> to vector<1000x1xf32>
    %add3A_16 = arith.addf %mul3A, %add3A_15 : vector<1000x1xf32>
    %swap3A = arith.constant 0 : index
    %swap3A_17 = arith.constant 0 : index
    %swap3A_18 = vector.load %arg6[%swap3A, %swap3A_17] : memref<1000x1xf32, #tpu.memory_space<vmem>>, vector<1000x1xf32>
    tpu.vector_store %arg6[%swap3A, %swap3A_17], %add3A_16 {strides = array<i32>} : memref<1000x1xf32, #tpu.memory_space<vmem>>, vector<1000x1xf32>,
    return
  }
  func.func @transform_0(%arg0: i32) -> (i32, i32) {
    %c0_i32 = arith.constant 0 : i32
    %c0_i32_0 = arith.constant 0 : i32
    return %arg0, %c0_i32 : i32, i32
  }
  func.func @transform_1(%arg0: i32) -> (i32, i32) {
    %c0_i32 = arith.constant 0 : i32
    %c0_i32_0 = arith.constant 0 : i32
    return %arg0, %c0_i32 : i32, i32
  }
  func.func @transform_2(%arg0: i32) -> (i32, i32) {
    %c0_i32 = arith.constant 0 : i32
    %c0_i32_0 = arith.constant 0 : i32
    return %arg0, %c0_i32 : i32, i32
  }
  func.func @transform_3(%arg0: i32) -> (i32, i32) {
    %c0_i32 = arith.constant 0 : i32
    %c0_i32_0 = arith.constant 0 : i32
    return %arg0, %c0_i32 : i32, i32
  }
  func.func @transform_4(%arg0: i32) -> (i32, i32) {
    %c0_i32 = arith.constant 0 : i32
    %c0_i32_0 = arith.constant 0 : i32
    %c0_i32_1 = arith.constant 0 : i32
    return %c0_i32, %c0_i32_0 : i32, i32
  }
  func.func @transform_5(%arg0: i32) -> (i32, i32) {
    %c0_i32 = arith.constant 0 : i32
    %c0_i32_0 = arith.constant 0 : i32
    return %arg0, %c0_i32 : i32, i32
  }
}

</mosaic_0001>

<sc_bundles>
// kernel: kernel.10.cloned.1.call-start
scs
__scs_entry_jumppad:
0x0: {  	(pc) =	sbr.rel $0x88, $3  }
0x1: {  	(tag) =	ssettag $0x0;
	lr =	simm.s32 $0x1  }
0x2: {  	[smem:$0x3F98] =	sst lr;
	_ =	strace $0xD0000000  }
0x3: {  	_ = 	snop  }
0x4: {  	_ = 	snop  }
0x5: {  	_ = 	snop  }
0x6: {  	_ = 	snop  }
0x7: {  	_ = 	snop  }
__scs_overlays_trampoline_lowered:
0x8: {  	[smem:$0x3FA7] =	sst s0  }
0x9: {  	[smem:$0x3FA8] =	sst s1  }
0xa: {  	[smem:$0x3FA9] =	sst s2  }
0xb: {  	[smem:$0x3FAA] =	sst s3  }
0xc: {  	[smem:$0x3FAB] =	sst s4  }
0xd: {  	[smem:$0x3FAC] =	sst s5  }
0xe: {  	[smem:$0x3FAD] =	sst s6  }
0xf: {  	[smem:$0x3FAE] =	sst s7  }
0x10: {  	[smem:$0x3FAF] =	sst s8  }
0x11: {  	[smem:$0x3FB0] =	sst s9;
	s0 =	simm.s32 @!p0 $0x0  }
0x12: {  	s1 =	sld [smem:$0x3F96];
	s0 =	simm.s32 @p0 $0x1  }
0x13: {  	[smem:$0x3FB1] =	sst s0;
	s0 =	simm.s32 @!p1 $0x0  }
0x14: {  	s2 =	sld [smem:$0x3F95];
	s0 =	simm.s32 @p1 $0x1  }
0x15: {  	[smem:$0x3FB2] =	sst s0;
	s0 =	simm.s32 @!p2 $0x0  }
0x16: {  	s3 =	sld [smem:$0x3FDB];
	s0 =	simm.s32 @p2 $0x1  }
0x17: {  	s4 =	simm.s32 $0x1BF5;
	[smem:$0x3FB4] =	sst s0  }
0x18: {  	s0 =	sld [smem:$0x3F97];
	_ =	swait.ge [sflag:s4], $0x0  }
0x19: {  	s7 =	sld [smem:$0x3F98]  }
0x1a: {  	s8 =	sadd.s32 $0xFFFFE003, lr  }
0x1b: {  	s9 =	sadd.s32 $0xFFFFFEF7, lr;
	s5 =	simm.s32 $0xFFFFFFFF;
	p2 =	slt.u32 s8, $0xFFFFF086  }
0x1c: {  	p1 =	slt.u32 s9, $0xF7A;
	s5 =	simm.s32 @!p2 $0x0  }
0x1d: {  	s5 =	simm.s32 @p1 $0x1;
	p0 =	seq.s32 s7, s2  }
0x1e: {  	s7 =	smul.u32 @!p0 $0xF7A, s2;
	p2 =	seq.s32 @!p0 s5, $0x0  }
0x1f: {  	s9 =	smul.u32 $0xF7A, s1;
	s8 =	simm.s32 @!p0 $0x1BF5;
	p2 =	por !p2, p0  }
0x20: {  	[sflag:s8] =	ssyncset.s32 @!p0 $0xFFFFF086;
	s6 =	sadd.s32 @!p0 s3, s7;
	s7 =	simm.s32 @!p0 $0x108  }
0x21: {  	s3 =	sadd.s32 s3, s9;
	s6 =	sadd.s32 @!p0 $0x88, s6;
	s7 =	simm.s32 @p2 $0x1082  }
0x22: {  	[simem:s7], [sflag:s8] =	dma.local @!p0 [hbm:s6], $0xF7A  }
0x23: {  	s9 =	sor.u32 $0xD0000000, s2;
	s6 =	simm.s32 $0x108;
	_ =	swait.ge @!p0 [sflag:s8], $0x0  }
0x24: {  	s3 =	sadd.s32 $0x88, s3;
	s6 =	simm.s32 @!p1 $0x1082;
	[sflag:s4] =	ssyncset.s32 $0xFFFFF086  }
0x25: {  	[simem:s6], [sflag:s4] =	dma.local [hbm:s3], $0xF7A  }
0x26: {  	[smem:$0x3F98] =	sst s1;
	(tag) =	ssettag s2;
	_ =	strace s9  }
0x27: {  	s1 =	sld [smem:$0x3FA8]  }
0x28: {  	s2 =	sld [smem:$0x3FA9]  }
0x29: {  	s4 =	sld [smem:$0x3FAB]  }
0x2a: {  	p0 =	seq.s32 s5, $0x0;
	s5 =	sld [smem:$0x3FAC]  }
0x2b: {  	s6 =	sld [smem:$0x3FAD]  }
0x2c: {  	s7 =	sld [smem:$0x3FAE]  }
0x2d: {  	s3 =	simm.s32 $0x108;
	s8 =	sld [smem:$0x3FAF]  }
0x2e: {  	s3 =	simm.s32 @!p0 $0x1082;
	s9 =	sld [smem:$0x3FB0]  }
0x2f: {  	lr =	sadd.s32 s0, s3;
	s0 =	sld [smem:$0x3FA7]  }
0x30: {  	s3 =	sld [smem:$0x3FAA]  }
0x31: {  	[smem:$0x3FB3] =	sst s10  }
0x32: {  	s10 =	sld [smem:$0x3FB1];
	_ =	sdelay $0x3  }
0x33: {  	p0 =	seq.s32 s10, $0x1;
	s10 =	sld [smem:$0x3FB3];
	_ =	sdelay $0x3  }
0x34: {  	[smem:$0x3FB3] =	sst s10  }
0x35: {  	s10 =	sld [smem:$0x3FB2];
	_ =	sdelay $0x3  }
0x36: {  	p1 =	seq.s32 s10, $0x1;
	s10 =	sld [smem:$0x3FB3];
	_ =	sdelay $0x3  }
0x37: {  	[smem:$0x3FB3] =	sst s10  }
0x38: {  	s10 =	sld [smem:$0x3FB4]  }
0x39: {  	_ = 	snop;
	(pc) =	sbr.ind lr, $3  }
0x3a: {  	_ = 	snop  }
0x3b: {  	_ = 	snop  }
0x3c: {  	p2 =	seq.s32 s10, $0x1;
	s10 =	sld [smem:$0x3FB3]  }
0x3d: {  	_ =	shalt  }
0x3e: {  	_ =	shalt  }
0x3f: {  	_ =	shalt  }
0x40: {  	_ =	shalt  }
0x41: {  	_ =	shalt  }
0x42: {  	_ =	shalt  }
0x43: {  	_ =	shalt  }
0x44: {  	_ =	shalt  }
0x45: {  	_ =	shalt  }
0x46: {  	_ =	shalt  }
0x47: {  	_ =	shalt  }
0x48: {  	_ =	shalt  }
0x49: {  	_ =	shalt  }
0x4a: {  	_ =	shalt  }
0x4b: {  	_ =	shalt  }
0x4c: {  	_ =	shalt  }
0x4d: {  	_ =	shalt  }
0x4e: {  	_ =	shalt  }
0x4f: {  	_ =	shalt  }
0x50: {  	_ =	shalt  }
0x51: {  	_ =	shalt  }
0x52: {  	_ =	shalt  }
0x53: {  	_ =	shalt  }
0x54: {  	_ =	shalt  }
0x55: {  	_ =	shalt  }
0x56: {  	_ =	shalt  }
0x57: {  	_ =	shalt  }
0x58: {  	_ =	shalt  }
0x59: {  	_ =	shalt  }
0x5a: {  	_ =	shalt  }
0x5b: {  	_ =	shalt  }
0x5c: {  	_ =	shalt  }
0x5d: {  	_ =	shalt  }
0x5e: {  	_ =	shalt  }
0x5f: {  	_ =	shalt  }
0x60: {  	_ =	shalt  }
0x61: {  	_ =	shalt  }
0x62: {  	_ =	shalt  }
0x63: {  	_ =	shalt  }
0x64: {  	_ =	shalt  }
0x65: {  	_ =	shalt  }
0x66: {  	_ =	shalt  }
0x67: {  	_ =	shalt  }
0x68: {  	_ =	shalt  }
0x69: {  	_ =	shalt  }
0x6a: {  	_ =	shalt  }
0x6b: {  	_ =	shalt  }
0x6c: {  	_ =	shalt  }
0x6d: {  	_ =	shalt  }
0x6e: {  	_ =	shalt  }
0x6f: {  	_ =	shalt  }
0x70: {  	_ =	shalt  }
0x71: {  	_ =	shalt  }
0x72: {  	_ =	shalt  }
0x73: {  	_ =	shalt  }
0x74: {  	_ =	shalt  }
0x75: {  	_ =	shalt  }
0x76: {  	_ =	shalt  }
0x77: {  	_ =	shalt  }
0x78: {  	_ =	shalt  }
0x79: {  	_ =	shalt  }
0x7a: {  	_ =	shalt  }
0x7b: {  	_ =	shalt  }
0x7c: {  	_ =	shalt  }
0x7d: {  	_ =	shalt  }
0x7e: {  	_ =	shalt  }
0x7f: {  	_ =	shalt  }
0x80: {  	_ =	shalt  }
0x81: {  	_ =	shalt  }
0x82: {  	_ =	shalt  }
0x83: {  	_ =	shalt  }
0x84: {  	_ =	shalt  }
0x85: {  	_ =	shalt  }
0x86: {  	_ =	shalt  }
0x87: {  	_ =	shalt  }
.Lfunc_end0:
.L_simem_size_0:
called_computation_lowered:
.L_overlay_start_0:
0x88: {  	s2 =	sld [smem:$0x3FD9]  }
0x89: {  	s3 =	sld [smem:$0x3FFE];
	_ =	sdelay $0x1  }
0x8a: {  	s1 =	srdreg.scid  }
0x8b: {  	s0 =	sand.u32 $0x1, s1  }
0x8c: {  	s17 =	sshll.u32 s0, $0xA;
	s2 =	sadd.s32 s3, s2  }
0x8d: {  	s2 =	sadd.s32 s2, s17  }
0x8e: {  	[smem:$0x3FBF] =	sst s2  }
0x8f: {  	_ = 	snop  }
0x90: {  	s2 =	sld [smem:$0x3FD0];
	(tm) =	ssettm $0x1  }
0x91: {  	s18 =	sld [smem:$0x3FFB];
	_ =	sdelay $0x3  }
0x92: {  	_ =	strace s18  }
0x93: {  	s3 =	sld [smem:$0x3FFC];
	_ =	sdelay $0x3  }
0x94: {  	_ =	strace s3  }
0x95: {  	s3 =	sld [smem:$0x3FFD];
	_ =	sdelay $0x3  }
0x96: {  	_ =	strace s3  }
0x97: {  	_ =	strace $0x8FFFFFFF  }
0x98: {  	s19 =	sld [smem:$0x3FDB];
	_ =	sdelay $0x1  }
0x99: {  	s4 =	simm.s32 $_scs_section_size  }
0x9a: {  	s5 =	simm.s32 $_size__tile_overlayer_lowered;
	s6 =	simm.s32 $_tile_overlayer_lowered  }
0x9b: {  	s22 =	simm.s32 $0x1BFF;
	s21 =	sshll.u32 s6, $0x1;
	s3 =	sadd.s32 s4, s19  }
0x9c: {  	s7 =	simm.s32 $0x0;
	s20 =	sshll.u32 s5, $0x1;
	s5 =	sadd.s32 s21, s3  }
0x9d: {  	[timem:s7], [sflag:s22] =	dma.local [hbm:s5], s20  }
0x9e: {  	_ =	swait.ge [sflag:s22], s20  }
0x9f: {  	s4 =	ssub.s32 $0x0, s20;
	[sflag:s22] =	ssyncset.done $0x0  }
0xa0: {  	[sflag:s22] =	ssyncadd.s32 s4;
	_ =	sdelay $0x1  }
0xa1: {  	s23 =	simm.s32 $0x1B8B  }
0xa2: {  	_ =	swait.ge [sflag:s23], $0x1  }
0xa3: {  	[sflag:s23] =	ssyncset.done $0x0  }
0xa4: {  	s25 =	simm.s32 $0x1B8E;
	s24 =	sld [smem:$0x3FFE];
	[sflag:s23] =	ssyncadd.s32 $0xFFFFFFFF  }
0xa5: {  	s26 =	simm.s32 $execute0_lowered;
	[smem:$0x3FD2] =	sst s25  }
0xa6: {  	s5 =	sshll.u32 s26, $0x1;
	_ =	strace $0x80000046;
	[dreg:$0x1] =	wrdreg $0xFFFFFFFF  }
0xa7: {  	s28 =	simm.s32 $_size_execute0_lowered;
	s3 =	sadd.s32 s3, s5;
	[dreg:$0x0] =	wrdreg $0x0  }
0xa8: {  	s5 =	sshll.u32 s28, $0x1;
	[dreg:$0x2] =	wrdreg s3  }
0xa9: {  	[dreg:$0x3] =	wrdreg s5  }
0xaa: {  	[dreg:$0x4] =	wrdreg $0xC0  }
0xab: {  	_ =	task [dreg:s7], $0x5FFFF  }
0xac: {  	[dreg:$0x1] =	wrdreg $0xFFFFFFFF  }
0xad: {  	[dreg:$0x0] =	wrdreg $0x60  }
0xae: {  	[dreg:$0x2] =	wrdreg s2  }
0xaf: {  	[dreg:$0x3] =	wrdreg s24  }
0xb0: {  	[dreg:$0x4] =	wrdreg $0xEF000  }
0xb1: {  	[dreg:$0x5] =	wrdreg $0x9  }
0xb2: {  	_ =	task.clear_ibuf [dreg:s7], $0x6FFFF;
	_ =	strace $0x90000046  }
0xb3: {  	s29 =	simm.s32 $0x9;
	_ =	strace $0x80000048  }
0xb4: {  	_ =	swait.ge [sflag:s29], $0x1  }
0xb5: {  	[sflag:s29] =	ssyncadd.s32 $0xFFFFFFFF  }
0xb6: {  	_ =	strace $0x90000048  }
0xb7: {  	_ =	sfence  }
0xb8: {  	s30 =	sld [smem:$0x0];
	_ =	sdelay $0x2  }
0xb9: {  	s31 =	sshll.u32 s1, $0xD;
	s1 =	sshrl.u32 s1, $0x2  }
0xba: {  	s3 =	sand.u32 $0x4000, s31;
	s1 =	sadd.s32 s1, s30  }
0xbb: {  	s0 =	sor.u32 s3, s0;
	s1 =	sshll.u32 s1, $0x11  }
0xbc: {  	s0 =	sor.u32 s1, s0  }
0xbd: {  	s0 =	sadd.s32 $0x8F2B, s0  }
0xbe: {  	[sflag:s0] =	ssyncadd.remote.s32 $0x1  }
0xbf: {  	_ =	sfence.sel $0xFFFF  }
0xc0: {  	[dreg:$0x0] =	wrdreg $0xFFFFFFFF;
	(pc) =	sbr.abs _section_cstart, $3  }
0xc1: {  	[dreg:$0x1] =	wrdreg $0xFFFFFFFF  }
0xc2: {  	_ =	task.clear_ibuf [dreg:s7], $0x2FFFF;
	_ =	strace $0x9FFFFFFF  }
0xc3: {  	(tm) =	ssettm $0x7FFFFFFF  }
tec
execute0_lowered:
.L_overlay_start_1:
0x0: {  	(tag) =	ssettag $0x1  }
0x1: {  	s0 =	rddreg [dreg:$0x0]  }
0x2: {  	s1 =	srdreg.scid;
	s4 =	rddreg [dreg:$0x1]  }
0x3: {  	s2 =	rddreg [dreg:$0x2];
	s9 =	stileid.u32  }
0x4: {  	s3 =	simm.s32 $0x0;
	s11 =	simm.s32 $0x5000;
	s12 =	simm.s32 $0xA000  }
0x5: {  	s13 =	simm.s32 $0xC780;
	s14 =	simm.s32 $0x80;
	s5 =	sand.u32 $0x1, s1  }
0x6: {  	s16 =	simm.s32 $0x0;
	s1 =	rddreg [dreg:$0x3];
	s6 =	sshll.u32 s5, $0x4  }
0x7: {  	[smem:$0x7FF] =	sst s3;
	p0 =	sne.s32 s9, $0x0;
	s7 =	sor.u32 s9, s6  }
0x8: {  	_ =	strace $0x80000047;
	s5 =	ssub.s32 $0x2, s5;
	s7 =	smul.u32 $0x500, s7  }
0x9: {  	s15 =	sshrl.u32 @!p0 s2, $0x3;
	s8 =	sadd.s32 s6, s4;
	s31 =	sshrl.u32 s5, $0x1  }
0xa: {  	s9 =	simm.s32 $0x1;
	s10 =	ssub.s32 s5, s31;
	s7 =	sadd.s32 s7, s4  }
0xb: {  	s4 =	sadd.s32 $0x2200, s7;
	s5 =	sadd.s32 $0xC200, s7;
	s6 =	sadd.s32 $0x16200, s7  }
0xc: {  	v0 =	vimm.f32 $0.0e+00;
	s7 =	sadd.s32 $0x20200, s8;
	s8 =	smax.u32 s10, $0x1;
	s10 =	simm.s32 $0x2800  }
.LBB2_1:
0xd: {  	[tilespmem:s3], [sflag:$0x1] =	stream.linear.gather [hbm4b:s4+s3], $0x2800, $0x38;
	[tilespmem:$0xF178] =	vst v63  }
0xe: {  	_ =	swait.ge [sflag:s9], $0x2800  }
0xf: {  	[sflag:s9] =	ssyncset.done $0x0  }
0x10: {  	[sflag:s9] =	ssyncadd.s32 $0xFFFFD800  }
0x11: {  	[tilespmem:s10], [sflag:$0x1] =	stream.linear.gather [hbm4b:s5+s3], $0x2800, $0x38;
	[tilespmem:$0xF178] =	vst v63  }
0x12: {  	_ =	swait.ge [sflag:s9], $0x2800  }
0x13: {  	[sflag:s9] =	ssyncset.done $0x0  }
0x14: {  	[sflag:s9] =	ssyncadd.s32 $0xFFFFD800  }
0x15: {  	[tilespmem:s11], [sflag:$0x1] =	stream.linear.gather [hbm4b:s6+s3], $0x2800, $0x38;
	[tilespmem:$0xF178] =	vst v63  }
0x16: {  	_ =	swait.ge [sflag:s9], $0x2800  }
0x17: {  	[sflag:s9] =	ssyncset.done $0x0  }
.Ltmp0:
0x18: {  	[sflag:s9] =	ssyncadd.s32 $0xFFFFD800;
	(pc) =	sbr.rel @p0 .LBB2_5-.Ltmp0, $4  }
0x19: {  	[tilespmem:s12], [sflag:$0x1] =	stream.linear.gather [hbm4b:s0+s3], $0x2780, $0x38;
	[tilespmem:$0xF178] =	vst v63  }
0x1a: {  	_ =	swait.ge [sflag:s9], $0x2780  }
0x1b: {  	[sflag:s9] =	ssyncset.done $0x0  }
0x1c: {  	[sflag:s9] =	ssyncadd.s32 $0xFFFFD880  }
0x1d: {  	s17 =	simm.s32 $0x40;
	s18 =	simm.s32 $0x0  }
.LBB2_3:
0x1e: {  	p1 =	sne.s32 s17, $0x9C00;
	[tilespmem:s18+$0xC780] =	vst v0;
	s18 =	smov.u32 s17;
	s17 =	sadd.s32 $0x40, s17  }
.Ltmp1:
0x1f: {  	(pc) =	sbr.rel @p1 .LBB2_3-.Ltmp1, $2  }
0x20: {  	_ =	sdelay $0x2  }
0x21: {  	s18 =	sshra.s32 s18, $0x2  }
0x22: {  	[tilespmem:s18+$0xC780] =	vst v0  }
0x23: {  	[spmem:s2] =	stream.linear.scatter [tilespmem:s13], [sflag:$0x1], $0x2780, $0x38;
	[tilespmem:$0xF178] =	vst v63  }
0x24: {  	_ =	swait.ge [sflag:s9], $0x2780  }
0x25: {  	[sflag:s9] =	ssyncset.done $0x0  }
0x26: {  	[sflag:s9] =	ssyncadd.s32 $0xFFFFD880  }
.LBB2_5:
0x27: {  	[bflag:$0x0] =	sbarrier.arrive $0xFFFF;
	s17 =	simm.s32 $0x0  }
0x28: {  	v1 =	vld [tilespmem:s17+$0x0];
	_ =	sdelay $0x5  }
0x29: {  	v2 =	vld [tilespmem:s17+$0x10]  }
0x2a: {  	v3 =	vld [tilespmem:s17+$0x5000]  }
0x2b: {  	v1 =	vld.idx.msk [tilespmem:v1+s12+$0x0], $0xffff;
	_ =	sdelay $0x4  }
0x2c: {  	v1 =	vmul.f32 v3, v1  }
0x2d: {  	v3 =	vld [tilespmem:s17+$0x5010]  }
0x2e: {  	[tilespmem:s17+$0x7800] =	vst v1;
	v1 =	vld [tilespmem:s17+$0x20]  }
0x2f: {  	v2 =	vld.idx.msk [tilespmem:v2+s12+$0x0], $0xffff;
	_ =	sdelay $0x4  }
0x30: {  	v2 =	vmul.f32 v3, v2  }
0x31: {  	v3 =	vld [tilespmem:s17+$0x5020]  }
0x32: {  	[tilespmem:s17+$0x7810] =	vst v2;
	v2 =	vld [tilespmem:s17+$0x30]  }
0x33: {  	v1 =	vld.idx.msk [tilespmem:v1+s12+$0x0], $0xffff;
	_ =	sdelay $0x4  }
0x34: {  	v1 =	vmul.f32 v3, v1  }
0x35: {  	v3 =	vld [tilespmem:s17+$0x5030]  }
0x36: {  	[tilespmem:s17+$0x7820] =	vst v1;
	v1 =	vld [tilespmem:s17+$0x40]  }
0x37: {  	v2 =	vld.idx.msk [tilespmem:v2+s12+$0x0], $0xffff;
	_ =	sdelay $0x4  }
0x38: {  	v2 =	vmul.f32 v3, v2  }
0x39: {  	v3 =	vld [tilespmem:s17+$0x5040]  }
0x3a: {  	[tilespmem:s17+$0x7830] =	vst v2;
	v2 =	vld [tilespmem:s17+$0x50]  }
0x3b: {  	v1 =	vld.idx.msk [tilespmem:v1+s12+$0x0], $0xffff;
	_ =	sdelay $0x4  }
0x3c: {  	v1 =	vmul.f32 v3, v1  }
0x3d: {  	v3 =	vld [tilespmem:s17+$0x5050]  }
0x3e: {  	[tilespmem:s17+$0x7840] =	vst v1;
	v1 =	vld [tilespmem:s17+$0x60]  }
0x3f: {  	v2 =	vld.idx.msk [tilespmem:v2+s12+$0x0], $0xffff;
	_ =	sdelay $0x4  }
0x40: {  	v2 =	vmul.f32 v3, v2  }
0x41: {  	v3 =	vld [tilespmem:s17+$0x5060]  }
0x42: {  	[tilespmem:s17+$0x7850] =	vst v2;
	v2 =	vld [tilespmem:s17+$0x70]  }
0x43: {  	v1 =	vld.idx.msk [tilespmem:v1+s12+$0x0], $0xffff;
	_ =	sdelay $0x4  }
0x44: {  	v1 =	vmul.f32 v3, v1;
	_ =	sdelay $0x1  }
0x45: {  	[tilespmem:s17+$0x7860] =	vst v1  }
0x46: {  	v1 =	vld.idx.msk [tilespmem:v2+s12+$0x0], $0xffff  }
0x47: {  	v2 =	vld [tilespmem:s17+$0x5070];
	_ =	sdelay $0x4  }
0x48: {  	v1 =	vmul.f32 v2, v1;
	_ =	sdelay $0x1  }
0x49: {  	s18 =	simm.s32 $0x7800;
	s31 =	simm.s32 $0x2800;
	[tilespmem:s17+$0x7870] =	vst v1  }
0x4a: {  	[spmem:s2] =	stream.indirect.scatter.add.f32 [tilespmem:s18], [sflag:$0x1], $0x1, s31, s14, $0xb8;
	[tilespmem:$0xF178] =	vst v63  }
0x4b: {  	_ =	swait.ge [sflag:s9], $0x80  }
0x4c: {  	s20 =	simm.s32 $0x400;
	s17 =	simm.s32 $0x200;
	[sflag:s9] =	ssyncset.done $0x0  }
.LBB2_6:
0x4d: {  	s19 =	sshra.s32 s17, $0x2  }
0x4e: {  	[sflag:s9] =	ssyncadd.s32 $0xFFFFFF80;
	s17 =	smov.u32 s20;
	s18 =	sadd.s32 $0x200, s20  }
0x4f: {  	p1 =	sne.s32 s20, $0x9E00;
	v1 =	vld [tilespmem:s19+$0x0];
	_ =	sdelay $0x6  }
0x50: {  	v2 =	vld [tilespmem:s19+$0x10]  }
0x51: {  	v1 =	vld.idx.msk [tilespmem:v1+s12+$0x0], $0xffff  }
0x52: {  	v3 =	vld [tilespmem:s19+$0x5000];
	_ =	sdelay $0x4  }
0x53: {  	v1 =	vmul.f32 v3, v1;
	_ =	sdelay $0x1  }
0x54: {  	[tilespmem:s19+$0x7800] =	vst v1;
	v1 =	vld [tilespmem:s19+$0x20]  }
0x55: {  	v2 =	vld.idx.msk [tilespmem:v2+s12+$0x0], $0xffff  }
0x56: {  	v3 =	vld [tilespmem:s19+$0x5010];
	_ =	sdelay $0x4  }
0x57: {  	v2 =	vmul.f32 v3, v2;
	_ =	sdelay $0x1  }
0x58: {  	[tilespmem:s19+$0x7810] =	vst v2;
	v2 =	vld [tilespmem:s19+$0x30]  }
0x59: {  	v1 =	vld.idx.msk [tilespmem:v1+s12+$0x0], $0xffff  }
0x5a: {  	v3 =	vld [tilespmem:s19+$0x5020];
	_ =	sdelay $0x4  }
0x5b: {  	v1 =	vmul.f32 v3, v1;
	_ =	sdelay $0x1  }
0x5c: {  	[tilespmem:s19+$0x7820] =	vst v1;
	v1 =	vld [tilespmem:s19+$0x40]  }
0x5d: {  	v2 =	vld.idx.msk [tilespmem:v2+s12+$0x0], $0xffff  }
0x5e: {  	v3 =	vld [tilespmem:s19+$0x5030];
	_ =	sdelay $0x4  }
0x5f: {  	v2 =	vmul.f32 v3, v2;
	_ =	sdelay $0x1  }
0x60: {  	[tilespmem:s19+$0x7830] =	vst v2;
	v2 =	vld [tilespmem:s19+$0x50]  }
0x61: {  	v1 =	vld.idx.msk [tilespmem:v1+s12+$0x0], $0xffff  }
0x62: {  	v3 =	vld [tilespmem:s19+$0x5040];
	_ =	sdelay $0x4  }
0x63: {  	v1 =	vmul.f32 v3, v1;
	_ =	sdelay $0x1  }
0x64: {  	[tilespmem:s19+$0x7840] =	vst v1;
	v1 =	vld [tilespmem:s19+$0x60]  }
0x65: {  	v2 =	vld.idx.msk [tilespmem:v2+s12+$0x0], $0xffff  }
0x66: {  	v3 =	vld [tilespmem:s19+$0x5050];
	_ =	sdelay $0x4  }
0x67: {  	v2 =	vmul.f32 v3, v2;
	_ =	sdelay $0x1  }
0x68: {  	[tilespmem:s19+$0x7850] =	vst v2;
	v2 =	vld [tilespmem:s19+$0x70]  }
0x69: {  	v1 =	vld.idx.msk [tilespmem:v1+s12+$0x0], $0xffff  }
0x6a: {  	v3 =	vld [tilespmem:s19+$0x5060];
	_ =	sdelay $0x4  }
0x6b: {  	v1 =	vmul.f32 v3, v1;
	_ =	sdelay $0x1  }
0x6c: {  	[tilespmem:s19+$0x7860] =	vst v1  }
0x6d: {  	v1 =	vld.idx.msk [tilespmem:v2+s12+$0x0], $0xffff  }
0x6e: {  	v2 =	vld [tilespmem:s19+$0x5070];
	_ =	sdelay $0x4  }
0x6f: {  	v1 =	vmul.f32 v2, v1  }
.Ltmp2:
0x70: {  	(pc) =	sbr.rel @p1 .LBB2_6-.Ltmp2, $4  }
0x71: {  	s20 =	sadd.s32 $0x7800, s19;
	[tilespmem:s19+$0x7870] =	vst v1;
	s19 =	sadd.s32 $0x2800, s19  }
0x72: {  	[spmem:s2] =	stream.indirect.scatter.add.f32 [tilespmem:s20], [sflag:$0x1], $0x1, s19, s14, $0xb8;
	[tilespmem:$0xF178] =	vst v63  }
0x73: {  	_ =	swait.ge [sflag:s9], $0x80  }
0x74: {  	s20 =	smov.u32 s18;
	[sflag:s9] =	ssyncset.done $0x0  }
0x75: {  	s17 =	sshra.s32 s17, $0x2;
	[sflag:s9] =	ssyncadd.s32 $0xFFFFFF80  }
0x76: {  	v1 =	vld [tilespmem:s17+$0x0];
	_ =	sdelay $0x5  }
0x77: {  	v2 =	vld [tilespmem:s17+$0x10]  }
0x78: {  	v3 =	vld [tilespmem:s17+$0x5000]  }
0x79: {  	v1 =	vld.idx.msk [tilespmem:v1+s12+$0x0], $0xffff;
	_ =	sdelay $0x4  }
0x7a: {  	v1 =	vmul.f32 v3, v1  }
0x7b: {  	v3 =	vld [tilespmem:s17+$0x5010]  }
0x7c: {  	[tilespmem:s17+$0x7800] =	vst v1;
	v1 =	vld [tilespmem:s17+$0x20]  }
0x7d: {  	v2 =	vld.idx.msk [tilespmem:v2+s12+$0x0], $0xffff;
	_ =	sdelay $0x4  }
0x7e: {  	v2 =	vmul.f32 v3, v2  }
0x7f: {  	v3 =	vld [tilespmem:s17+$0x5020]  }
0x80: {  	[tilespmem:s17+$0x7810] =	vst v2;
	v2 =	vld [tilespmem:s17+$0x30]  }
0x81: {  	v1 =	vld.idx.msk [tilespmem:v1+s12+$0x0], $0xffff;
	_ =	sdelay $0x4  }
0x82: {  	v1 =	vmul.f32 v3, v1  }
0x83: {  	v3 =	vld [tilespmem:s17+$0x5030]  }
0x84: {  	[tilespmem:s17+$0x7820] =	vst v1;
	v1 =	vld [tilespmem:s17+$0x40]  }
0x85: {  	v2 =	vld.idx.msk [tilespmem:v2+s12+$0x0], $0xffff;
	_ =	sdelay $0x4  }
0x86: {  	v2 =	vmul.f32 v3, v2  }
0x87: {  	v3 =	vld [tilespmem:s17+$0x5040]  }
0x88: {  	[tilespmem:s17+$0x7830] =	vst v2;
	v2 =	vld [tilespmem:s17+$0x50]  }
0x89: {  	v1 =	vld.idx.msk [tilespmem:v1+s12+$0x0], $0xffff;
	_ =	sdelay $0x4  }
0x8a: {  	v1 =	vmul.f32 v3, v1  }
0x8b: {  	v3 =	vld [tilespmem:s17+$0x5050]  }
0x8c: {  	[tilespmem:s17+$0x7840] =	vst v1;
	v1 =	vld [tilespmem:s17+$0x60]  }
0x8d: {  	v2 =	vld.idx.msk [tilespmem:v2+s12+$0x0], $0xffff;
	_ =	sdelay $0x4  }
0x8e: {  	v2 =	vmul.f32 v3, v2  }
0x8f: {  	v3 =	vld [tilespmem:s17+$0x5060]  }
0x90: {  	[tilespmem:s17+$0x7850] =	vst v2;
	v2 =	vld [tilespmem:s17+$0x70]  }
0x91: {  	v1 =	vld.idx.msk [tilespmem:v1+s12+$0x0], $0xffff;
	_ =	sdelay $0x4  }
0x92: {  	v1 =	vmul.f32 v3, v1;
	_ =	sdelay $0x1  }
0x93: {  	[tilespmem:s17+$0x7860] =	vst v1  }
0x94: {  	v1 =	vld.idx.msk [tilespmem:v2+s12+$0x0], $0xffff  }
0x95: {  	v2 =	vld [tilespmem:s17+$0x5070];
	_ =	sdelay $0x4  }
0x96: {  	v1 =	vmul.f32 v2, v1;
	_ =	sdelay $0x1  }
0x97: {  	s18 =	sadd.s32 $0x7800, s17;
	[tilespmem:s17+$0x7870] =	vst v1;
	s17 =	sadd.s32 $0x2800, s17  }
0x98: {  	[spmem:s2] =	stream.indirect.scatter.add.f32 [tilespmem:s18], [sflag:$0x1], $0x1, s17, s14, $0xb8;
	[tilespmem:$0xF178] =	vst v63  }
0x99: {  	s19 =	simm.s32 @!p0 $0x10;
	_ =	swait.ge [sflag:s9], $0x80  }
0x9a: {  	s20 =	simm.s32 @!p0 $0x1C01;
	s16 =	sadd.s32 $0x1, s16;
	[sflag:s9] =	ssyncset.done $0x0  }
0x9b: {  	p1 =	sne.s32 s16, s8;
	s17 =	simm.s32 @!p0 $0x1;
	[sflag:s9] =	ssyncadd.s32 $0xFFFFFF80  }
.Ltmp3:
0x9c: {  	s18 =	simm.s32 @!p0 $0x20;
	[bflag:$0x0] =	sbarrier.arrive $0xFFFF;
	(pc) =	sbr.rel @p1 .LBB2_1-.Ltmp3, $4  }
0x9d: {  	[hbm:s7@s18], [sflag:s20] =	dma.strided @!p0 [spmem:s15@s19], $0x4F0, s17, $0x10   }
0x9e: {  	_ =	swait.ge @!p0 [sflag:s17], $0x4F0  }
0x9f: {  	[sflag:s17] =	ssyncset.done @!p0 $0x0  }
0xa0: {  	[sflag:s17] =	ssyncadd.s32 @!p0 $0xFFFFFB10  }
0xa1: {  	_ =	sfence.sel $0x180000  }
0xa2: {  	[bflag:$0x0] =	sbarrier.arrive $0xFFFF  }
0xa3: {  	_ =	strace $0x90000047  }
0xa4: {  	s0 =	sadd.s32 @!p0 $0x100000, s1;
	[bflag:$0x2] =	sbarrier.arrive $0xFFFF  }
0xa5: {  	[sflag:s0] =	ssyncadd.tile.s32 @!p0 $0x1;
	_ =	shalt  }
.Lfunc_end2:
_tile_overlayer_lowered:
.L_overlay_start_2:
0xa6: {  	(tag) =	ssettag $0x2  }
0xa7: {  	s0 =	rddreg [dreg:$0x0];
	s2 =	stileid.u32  }
0xa8: {  	s1 =	rddreg [dreg:$0x1];
	p0 =	sne.s32 s2, $0x0  }
0xa9: {  	s3 =	rddreg [dreg:$0x2];
	[bflag:$0x3] =	sbarrier.arrive $0xFFFF;
	s2 =	simm.s32 @!p0 $0x1C01  }
0xaa: {  	[timem:s3], [sflag:s2] =	dma.local @!p0 [hbm:s0], s1  }
0xab: {  	s0 =	simm.s32 @!p0 $0x1  }
0xac: {  	_ =	swait.ge @!p0 [sflag:s0], s1  }
0xad: {  	s1 =	ssub.s32 @!p0 $0x0, s1;
	[sflag:s0] =	ssyncset.done @!p0 $0x0  }
0xae: {  	[sflag:s0] =	ssyncadd.s32 @!p0 s1  }
0xaf: {  	[bflag:$0x3] =	sbarrier.arrive $0xFFFF  }
0xb0: {  	_ =	shalt  }

// kernel: kernel.13.cloned.1.call-start
scs
__scs_entry_jumppad:
0x0: {  	(pc) =	sbr.rel $0x88, $3  }
0x1: {  	(tag) =	ssettag $0x0;
	lr =	simm.s32 $0x1  }
0x2: {  	[smem:$0x3F98] =	sst lr;
	_ =	strace $0xD0000000  }
0x3: {  	_ = 	snop  }
0x4: {  	_ = 	snop  }
0x5: {  	_ = 	snop  }
0x6: {  	_ = 	snop  }
0x7: {  	_ = 	snop  }
__scs_overlays_trampoline_lowered:
0x8: {  	[smem:$0x3FA7] =	sst s0  }
0x9: {  	[smem:$0x3FA8] =	sst s1  }
0xa: {  	[smem:$0x3FA9] =	sst s2  }
0xb: {  	[smem:$0x3FAA] =	sst s3  }
0xc: {  	[smem:$0x3FAB] =	sst s4  }
0xd: {  	[smem:$0x3FAC] =	sst s5  }
0xe: {  	[smem:$0x3FAD] =	sst s6  }
0xf: {  	[smem:$0x3FAE] =	sst s7  }
0x10: {  	[smem:$0x3FAF] =	sst s8  }
0x11: {  	[smem:$0x3FB0] =	sst s9;
	s0 =	simm.s32 @!p0 $0x0  }
0x12: {  	s1 =	sld [smem:$0x3F96];
	s0 =	simm.s32 @p0 $0x1  }
0x13: {  	[smem:$0x3FB1] =	sst s0;
	s0 =	simm.s32 @!p1 $0x0  }
0x14: {  	s2 =	sld [smem:$0x3F95];
	s0 =	simm.s32 @p1 $0x1  }
0x15: {  	[smem:$0x3FB2] =	sst s0;
	s0 =	simm.s32 @!p2 $0x0  }
0x16: {  	s3 =	sld [smem:$0x3FDB];
	s0 =	simm.s32 @p2 $0x1  }
0x17: {  	s4 =	simm.s32 $0x1BF5;
	[smem:$0x3FB4] =	sst s0  }
0x18: {  	s0 =	sld [smem:$0x3F97];
	_ =	swait.ge [sflag:s4], $0x0  }
0x19: {  	s7 =	sld [smem:$0x3F98]  }
0x1a: {  	s8 =	sadd.s32 $0xFFFFE003, lr  }
0x1b: {  	s9 =	sadd.s32 $0xFFFFFEF7, lr;
	s5 =	simm.s32 $0xFFFFFFFF;
	p2 =	slt.u32 s8, $0xFFFFF086  }
0x1c: {  	p1 =	slt.u32 s9, $0xF7A;
	s5 =	simm.s32 @!p2 $0x0  }
0x1d: {  	s5 =	simm.s32 @p1 $0x1;
	p0 =	seq.s32 s7, s2  }
0x1e: {  	s7 =	smul.u32 @!p0 $0xF7A, s2;
	p2 =	seq.s32 @!p0 s5, $0x0  }
0x1f: {  	s9 =	smul.u32 $0xF7A, s1;
	s8 =	simm.s32 @!p0 $0x1BF5;
	p2 =	por !p2, p0  }
0x20: {  	[sflag:s8] =	ssyncset.s32 @!p0 $0xFFFFF086;
	s6 =	sadd.s32 @!p0 s3, s7;
	s7 =	simm.s32 @!p0 $0x108  }
0x21: {  	s3 =	sadd.s32 s3, s9;
	s6 =	sadd.s32 @!p0 $0x88, s6;
	s7 =	simm.s32 @p2 $0x1082  }
0x22: {  	[simem:s7], [sflag:s8] =	dma.local @!p0 [hbm:s6], $0xF7A  }
0x23: {  	s9 =	sor.u32 $0xD0000000, s2;
	s6 =	simm.s32 $0x108;
	_ =	swait.ge @!p0 [sflag:s8], $0x0  }
0x24: {  	s3 =	sadd.s32 $0x88, s3;
	s6 =	simm.s32 @!p1 $0x1082;
	[sflag:s4] =	ssyncset.s32 $0xFFFFF086  }
0x25: {  	[simem:s6], [sflag:s4] =	dma.local [hbm:s3], $0xF7A  }
0x26: {  	[smem:$0x3F98] =	sst s1;
	(tag) =	ssettag s2;
	_ =	strace s9  }
0x27: {  	s1 =	sld [smem:$0x3FA8]  }
0x28: {  	s2 =	sld [smem:$0x3FA9]  }
0x29: {  	s4 =	sld [smem:$0x3FAB]  }
0x2a: {  	p0 =	seq.s32 s5, $0x0;
	s5 =	sld [smem:$0x3FAC]  }
0x2b: {  	s6 =	sld [smem:$0x3FAD]  }
0x2c: {  	s7 =	sld [smem:$0x3FAE]  }
0x2d: {  	s3 =	simm.s32 $0x108;
	s8 =	sld [smem:$0x3FAF]  }
0x2e: {  	s3 =	simm.s32 @!p0 $0x1082;
	s9 =	sld [smem:$0x3FB0]  }
0x2f: {  	lr =	sadd.s32 s0, s3;
	s0 =	sld [smem:$0x3FA7]  }
0x30: {  	s3 =	sld [smem:$0x3FAA]  }
0x31: {  	[smem:$0x3FB3] =	sst s10  }
0x32: {  	s10 =	sld [smem:$0x3FB1];
	_ =	sdelay $0x3  }
0x33: {  	p0 =	seq.s32 s10, $0x1;
	s10 =	sld [smem:$0x3FB3];
	_ =	sdelay $0x3  }
0x34: {  	[smem:$0x3FB3] =	sst s10  }
0x35: {  	s10 =	sld [smem:$0x3FB2];
	_ =	sdelay $0x3  }
0x36: {  	p1 =	seq.s32 s10, $0x1;
	s10 =	sld [smem:$0x3FB3];
	_ =	sdelay $0x3  }
0x37: {  	[smem:$0x3FB3] =	sst s10  }
0x38: {  	s10 =	sld [smem:$0x3FB4]  }
0x39: {  	_ = 	snop;
	(pc) =	sbr.ind lr, $3  }
0x3a: {  	_ = 	snop  }
0x3b: {  	_ = 	snop  }
0x3c: {  	p2 =	seq.s32 s10, $0x1;
	s10 =	sld [smem:$0x3FB3]  }
0x3d: {  	_ =	shalt  }
0x3e: {  	_ =	shalt  }
0x3f: {  	_ =	shalt  }
0x40: {  	_ =	shalt  }
0x41: {  	_ =	shalt  }
0x42: {  	_ =	shalt  }
0x43: {  	_ =	shalt  }
0x44: {  	_ =	shalt  }
0x45: {  	_ =	shalt  }
0x46: {  	_ =	shalt  }
0x47: {  	_ =	shalt  }
0x48: {  	_ =	shalt  }
0x49: {  	_ =	shalt  }
0x4a: {  	_ =	shalt  }
0x4b: {  	_ =	shalt  }
0x4c: {  	_ =	shalt  }
0x4d: {  	_ =	shalt  }
0x4e: {  	_ =	shalt  }
0x4f: {  	_ =	shalt  }
0x50: {  	_ =	shalt  }
0x51: {  	_ =	shalt  }
0x52: {  	_ =	shalt  }
0x53: {  	_ =	shalt  }
0x54: {  	_ =	shalt  }
0x55: {  	_ =	shalt  }
0x56: {  	_ =	shalt  }
0x57: {  	_ =	shalt  }
0x58: {  	_ =	shalt  }
0x59: {  	_ =	shalt  }
0x5a: {  	_ =	shalt  }
0x5b: {  	_ =	shalt  }
0x5c: {  	_ =	shalt  }
0x5d: {  	_ =	shalt  }
0x5e: {  	_ =	shalt  }
0x5f: {  	_ =	shalt  }
0x60: {  	_ =	shalt  }
0x61: {  	_ =	shalt  }
0x62: {  	_ =	shalt  }
0x63: {  	_ =	shalt  }
0x64: {  	_ =	shalt  }
0x65: {  	_ =	shalt  }
0x66: {  	_ =	shalt  }
0x67: {  	_ =	shalt  }
0x68: {  	_ =	shalt  }
0x69: {  	_ =	shalt  }
0x6a: {  	_ =	shalt  }
0x6b: {  	_ =	shalt  }
0x6c: {  	_ =	shalt  }
0x6d: {  	_ =	shalt  }
0x6e: {  	_ =	shalt  }
0x6f: {  	_ =	shalt  }
0x70: {  	_ =	shalt  }
0x71: {  	_ =	shalt  }
0x72: {  	_ =	shalt  }
0x73: {  	_ =	shalt  }
0x74: {  	_ =	shalt  }
0x75: {  	_ =	shalt  }
0x76: {  	_ =	shalt  }
0x77: {  	_ =	shalt  }
0x78: {  	_ =	shalt  }
0x79: {  	_ =	shalt  }
0x7a: {  	_ =	shalt  }
0x7b: {  	_ =	shalt  }
0x7c: {  	_ =	shalt  }
0x7d: {  	_ =	shalt  }
0x7e: {  	_ =	shalt  }
0x7f: {  	_ =	shalt  }
0x80: {  	_ =	shalt  }
0x81: {  	_ =	shalt  }
0x82: {  	_ =	shalt  }
0x83: {  	_ =	shalt  }
0x84: {  	_ =	shalt  }
0x85: {  	_ =	shalt  }
0x86: {  	_ =	shalt  }
0x87: {  	_ =	shalt  }
.Lfunc_end0:
.L_simem_size_0:
called_computation.1_lowered:
.L_overlay_start_0:
0x88: {  	s2 =	sld [smem:$0x3FD9]  }
0x89: {  	s3 =	sld [smem:$0x3FFE];
	_ =	sdelay $0x1  }
0x8a: {  	s1 =	srdreg.scid  }
0x8b: {  	s0 =	sand.u32 $0x1, s1  }
0x8c: {  	s16 =	sshll.u32 s0, $0xA;
	s2 =	sadd.s32 s3, s2  }
0x8d: {  	s2 =	sadd.s32 s2, s16  }
0x8e: {  	[smem:$0x3FBF] =	sst s2  }
0x8f: {  	_ = 	snop  }
0x90: {  	(tm) =	ssettm $0x1  }
0x91: {  	s17 =	sld [smem:$0x3FFB];
	_ =	sdelay $0x3  }
0x92: {  	_ =	strace s17  }
0x93: {  	s2 =	sld [smem:$0x3FFC];
	_ =	sdelay $0x3  }
0x94: {  	_ =	strace s2  }
0x95: {  	s2 =	sld [smem:$0x3FFD];
	_ =	sdelay $0x3  }
0x96: {  	_ =	strace s2  }
0x97: {  	_ =	strace $0x8FFFFFFF  }
0x98: {  	s18 =	sld [smem:$0x3FDB];
	_ =	sdelay $0x1  }
0x99: {  	s19 =	simm.s32 $_scs_section_size  }
0x9a: {  	s4 =	simm.s32 $_size__tile_overlayer_lowered;
	s5 =	simm.s32 $_tile_overlayer_lowered  }
0x9b: {  	s22 =	simm.s32 $0x1BFF;
	s21 =	sshll.u32 s5, $0x1;
	s2 =	sadd.s32 s19, s18  }
0x9c: {  	s6 =	simm.s32 $0x0;
	s20 =	sshll.u32 s4, $0x1;
	s4 =	sadd.s32 s21, s2  }
0x9d: {  	[timem:s6], [sflag:s22] =	dma.local [hbm:s4], s20  }
0x9e: {  	_ =	swait.ge [sflag:s22], s20  }
0x9f: {  	s3 =	ssub.s32 $0x0, s20;
	[sflag:s22] =	ssyncset.done $0x0  }
0xa0: {  	[sflag:s22] =	ssyncadd.s32 s3;
	_ =	sdelay $0x1  }
0xa1: {  	s23 =	simm.s32 $0x1B8B  }
0xa2: {  	_ =	swait.ge [sflag:s23], $0x1  }
0xa3: {  	[sflag:s23] =	ssyncset.done $0x0  }
0xa4: {  	s25 =	simm.s32 $0x1B8E;
	s24 =	sld [smem:$0x3FFE];
	[sflag:s23] =	ssyncadd.s32 $0xFFFFFFFF  }
0xa5: {  	s26 =	simm.s32 $execute0_lowered;
	[smem:$0x3FD2] =	sst s25  }
0xa6: {  	s4 =	sshll.u32 s26, $0x1;
	_ =	strace $0x80000049;
	[dreg:$0x1] =	wrdreg $0xFFFFFFFF  }
0xa7: {  	s28 =	simm.s32 $_size_execute0_lowered;
	s2 =	sadd.s32 s2, s4;
	[dreg:$0x0] =	wrdreg $0x0  }
0xa8: {  	s4 =	sshll.u32 s28, $0x1;
	[dreg:$0x2] =	wrdreg s2  }
0xa9: {  	[dreg:$0x3] =	wrdreg s4  }
0xaa: {  	[dreg:$0x4] =	wrdreg $0xC0  }
0xab: {  	_ =	task [dreg:s6], $0x5FFFF  }
0xac: {  	[dreg:$0x1] =	wrdreg $0xFFFFFFFF  }
0xad: {  	[dreg:$0x0] =	wrdreg $0x60  }
0xae: {  	[dreg:$0x2] =	wrdreg s24  }
0xaf: {  	[dreg:$0x3] =	wrdreg $0xB8000  }
0xb0: {  	[dreg:$0x4] =	wrdreg $0x9  }
0xb1: {  	_ =	task.clear_ibuf [dreg:s6], $0x5FFFF;
	_ =	strace $0x90000049  }
0xb2: {  	s29 =	simm.s32 $0x9;
	_ =	strace $0x8000004B  }
0xb3: {  	_ =	swait.ge [sflag:s29], $0x1  }
0xb4: {  	[sflag:s29] =	ssyncadd.s32 $0xFFFFFFFF  }
0xb5: {  	_ =	strace $0x9000004B  }
0xb6: {  	_ =	sfence  }
0xb7: {  	s30 =	sld [smem:$0x0];
	_ =	sdelay $0x2  }
0xb8: {  	s31 =	sshll.u32 s1, $0xD;
	s1 =	sshrl.u32 s1, $0x2  }
0xb9: {  	s3 =	sand.u32 $0x4000, s31;
	s1 =	sadd.s32 s1, s30  }
0xba: {  	s0 =	sor.u32 s3, s0;
	s1 =	sshll.u32 s1, $0x11  }
0xbb: {  	s0 =	sor.u32 s1, s0  }
0xbc: {  	s0 =	sadd.s32 $0x8F2B, s0  }
0xbd: {  	[sflag:s0] =	ssyncadd.remote.s32 $0x1  }
0xbe: {  	_ =	sfence.sel $0xFFFF  }
0xbf: {  	[dreg:$0x0] =	wrdreg $0xFFFFFFFF;
	(pc) =	sbr.abs _section_cstart, $3  }
0xc0: {  	[dreg:$0x1] =	wrdreg $0xFFFFFFFF  }
0xc1: {  	_ =	task.clear_ibuf [dreg:s6], $0x2FFFF;
	_ =	strace $0x9FFFFFFF  }
0xc2: {  	(tm) =	ssettm $0x7FFFFFFF  }
0xc3: {  	_ =	shalt  }
tec
execute0_lowered:
.L_overlay_start_1:
0x0: {  	(tag) =	ssettag $0x1  }
0x1: {  	s8 =	stileid.u32  }
0x2: {  	s2 =	srdreg.scid;
	s7 =	smul.u32 $0x14000, s8  }
0x3: {  	s2 =	sand.u32 $0x1, s2;
	s25 =	smul.u32 $0x50000, s8  }
0x4: {  	s0 =	rddreg [dreg:$0x0];
	s5 =	smul.u32 $0x140000, s2  }
0x5: {  	s1 =	rddreg [dreg:$0x1];
	s28 =	sshrl.u32 s25, $0x2  }
0x6: {  	s3 =	simm.s32 $0x0;
	s5 =	sadd.s32 s7, s5;
	s7 =	sadd.s32 s28, s1  }
0x7: {  	[smem:$0x7FF] =	sst s3;
	s10 =	sadd.s32 $0x1000, s7  }
0x8: {  	_ =	strace $0x8000004A;
	s11 =	sadd.s32 $0x2000, s7;
	[dreg:$0x6] =	wrdreg s10  }
0x9: {  	s12 =	sadd.s32 $0x3000, s7;
	[dreg:$0x7] =	wrdreg s11  }
0xa: {  	s13 =	sadd.s32 $0x4000, s7;
	[dreg:$0x8] =	wrdreg s12  }
0xb: {  	s14 =	sadd.s32 $0x5000, s7;
	[dreg:$0x9] =	wrdreg s13  }
0xc: {  	s15 =	sadd.s32 $0x6000, s7;
	[dreg:$0xa] =	wrdreg s14  }
0xd: {  	s31 =	simm.s32 $0x9;
	s16 =	sadd.s32 $0x7000, s7;
	[dreg:$0xb] =	wrdreg s15  }
0xe: {  	s4 =	sshll.u32 s2, $0x4;
	s17 =	sadd.s32 $0x8000, s7;
	[dreg:$0xc] =	wrdreg s16  }
0xf: {  	s2 =	ssub.s32 $0x2, s2;
	s18 =	sadd.s32 $0x9000, s7;
	[dreg:$0xd] =	wrdreg s17  }
0x10: {  	s6 =	sor.u32 s8, s4;
	s19 =	sadd.s32 $0xA000, s7;
	[dreg:$0xe] =	wrdreg s18  }
0x11: {  	s4 =	sadd.s32 $0x20200, s0;
	s20 =	sadd.s32 $0xB000, s7;
	[dreg:$0xf] =	wrdreg s19  }
0x12: {  	s26 =	sshrl.u32 s2, $0x1;
	s21 =	sadd.s32 $0xC000, s7;
	[dreg:$0x10] =	wrdreg s20  }
0x13: {  	s6 =	smul.u32 $0x500, s6;
	s22 =	sadd.s32 $0xD000, s7;
	[dreg:$0x11] =	wrdreg s21  }
0x14: {  	s2 =	ssub.s32 s2, s26;
	s23 =	sadd.s32 $0xE000, s7;
	[dreg:$0x12] =	wrdreg s22  }
0x15: {  	s5 =	sshrl.u32 s5, $0x3;
	s24 =	sadd.s32 $0xF000, s7;
	[dreg:$0x13] =	wrdreg s23  }
0x16: {  	s25 =	smax.u32 s2, $0x1;
	s26 =	sadd.s32 $0x10000, s7;
	[dreg:$0x14] =	wrdreg s24  }
0x17: {  	s28 =	sadd.s32 $0x11000, s7;
	s30 =	sadd.s32 $0x13000, s7;
	[dreg:$0x16] =	wrdreg s25  }
0x18: {  	s2 =	simm.s32 $0x7800;
	s6 =	sadd.s32 s6, s0;
	[dreg:$0x17] =	wrdreg s26  }
0x19: {  	s0 =	sadd.s32 s5, s0;
	[dreg:$0x18] =	wrdreg s28;
	s5 =	simm.s32 $0x1  }
0x1a: {  	s10 =	simm.s32 $0x20;
	s11 =	simm.s32 $0x8800;
	s12 =	simm.s32 $0x9800  }
0x1b: {  	s13 =	simm.s32 $0xA800;
	s14 =	simm.s32 $0x5;
	s15 =	simm.s32 $0x6  }
0x1c: {  	s16 =	simm.s32 $0x7;
	s17 =	simm.s32 $0x8;
	s29 =	sadd.s32 $0x2200, s6  }
.Ltmp0:
0x1d: {  	s8 =	sadd.s32 $0xC200, s6;
	[dreg:$0x3] =	wrdreg s29;
	(pc) =	sbr.rel .LBB2_1-.Ltmp0, $4  }
0x1e: {  	s18 =	simm.s32 $0x0;
	s9 =	sadd.s32 $0x16200, s6;
	[dreg:$0x4] =	wrdreg s8  }
0x1f: {  	s0 =	sadd.s32 $0x6E600, s0;
	s6 =	simm.s32 $0x2;
	[dreg:$0x5] =	wrdreg s9  }
0x20: {  	[dreg:$0x15] =	wrdreg s0;
	s29 =	sadd.s32 $0x12000, s7;
	s0 =	simm.s32 $0x5000  }
0x21: {  	v0 =	vimm.f32 $0.0e+00;
	s8 =	simm.s32 $0x3;
	s9 =	simm.s32 $0x4;
	[dreg:$0x19] =	wrdreg s29  }
.LBB2_14:
0x22: {  	_ =	swait.ge [sflag:s16], $0x1000  }
0x23: {  	[sflag:s16] =	ssyncset.done $0x0  }
0x24: {  	[sflag:s16] =	ssyncadd.s32 $0xFFFFF000  }
0x25: {  	_ =	swait.ge [sflag:s17], $0x1000  }
0x26: {  	[sflag:s17] =	ssyncset.done $0x0  }
0x27: {  	s19 =	stileid.u32;
	[sflag:s17] =	ssyncadd.s32 $0xFFFFF000  }
0x28: {  	s19 =	sshll.u32 s19, $0x6;
	[bflag:$0x0] =	sbarrier.arrive $0xFFFF  }
0x29: {  	s20 =	sshrl.u32 s7, $0x3;
	s19 =	sor.u32 $0x1C09, s19;
	s21 =	rddreg [dreg:$0x15]  }
0x2a: {  	[hbm:s21], [sflag:s19] =	dma.local [spmem:s20], $0x2800  }
0x2b: {  	_ =	swait.ge [sflag:s31], $0x2800  }
0x2c: {  	s18 =	sadd.s32 $0x1, s18;
	s29 =	rddreg [dreg:$0x16]  }
0x2d: {  	p0 =	sne.s32 s18, s29  }
.Ltmp1:
0x2e: {  	_ = 	snop;
	(pc) =	sbr.rel @!p0 .LBB2_15-.Ltmp1, $3  }
0x2f: {  	_ =	sdelay $0x1  }
0x30: {  	[sflag:s31] =	ssyncset.done $0x0  }
0x31: {  	[sflag:s31] =	ssyncadd.s32 $0xFFFFD800  }
.LBB2_1:
0x32: {  	s19 =	rddreg [dreg:$0x3]  }
0x33: {  	[tilespmem:s3], [sflag:$0x9] =	stream.linear.gather [hbm4b:s19+s3], $0x2800, $0x38;
	[tilespmem:$0x1F800] =	vst v63  }
0x34: {  	_ =	swait.ge [sflag:s31], $0x2800  }
0x35: {  	[sflag:s31] =	ssyncset.done $0x0  }
0x36: {  	s20 =	simm.s32 $0x2800;
	s28 =	rddreg [dreg:$0x4];
	[sflag:s31] =	ssyncadd.s32 $0xFFFFD800  }
0x37: {  	[tilespmem:s20], [sflag:$0x9] =	stream.linear.gather [hbm4b:s28+s3], $0x2800, $0x38;
	[tilespmem:$0x1F800] =	vst v63  }
0x38: {  	_ =	swait.ge [sflag:s31], $0x2800  }
0x39: {  	[sflag:s31] =	ssyncset.done $0x0  }
0x3a: {  	s29 =	rddreg [dreg:$0x5];
	[sflag:s31] =	ssyncadd.s32 $0xFFFFD800  }
0x3b: {  	[tilespmem:s0], [sflag:$0x9] =	stream.linear.gather [hbm4b:s29+s3], $0x2800, $0x38;
	[tilespmem:$0x1F800] =	vst v63  }
0x3c: {  	_ =	swait.ge [sflag:s31], $0x2800  }
0x3d: {  	[sflag:s31] =	ssyncset.done $0x0  }
0x3e: {  	s19 =	simm.s32 $0x0;
	s20 =	simm.s32 $0x200;
	[sflag:s31] =	ssyncadd.s32 $0xFFFFD800  }
.LBB2_2:
0x3f: {  	p0 =	sne.s32 s20, $0x3E00;
	[tilespmem:s19+$0x7870] =	vst v0  }
0x40: {  	[tilespmem:s19+$0x7800] =	vst v0  }
0x41: {  	[tilespmem:s19+$0x7810] =	vst v0  }
.Ltmp2:
0x42: {  	[tilespmem:s19+$0x7820] =	vst v0;
	(pc) =	sbr.rel @p0 .LBB2_2-.Ltmp2, $4  }
0x43: {  	[tilespmem:s19+$0x7830] =	vst v0  }
0x44: {  	[tilespmem:s19+$0x7840] =	vst v0  }
0x45: {  	[tilespmem:s19+$0x7850] =	vst v0  }
0x46: {  	[tilespmem:s19+$0x7860] =	vst v0;
	s19 =	sshra.s32 s20, $0x2;
	s20 =	sadd.s32 $0x200, s20  }
0x47: {  	[tilespmem:s19+$0x7870] =	vst v0  }
0x48: {  	[tilespmem:s19+$0x7800] =	vst v0  }
0x49: {  	[tilespmem:s19+$0x7810] =	vst v0  }
0x4a: {  	[tilespmem:s19+$0x7820] =	vst v0  }
0x4b: {  	[tilespmem:s19+$0x7830] =	vst v0  }
0x4c: {  	[tilespmem:s19+$0x7840] =	vst v0  }
0x4d: {  	[tilespmem:s19+$0x7850] =	vst v0  }
0x4e: {  	[tilespmem:s19+$0x7860] =	vst v0  }
0x4f: {  	[spmem:s7] =	stream.linear.scatter [tilespmem:s2], [sflag:$0x1], $0x1000, $0x38;
	[tilespmem:$0x1F800] =	vst v63  }
0x50: {  	s20 =	rddreg [dreg:$0x6]  }
0x51: {  	[spmem:s20] =	stream.linear.scatter [tilespmem:s2], [sflag:$0x2], $0x1000, $0x38;
	[tilespmem:$0x1F800] =	vst v63  }
0x52: {  	s21 =	rddreg [dreg:$0x7]  }
0x53: {  	[spmem:s21] =	stream.linear.scatter [tilespmem:s2], [sflag:$0x3], $0x1000, $0x38;
	[tilespmem:$0x1F800] =	vst v63  }
0x54: {  	s22 =	rddreg [dreg:$0x8]  }
0x55: {  	[spmem:s22] =	stream.linear.scatter [tilespmem:s2], [sflag:$0x4], $0x1000, $0x38;
	[tilespmem:$0x1F800] =	vst v63  }
0x56: {  	s23 =	rddreg [dreg:$0x9]  }
0x57: {  	[spmem:s23] =	stream.linear.scatter [tilespmem:s2], [sflag:$0x1], $0x1000, $0x38;
	[tilespmem:$0x1F800] =	vst v63  }
0x58: {  	s24 =	rddreg [dreg:$0xa]  }
0x59: {  	[spmem:s24] =	stream.linear.scatter [tilespmem:s2], [sflag:$0x2], $0x1000, $0x38;
	[tilespmem:$0x1F800] =	vst v63  }
0x5a: {  	s25 =	rddreg [dreg:$0xb]  }
0x5b: {  	[spmem:s25] =	stream.linear.scatter [tilespmem:s2], [sflag:$0x3], $0x1000, $0x38;
	[tilespmem:$0x1F800] =	vst v63  }
0x5c: {  	s26 =	rddreg [dreg:$0xc]  }
0x5d: {  	[spmem:s26] =	stream.linear.scatter [tilespmem:s2], [sflag:$0x4], $0x1000, $0x38;
	[tilespmem:$0x1F800] =	vst v63  }
0x5e: {  	s28 =	rddreg [dreg:$0xd]  }
0x5f: {  	[spmem:s28] =	stream.linear.scatter [tilespmem:s2], [sflag:$0x1], $0x1000, $0x38;
	[tilespmem:$0x1F800] =	vst v63  }
0x60: {  	s29 =	rddreg [dreg:$0xe]  }
0x61: {  	[spmem:s29] =	stream.linear.scatter [tilespmem:s2], [sflag:$0x2], $0x1000, $0x38;
	[tilespmem:$0x1F800] =	vst v63  }
0x62: {  	s20 =	rddreg [dreg:$0xf]  }
0x63: {  	[spmem:s20] =	stream.linear.scatter [tilespmem:s2], [sflag:$0x3], $0x1000, $0x38;
	[tilespmem:$0x1F800] =	vst v63  }
0x64: {  	s21 =	rddreg [dreg:$0x10]  }
0x65: {  	[spmem:s21] =	stream.linear.scatter [tilespmem:s2], [sflag:$0x4], $0x1000, $0x38;
	[tilespmem:$0x1F800] =	vst v63  }
0x66: {  	s22 =	rddreg [dreg:$0x11]  }
0x67: {  	[spmem:s22] =	stream.linear.scatter [tilespmem:s2], [sflag:$0x1], $0x1000, $0x38;
	[tilespmem:$0x1F800] =	vst v63  }
0x68: {  	s23 =	rddreg [dreg:$0x12]  }
0x69: {  	[spmem:s23] =	stream.linear.scatter [tilespmem:s2], [sflag:$0x2], $0x1000, $0x38;
	[tilespmem:$0x1F800] =	vst v63  }
0x6a: {  	s24 =	rddreg [dreg:$0x13]  }
0x6b: {  	[spmem:s24] =	stream.linear.scatter [tilespmem:s2], [sflag:$0x3], $0x1000, $0x38;
	[tilespmem:$0x1F800] =	vst v63  }
0x6c: {  	s25 =	rddreg [dreg:$0x14]  }
0x6d: {  	[spmem:s25] =	stream.linear.scatter [tilespmem:s2], [sflag:$0x4], $0x1000, $0x38;
	[tilespmem:$0x1F800] =	vst v63  }
0x6e: {  	s26 =	rddreg [dreg:$0x17]  }
0x6f: {  	[spmem:s26] =	stream.linear.scatter [tilespmem:s2], [sflag:$0x1], $0x1000, $0x38;
	[tilespmem:$0x1F800] =	vst v63  }
0x70: {  	s28 =	rddreg [dreg:$0x18]  }
0x71: {  	[spmem:s28] =	stream.linear.scatter [tilespmem:s2], [sflag:$0x2], $0x1000, $0x38;
	[tilespmem:$0x1F800] =	vst v63  }
0x72: {  	s29 =	rddreg [dreg:$0x19]  }
0x73: {  	[spmem:s29] =	stream.linear.scatter [tilespmem:s2], [sflag:$0x3], $0x1000, $0x38;
	[tilespmem:$0x1F800] =	vst v63  }
0x74: {  	_ = 	snop  }
0x75: {  	[spmem:s30] =	stream.linear.scatter [tilespmem:s2], [sflag:$0x4], $0x1000, $0x38;
	[tilespmem:$0x1F800] =	vst v63  }
0x76: {  	_ =	swait.ge [sflag:s5], $0x1000  }
0x77: {  	[sflag:s5] =	ssyncset.done $0x0  }
0x78: {  	[sflag:s5] =	ssyncadd.s32 $0xFFFFF000  }
0x79: {  	_ =	swait.ge [sflag:s6], $0x1000  }
0x7a: {  	[sflag:s6] =	ssyncset.done $0x0  }
0x7b: {  	[sflag:s6] =	ssyncadd.s32 $0xFFFFF000  }
0x7c: {  	_ =	swait.ge [sflag:s8], $0x1000  }
0x7d: {  	[sflag:s8] =	ssyncset.done $0x0  }
0x7e: {  	[sflag:s8] =	ssyncadd.s32 $0xFFFFF000  }
0x7f: {  	_ =	swait.ge [sflag:s9], $0x1000  }
0x80: {  	[sflag:s9] =	ssyncset.done $0x0  }
0x81: {  	[sflag:s9] =	ssyncadd.s32 $0xFFFFF000  }
0x82: {  	_ =	swait.ge [sflag:s5], $0x1000  }
0x83: {  	[sflag:s5] =	ssyncset.done $0x0  }
0x84: {  	[sflag:s5] =	ssyncadd.s32 $0xFFFFF000  }
0x85: {  	_ =	swait.ge [sflag:s6], $0x1000  }
0x86: {  	[sflag:s6] =	ssyncset.done $0x0  }
0x87: {  	[sflag:s6] =	ssyncadd.s32 $0xFFFFF000  }
0x88: {  	_ =	swait.ge [sflag:s8], $0x1000  }
0x89: {  	[sflag:s8] =	ssyncset.done $0x0  }
0x8a: {  	[sflag:s8] =	ssyncadd.s32 $0xFFFFF000  }
0x8b: {  	_ =	swait.ge [sflag:s9], $0x1000  }
0x8c: {  	[sflag:s9] =	ssyncset.done $0x0  }
0x8d: {  	[sflag:s9] =	ssyncadd.s32 $0xFFFFF000  }
0x8e: {  	_ =	swait.ge [sflag:s5], $0x1000  }
0x8f: {  	[sflag:s5] =	ssyncset.done $0x0  }
0x90: {  	[sflag:s5] =	ssyncadd.s32 $0xFFFFF000  }
0x91: {  	_ =	swait.ge [sflag:s6], $0x1000  }
0x92: {  	[sflag:s6] =	ssyncset.done $0x0  }
0x93: {  	[sflag:s6] =	ssyncadd.s32 $0xFFFFF000  }
0x94: {  	_ =	swait.ge [sflag:s8], $0x1000  }
0x95: {  	[sflag:s8] =	ssyncset.done $0x0  }
0x96: {  	[sflag:s8] =	ssyncadd.s32 $0xFFFFF000  }
0x97: {  	_ =	swait.ge [sflag:s9], $0x1000  }
0x98: {  	[sflag:s9] =	ssyncset.done $0x0  }
0x99: {  	[sflag:s9] =	ssyncadd.s32 $0xFFFFF000  }
0x9a: {  	_ =	swait.ge [sflag:s5], $0x1000  }
0x9b: {  	[sflag:s5] =	ssyncset.done $0x0  }
0x9c: {  	[sflag:s5] =	ssyncadd.s32 $0xFFFFF000  }
0x9d: {  	_ =	swait.ge [sflag:s6], $0x1000  }
0x9e: {  	[sflag:s6] =	ssyncset.done $0x0  }
0x9f: {  	[sflag:s6] =	ssyncadd.s32 $0xFFFFF000  }
0xa0: {  	_ =	swait.ge [sflag:s8], $0x1000  }
0xa1: {  	[sflag:s8] =	ssyncset.done $0x0  }
0xa2: {  	[sflag:s8] =	ssyncadd.s32 $0xFFFFF000  }
0xa3: {  	_ =	swait.ge [sflag:s9], $0x1000  }
0xa4: {  	[sflag:s9] =	ssyncset.done $0x0  }
0xa5: {  	[sflag:s9] =	ssyncadd.s32 $0xFFFFF000  }
0xa6: {  	_ =	swait.ge [sflag:s5], $0x1000  }
0xa7: {  	[sflag:s5] =	ssyncset.done $0x0  }
0xa8: {  	[sflag:s5] =	ssyncadd.s32 $0xFFFFF000  }
0xa9: {  	_ =	swait.ge [sflag:s6], $0x1000  }
0xaa: {  	[sflag:s6] =	ssyncset.done $0x0  }
0xab: {  	[sflag:s6] =	ssyncadd.s32 $0xFFFFF000  }
0xac: {  	_ =	swait.ge [sflag:s8], $0x1000  }
0xad: {  	[sflag:s8] =	ssyncset.done $0x0  }
0xae: {  	[sflag:s8] =	ssyncadd.s32 $0xFFFFF000  }
0xaf: {  	_ =	swait.ge [sflag:s9], $0x1000  }
0xb0: {  	[sflag:s9] =	ssyncset.done $0x0  }
0xb1: {  	[sflag:s9] =	ssyncadd.s32 $0xFFFFF000  }
0xb2: {  	s19 =	simm.s32 $0x0;
	[bflag:$0x0] =	sbarrier.arrive $0xFFFF  }
0xb3: {  	[tilespmem:s2], [sflag:$0x1] =	stream.indirect.gather [hbm4b:s4+s10], $0x80, s19, s10, $0xb8;
	[tilespmem:$0x1F800] =	vst v63  }
0xb4: {  	s20 =	simm.s32 $0x0  }
0xb5: {  	[tilespmem:s11], [sflag:$0x2] =	stream.indirect.gather [hbm4b:s4+s10], $0x80, s10, s10, $0xb8;
	[tilespmem:$0x1F800] =	vst v63  }
.LBB2_4:
0xb6: {  	s23 =	sshll.u32 s20, $0x7;
	v2 =	vmov s19  }
0xb7: {  	v1 =	vmov s23;
	v2 =	vand.u32 $0x7F, v2  }
0xb8: {  	v2 =	vadd.s32 v1, v2  }
0xb9: {  	_ =	swait.ge [sflag:s5], $0x1000;
	v2 =	vbroadcast v2, $0x0  }
0xba: {  	[sflag:s5] =	ssyncset.done $0x0  }
0xbb: {  	s21 =	simm.s32 $0x7840;
	[sflag:s5] =	ssyncadd.s32 $0xFFFFF000  }
0xbc: {  	v6 =	vld [tilespmem:s21+$0x30]  }
0xbd: {  	v9 =	vld [tilespmem:s21+$0x10]  }
0xbe: {  	v7 =	vld [tilespmem:s21+$0xFFFFFFC0]  }
0xbf: {  	v3 =	vld.idx.msk [tilespmem:v2+s0+$0x0], $0xffff  }
0xc0: {  	v12 =	vld [tilespmem:s21+$0xFFFFFFE0]  }
0xc1: {  	v4 =	vld [tilespmem:s21+$0x20]  }
0xc2: {  	v5 =	vld [tilespmem:s21+$0xFFFFFFD0]  }
0xc3: {  	v2 =	vld [tilespmem:s21+$0xFFFFFFF0]  }
0xc4: {  	v10 =	vmul.f32 v6, v3;
	v6 =	vld [tilespmem:s21+$0x0]  }
0xc5: {  	s22 =	simm.s32 $0x1;
	v8 =	vmul.f32 v7, v3  }
0xc6: {  	s24 =	simm.s32 $0x2;
	v11 =	vmov s22;
	s22 =	simm.s32 $0x7840;
	v7 =	vmul.f32 v12, v3;
	v9 =	vmul.f32 v9, v3  }
.LBB2_5:
0xc7: {  	p0 =	sne.s32 s24, $0x1F  }
0xc8: {  	v11 =	vand.u32 $0x7F, v11;
	v5 =	vmul.f32 v5, v3;
	v4 =	vmul.f32 v4, v3;
	[tilespmem:s21+$0x30] =	vst v10;
	s22 =	sadd.s32 $0x80, s22;
	s25 =	smov.u32 s24;
	s24 =	sadd.s32 $0x1, s24  }
0xc9: {  	v10 =	vadd.s32 v1, v11;
	[tilespmem:s21+$0xFFFFFFC0] =	vst v8;
	v8 =	vmul.f32 v2, v3;
	v3 =	vmul.f32 v6, v3  }
0xca: {  	v6 =	vbroadcast v10, $0x0;
	[tilespmem:s21+$0x10] =	vst v9  }
0xcb: {  	[tilespmem:s21+$0xFFFFFFE0] =	vst v7  }
0xcc: {  	v2 =	vld [tilespmem:s22+$0xFFFFFFF0];
	[tilespmem:s21+$0xFFFFFFF0] =	vst v8  }
0xcd: {  	v7 =	vld [tilespmem:s22+$0x30];
	[tilespmem:s21+$0x0] =	vst v3  }
0xce: {  	v9 =	vld [tilespmem:s22+$0x10];
	[tilespmem:s21+$0x20] =	vst v4  }
0xcf: {  	v8 =	vld [tilespmem:s22+$0xFFFFFFC0];
	[tilespmem:s21+$0xFFFFFFD0] =	vst v5;
	s21 =	smov.u32 s22  }
0xd0: {  	v3 =	vld.idx.msk [tilespmem:v6+s0+$0x0], $0xffff  }
0xd1: {  	v12 =	vld [tilespmem:s22+$0xFFFFFFE0]  }
0xd2: {  	v4 =	vld [tilespmem:s22+$0x20]  }
.Ltmp3:
0xd3: {  	v5 =	vld [tilespmem:s22+$0xFFFFFFD0];
	(pc) =	sbr.rel @p0 .LBB2_5-.Ltmp3, $3  }
0xd4: {  	v6 =	vld [tilespmem:s22+$0x0];
	_ =	sdelay $0x1  }
0xd5: {  	v8 =	vmul.f32 v8, v3;
	v10 =	vmul.f32 v7, v3  }
0xd6: {  	v11 =	vmov s25;
	v9 =	vmul.f32 v9, v3;
	v7 =	vmul.f32 v12, v3  }
0xd7: {  	[tilespmem:s21+$0xFFFFFFC0] =	vst v8;
	v8 =	vand.u32 $0x7F, v11  }
0xd8: {  	[tilespmem:s21+$0x30] =	vst v10;
	v8 =	vadd.s32 v1, v8  }
0xd9: {  	v2 =	vmul.f32 v2, v3;
	[tilespmem:s21+$0xFFFFFFE0] =	vst v7;
	v7 =	vbroadcast v8, $0x0  }
0xda: {  	s24 =	sadd.s32 $0x80, s22;
	[tilespmem:s21+$0x10] =	vst v9;
	v6 =	vmul.f32 v6, v3  }
0xdb: {  	v4 =	vmul.f32 v4, v3;
	v8 =	vld [tilespmem:s24+$0xFFFFFFF0];
	[tilespmem:s21+$0xFFFFFFF0] =	vst v2  }
0xdc: {  	v3 =	vmul.f32 v5, v3;
	v2 =	vld [tilespmem:s24+$0x30];
	[tilespmem:s21+$0x0] =	vst v6  }
0xdd: {  	v5 =	vld [tilespmem:s24+$0x10];
	[tilespmem:s21+$0x20] =	vst v4  }
0xde: {  	v4 =	vld [tilespmem:s24+$0xFFFFFFC0];
	[tilespmem:s21+$0xFFFFFFD0] =	vst v3  }
0xdf: {  	v3 =	vld.idx.msk [tilespmem:v7+s0+$0x0], $0xffff;
	_ =	sdelay $0x2  }
0xe0: {  	v6 =	vld [tilespmem:s24+$0xFFFFFFE0];
	_ =	sdelay $0x1  }
0xe1: {  	v7 =	vld [tilespmem:s24+$0x0];
	v2 =	vmul.f32 v2, v3  }
0xe2: {  	v9 =	vld [tilespmem:s24+$0x20];
	v4 =	vmul.f32 v4, v3  }
0xe3: {  	v10 =	vld [tilespmem:s24+$0xFFFFFFD0];
	v5 =	vmul.f32 v5, v3;
	[tilespmem:s24+$0x30] =	vst v2  }
0xe4: {  	v2 =	vmul.f32 v6, v3;
	[tilespmem:s24+$0xFFFFFFC0] =	vst v4  }
0xe5: {  	v4 =	vmul.f32 v8, v3;
	[tilespmem:s24+$0x10] =	vst v5  }
0xe6: {  	v5 =	vmul.f32 v7, v3;
	[tilespmem:s24+$0xFFFFFFE0] =	vst v2  }
0xe7: {  	v2 =	vmul.f32 v9, v3;
	[tilespmem:s24+$0xFFFFFFF0] =	vst v4  }
0xe8: {  	s22 =	sshll.u32 s20, $0x9;
	v3 =	vmul.f32 v10, v3;
	[tilespmem:s24+$0x0] =	vst v5  }
0xe9: {  	p0 =	seq.s32 s20, $0x0;
	s21 =	sshrl.u32 s22, $0x2;
	[tilespmem:s24+$0x20] =	vst v2  }
0xea: {  	s25 =	simm.s32 $0x0;
	s29 =	sadd.s32 $0x2800, s21;
	[tilespmem:s24+$0xFFFFFFD0] =	vst v3;
	s24 =	simm.s32 @!p0 $0x7  }
0xeb: {  	[spmem:s1] =	stream.indirect.scatter.add.f32 [tilespmem:s2], [sflag:$0x5], $0x80, s29, s10, $0xb8;
	[tilespmem:$0x1F800] =	vst v63  }
0xec: {  	v2 =	vmov s25;
	_ =	swait.ge @!p0 [sflag:s24], $0x1000  }
0xed: {  	v2 =	vadd.s32 $0x20, v2;
	[sflag:s24] =	ssyncset.done @!p0 $0x0  }
0xee: {  	v2 =	vand.u32 $0x7F, v2;
	[sflag:s24] =	ssyncadd.s32 @!p0 $0xFFFFF000;
	s24 =	sor.u32 $0x40, s23  }
0xef: {  	v2 =	vadd.s32 v1, v2;
	[tilespmem:s12], [sflag:$0x3] =	stream.indirect.gather [hbm4b:s4+s10], $0x80, s24, s10, $0xb8;
	[tilespmem:$0x1F800] =	vst v63  }
0xf0: {  	v2 =	vbroadcast v2, $0x0;
	_ =	swait.ge [sflag:s6], $0x1000  }
0xf1: {  	[sflag:s6] =	ssyncset.done $0x0  }
0xf2: {  	s25 =	simm.s32 $0x8840;
	[sflag:s6] =	ssyncadd.s32 $0xFFFFF000  }
0xf3: {  	v6 =	vld [tilespmem:s25+$0x30]  }
0xf4: {  	v9 =	vld [tilespmem:s25+$0x10]  }
0xf5: {  	v7 =	vld [tilespmem:s25+$0xFFFFFFC0]  }
0xf6: {  	v3 =	vld.idx.msk [tilespmem:v2+s0+$0x0], $0xffff  }
0xf7: {  	v12 =	vld [tilespmem:s25+$0xFFFFFFE0]  }
0xf8: {  	v4 =	vld [tilespmem:s25+$0x20]  }
0xf9: {  	v5 =	vld [tilespmem:s25+$0xFFFFFFD0]  }
0xfa: {  	v2 =	vld [tilespmem:s25+$0xFFFFFFF0]  }
0xfb: {  	s26 =	simm.s32 $0x1;
	v10 =	vmul.f32 v6, v3;
	v6 =	vld [tilespmem:s25+$0x0]  }
0xfc: {  	v11 =	vmov s26;
	v8 =	vmul.f32 v7, v3  }
0xfd: {  	s28 =	simm.s32 $0x2;
	s26 =	simm.s32 $0x8840;
	v11 =	vadd.s32 $0x20, v11;
	v7 =	vmul.f32 v12, v3;
	v9 =	vmul.f32 v9, v3  }
.LBB2_7:
0xfe: {  	p1 =	sne.s32 s28, $0x1F  }
0xff: {  	v11 =	vand.u32 $0x7F, v11;
	v5 =	vmul.f32 v5, v3;
	v4 =	vmul.f32 v4, v3;
	[tilespmem:s25+$0x30] =	vst v10;
	s26 =	sadd.s32 $0x80, s26;
	s29 =	smov.u32 s28;
	s28 =	sadd.s32 $0x1, s28  }
0x100: {  	v10 =	vadd.s32 v1, v11;
	[tilespmem:s25+$0xFFFFFFC0] =	vst v8;
	v8 =	vmul.f32 v2, v3;
	v3 =	vmul.f32 v6, v3  }
0x101: {  	v6 =	vbroadcast v10, $0x0;
	[tilespmem:s25+$0x10] =	vst v9  }
0x102: {  	[tilespmem:s25+$0xFFFFFFE0] =	vst v7  }
0x103: {  	v2 =	vld [tilespmem:s26+$0xFFFFFFF0];
	[tilespmem:s25+$0xFFFFFFF0] =	vst v8  }
0x104: {  	v7 =	vld [tilespmem:s26+$0x30];
	[tilespmem:s25+$0x0] =	vst v3  }
0x105: {  	v9 =	vld [tilespmem:s26+$0x10];
	[tilespmem:s25+$0x20] =	vst v4  }
0x106: {  	v8 =	vld [tilespmem:s26+$0xFFFFFFC0];
	[tilespmem:s25+$0xFFFFFFD0] =	vst v5;
	s25 =	smov.u32 s26  }
0x107: {  	v3 =	vld.idx.msk [tilespmem:v6+s0+$0x0], $0xffff  }
0x108: {  	v12 =	vld [tilespmem:s26+$0xFFFFFFE0]  }
0x109: {  	v4 =	vld [tilespmem:s26+$0x20]  }
.Ltmp4:
0x10a: {  	v5 =	vld [tilespmem:s26+$0xFFFFFFD0];
	(pc) =	sbr.rel @p1 .LBB2_7-.Ltmp4, $3  }
0x10b: {  	v6 =	vld [tilespmem:s26+$0x0];
	_ =	sdelay $0x1  }
0x10c: {  	v11 =	vmov s29;
	v8 =	vmul.f32 v8, v3;
	v10 =	vmul.f32 v7, v3  }
0x10d: {  	v11 =	vadd.s32 $0x20, v11;
	v9 =	vmul.f32 v9, v3;
	v7 =	vmul.f32 v12, v3  }
0x10e: {  	[tilespmem:s25+$0xFFFFFFC0] =	vst v8;
	v8 =	vand.u32 $0x7F, v11  }
0x10f: {  	[tilespmem:s25+$0x30] =	vst v10;
	v8 =	vadd.s32 v1, v8  }
0x110: {  	v2 =	vmul.f32 v2, v3;
	[tilespmem:s25+$0xFFFFFFE0] =	vst v7;
	v7 =	vbroadcast v8, $0x0  }
0x111: {  	s26 =	sadd.s32 $0x80, s26;
	[tilespmem:s25+$0x10] =	vst v9;
	v6 =	vmul.f32 v6, v3  }
0x112: {  	v4 =	vmul.f32 v4, v3;
	v8 =	vld [tilespmem:s26+$0xFFFFFFF0];
	[tilespmem:s25+$0xFFFFFFF0] =	vst v2  }
0x113: {  	v3 =	vmul.f32 v5, v3;
	v2 =	vld [tilespmem:s26+$0x30];
	[tilespmem:s25+$0x0] =	vst v6  }
0x114: {  	v5 =	vld [tilespmem:s26+$0x10];
	[tilespmem:s25+$0x20] =	vst v4  }
0x115: {  	v4 =	vld [tilespmem:s26+$0xFFFFFFC0];
	[tilespmem:s25+$0xFFFFFFD0] =	vst v3  }
0x116: {  	v3 =	vld.idx.msk [tilespmem:v7+s0+$0x0], $0xffff;
	_ =	sdelay $0x2  }
0x117: {  	v6 =	vld [tilespmem:s26+$0xFFFFFFE0];
	_ =	sdelay $0x1  }
0x118: {  	v7 =	vld [tilespmem:s26+$0x0];
	v2 =	vmul.f32 v2, v3  }
0x119: {  	v9 =	vld [tilespmem:s26+$0x20];
	v4 =	vmul.f32 v4, v3  }
0x11a: {  	v10 =	vld [tilespmem:s26+$0xFFFFFFD0];
	v5 =	vmul.f32 v5, v3;
	[tilespmem:s26+$0x30] =	vst v2  }
0x11b: {  	v2 =	vmul.f32 v6, v3;
	[tilespmem:s26+$0xFFFFFFC0] =	vst v4  }
0x11c: {  	v4 =	vmul.f32 v8, v3;
	[tilespmem:s26+$0x10] =	vst v5  }
0x11d: {  	v5 =	vmul.f32 v7, v3;
	[tilespmem:s26+$0xFFFFFFE0] =	vst v2  }
0x11e: {  	v2 =	vmul.f32 v9, v3;
	[tilespmem:s26+$0xFFFFFFF0] =	vst v4  }
0x11f: {  	v3 =	vmul.f32 v10, v3;
	[tilespmem:s26+$0x0] =	vst v5  }
0x120: {  	[tilespmem:s26+$0x20] =	vst v2  }
0x121: {  	s29 =	simm.s32 $0x0;
	s25 =	simm.s32 @!p0 $0x8;
	[tilespmem:s26+$0xFFFFFFD0] =	vst v3;
	s26 =	sadd.s32 $0x2820, s21  }
0x122: {  	[spmem:s1] =	stream.indirect.scatter.add.f32 [tilespmem:s11], [sflag:$0x6], $0x80, s26, s10, $0xb8;
	[tilespmem:$0x1F800] =	vst v63  }
0x123: {  	v2 =	vmov s29;
	_ =	swait.ge @!p0 [sflag:s25], $0x1000  }
0x124: {  	v2 =	vadd.s32 $0x40, v2;
	[sflag:s25] =	ssyncset.done @!p0 $0x0  }
0x125: {  	s23 =	sor.u32 $0x60, s23;
	v2 =	vand.u32 $0x7F, v2;
	[sflag:s25] =	ssyncadd.s32 @!p0 $0xFFFFF000  }
0x126: {  	v2 =	vadd.s32 v1, v2;
	[tilespmem:s13], [sflag:$0x4] =	stream.indirect.gather [hbm4b:s4+s10], $0x80, s23, s10, $0xb8;
	[tilespmem:$0x1F800] =	vst v63  }
0x127: {  	v2 =	vbroadcast v2, $0x0;
	_ =	swait.ge [sflag:s8], $0x1000  }
0x128: {  	[sflag:s8] =	ssyncset.done $0x0  }
0x129: {  	s25 =	simm.s32 $0x9840;
	[sflag:s8] =	ssyncadd.s32 $0xFFFFF000  }
0x12a: {  	v6 =	vld [tilespmem:s25+$0x30]  }
0x12b: {  	v9 =	vld [tilespmem:s25+$0x10]  }
0x12c: {  	v7 =	vld [tilespmem:s25+$0xFFFFFFC0]  }
0x12d: {  	v3 =	vld.idx.msk [tilespmem:v2+s0+$0x0], $0xffff  }
0x12e: {  	v12 =	vld [tilespmem:s25+$0xFFFFFFE0]  }
0x12f: {  	v4 =	vld [tilespmem:s25+$0x20]  }
0x130: {  	v5 =	vld [tilespmem:s25+$0xFFFFFFD0]  }
0x131: {  	v2 =	vld [tilespmem:s25+$0xFFFFFFF0]  }
0x132: {  	s29 =	simm.s32 $0x1;
	v10 =	vmul.f32 v6, v3;
	v6 =	vld [tilespmem:s25+$0x0]  }
0x133: {  	v11 =	vmov s29;
	v8 =	vmul.f32 v7, v3  }
0x134: {  	s28 =	simm.s32 $0x2;
	s26 =	simm.s32 $0x9840;
	v11 =	vadd.s32 $0x40, v11;
	v7 =	vmul.f32 v12, v3;
	v9 =	vmul.f32 v9, v3  }
.LBB2_9:
0x135: {  	p0 =	sne.s32 s28, $0x1F  }
0x136: {  	v11 =	vand.u32 $0x7F, v11;
	v5 =	vmul.f32 v5, v3;
	v4 =	vmul.f32 v4, v3;
	[tilespmem:s25+$0x30] =	vst v10;
	s26 =	sadd.s32 $0x80, s26;
	s29 =	smov.u32 s28;
	s28 =	sadd.s32 $0x1, s28  }
0x137: {  	v10 =	vadd.s32 v1, v11;
	[tilespmem:s25+$0xFFFFFFC0] =	vst v8;
	v8 =	vmul.f32 v2, v3;
	v3 =	vmul.f32 v6, v3  }
0x138: {  	v6 =	vbroadcast v10, $0x0;
	[tilespmem:s25+$0x10] =	vst v9  }
0x139: {  	[tilespmem:s25+$0xFFFFFFE0] =	vst v7  }
0x13a: {  	v2 =	vld [tilespmem:s26+$0xFFFFFFF0];
	[tilespmem:s25+$0xFFFFFFF0] =	vst v8  }
0x13b: {  	v7 =	vld [tilespmem:s26+$0x30];
	[tilespmem:s25+$0x0] =	vst v3  }
0x13c: {  	v9 =	vld [tilespmem:s26+$0x10];
	[tilespmem:s25+$0x20] =	vst v4  }
0x13d: {  	v8 =	vld [tilespmem:s26+$0xFFFFFFC0];
	[tilespmem:s25+$0xFFFFFFD0] =	vst v5;
	s25 =	smov.u32 s26  }
0x13e: {  	v3 =	vld.idx.msk [tilespmem:v6+s0+$0x0], $0xffff  }
0x13f: {  	v12 =	vld [tilespmem:s26+$0xFFFFFFE0]  }
0x140: {  	v4 =	vld [tilespmem:s26+$0x20]  }
.Ltmp5:
0x141: {  	v5 =	vld [tilespmem:s26+$0xFFFFFFD0];
	(pc) =	sbr.rel @p0 .LBB2_9-.Ltmp5, $3  }
0x142: {  	v6 =	vld [tilespmem:s26+$0x0];
	_ =	sdelay $0x1  }
0x143: {  	v11 =	vmov s29;
	v8 =	vmul.f32 v8, v3;
	v10 =	vmul.f32 v7, v3  }
0x144: {  	v11 =	vadd.s32 $0x40, v11;
	v9 =	vmul.f32 v9, v3;
	v7 =	vmul.f32 v12, v3  }
0x145: {  	[tilespmem:s25+$0xFFFFFFC0] =	vst v8;
	v8 =	vand.u32 $0x7F, v11  }
0x146: {  	[tilespmem:s25+$0x30] =	vst v10;
	v8 =	vadd.s32 v1, v8  }
0x147: {  	v2 =	vmul.f32 v2, v3;
	[tilespmem:s25+$0xFFFFFFE0] =	vst v7;
	v7 =	vbroadcast v8, $0x0  }
0x148: {  	s26 =	sadd.s32 $0x80, s26;
	[tilespmem:s25+$0x10] =	vst v9;
	v6 =	vmul.f32 v6, v3  }
0x149: {  	v4 =	vmul.f32 v4, v3;
	v8 =	vld [tilespmem:s26+$0xFFFFFFF0];
	[tilespmem:s25+$0xFFFFFFF0] =	vst v2  }
0x14a: {  	v3 =	vmul.f32 v5, v3;
	v2 =	vld [tilespmem:s26+$0x30];
	[tilespmem:s25+$0x0] =	vst v6  }
0x14b: {  	v5 =	vld [tilespmem:s26+$0x10];
	[tilespmem:s25+$0x20] =	vst v4  }
0x14c: {  	v4 =	vld [tilespmem:s26+$0xFFFFFFC0];
	[tilespmem:s25+$0xFFFFFFD0] =	vst v3  }
0x14d: {  	v3 =	vld.idx.msk [tilespmem:v7+s0+$0x0], $0xffff;
	_ =	sdelay $0x2  }
0x14e: {  	v6 =	vld [tilespmem:s26+$0xFFFFFFE0];
	_ =	sdelay $0x1  }
0x14f: {  	v7 =	vld [tilespmem:s26+$0x0];
	v2 =	vmul.f32 v2, v3  }
0x150: {  	v9 =	vld [tilespmem:s26+$0x20];
	v4 =	vmul.f32 v4, v3  }
0x151: {  	v10 =	vld [tilespmem:s26+$0xFFFFFFD0];
	v5 =	vmul.f32 v5, v3;
	[tilespmem:s26+$0x30] =	vst v2  }
0x152: {  	v2 =	vmul.f32 v6, v3;
	[tilespmem:s26+$0xFFFFFFC0] =	vst v4  }
0x153: {  	v4 =	vmul.f32 v8, v3;
	[tilespmem:s26+$0x10] =	vst v5  }
0x154: {  	v5 =	vmul.f32 v7, v3;
	[tilespmem:s26+$0xFFFFFFE0] =	vst v2  }
0x155: {  	v2 =	vmul.f32 v9, v3;
	[tilespmem:s26+$0xFFFFFFF0] =	vst v4  }
0x156: {  	v3 =	vmul.f32 v10, v3;
	[tilespmem:s26+$0x0] =	vst v5  }
0x157: {  	[tilespmem:s26+$0x20] =	vst v2  }
0x158: {  	s24 =	sadd.s32 $0x2800, s24;
	s28 =	simm.s32 $0x0;
	p0 =	seq.s32 s20, $0x4F;
	[tilespmem:s26+$0xFFFFFFD0] =	vst v3  }
0x159: {  	[spmem:s1] =	stream.indirect.scatter.add.f32 [tilespmem:s12], [sflag:$0x7], $0x80, s24, s10, $0xb8;
	[tilespmem:$0x1F800] =	vst v63  }
0x15a: {  	s22 =	sshrl.u32 @!p0 s22, $0x2;
	v2 =	vmov s28;
	_ =	swait.ge [sflag:s14], $0x1000  }
0x15b: {  	s22 =	sadd.s32 @!p0 $0x80, s22;
	v2 =	vadd.s32 $0x60, v2;
	[sflag:s14] =	ssyncset.done $0x0  }
0x15c: {  	s25 =	simm.s32 @!p0 $0x7800;
	s24 =	simm.s32 @!p0 $0x20;
	v2 =	vand.u32 $0x7F, v2;
	[sflag:s14] =	ssyncadd.s32 $0xFFFFF000  }
0x15d: {  	v2 =	vadd.s32 v1, v2;
	[tilespmem:s25], [sflag:$0x1] =	stream.indirect.gather @!p0 [hbm4b:s4+s24], $0x80, s22, s24, $0xb8;
	[tilespmem:$0x1F800] =	vst v63  }
0x15e: {  	v2 =	vbroadcast v2, $0x0;
	_ =	swait.ge [sflag:s9], $0x1000  }
0x15f: {  	[sflag:s9] =	ssyncset.done $0x0  }
0x160: {  	s22 =	simm.s32 $0xA840;
	[sflag:s9] =	ssyncadd.s32 $0xFFFFF000  }
0x161: {  	v6 =	vld [tilespmem:s22+$0x30]  }
0x162: {  	v9 =	vld [tilespmem:s22+$0x10]  }
0x163: {  	v7 =	vld [tilespmem:s22+$0xFFFFFFC0]  }
0x164: {  	v3 =	vld.idx.msk [tilespmem:v2+s0+$0x0], $0xffff  }
0x165: {  	v12 =	vld [tilespmem:s22+$0xFFFFFFE0]  }
0x166: {  	v4 =	vld [tilespmem:s22+$0x20]  }
0x167: {  	v5 =	vld [tilespmem:s22+$0xFFFFFFD0]  }
0x168: {  	v2 =	vld [tilespmem:s22+$0xFFFFFFF0]  }
0x169: {  	s29 =	simm.s32 $0x1;
	v10 =	vmul.f32 v6, v3;
	v6 =	vld [tilespmem:s22+$0x0]  }
0x16a: {  	v11 =	vmov s29;
	v8 =	vmul.f32 v7, v3  }
0x16b: {  	v11 =	vadd.s32 $0x60, v11;
	s25 =	simm.s32 $0x2;
	s24 =	simm.s32 $0xA840;
	v7 =	vmul.f32 v12, v3;
	v9 =	vmul.f32 v9, v3  }
.LBB2_11:
0x16c: {  	p1 =	sne.s32 s25, $0x1F  }
0x16d: {  	v11 =	vand.u32 $0x7F, v11;
	v5 =	vmul.f32 v5, v3;
	v4 =	vmul.f32 v4, v3;
	[tilespmem:s22+$0x30] =	vst v10;
	s24 =	sadd.s32 $0x80, s24;
	s26 =	smov.u32 s25;
	s25 =	sadd.s32 $0x1, s25  }
0x16e: {  	v10 =	vadd.s32 v1, v11;
	[tilespmem:s22+$0xFFFFFFC0] =	vst v8;
	v8 =	vmul.f32 v2, v3;
	v3 =	vmul.f32 v6, v3  }
0x16f: {  	v6 =	vbroadcast v10, $0x0;
	[tilespmem:s22+$0x10] =	vst v9  }
0x170: {  	[tilespmem:s22+$0xFFFFFFE0] =	vst v7  }
0x171: {  	v2 =	vld [tilespmem:s24+$0xFFFFFFF0];
	[tilespmem:s22+$0xFFFFFFF0] =	vst v8  }
0x172: {  	v7 =	vld [tilespmem:s24+$0x30];
	[tilespmem:s22+$0x0] =	vst v3  }
0x173: {  	v9 =	vld [tilespmem:s24+$0x10];
	[tilespmem:s22+$0x20] =	vst v4  }
0x174: {  	v8 =	vld [tilespmem:s24+$0xFFFFFFC0];
	[tilespmem:s22+$0xFFFFFFD0] =	vst v5;
	s22 =	smov.u32 s24  }
0x175: {  	v3 =	vld.idx.msk [tilespmem:v6+s0+$0x0], $0xffff  }
0x176: {  	v12 =	vld [tilespmem:s24+$0xFFFFFFE0]  }
0x177: {  	v4 =	vld [tilespmem:s24+$0x20]  }
.Ltmp6:
0x178: {  	v5 =	vld [tilespmem:s24+$0xFFFFFFD0];
	(pc) =	sbr.rel @p1 .LBB2_11-.Ltmp6, $3  }
0x179: {  	v6 =	vld [tilespmem:s24+$0x0];
	_ =	sdelay $0x1  }
0x17a: {  	v11 =	vmov s26;
	v8 =	vmul.f32 v8, v3;
	v10 =	vmul.f32 v7, v3  }
0x17b: {  	v11 =	vadd.s32 $0x60, v11;
	v9 =	vmul.f32 v9, v3;
	v7 =	vmul.f32 v12, v3  }
0x17c: {  	[tilespmem:s22+$0x30] =	vst v10;
	v58 =	vand.u32 $0x7F, v11  }
0x17d: {  	[tilespmem:s22+$0xFFFFFFC0] =	vst v8;
	v1 =	vadd.s32 v1, v58  }
0x17e: {  	v2 =	vmul.f32 v2, v3;
	[tilespmem:s22+$0x10] =	vst v9;
	v1 =	vbroadcast v1, $0x0  }
0x17f: {  	s24 =	sadd.s32 $0x80, s24;
	[tilespmem:s22+$0xFFFFFFE0] =	vst v7;
	v6 =	vmul.f32 v6, v3  }
0x180: {  	v4 =	vmul.f32 v4, v3;
	v3 =	vmul.f32 v5, v3;
	v7 =	vld [tilespmem:s24+$0xFFFFFFF0];
	[tilespmem:s22+$0xFFFFFFF0] =	vst v2  }
0x181: {  	v2 =	vld [tilespmem:s24+$0x30];
	[tilespmem:s22+$0x0] =	vst v6  }
0x182: {  	v60 =	vld [tilespmem:s24+$0xFFFFFFC0];
	[tilespmem:s22+$0xFFFFFFD0] =	vst v3  }
0x183: {  	v59 =	vld [tilespmem:s24+$0x10];
	[tilespmem:s22+$0x20] =	vst v4  }
0x184: {  	v1 =	vld.idx.msk [tilespmem:v1+s0+$0x0], $0xffff;
	_ =	sdelay $0x2  }
0x185: {  	v6 =	vld [tilespmem:s24+$0x0]  }
0x186: {  	v3 =	vld [tilespmem:s24+$0xFFFFFFE0]  }
0x187: {  	v2 =	vmul.f32 v2, v1  }
0x188: {  	v61 =	vld [tilespmem:s24+$0x20];
	v4 =	vmul.f32 v60, v1  }
0x189: {  	v62 =	vld [tilespmem:s24+$0xFFFFFFD0];
	v5 =	vmul.f32 v59, v1;
	[tilespmem:s24+$0x30] =	vst v2  }
0x18a: {  	v63 =	vmul.f32 v6, v1;
	[tilespmem:s24+$0xFFFFFFC0] =	vst v4  }
0x18b: {  	v2 =	vmul.f32 v3, v1;
	[tilespmem:s24+$0x10] =	vst v5  }
0x18c: {  	v3 =	vmul.f32 v7, v1;
	[tilespmem:s24+$0x0] =	vst v63  }
0x18d: {  	[tilespmem:s24+$0xFFFFFFE0] =	vst v2;
	v2 =	vmul.f32 v61, v1  }
0x18e: {  	[tilespmem:s24+$0xFFFFFFF0] =	vst v3;
	v1 =	vmul.f32 v62, v1  }
0x18f: {  	[tilespmem:s24+$0x20] =	vst v2  }
.Ltmp7:
0x190: {  	s29 =	sadd.s32 $0x2800, s23;
	[tilespmem:s24+$0xFFFFFFD0] =	vst v1;
	(pc) =	sbr.rel @p0 .LBB2_14-.Ltmp7, $4  }
0x191: {  	[spmem:s1] =	stream.indirect.scatter.add.f32 [tilespmem:s13], [sflag:$0x8], $0x80, s29, s10, $0xb8;
	[tilespmem:$0x1F800] =	vst v63  }
0x192: {  	_ =	swait.ge [sflag:s15], $0x1000  }
0x193: {  	[sflag:s15] =	ssyncset.done $0x0  }
0x194: {  	[sflag:s15] =	ssyncadd.s32 $0xFFFFF000  }
.Ltmp8:
0x195: {  	(pc) =	sbr.rel .LBB2_4-.Ltmp8, $3  }
0x196: {  	_ =	sdelay $0x1  }
0x197: {  	s21 =	sadd.s32 $0xA0, s21;
	s20 =	sadd.s32 $0x1, s20  }
0x198: {  	[tilespmem:s11], [sflag:$0x2] =	stream.indirect.gather [hbm4b:s4+s10], $0x80, s21, s10, $0xb8;
	[tilespmem:$0x1F800] =	vst v63  }
.LBB2_15:
0x199: {  	_ =	sfence.sel $0x180000  }
0x19a: {  	[bflag:$0x0] =	sbarrier.arrive $0xFFFF  }
0x19b: {  	_ =	strace $0x9000004A  }
0x19c: {  	s0 =	stileid.u32;
	[bflag:$0x2] =	sbarrier.arrive $0xFFFF  }
0x19d: {  	p0 =	sne.s32 s0, $0x0;
	s0 =	rddreg [dreg:$0x2]  }
0x19e: {  	s0 =	sadd.s32 @!p0 $0x100000, s0  }
0x19f: {  	[sflag:s0] =	ssyncadd.tile.s32 @!p0 $0x1;
	_ =	shalt  }
.Lfunc_end2:
_tile_overlayer_lowered:
.L_overlay_start_2:
0x1a0: {  	(tag) =	ssettag $0x2  }
0x1a1: {  	s0 =	rddreg [dreg:$0x0];
	s2 =	stileid.u32  }
0x1a2: {  	s1 =	rddreg [dreg:$0x1];
	p0 =	sne.s32 s2, $0x0  }
0x1a3: {  	s3 =	rddreg [dreg:$0x2];
	[bflag:$0x3] =	sbarrier.arrive $0xFFFF;
	s2 =	simm.s32 @!p0 $0x1C09  }
0x1a4: {  	[timem:s3], [sflag:s2] =	dma.local @!p0 [hbm:s0], s1  }
0x1a5: {  	s0 =	simm.s32 @!p0 $0x9  }
0x1a6: {  	_ =	swait.ge @!p0 [sflag:s0], s1  }
0x1a7: {  	s1 =	ssub.s32 @!p0 $0x0, s1;
	[sflag:s0] =	ssyncset.done @!p0 $0x0  }
0x1a8: {  	[sflag:s0] =	ssyncadd.s32 @!p0 s1  }
0x1a9: {  	[bflag:$0x3] =	sbarrier.arrive $0xFFFF  }
0x1aa: {  	_ =	shalt  }

// kernel: kernel.16.cloned.1.call-start
scs
__scs_entry_jumppad:
0x0: {  	(pc) =	sbr.rel $0x88, $3  }
0x1: {  	(tag) =	ssettag $0x0;
	lr =	simm.s32 $0x1  }
0x2: {  	[smem:$0x3F98] =	sst lr;
	_ =	strace $0xD0000000  }
0x3: {  	_ = 	snop  }
0x4: {  	_ = 	snop  }
0x5: {  	_ = 	snop  }
0x6: {  	_ = 	snop  }
0x7: {  	_ = 	snop  }
__scs_overlays_trampoline_lowered:
0x8: {  	[smem:$0x3FA7] =	sst s0  }
0x9: {  	[smem:$0x3FA8] =	sst s1  }
0xa: {  	[smem:$0x3FA9] =	sst s2  }
0xb: {  	[smem:$0x3FAA] =	sst s3  }
0xc: {  	[smem:$0x3FAB] =	sst s4  }
0xd: {  	[smem:$0x3FAC] =	sst s5  }
0xe: {  	[smem:$0x3FAD] =	sst s6  }
0xf: {  	[smem:$0x3FAE] =	sst s7  }
0x10: {  	[smem:$0x3FAF] =	sst s8  }
0x11: {  	[smem:$0x3FB0] =	sst s9;
	s0 =	simm.s32 @!p0 $0x0  }
0x12: {  	s1 =	sld [smem:$0x3F96];
	s0 =	simm.s32 @p0 $0x1  }
0x13: {  	[smem:$0x3FB1] =	sst s0;
	s0 =	simm.s32 @!p1 $0x0  }
0x14: {  	s2 =	sld [smem:$0x3F95];
	s0 =	simm.s32 @p1 $0x1  }
0x15: {  	[smem:$0x3FB2] =	sst s0;
	s0 =	simm.s32 @!p2 $0x0  }
0x16: {  	s3 =	sld [smem:$0x3FDB];
	s0 =	simm.s32 @p2 $0x1  }
0x17: {  	s4 =	simm.s32 $0x1BF5;
	[smem:$0x3FB4] =	sst s0  }
0x18: {  	s0 =	sld [smem:$0x3F97];
	_ =	swait.ge [sflag:s4], $0x0  }
0x19: {  	s7 =	sld [smem:$0x3F98]  }
0x1a: {  	s8 =	sadd.s32 $0xFFFFE003, lr  }
0x1b: {  	s9 =	sadd.s32 $0xFFFFFEF7, lr;
	s5 =	simm.s32 $0xFFFFFFFF;
	p2 =	slt.u32 s8, $0xFFFFF086  }
0x1c: {  	p1 =	slt.u32 s9, $0xF7A;
	s5 =	simm.s32 @!p2 $0x0  }
0x1d: {  	s5 =	simm.s32 @p1 $0x1;
	p0 =	seq.s32 s7, s2  }
0x1e: {  	s7 =	smul.u32 @!p0 $0xF7A, s2;
	p2 =	seq.s32 @!p0 s5, $0x0  }
0x1f: {  	s9 =	smul.u32 $0xF7A, s1;
	s8 =	simm.s32 @!p0 $0x1BF5;
	p2 =	por !p2, p0  }
0x20: {  	[sflag:s8] =	ssyncset.s32 @!p0 $0xFFFFF086;
	s6 =	sadd.s32 @!p0 s3, s7;
	s7 =	simm.s32 @!p0 $0x108  }
0x21: {  	s3 =	sadd.s32 s3, s9;
	s6 =	sadd.s32 @!p0 $0x88, s6;
	s7 =	simm.s32 @p2 $0x1082  }
0x22: {  	[simem:s7], [sflag:s8] =	dma.local @!p0 [hbm:s6], $0xF7A  }
0x23: {  	s9 =	sor.u32 $0xD0000000, s2;
	s6 =	simm.s32 $0x108;
	_ =	swait.ge @!p0 [sflag:s8], $0x0  }
0x24: {  	s3 =	sadd.s32 $0x88, s3;
	s6 =	simm.s32 @!p1 $0x1082;
	[sflag:s4] =	ssyncset.s32 $0xFFFFF086  }
0x25: {  	[simem:s6], [sflag:s4] =	dma.local [hbm:s3], $0xF7A  }
0x26: {  	[smem:$0x3F98] =	sst s1;
	(tag) =	ssettag s2;
	_ =	strace s9  }
0x27: {  	s1 =	sld [smem:$0x3FA8]  }
0x28: {  	s2 =	sld [smem:$0x3FA9]  }
0x29: {  	s4 =	sld [smem:$0x3FAB]  }
0x2a: {  	p0 =	seq.s32 s5, $0x0;
	s5 =	sld [smem:$0x3FAC]  }
0x2b: {  	s6 =	sld [smem:$0x3FAD]  }
0x2c: {  	s7 =	sld [smem:$0x3FAE]  }
0x2d: {  	s3 =	simm.s32 $0x108;
	s8 =	sld [smem:$0x3FAF]  }
0x2e: {  	s3 =	simm.s32 @!p0 $0x1082;
	s9 =	sld [smem:$0x3FB0]  }
0x2f: {  	lr =	sadd.s32 s0, s3;
	s0 =	sld [smem:$0x3FA7]  }
0x30: {  	s3 =	sld [smem:$0x3FAA]  }
0x31: {  	[smem:$0x3FB3] =	sst s10  }
0x32: {  	s10 =	sld [smem:$0x3FB1];
	_ =	sdelay $0x3  }
0x33: {  	p0 =	seq.s32 s10, $0x1;
	s10 =	sld [smem:$0x3FB3];
	_ =	sdelay $0x3  }
0x34: {  	[smem:$0x3FB3] =	sst s10  }
0x35: {  	s10 =	sld [smem:$0x3FB2];
	_ =	sdelay $0x3  }
0x36: {  	p1 =	seq.s32 s10, $0x1;
	s10 =	sld [smem:$0x3FB3];
	_ =	sdelay $0x3  }
0x37: {  	[smem:$0x3FB3] =	sst s10  }
0x38: {  	s10 =	sld [smem:$0x3FB4]  }
0x39: {  	_ = 	snop;
	(pc) =	sbr.ind lr, $3  }
0x3a: {  	_ = 	snop  }
0x3b: {  	_ = 	snop  }
0x3c: {  	p2 =	seq.s32 s10, $0x1;
	s10 =	sld [smem:$0x3FB3]  }
0x3d: {  	_ =	shalt  }
0x3e: {  	_ =	shalt  }
0x3f: {  	_ =	shalt  }
0x40: {  	_ =	shalt  }
0x41: {  	_ =	shalt  }
0x42: {  	_ =	shalt  }
0x43: {  	_ =	shalt  }
0x44: {  	_ =	shalt  }
0x45: {  	_ =	shalt  }
0x46: {  	_ =	shalt  }
0x47: {  	_ =	shalt  }
0x48: {  	_ =	shalt  }
0x49: {  	_ =	shalt  }
0x4a: {  	_ =	shalt  }
0x4b: {  	_ =	shalt  }
0x4c: {  	_ =	shalt  }
0x4d: {  	_ =	shalt  }
0x4e: {  	_ =	shalt  }
0x4f: {  	_ =	shalt  }
0x50: {  	_ =	shalt  }
0x51: {  	_ =	shalt  }
0x52: {  	_ =	shalt  }
0x53: {  	_ =	shalt  }
0x54: {  	_ =	shalt  }
0x55: {  	_ =	shalt  }
0x56: {  	_ =	shalt  }
0x57: {  	_ =	shalt  }
0x58: {  	_ =	shalt  }
0x59: {  	_ =	shalt  }
0x5a: {  	_ =	shalt  }
0x5b: {  	_ =	shalt  }
0x5c: {  	_ =	shalt  }
0x5d: {  	_ =	shalt  }
0x5e: {  	_ =	shalt  }
0x5f: {  	_ =	shalt  }
0x60: {  	_ =	shalt  }
0x61: {  	_ =	shalt  }
0x62: {  	_ =	shalt  }
0x63: {  	_ =	shalt  }
0x64: {  	_ =	shalt  }
0x65: {  	_ =	shalt  }
0x66: {  	_ =	shalt  }
0x67: {  	_ =	shalt  }
0x68: {  	_ =	shalt  }
0x69: {  	_ =	shalt  }
0x6a: {  	_ =	shalt  }
0x6b: {  	_ =	shalt  }
0x6c: {  	_ =	shalt  }
0x6d: {  	_ =	shalt  }
0x6e: {  	_ =	shalt  }
0x6f: {  	_ =	shalt  }
0x70: {  	_ =	shalt  }
0x71: {  	_ =	shalt  }
0x72: {  	_ =	shalt  }
0x73: {  	_ =	shalt  }
0x74: {  	_ =	shalt  }
0x75: {  	_ =	shalt  }
0x76: {  	_ =	shalt  }
0x77: {  	_ =	shalt  }
0x78: {  	_ =	shalt  }
0x79: {  	_ =	shalt  }
0x7a: {  	_ =	shalt  }
0x7b: {  	_ =	shalt  }
0x7c: {  	_ =	shalt  }
0x7d: {  	_ =	shalt  }
0x7e: {  	_ =	shalt  }
0x7f: {  	_ =	shalt  }
0x80: {  	_ =	shalt  }
0x81: {  	_ =	shalt  }
0x82: {  	_ =	shalt  }
0x83: {  	_ =	shalt  }
0x84: {  	_ =	shalt  }
0x85: {  	_ =	shalt  }
0x86: {  	_ =	shalt  }
0x87: {  	_ =	shalt  }
.Lfunc_end0:
.L_simem_size_0:
called_computation.2_lowered:
.L_overlay_start_0:
0x88: {  	s2 =	sld [smem:$0x3FD9]  }
0x89: {  	s3 =	sld [smem:$0x3FFE];
	_ =	sdelay $0x1  }
0x8a: {  	s1 =	srdreg.scid  }
0x8b: {  	s0 =	sand.u32 $0x1, s1  }
0x8c: {  	s16 =	sshll.u32 s0, $0xA;
	s2 =	sadd.s32 s3, s2  }
0x8d: {  	s2 =	sadd.s32 s2, s16  }
0x8e: {  	[smem:$0x3FBF] =	sst s2  }
0x8f: {  	_ = 	snop  }
0x90: {  	(tm) =	ssettm $0x1  }
0x91: {  	s17 =	sld [smem:$0x3FFB];
	_ =	sdelay $0x3  }
0x92: {  	_ =	strace s17  }
0x93: {  	s2 =	sld [smem:$0x3FFC];
	_ =	sdelay $0x3  }
0x94: {  	_ =	strace s2  }
0x95: {  	s2 =	sld [smem:$0x3FFD];
	_ =	sdelay $0x3  }
0x96: {  	_ =	strace s2  }
0x97: {  	_ =	strace $0x8FFFFFFF  }
0x98: {  	s18 =	sld [smem:$0x3FDB];
	_ =	sdelay $0x1  }
0x99: {  	s19 =	simm.s32 $_scs_section_size  }
0x9a: {  	s4 =	simm.s32 $_size__tile_overlayer_lowered;
	s5 =	simm.s32 $_tile_overlayer_lowered  }
0x9b: {  	s22 =	simm.s32 $0x1BFF;
	s21 =	sshll.u32 s5, $0x1;
	s2 =	sadd.s32 s19, s18  }
0x9c: {  	s6 =	simm.s32 $0x0;
	s20 =	sshll.u32 s4, $0x1;
	s4 =	sadd.s32 s21, s2  }
0x9d: {  	[timem:s6], [sflag:s22] =	dma.local [hbm:s4], s20  }
0x9e: {  	_ =	swait.ge [sflag:s22], s20  }
0x9f: {  	s3 =	ssub.s32 $0x0, s20;
	[sflag:s22] =	ssyncset.done $0x0  }
0xa0: {  	[sflag:s22] =	ssyncadd.s32 s3;
	_ =	sdelay $0x1  }
0xa1: {  	s23 =	simm.s32 $0x1B8B  }
0xa2: {  	_ =	swait.ge [sflag:s23], $0x1  }
0xa3: {  	[sflag:s23] =	ssyncset.done $0x0  }
0xa4: {  	s25 =	simm.s32 $0x1B8E;
	s24 =	sld [smem:$0x3FFE];
	[sflag:s23] =	ssyncadd.s32 $0xFFFFFFFF  }
0xa5: {  	s26 =	simm.s32 $execute0_lowered;
	[smem:$0x3FD2] =	sst s25  }
0xa6: {  	s4 =	sshll.u32 s26, $0x1;
	_ =	strace $0x8000004C;
	[dreg:$0x1] =	wrdreg $0xFFFFFFFF  }
0xa7: {  	s28 =	simm.s32 $_size_execute0_lowered;
	s2 =	sadd.s32 s2, s4;
	[dreg:$0x0] =	wrdreg $0x0  }
0xa8: {  	s4 =	sshll.u32 s28, $0x1;
	[dreg:$0x2] =	wrdreg s2  }
0xa9: {  	[dreg:$0x3] =	wrdreg s4  }
0xaa: {  	[dreg:$0x4] =	wrdreg $0xC0  }
0xab: {  	_ =	task [dreg:s6], $0x5FFFF  }
0xac: {  	[dreg:$0x1] =	wrdreg $0xFFFFFFFF  }
0xad: {  	[dreg:$0x0] =	wrdreg $0x60  }
0xae: {  	[dreg:$0x2] =	wrdreg s24  }
0xaf: {  	[dreg:$0x3] =	wrdreg $0xB8000  }
0xb0: {  	[dreg:$0x4] =	wrdreg $0x9  }
0xb1: {  	_ =	task.clear_ibuf [dreg:s6], $0x5FFFF;
	_ =	strace $0x9000004C  }
0xb2: {  	s29 =	simm.s32 $0x9;
	_ =	strace $0x8000004E  }
0xb3: {  	_ =	swait.ge [sflag:s29], $0x1  }
0xb4: {  	[sflag:s29] =	ssyncadd.s32 $0xFFFFFFFF  }
0xb5: {  	_ =	strace $0x9000004E  }
0xb6: {  	_ =	sfence  }
0xb7: {  	s30 =	sld [smem:$0x0];
	_ =	sdelay $0x2  }
0xb8: {  	s31 =	sshll.u32 s1, $0xD;
	s1 =	sshrl.u32 s1, $0x2  }
0xb9: {  	s3 =	sand.u32 $0x4000, s31;
	s1 =	sadd.s32 s1, s30  }
0xba: {  	s0 =	sor.u32 s3, s0;
	s1 =	sshll.u32 s1, $0x11  }
0xbb: {  	s0 =	sor.u32 s1, s0  }
0xbc: {  	s0 =	sadd.s32 $0x8F2B, s0  }
0xbd: {  	[sflag:s0] =	ssyncadd.remote.s32 $0x1  }
0xbe: {  	_ =	sfence.sel $0xFFFF  }
0xbf: {  	[dreg:$0x0] =	wrdreg $0xFFFFFFFF;
	(pc) =	sbr.abs _section_cstart, $3  }
0xc0: {  	[dreg:$0x1] =	wrdreg $0xFFFFFFFF  }
0xc1: {  	_ =	task.clear_ibuf [dreg:s6], $0x2FFFF;
	_ =	strace $0x9FFFFFFF  }
0xc2: {  	(tm) =	ssettm $0x7FFFFFFF  }
0xc3: {  	_ =	shalt  }
tec
execute0_lowered:
.L_overlay_start_1:
0x0: {  	(tag) =	ssettag $0x1  }
0x1: {  	s8 =	stileid.u32  }
0x2: {  	s2 =	srdreg.scid;
	s7 =	smul.u32 $0x14000, s8  }
0x3: {  	s2 =	sand.u32 $0x1, s2;
	s25 =	smul.u32 $0x50000, s8  }
0x4: {  	s0 =	rddreg [dreg:$0x0];
	s5 =	smul.u32 $0x140000, s2  }
0x5: {  	s1 =	rddreg [dreg:$0x1];
	s28 =	sshrl.u32 s25, $0x2  }
0x6: {  	s3 =	simm.s32 $0x0;
	s5 =	sadd.s32 s7, s5;
	s7 =	sadd.s32 s28, s1  }
0x7: {  	[smem:$0x7FF] =	sst s3;
	s10 =	sadd.s32 $0x1000, s7  }
0x8: {  	_ =	strace $0x8000004D;
	s11 =	sadd.s32 $0x2000, s7;
	[dreg:$0x6] =	wrdreg s10  }
0x9: {  	s12 =	sadd.s32 $0x3000, s7;
	[dreg:$0x7] =	wrdreg s11  }
0xa: {  	s13 =	sadd.s32 $0x4000, s7;
	[dreg:$0x8] =	wrdreg s12  }
0xb: {  	s14 =	sadd.s32 $0x5000, s7;
	[dreg:$0x9] =	wrdreg s13  }
0xc: {  	s15 =	sadd.s32 $0x6000, s7;
	[dreg:$0xa] =	wrdreg s14  }
0xd: {  	s31 =	simm.s32 $0x9;
	s16 =	sadd.s32 $0x7000, s7;
	[dreg:$0xb] =	wrdreg s15  }
0xe: {  	s4 =	sshll.u32 s2, $0x4;
	s17 =	sadd.s32 $0x8000, s7;
	[dreg:$0xc] =	wrdreg s16  }
0xf: {  	s2 =	ssub.s32 $0x2, s2;
	s18 =	sadd.s32 $0x9000, s7;
	[dreg:$0xd] =	wrdreg s17  }
0x10: {  	s6 =	sor.u32 s8, s4;
	s19 =	sadd.s32 $0xA000, s7;
	[dreg:$0xe] =	wrdreg s18  }
0x11: {  	s4 =	sadd.s32 $0x20200, s0;
	s20 =	sadd.s32 $0xB000, s7;
	[dreg:$0xf] =	wrdreg s19  }
0x12: {  	s26 =	sshrl.u32 s2, $0x1;
	s21 =	sadd.s32 $0xC000, s7;
	[dreg:$0x10] =	wrdreg s20  }
0x13: {  	s6 =	smul.u32 $0x500, s6;
	s22 =	sadd.s32 $0xD000, s7;
	[dreg:$0x11] =	wrdreg s21  }
0x14: {  	s2 =	ssub.s32 s2, s26;
	s23 =	sadd.s32 $0xE000, s7;
	[dreg:$0x12] =	wrdreg s22  }
0x15: {  	s5 =	sshrl.u32 s5, $0x3;
	s24 =	sadd.s32 $0xF000, s7;
	[dreg:$0x13] =	wrdreg s23  }
0x16: {  	s25 =	smax.u32 s2, $0x1;
	s26 =	sadd.s32 $0x10000, s7;
	[dreg:$0x14] =	wrdreg s24  }
0x17: {  	s28 =	sadd.s32 $0x11000, s7;
	s30 =	sadd.s32 $0x13000, s7;
	[dreg:$0x16] =	wrdreg s25  }
0x18: {  	s2 =	simm.s32 $0x7800;
	s6 =	sadd.s32 s6, s0;
	[dreg:$0x17] =	wrdreg s26  }
0x19: {  	s0 =	sadd.s32 s5, s0;
	[dreg:$0x18] =	wrdreg s28;
	s5 =	simm.s32 $0x1  }
0x1a: {  	s10 =	simm.s32 $0x20;
	s11 =	simm.s32 $0x8800;
	s12 =	simm.s32 $0x9800  }
0x1b: {  	s13 =	simm.s32 $0xA800;
	s14 =	simm.s32 $0x5;
	s15 =	simm.s32 $0x6  }
0x1c: {  	s16 =	simm.s32 $0x7;
	s17 =	simm.s32 $0x8;
	s29 =	sadd.s32 $0x2200, s6  }
.Ltmp0:
0x1d: {  	s8 =	sadd.s32 $0xC200, s6;
	[dreg:$0x3] =	wrdreg s29;
	(pc) =	sbr.rel .LBB2_1-.Ltmp0, $4  }
0x1e: {  	s18 =	simm.s32 $0x0;
	s9 =	sadd.s32 $0x16200, s6;
	[dreg:$0x4] =	wrdreg s8  }
0x1f: {  	s0 =	sadd.s32 $0x6E600, s0;
	s6 =	simm.s32 $0x2;
	[dreg:$0x5] =	wrdreg s9  }
0x20: {  	[dreg:$0x15] =	wrdreg s0;
	s29 =	sadd.s32 $0x12000, s7;
	s0 =	simm.s32 $0x5000  }
0x21: {  	v0 =	vimm.f32 $0.0e+00;
	s8 =	simm.s32 $0x3;
	s9 =	simm.s32 $0x4;
	[dreg:$0x19] =	wrdreg s29  }
.LBB2_14:
0x22: {  	_ =	swait.ge [sflag:s16], $0x1000  }
0x23: {  	[sflag:s16] =	ssyncset.done $0x0  }
0x24: {  	[sflag:s16] =	ssyncadd.s32 $0xFFFFF000  }
0x25: {  	_ =	swait.ge [sflag:s17], $0x1000  }
0x26: {  	[sflag:s17] =	ssyncset.done $0x0  }
0x27: {  	s19 =	stileid.u32;
	[sflag:s17] =	ssyncadd.s32 $0xFFFFF000  }
0x28: {  	s19 =	sshll.u32 s19, $0x6;
	[bflag:$0x0] =	sbarrier.arrive $0xFFFF  }
0x29: {  	s20 =	sshrl.u32 s7, $0x3;
	s19 =	sor.u32 $0x1C09, s19;
	s21 =	rddreg [dreg:$0x15]  }
0x2a: {  	[hbm:s21], [sflag:s19] =	dma.local [spmem:s20], $0x2800  }
0x2b: {  	_ =	swait.ge [sflag:s31], $0x2800  }
0x2c: {  	s18 =	sadd.s32 $0x1, s18;
	s29 =	rddreg [dreg:$0x16]  }
0x2d: {  	p0 =	sne.s32 s18, s29  }
.Ltmp1:
0x2e: {  	_ = 	snop;
	(pc) =	sbr.rel @!p0 .LBB2_15-.Ltmp1, $3  }
0x2f: {  	_ =	sdelay $0x1  }
0x30: {  	[sflag:s31] =	ssyncset.done $0x0  }
0x31: {  	[sflag:s31] =	ssyncadd.s32 $0xFFFFD800  }
.LBB2_1:
0x32: {  	s19 =	rddreg [dreg:$0x3]  }
0x33: {  	[tilespmem:s3], [sflag:$0x9] =	stream.linear.gather [hbm4b:s19+s3], $0x2800, $0x38;
	[tilespmem:$0x1F800] =	vst v63  }
0x34: {  	_ =	swait.ge [sflag:s31], $0x2800  }
0x35: {  	[sflag:s31] =	ssyncset.done $0x0  }
0x36: {  	s20 =	simm.s32 $0x2800;
	s28 =	rddreg [dreg:$0x4];
	[sflag:s31] =	ssyncadd.s32 $0xFFFFD800  }
0x37: {  	[tilespmem:s20], [sflag:$0x9] =	stream.linear.gather [hbm4b:s28+s3], $0x2800, $0x38;
	[tilespmem:$0x1F800] =	vst v63  }
0x38: {  	_ =	swait.ge [sflag:s31], $0x2800  }
0x39: {  	[sflag:s31] =	ssyncset.done $0x0  }
0x3a: {  	s29 =	rddreg [dreg:$0x5];
	[sflag:s31] =	ssyncadd.s32 $0xFFFFD800  }
0x3b: {  	[tilespmem:s0], [sflag:$0x9] =	stream.linear.gather [hbm4b:s29+s3], $0x2800, $0x38;
	[tilespmem:$0x1F800] =	vst v63  }
0x3c: {  	_ =	swait.ge [sflag:s31], $0x2800  }
0x3d: {  	[sflag:s31] =	ssyncset.done $0x0  }
0x3e: {  	s19 =	simm.s32 $0x0;
	s20 =	simm.s32 $0x200;
	[sflag:s31] =	ssyncadd.s32 $0xFFFFD800  }
.LBB2_2:
0x3f: {  	p0 =	sne.s32 s20, $0x3E00;
	[tilespmem:s19+$0x7870] =	vst v0  }
0x40: {  	[tilespmem:s19+$0x7800] =	vst v0  }
0x41: {  	[tilespmem:s19+$0x7810] =	vst v0  }
.Ltmp2:
0x42: {  	[tilespmem:s19+$0x7820] =	vst v0;
	(pc) =	sbr.rel @p0 .LBB2_2-.Ltmp2, $4  }
0x43: {  	[tilespmem:s19+$0x7830] =	vst v0  }
0x44: {  	[tilespmem:s19+$0x7840] =	vst v0  }
0x45: {  	[tilespmem:s19+$0x7850] =	vst v0  }
0x46: {  	[tilespmem:s19+$0x7860] =	vst v0;
	s19 =	sshra.s32 s20, $0x2;
	s20 =	sadd.s32 $0x200, s20  }
0x47: {  	[tilespmem:s19+$0x7870] =	vst v0  }
0x48: {  	[tilespmem:s19+$0x7800] =	vst v0  }
0x49: {  	[tilespmem:s19+$0x7810] =	vst v0  }
0x4a: {  	[tilespmem:s19+$0x7820] =	vst v0  }
0x4b: {  	[tilespmem:s19+$0x7830] =	vst v0  }
0x4c: {  	[tilespmem:s19+$0x7840] =	vst v0  }
0x4d: {  	[tilespmem:s19+$0x7850] =	vst v0  }
0x4e: {  	[tilespmem:s19+$0x7860] =	vst v0  }
0x4f: {  	[spmem:s7] =	stream.linear.scatter [tilespmem:s2], [sflag:$0x1], $0x1000, $0x38;
	[tilespmem:$0x1F800] =	vst v63  }
0x50: {  	s20 =	rddreg [dreg:$0x6]  }
0x51: {  	[spmem:s20] =	stream.linear.scatter [tilespmem:s2], [sflag:$0x2], $0x1000, $0x38;
	[tilespmem:$0x1F800] =	vst v63  }
0x52: {  	s21 =	rddreg [dreg:$0x7]  }
0x53: {  	[spmem:s21] =	stream.linear.scatter [tilespmem:s2], [sflag:$0x3], $0x1000, $0x38;
	[tilespmem:$0x1F800] =	vst v63  }
0x54: {  	s22 =	rddreg [dreg:$0x8]  }
0x55: {  	[spmem:s22] =	stream.linear.scatter [tilespmem:s2], [sflag:$0x4], $0x1000, $0x38;
	[tilespmem:$0x1F800] =	vst v63  }
0x56: {  	s23 =	rddreg [dreg:$0x9]  }
0x57: {  	[spmem:s23] =	stream.linear.scatter [tilespmem:s2], [sflag:$0x1], $0x1000, $0x38;
	[tilespmem:$0x1F800] =	vst v63  }
0x58: {  	s24 =	rddreg [dreg:$0xa]  }
0x59: {  	[spmem:s24] =	stream.linear.scatter [tilespmem:s2], [sflag:$0x2], $0x1000, $0x38;
	[tilespmem:$0x1F800] =	vst v63  }
0x5a: {  	s25 =	rddreg [dreg:$0xb]  }
0x5b: {  	[spmem:s25] =	stream.linear.scatter [tilespmem:s2], [sflag:$0x3], $0x1000, $0x38;
	[tilespmem:$0x1F800] =	vst v63  }
0x5c: {  	s26 =	rddreg [dreg:$0xc]  }
0x5d: {  	[spmem:s26] =	stream.linear.scatter [tilespmem:s2], [sflag:$0x4], $0x1000, $0x38;
	[tilespmem:$0x1F800] =	vst v63  }
0x5e: {  	s28 =	rddreg [dreg:$0xd]  }
0x5f: {  	[spmem:s28] =	stream.linear.scatter [tilespmem:s2], [sflag:$0x1], $0x1000, $0x38;
	[tilespmem:$0x1F800] =	vst v63  }
0x60: {  	s29 =	rddreg [dreg:$0xe]  }
0x61: {  	[spmem:s29] =	stream.linear.scatter [tilespmem:s2], [sflag:$0x2], $0x1000, $0x38;
	[tilespmem:$0x1F800] =	vst v63  }
0x62: {  	s20 =	rddreg [dreg:$0xf]  }
0x63: {  	[spmem:s20] =	stream.linear.scatter [tilespmem:s2], [sflag:$0x3], $0x1000, $0x38;
	[tilespmem:$0x1F800] =	vst v63  }
0x64: {  	s21 =	rddreg [dreg:$0x10]  }
0x65: {  	[spmem:s21] =	stream.linear.scatter [tilespmem:s2], [sflag:$0x4], $0x1000, $0x38;
	[tilespmem:$0x1F800] =	vst v63  }
0x66: {  	s22 =	rddreg [dreg:$0x11]  }
0x67: {  	[spmem:s22] =	stream.linear.scatter [tilespmem:s2], [sflag:$0x1], $0x1000, $0x38;
	[tilespmem:$0x1F800] =	vst v63  }
0x68: {  	s23 =	rddreg [dreg:$0x12]  }
0x69: {  	[spmem:s23] =	stream.linear.scatter [tilespmem:s2], [sflag:$0x2], $0x1000, $0x38;
	[tilespmem:$0x1F800] =	vst v63  }
0x6a: {  	s24 =	rddreg [dreg:$0x13]  }
0x6b: {  	[spmem:s24] =	stream.linear.scatter [tilespmem:s2], [sflag:$0x3], $0x1000, $0x38;
	[tilespmem:$0x1F800] =	vst v63  }
0x6c: {  	s25 =	rddreg [dreg:$0x14]  }
0x6d: {  	[spmem:s25] =	stream.linear.scatter [tilespmem:s2], [sflag:$0x4], $0x1000, $0x38;
	[tilespmem:$0x1F800] =	vst v63  }
0x6e: {  	s26 =	rddreg [dreg:$0x17]  }
0x6f: {  	[spmem:s26] =	stream.linear.scatter [tilespmem:s2], [sflag:$0x1], $0x1000, $0x38;
	[tilespmem:$0x1F800] =	vst v63  }
0x70: {  	s28 =	rddreg [dreg:$0x18]  }
0x71: {  	[spmem:s28] =	stream.linear.scatter [tilespmem:s2], [sflag:$0x2], $0x1000, $0x38;
	[tilespmem:$0x1F800] =	vst v63  }
0x72: {  	s29 =	rddreg [dreg:$0x19]  }
0x73: {  	[spmem:s29] =	stream.linear.scatter [tilespmem:s2], [sflag:$0x3], $0x1000, $0x38;
	[tilespmem:$0x1F800] =	vst v63  }
0x74: {  	_ = 	snop  }
0x75: {  	[spmem:s30] =	stream.linear.scatter [tilespmem:s2], [sflag:$0x4], $0x1000, $0x38;
	[tilespmem:$0x1F800] =	vst v63  }
0x76: {  	_ =	swait.ge [sflag:s5], $0x1000  }
0x77: {  	[sflag:s5] =	ssyncset.done $0x0  }
0x78: {  	[sflag:s5] =	ssyncadd.s32 $0xFFFFF000  }
0x79: {  	_ =	swait.ge [sflag:s6], $0x1000  }
0x7a: {  	[sflag:s6] =	ssyncset.done $0x0  }
0x7b: {  	[sflag:s6] =	ssyncadd.s32 $0xFFFFF000  }
0x7c: {  	_ =	swait.ge [sflag:s8], $0x1000  }
0x7d: {  	[sflag:s8] =	ssyncset.done $0x0  }
0x7e: {  	[sflag:s8] =	ssyncadd.s32 $0xFFFFF000  }
0x7f: {  	_ =	swait.ge [sflag:s9], $0x1000  }
0x80: {  	[sflag:s9] =	ssyncset.done $0x0  }
0x81: {  	[sflag:s9] =	ssyncadd.s32 $0xFFFFF000  }
0x82: {  	_ =	swait.ge [sflag:s5], $0x1000  }
0x83: {  	[sflag:s5] =	ssyncset.done $0x0  }
0x84: {  	[sflag:s5] =	ssyncadd.s32 $0xFFFFF000  }
0x85: {  	_ =	swait.ge [sflag:s6], $0x1000  }
0x86: {  	[sflag:s6] =	ssyncset.done $0x0  }
0x87: {  	[sflag:s6] =	ssyncadd.s32 $0xFFFFF000  }
0x88: {  	_ =	swait.ge [sflag:s8], $0x1000  }
0x89: {  	[sflag:s8] =	ssyncset.done $0x0  }
0x8a: {  	[sflag:s8] =	ssyncadd.s32 $0xFFFFF000  }
0x8b: {  	_ =	swait.ge [sflag:s9], $0x1000  }
0x8c: {  	[sflag:s9] =	ssyncset.done $0x0  }
0x8d: {  	[sflag:s9] =	ssyncadd.s32 $0xFFFFF000  }
0x8e: {  	_ =	swait.ge [sflag:s5], $0x1000  }
0x8f: {  	[sflag:s5] =	ssyncset.done $0x0  }
0x90: {  	[sflag:s5] =	ssyncadd.s32 $0xFFFFF000  }
0x91: {  	_ =	swait.ge [sflag:s6], $0x1000  }
0x92: {  	[sflag:s6] =	ssyncset.done $0x0  }
0x93: {  	[sflag:s6] =	ssyncadd.s32 $0xFFFFF000  }
0x94: {  	_ =	swait.ge [sflag:s8], $0x1000  }
0x95: {  	[sflag:s8] =	ssyncset.done $0x0  }
0x96: {  	[sflag:s8] =	ssyncadd.s32 $0xFFFFF000  }
0x97: {  	_ =	swait.ge [sflag:s9], $0x1000  }
0x98: {  	[sflag:s9] =	ssyncset.done $0x0  }
0x99: {  	[sflag:s9] =	ssyncadd.s32 $0xFFFFF000  }
0x9a: {  	_ =	swait.ge [sflag:s5], $0x1000  }
0x9b: {  	[sflag:s5] =	ssyncset.done $0x0  }
0x9c: {  	[sflag:s5] =	ssyncadd.s32 $0xFFFFF000  }
0x9d: {  	_ =	swait.ge [sflag:s6], $0x1000  }
0x9e: {  	[sflag:s6] =	ssyncset.done $0x0  }
0x9f: {  	[sflag:s6] =	ssyncadd.s32 $0xFFFFF000  }
0xa0: {  	_ =	swait.ge [sflag:s8], $0x1000  }
0xa1: {  	[sflag:s8] =	ssyncset.done $0x0  }
0xa2: {  	[sflag:s8] =	ssyncadd.s32 $0xFFFFF000  }
0xa3: {  	_ =	swait.ge [sflag:s9], $0x1000  }
0xa4: {  	[sflag:s9] =	ssyncset.done $0x0  }
0xa5: {  	[sflag:s9] =	ssyncadd.s32 $0xFFFFF000  }
0xa6: {  	_ =	swait.ge [sflag:s5], $0x1000  }
0xa7: {  	[sflag:s5] =	ssyncset.done $0x0  }
0xa8: {  	[sflag:s5] =	ssyncadd.s32 $0xFFFFF000  }
0xa9: {  	_ =	swait.ge [sflag:s6], $0x1000  }
0xaa: {  	[sflag:s6] =	ssyncset.done $0x0  }
0xab: {  	[sflag:s6] =	ssyncadd.s32 $0xFFFFF000  }
0xac: {  	_ =	swait.ge [sflag:s8], $0x1000  }
0xad: {  	[sflag:s8] =	ssyncset.done $0x0  }
0xae: {  	[sflag:s8] =	ssyncadd.s32 $0xFFFFF000  }
0xaf: {  	_ =	swait.ge [sflag:s9], $0x1000  }
0xb0: {  	[sflag:s9] =	ssyncset.done $0x0  }
0xb1: {  	[sflag:s9] =	ssyncadd.s32 $0xFFFFF000  }
0xb2: {  	s19 =	simm.s32 $0x0;
	[bflag:$0x0] =	sbarrier.arrive $0xFFFF  }
0xb3: {  	[tilespmem:s2], [sflag:$0x1] =	stream.indirect.gather [hbm4b:s4+s10], $0x80, s19, s10, $0xb8;
	[tilespmem:$0x1F800] =	vst v63  }
0xb4: {  	s20 =	simm.s32 $0x0  }
0xb5: {  	[tilespmem:s11], [sflag:$0x2] =	stream.indirect.gather [hbm4b:s4+s10], $0x80, s10, s10, $0xb8;
	[tilespmem:$0x1F800] =	vst v63  }
.LBB2_4:
0xb6: {  	s23 =	sshll.u32 s20, $0x7;
	v2 =	vmov s19  }
0xb7: {  	v1 =	vmov s23;
	v2 =	vand.u32 $0x7F, v2  }
0xb8: {  	v2 =	vadd.s32 v1, v2  }
0xb9: {  	_ =	swait.ge [sflag:s5], $0x1000;
	v2 =	vbroadcast v2, $0x0  }
0xba: {  	[sflag:s5] =	ssyncset.done $0x0  }
0xbb: {  	s21 =	simm.s32 $0x7840;
	[sflag:s5] =	ssyncadd.s32 $0xFFFFF000  }
0xbc: {  	v6 =	vld [tilespmem:s21+$0x30]  }
0xbd: {  	v9 =	vld [tilespmem:s21+$0x10]  }
0xbe: {  	v7 =	vld [tilespmem:s21+$0xFFFFFFC0]  }
0xbf: {  	v3 =	vld.idx.msk [tilespmem:v2+s0+$0x0], $0xffff  }
0xc0: {  	v12 =	vld [tilespmem:s21+$0xFFFFFFE0]  }
0xc1: {  	v4 =	vld [tilespmem:s21+$0x20]  }
0xc2: {  	v5 =	vld [tilespmem:s21+$0xFFFFFFD0]  }
0xc3: {  	v2 =	vld [tilespmem:s21+$0xFFFFFFF0]  }
0xc4: {  	v10 =	vmul.f32 v6, v3;
	v6 =	vld [tilespmem:s21+$0x0]  }
0xc5: {  	s22 =	simm.s32 $0x1;
	v8 =	vmul.f32 v7, v3  }
0xc6: {  	s24 =	simm.s32 $0x2;
	v11 =	vmov s22;
	s22 =	simm.s32 $0x7840;
	v7 =	vmul.f32 v12, v3;
	v9 =	vmul.f32 v9, v3  }
.LBB2_5:
0xc7: {  	p0 =	sne.s32 s24, $0x1F  }
0xc8: {  	v11 =	vand.u32 $0x7F, v11;
	v5 =	vmul.f32 v5, v3;
	v4 =	vmul.f32 v4, v3;
	[tilespmem:s21+$0x30] =	vst v10;
	s22 =	sadd.s32 $0x80, s22;
	s25 =	smov.u32 s24;
	s24 =	sadd.s32 $0x1, s24  }
0xc9: {  	v10 =	vadd.s32 v1, v11;
	[tilespmem:s21+$0xFFFFFFC0] =	vst v8;
	v8 =	vmul.f32 v2, v3;
	v3 =	vmul.f32 v6, v3  }
0xca: {  	v6 =	vbroadcast v10, $0x0;
	[tilespmem:s21+$0x10] =	vst v9  }
0xcb: {  	[tilespmem:s21+$0xFFFFFFE0] =	vst v7  }
0xcc: {  	v2 =	vld [tilespmem:s22+$0xFFFFFFF0];
	[tilespmem:s21+$0xFFFFFFF0] =	vst v8  }
0xcd: {  	v7 =	vld [tilespmem:s22+$0x30];
	[tilespmem:s21+$0x0] =	vst v3  }
0xce: {  	v9 =	vld [tilespmem:s22+$0x10];
	[tilespmem:s21+$0x20] =	vst v4  }
0xcf: {  	v8 =	vld [tilespmem:s22+$0xFFFFFFC0];
	[tilespmem:s21+$0xFFFFFFD0] =	vst v5;
	s21 =	smov.u32 s22  }
0xd0: {  	v3 =	vld.idx.msk [tilespmem:v6+s0+$0x0], $0xffff  }
0xd1: {  	v12 =	vld [tilespmem:s22+$0xFFFFFFE0]  }
0xd2: {  	v4 =	vld [tilespmem:s22+$0x20]  }
.Ltmp3:
0xd3: {  	v5 =	vld [tilespmem:s22+$0xFFFFFFD0];
	(pc) =	sbr.rel @p0 .LBB2_5-.Ltmp3, $3  }
0xd4: {  	v6 =	vld [tilespmem:s22+$0x0];
	_ =	sdelay $0x1  }
0xd5: {  	v8 =	vmul.f32 v8, v3;
	v10 =	vmul.f32 v7, v3  }
0xd6: {  	v11 =	vmov s25;
	v9 =	vmul.f32 v9, v3;
	v7 =	vmul.f32 v12, v3  }
0xd7: {  	[tilespmem:s21+$0xFFFFFFC0] =	vst v8;
	v8 =	vand.u32 $0x7F, v11  }
0xd8: {  	[tilespmem:s21+$0x30] =	vst v10;
	v8 =	vadd.s32 v1, v8  }
0xd9: {  	v2 =	vmul.f32 v2, v3;
	[tilespmem:s21+$0xFFFFFFE0] =	vst v7;
	v7 =	vbroadcast v8, $0x0  }
0xda: {  	s24 =	sadd.s32 $0x80, s22;
	[tilespmem:s21+$0x10] =	vst v9;
	v6 =	vmul.f32 v6, v3  }
0xdb: {  	v4 =	vmul.f32 v4, v3;
	v8 =	vld [tilespmem:s24+$0xFFFFFFF0];
	[tilespmem:s21+$0xFFFFFFF0] =	vst v2  }
0xdc: {  	v3 =	vmul.f32 v5, v3;
	v2 =	vld [tilespmem:s24+$0x30];
	[tilespmem:s21+$0x0] =	vst v6  }
0xdd: {  	v5 =	vld [tilespmem:s24+$0x10];
	[tilespmem:s21+$0x20] =	vst v4  }
0xde: {  	v4 =	vld [tilespmem:s24+$0xFFFFFFC0];
	[tilespmem:s21+$0xFFFFFFD0] =	vst v3  }
0xdf: {  	v3 =	vld.idx.msk [tilespmem:v7+s0+$0x0], $0xffff;
	_ =	sdelay $0x2  }
0xe0: {  	v6 =	vld [tilespmem:s24+$0xFFFFFFE0];
	_ =	sdelay $0x1  }
0xe1: {  	v7 =	vld [tilespmem:s24+$0x0];
	v2 =	vmul.f32 v2, v3  }
0xe2: {  	v9 =	vld [tilespmem:s24+$0x20];
	v4 =	vmul.f32 v4, v3  }
0xe3: {  	v10 =	vld [tilespmem:s24+$0xFFFFFFD0];
	v5 =	vmul.f32 v5, v3;
	[tilespmem:s24+$0x30] =	vst v2  }
0xe4: {  	v2 =	vmul.f32 v6, v3;
	[tilespmem:s24+$0xFFFFFFC0] =	vst v4  }
0xe5: {  	v4 =	vmul.f32 v8, v3;
	[tilespmem:s24+$0x10] =	vst v5  }
0xe6: {  	v5 =	vmul.f32 v7, v3;
	[tilespmem:s24+$0xFFFFFFE0] =	vst v2  }
0xe7: {  	v2 =	vmul.f32 v9, v3;
	[tilespmem:s24+$0xFFFFFFF0] =	vst v4  }
0xe8: {  	s22 =	sshll.u32 s20, $0x9;
	v3 =	vmul.f32 v10, v3;
	[tilespmem:s24+$0x0] =	vst v5  }
0xe9: {  	p0 =	seq.s32 s20, $0x0;
	s21 =	sshrl.u32 s22, $0x2;
	[tilespmem:s24+$0x20] =	vst v2  }
0xea: {  	s25 =	simm.s32 $0x0;
	s29 =	sadd.s32 $0x2800, s21;
	[tilespmem:s24+$0xFFFFFFD0] =	vst v3;
	s24 =	simm.s32 @!p0 $0x7  }
0xeb: {  	[spmem:s1] =	stream.indirect.scatter.add.f32 [tilespmem:s2], [sflag:$0x5], $0x80, s29, s10, $0xb8;
	[tilespmem:$0x1F800] =	vst v63  }
0xec: {  	v2 =	vmov s25;
	_ =	swait.ge @!p0 [sflag:s24], $0x1000  }
0xed: {  	v2 =	vadd.s32 $0x20, v2;
	[sflag:s24] =	ssyncset.done @!p0 $0x0  }
0xee: {  	v2 =	vand.u32 $0x7F, v2;
	[sflag:s24] =	ssyncadd.s32 @!p0 $0xFFFFF000;
	s24 =	sor.u32 $0x40, s23  }
0xef: {  	v2 =	vadd.s32 v1, v2;
	[tilespmem:s12], [sflag:$0x3] =	stream.indirect.gather [hbm4b:s4+s10], $0x80, s24, s10, $0xb8;
	[tilespmem:$0x1F800] =	vst v63  }
0xf0: {  	v2 =	vbroadcast v2, $0x0;
	_ =	swait.ge [sflag:s6], $0x1000  }
0xf1: {  	[sflag:s6] =	ssyncset.done $0x0  }
0xf2: {  	s25 =	simm.s32 $0x8840;
	[sflag:s6] =	ssyncadd.s32 $0xFFFFF000  }
0xf3: {  	v6 =	vld [tilespmem:s25+$0x30]  }
0xf4: {  	v9 =	vld [tilespmem:s25+$0x10]  }
0xf5: {  	v7 =	vld [tilespmem:s25+$0xFFFFFFC0]  }
0xf6: {  	v3 =	vld.idx.msk [tilespmem:v2+s0+$0x0], $0xffff  }
0xf7: {  	v12 =	vld [tilespmem:s25+$0xFFFFFFE0]  }
0xf8: {  	v4 =	vld [tilespmem:s25+$0x20]  }
0xf9: {  	v5 =	vld [tilespmem:s25+$0xFFFFFFD0]  }
0xfa: {  	v2 =	vld [tilespmem:s25+$0xFFFFFFF0]  }
0xfb: {  	s26 =	simm.s32 $0x1;
	v10 =	vmul.f32 v6, v3;
	v6 =	vld [tilespmem:s25+$0x0]  }
0xfc: {  	v11 =	vmov s26;
	v8 =	vmul.f32 v7, v3  }
0xfd: {  	s28 =	simm.s32 $0x2;
	s26 =	simm.s32 $0x8840;
	v11 =	vadd.s32 $0x20, v11;
	v7 =	vmul.f32 v12, v3;
	v9 =	vmul.f32 v9, v3  }
.LBB2_7:
0xfe: {  	p1 =	sne.s32 s28, $0x1F  }
0xff: {  	v11 =	vand.u32 $0x7F, v11;
	v5 =	vmul.f32 v5, v3;
	v4 =	vmul.f32 v4, v3;
	[tilespmem:s25+$0x30] =	vst v10;
	s26 =	sadd.s32 $0x80, s26;
	s29 =	smov.u32 s28;
	s28 =	sadd.s32 $0x1, s28  }
0x100: {  	v10 =	vadd.s32 v1, v11;
	[tilespmem:s25+$0xFFFFFFC0] =	vst v8;
	v8 =	vmul.f32 v2, v3;
	v3 =	vmul.f32 v6, v3  }
0x101: {  	v6 =	vbroadcast v10, $0x0;
	[tilespmem:s25+$0x10] =	vst v9  }
0x102: {  	[tilespmem:s25+$0xFFFFFFE0] =	vst v7  }
0x103: {  	v2 =	vld [tilespmem:s26+$0xFFFFFFF0];
	[tilespmem:s25+$0xFFFFFFF0] =	vst v8  }
0x104: {  	v7 =	vld [tilespmem:s26+$0x30];
	[tilespmem:s25+$0x0] =	vst v3  }
0x105: {  	v9 =	vld [tilespmem:s26+$0x10];
	[tilespmem:s25+$0x20] =	vst v4  }
0x106: {  	v8 =	vld [tilespmem:s26+$0xFFFFFFC0];
	[tilespmem:s25+$0xFFFFFFD0] =	vst v5;
	s25 =	smov.u32 s26  }
0x107: {  	v3 =	vld.idx.msk [tilespmem:v6+s0+$0x0], $0xffff  }
0x108: {  	v12 =	vld [tilespmem:s26+$0xFFFFFFE0]  }
0x109: {  	v4 =	vld [tilespmem:s26+$0x20]  }
.Ltmp4:
0x10a: {  	v5 =	vld [tilespmem:s26+$0xFFFFFFD0];
	(pc) =	sbr.rel @p1 .LBB2_7-.Ltmp4, $3  }
0x10b: {  	v6 =	vld [tilespmem:s26+$0x0];
	_ =	sdelay $0x1  }
0x10c: {  	v11 =	vmov s29;
	v8 =	vmul.f32 v8, v3;
	v10 =	vmul.f32 v7, v3  }
0x10d: {  	v11 =	vadd.s32 $0x20, v11;
	v9 =	vmul.f32 v9, v3;
	v7 =	vmul.f32 v12, v3  }
0x10e: {  	[tilespmem:s25+$0xFFFFFFC0] =	vst v8;
	v8 =	vand.u32 $0x7F, v11  }
0x10f: {  	[tilespmem:s25+$0x30] =	vst v10;
	v8 =	vadd.s32 v1, v8  }
0x110: {  	v2 =	vmul.f32 v2, v3;
	[tilespmem:s25+$0xFFFFFFE0] =	vst v7;
	v7 =	vbroadcast v8, $0x0  }
0x111: {  	s26 =	sadd.s32 $0x80, s26;
	[tilespmem:s25+$0x10] =	vst v9;
	v6 =	vmul.f32 v6, v3  }
0x112: {  	v4 =	vmul.f32 v4, v3;
	v8 =	vld [tilespmem:s26+$0xFFFFFFF0];
	[tilespmem:s25+$0xFFFFFFF0] =	vst v2  }
0x113: {  	v3 =	vmul.f32 v5, v3;
	v2 =	vld [tilespmem:s26+$0x30];
	[tilespmem:s25+$0x0] =	vst v6  }
0x114: {  	v5 =	vld [tilespmem:s26+$0x10];
	[tilespmem:s25+$0x20] =	vst v4  }
0x115: {  	v4 =	vld [tilespmem:s26+$0xFFFFFFC0];
	[tilespmem:s25+$0xFFFFFFD0] =	vst v3  }
0x116: {  	v3 =	vld.idx.msk [tilespmem:v7+s0+$0x0], $0xffff;
	_ =	sdelay $0x2  }
0x117: {  	v6 =	vld [tilespmem:s26+$0xFFFFFFE0];
	_ =	sdelay $0x1  }
0x118: {  	v7 =	vld [tilespmem:s26+$0x0];
	v2 =	vmul.f32 v2, v3  }
0x119: {  	v9 =	vld [tilespmem:s26+$0x20];
	v4 =	vmul.f32 v4, v3  }
0x11a: {  	v10 =	vld [tilespmem:s26+$0xFFFFFFD0];
	v5 =	vmul.f32 v5, v3;
	[tilespmem:s26+$0x30] =	vst v2  }
0x11b: {  	v2 =	vmul.f32 v6, v3;
	[tilespmem:s26+$0xFFFFFFC0] =	vst v4  }
0x11c: {  	v4 =	vmul.f32 v8, v3;
	[tilespmem:s26+$0x10] =	vst v5  }
0x11d: {  	v5 =	vmul.f32 v7, v3;
	[tilespmem:s26+$0xFFFFFFE0] =	vst v2  }
0x11e: {  	v2 =	vmul.f32 v9, v3;
	[tilespmem:s26+$0xFFFFFFF0] =	vst v4  }
0x11f: {  	v3 =	vmul.f32 v10, v3;
	[tilespmem:s26+$0x0] =	vst v5  }
0x120: {  	[tilespmem:s26+$0x20] =	vst v2  }
0x121: {  	s29 =	simm.s32 $0x0;
	s25 =	simm.s32 @!p0 $0x8;
	[tilespmem:s26+$0xFFFFFFD0] =	vst v3;
	s26 =	sadd.s32 $0x2820, s21  }
0x122: {  	[spmem:s1] =	stream.indirect.scatter.add.f32 [tilespmem:s11], [sflag:$0x6], $0x80, s26, s10, $0xb8;
	[tilespmem:$0x1F800] =	vst v63  }
0x123: {  	v2 =	vmov s29;
	_ =	swait.ge @!p0 [sflag:s25], $0x1000  }
0x124: {  	v2 =	vadd.s32 $0x40, v2;
	[sflag:s25] =	ssyncset.done @!p0 $0x0  }
0x125: {  	s23 =	sor.u32 $0x60, s23;
	v2 =	vand.u32 $0x7F, v2;
	[sflag:s25] =	ssyncadd.s32 @!p0 $0xFFFFF000  }
0x126: {  	v2 =	vadd.s32 v1, v2;
	[tilespmem:s13], [sflag:$0x4] =	stream.indirect.gather [hbm4b:s4+s10], $0x80, s23, s10, $0xb8;
	[tilespmem:$0x1F800] =	vst v63  }
0x127: {  	v2 =	vbroadcast v2, $0x0;
	_ =	swait.ge [sflag:s8], $0x1000  }
0x128: {  	[sflag:s8] =	ssyncset.done $0x0  }
0x129: {  	s25 =	simm.s32 $0x9840;
	[sflag:s8] =	ssyncadd.s32 $0xFFFFF000  }
0x12a: {  	v6 =	vld [tilespmem:s25+$0x30]  }
0x12b: {  	v9 =	vld [tilespmem:s25+$0x10]  }
0x12c: {  	v7 =	vld [tilespmem:s25+$0xFFFFFFC0]  }
0x12d: {  	v3 =	vld.idx.msk [tilespmem:v2+s0+$0x0], $0xffff  }
0x12e: {  	v12 =	vld [tilespmem:s25+$0xFFFFFFE0]  }
0x12f: {  	v4 =	vld [tilespmem:s25+$0x20]  }
0x130: {  	v5 =	vld [tilespmem:s25+$0xFFFFFFD0]  }
0x131: {  	v2 =	vld [tilespmem:s25+$0xFFFFFFF0]  }
0x132: {  	s29 =	simm.s32 $0x1;
	v10 =	vmul.f32 v6, v3;
	v6 =	vld [tilespmem:s25+$0x0]  }
0x133: {  	v11 =	vmov s29;
	v8 =	vmul.f32 v7, v3  }
0x134: {  	s28 =	simm.s32 $0x2;
	s26 =	simm.s32 $0x9840;
	v11 =	vadd.s32 $0x40, v11;
	v7 =	vmul.f32 v12, v3;
	v9 =	vmul.f32 v9, v3  }
.LBB2_9:
0x135: {  	p0 =	sne.s32 s28, $0x1F  }
0x136: {  	v11 =	vand.u32 $0x7F, v11;
	v5 =	vmul.f32 v5, v3;
	v4 =	vmul.f32 v4, v3;
	[tilespmem:s25+$0x30] =	vst v10;
	s26 =	sadd.s32 $0x80, s26;
	s29 =	smov.u32 s28;
	s28 =	sadd.s32 $0x1, s28  }
0x137: {  	v10 =	vadd.s32 v1, v11;
	[tilespmem:s25+$0xFFFFFFC0] =	vst v8;
	v8 =	vmul.f32 v2, v3;
	v3 =	vmul.f32 v6, v3  }
0x138: {  	v6 =	vbroadcast v10, $0x0;
	[tilespmem:s25+$0x10] =	vst v9  }
0x139: {  	[tilespmem:s25+$0xFFFFFFE0] =	vst v7  }
0x13a: {  	v2 =	vld [tilespmem:s26+$0xFFFFFFF0];
	[tilespmem:s25+$0xFFFFFFF0] =	vst v8  }
0x13b: {  	v7 =	vld [tilespmem:s26+$0x30];
	[tilespmem:s25+$0x0] =	vst v3  }
0x13c: {  	v9 =	vld [tilespmem:s26+$0x10];
	[tilespmem:s25+$0x20] =	vst v4  }
0x13d: {  	v8 =	vld [tilespmem:s26+$0xFFFFFFC0];
	[tilespmem:s25+$0xFFFFFFD0] =	vst v5;
	s25 =	smov.u32 s26  }
0x13e: {  	v3 =	vld.idx.msk [tilespmem:v6+s0+$0x0], $0xffff  }
0x13f: {  	v12 =	vld [tilespmem:s26+$0xFFFFFFE0]  }
0x140: {  	v4 =	vld [tilespmem:s26+$0x20]  }
.Ltmp5:
0x141: {  	v5 =	vld [tilespmem:s26+$0xFFFFFFD0];
	(pc) =	sbr.rel @p0 .LBB2_9-.Ltmp5, $3  }
0x142: {  	v6 =	vld [tilespmem:s26+$0x0];
	_ =	sdelay $0x1  }
0x143: {  	v11 =	vmov s29;
	v8 =	vmul.f32 v8, v3;
	v10 =	vmul.f32 v7, v3  }
0x144: {  	v11 =	vadd.s32 $0x40, v11;
	v9 =	vmul.f32 v9, v3;
	v7 =	vmul.f32 v12, v3  }
0x145: {  	[tilespmem:s25+$0xFFFFFFC0] =	vst v8;
	v8 =	vand.u32 $0x7F, v11  }
0x146: {  	[tilespmem:s25+$0x30] =	vst v10;
	v8 =	vadd.s32 v1, v8  }
0x147: {  	v2 =	vmul.f32 v2, v3;
	[tilespmem:s25+$0xFFFFFFE0] =	vst v7;
	v7 =	vbroadcast v8, $0x0  }
0x148: {  	s26 =	sadd.s32 $0x80, s26;
	[tilespmem:s25+$0x10] =	vst v9;
	v6 =	vmul.f32 v6, v3  }
0x149: {  	v4 =	vmul.f32 v4, v3;
	v8 =	vld [tilespmem:s26+$0xFFFFFFF0];
	[tilespmem:s25+$0xFFFFFFF0] =	vst v2  }
0x14a: {  	v3 =	vmul.f32 v5, v3;
	v2 =	vld [tilespmem:s26+$0x30];
	[tilespmem:s25+$0x0] =	vst v6  }
0x14b: {  	v5 =	vld [tilespmem:s26+$0x10];
	[tilespmem:s25+$0x20] =	vst v4  }
0x14c: {  	v4 =	vld [tilespmem:s26+$0xFFFFFFC0];
	[tilespmem:s25+$0xFFFFFFD0] =	vst v3  }
0x14d: {  	v3 =	vld.idx.msk [tilespmem:v7+s0+$0x0], $0xffff;
	_ =	sdelay $0x2  }
0x14e: {  	v6 =	vld [tilespmem:s26+$0xFFFFFFE0];
	_ =	sdelay $0x1  }
0x14f: {  	v7 =	vld [tilespmem:s26+$0x0];
	v2 =	vmul.f32 v2, v3  }
0x150: {  	v9 =	vld [tilespmem:s26+$0x20];
	v4 =	vmul.f32 v4, v3  }
0x151: {  	v10 =	vld [tilespmem:s26+$0xFFFFFFD0];
	v5 =	vmul.f32 v5, v3;
	[tilespmem:s26+$0x30] =	vst v2  }
0x152: {  	v2 =	vmul.f32 v6, v3;
	[tilespmem:s26+$0xFFFFFFC0] =	vst v4  }
0x153: {  	v4 =	vmul.f32 v8, v3;
	[tilespmem:s26+$0x10] =	vst v5  }
0x154: {  	v5 =	vmul.f32 v7, v3;
	[tilespmem:s26+$0xFFFFFFE0] =	vst v2  }
0x155: {  	v2 =	vmul.f32 v9, v3;
	[tilespmem:s26+$0xFFFFFFF0] =	vst v4  }
0x156: {  	v3 =	vmul.f32 v10, v3;
	[tilespmem:s26+$0x0] =	vst v5  }
0x157: {  	[tilespmem:s26+$0x20] =	vst v2  }
0x158: {  	s24 =	sadd.s32 $0x2800, s24;
	s28 =	simm.s32 $0x0;
	p0 =	seq.s32 s20, $0x4F;
	[tilespmem:s26+$0xFFFFFFD0] =	vst v3  }
0x159: {  	[spmem:s1] =	stream.indirect.scatter.add.f32 [tilespmem:s12], [sflag:$0x7], $0x80, s24, s10, $0xb8;
	[tilespmem:$0x1F800] =	vst v63  }
0x15a: {  	s22 =	sshrl.u32 @!p0 s22, $0x2;
	v2 =	vmov s28;
	_ =	swait.ge [sflag:s14], $0x1000  }
0x15b: {  	s22 =	sadd.s32 @!p0 $0x80, s22;
	v2 =	vadd.s32 $0x60, v2;
	[sflag:s14] =	ssyncset.done $0x0  }
0x15c: {  	s25 =	simm.s32 @!p0 $0x7800;
	s24 =	simm.s32 @!p0 $0x20;
	v2 =	vand.u32 $0x7F, v2;
	[sflag:s14] =	ssyncadd.s32 $0xFFFFF000  }
0x15d: {  	v2 =	vadd.s32 v1, v2;
	[tilespmem:s25], [sflag:$0x1] =	stream.indirect.gather @!p0 [hbm4b:s4+s24], $0x80, s22, s24, $0xb8;
	[tilespmem:$0x1F800] =	vst v63  }
0x15e: {  	v2 =	vbroadcast v2, $0x0;
	_ =	swait.ge [sflag:s9], $0x1000  }
0x15f: {  	[sflag:s9] =	ssyncset.done $0x0  }
0x160: {  	s22 =	simm.s32 $0xA840;
	[sflag:s9] =	ssyncadd.s32 $0xFFFFF000  }
0x161: {  	v6 =	vld [tilespmem:s22+$0x30]  }
0x162: {  	v9 =	vld [tilespmem:s22+$0x10]  }
0x163: {  	v7 =	vld [tilespmem:s22+$0xFFFFFFC0]  }
0x164: {  	v3 =	vld.idx.msk [tilespmem:v2+s0+$0x0], $0xffff  }
0x165: {  	v12 =	vld [tilespmem:s22+$0xFFFFFFE0]  }
0x166: {  	v4 =	vld [tilespmem:s22+$0x20]  }
0x167: {  	v5 =	vld [tilespmem:s22+$0xFFFFFFD0]  }
0x168: {  	v2 =	vld [tilespmem:s22+$0xFFFFFFF0]  }
0x169: {  	s29 =	simm.s32 $0x1;
	v10 =	vmul.f32 v6, v3;
	v6 =	vld [tilespmem:s22+$0x0]  }
0x16a: {  	v11 =	vmov s29;
	v8 =	vmul.f32 v7, v3  }
0x16b: {  	v11 =	vadd.s32 $0x60, v11;
	s25 =	simm.s32 $0x2;
	s24 =	simm.s32 $0xA840;
	v7 =	vmul.f32 v12, v3;
	v9 =	vmul.f32 v9, v3  }
.LBB2_11:
0x16c: {  	p1 =	sne.s32 s25, $0x1F  }
0x16d: {  	v11 =	vand.u32 $0x7F, v11;
	v5 =	vmul.f32 v5, v3;
	v4 =	vmul.f32 v4, v3;
	[tilespmem:s22+$0x30] =	vst v10;
	s24 =	sadd.s32 $0x80, s24;
	s26 =	smov.u32 s25;
	s25 =	sadd.s32 $0x1, s25  }
0x16e: {  	v10 =	vadd.s32 v1, v11;
	[tilespmem:s22+$0xFFFFFFC0] =	vst v8;
	v8 =	vmul.f32 v2, v3;
	v3 =	vmul.f32 v6, v3  }
0x16f: {  	v6 =	vbroadcast v10, $0x0;
	[tilespmem:s22+$0x10] =	vst v9  }
0x170: {  	[tilespmem:s22+$0xFFFFFFE0] =	vst v7  }
0x171: {  	v2 =	vld [tilespmem:s24+$0xFFFFFFF0];
	[tilespmem:s22+$0xFFFFFFF0] =	vst v8  }
0x172: {  	v7 =	vld [tilespmem:s24+$0x30];
	[tilespmem:s22+$0x0] =	vst v3  }
0x173: {  	v9 =	vld [tilespmem:s24+$0x10];
	[tilespmem:s22+$0x20] =	vst v4  }
0x174: {  	v8 =	vld [tilespmem:s24+$0xFFFFFFC0];
	[tilespmem:s22+$0xFFFFFFD0] =	vst v5;
	s22 =	smov.u32 s24  }
0x175: {  	v3 =	vld.idx.msk [tilespmem:v6+s0+$0x0], $0xffff  }
0x176: {  	v12 =	vld [tilespmem:s24+$0xFFFFFFE0]  }
0x177: {  	v4 =	vld [tilespmem:s24+$0x20]  }
.Ltmp6:
0x178: {  	v5 =	vld [tilespmem:s24+$0xFFFFFFD0];
	(pc) =	sbr.rel @p1 .LBB2_11-.Ltmp6, $3  }
0x179: {  	v6 =	vld [tilespmem:s24+$0x0];
	_ =	sdelay $0x1  }
0x17a: {  	v11 =	vmov s26;
	v8 =	vmul.f32 v8, v3;
	v10 =	vmul.f32 v7, v3  }
0x17b: {  	v11 =	vadd.s32 $0x60, v11;
	v9 =	vmul.f32 v9, v3;
	v7 =	vmul.f32 v12, v3  }
0x17c: {  	[tilespmem:s22+$0x30] =	vst v10;
	v58 =	vand.u32 $0x7F, v11  }
0x17d: {  	[tilespmem:s22+$0xFFFFFFC0] =	vst v8;
	v1 =	vadd.s32 v1, v58  }
0x17e: {  	v2 =	vmul.f32 v2, v3;
	[tilespmem:s22+$0x10] =	vst v9;
	v1 =	vbroadcast v1, $0x0  }
0x17f: {  	s24 =	sadd.s32 $0x80, s24;
	[tilespmem:s22+$0xFFFFFFE0] =	vst v7;
	v6 =	vmul.f32 v6, v3  }
0x180: {  	v4 =	vmul.f32 v4, v3;
	v3 =	vmul.f32 v5, v3;
	v7 =	vld [tilespmem:s24+$0xFFFFFFF0];
	[tilespmem:s22+$0xFFFFFFF0] =	vst v2  }
0x181: {  	v2 =	vld [tilespmem:s24+$0x30];
	[tilespmem:s22+$0x0] =	vst v6  }
0x182: {  	v60 =	vld [tilespmem:s24+$0xFFFFFFC0];
	[tilespmem:s22+$0xFFFFFFD0] =	vst v3  }
0x183: {  	v59 =	vld [tilespmem:s24+$0x10];
	[tilespmem:s22+$0x20] =	vst v4  }
0x184: {  	v1 =	vld.idx.msk [tilespmem:v1+s0+$0x0], $0xffff;
	_ =	sdelay $0x2  }
0x185: {  	v6 =	vld [tilespmem:s24+$0x0]  }
0x186: {  	v3 =	vld [tilespmem:s24+$0xFFFFFFE0]  }
0x187: {  	v2 =	vmul.f32 v2, v1  }
0x188: {  	v61 =	vld [tilespmem:s24+$0x20];
	v4 =	vmul.f32 v60, v1  }
0x189: {  	v62 =	vld [tilespmem:s24+$0xFFFFFFD0];
	v5 =	vmul.f32 v59, v1;
	[tilespmem:s24+$0x30] =	vst v2  }
0x18a: {  	v63 =	vmul.f32 v6, v1;
	[tilespmem:s24+$0xFFFFFFC0] =	vst v4  }
0x18b: {  	v2 =	vmul.f32 v3, v1;
	[tilespmem:s24+$0x10] =	vst v5  }
0x18c: {  	v3 =	vmul.f32 v7, v1;
	[tilespmem:s24+$0x0] =	vst v63  }
0x18d: {  	[tilespmem:s24+$0xFFFFFFE0] =	vst v2;
	v2 =	vmul.f32 v61, v1  }
0x18e: {  	[tilespmem:s24+$0xFFFFFFF0] =	vst v3;
	v1 =	vmul.f32 v62, v1  }
0x18f: {  	[tilespmem:s24+$0x20] =	vst v2  }
.Ltmp7:
0x190: {  	s29 =	sadd.s32 $0x2800, s23;
	[tilespmem:s24+$0xFFFFFFD0] =	vst v1;
	(pc) =	sbr.rel @p0 .LBB2_14-.Ltmp7, $4  }
0x191: {  	[spmem:s1] =	stream.indirect.scatter.add.f32 [tilespmem:s13], [sflag:$0x8], $0x80, s29, s10, $0xb8;
	[tilespmem:$0x1F800] =	vst v63  }
0x192: {  	_ =	swait.ge [sflag:s15], $0x1000  }
0x193: {  	[sflag:s15] =	ssyncset.done $0x0  }
0x194: {  	[sflag:s15] =	ssyncadd.s32 $0xFFFFF000  }
.Ltmp8:
0x195: {  	(pc) =	sbr.rel .LBB2_4-.Ltmp8, $3  }
0x196: {  	_ =	sdelay $0x1  }
0x197: {  	s21 =	sadd.s32 $0xA0, s21;
	s20 =	sadd.s32 $0x1, s20  }
0x198: {  	[tilespmem:s11], [sflag:$0x2] =	stream.indirect.gather [hbm4b:s4+s10], $0x80, s21, s10, $0xb8;
	[tilespmem:$0x1F800] =	vst v63  }
.LBB2_15:
0x199: {  	_ =	sfence.sel $0x180000  }
0x19a: {  	[bflag:$0x0] =	sbarrier.arrive $0xFFFF  }
0x19b: {  	_ =	strace $0x9000004D  }
0x19c: {  	s0 =	stileid.u32;
	[bflag:$0x2] =	sbarrier.arrive $0xFFFF  }
0x19d: {  	p0 =	sne.s32 s0, $0x0;
	s0 =	rddreg [dreg:$0x2]  }
0x19e: {  	s0 =	sadd.s32 @!p0 $0x100000, s0  }
0x19f: {  	[sflag:s0] =	ssyncadd.tile.s32 @!p0 $0x1;
	_ =	shalt  }
.Lfunc_end2:
_tile_overlayer_lowered:
.L_overlay_start_2:
0x1a0: {  	(tag) =	ssettag $0x2  }
0x1a1: {  	s0 =	rddreg [dreg:$0x0];
	s2 =	stileid.u32  }
0x1a2: {  	s1 =	rddreg [dreg:$0x1];
	p0 =	sne.s32 s2, $0x0  }
0x1a3: {  	s3 =	rddreg [dreg:$0x2];
	[bflag:$0x3] =	sbarrier.arrive $0xFFFF;
	s2 =	simm.s32 @!p0 $0x1C09  }
0x1a4: {  	[timem:s3], [sflag:s2] =	dma.local @!p0 [hbm:s0], s1  }
0x1a5: {  	s0 =	simm.s32 @!p0 $0x9  }
0x1a6: {  	_ =	swait.ge @!p0 [sflag:s0], s1  }
0x1a7: {  	s1 =	ssub.s32 @!p0 $0x0, s1;
	[sflag:s0] =	ssyncset.done @!p0 $0x0  }
0x1a8: {  	[sflag:s0] =	ssyncadd.s32 @!p0 s1  }
0x1a9: {  	[bflag:$0x3] =	sbarrier.arrive $0xFFFF  }
0x1aa: {  	_ =	shalt  }

// kernel: kernel.19.cloned.1.call-start
scs
__scs_entry_jumppad:
0x0: {  	(pc) =	sbr.rel $0x88, $3  }
0x1: {  	(tag) =	ssettag $0x0;
	lr =	simm.s32 $0x1  }
0x2: {  	[smem:$0x3F98] =	sst lr;
	_ =	strace $0xD0000000  }
0x3: {  	_ = 	snop  }
0x4: {  	_ = 	snop  }
0x5: {  	_ = 	snop  }
0x6: {  	_ = 	snop  }
0x7: {  	_ = 	snop  }
__scs_overlays_trampoline_lowered:
0x8: {  	[smem:$0x3FA7] =	sst s0  }
0x9: {  	[smem:$0x3FA8] =	sst s1  }
0xa: {  	[smem:$0x3FA9] =	sst s2  }
0xb: {  	[smem:$0x3FAA] =	sst s3  }
0xc: {  	[smem:$0x3FAB] =	sst s4  }
0xd: {  	[smem:$0x3FAC] =	sst s5  }
0xe: {  	[smem:$0x3FAD] =	sst s6  }
0xf: {  	[smem:$0x3FAE] =	sst s7  }
0x10: {  	[smem:$0x3FAF] =	sst s8  }
0x11: {  	[smem:$0x3FB0] =	sst s9;
	s0 =	simm.s32 @!p0 $0x0  }
0x12: {  	s1 =	sld [smem:$0x3F96];
	s0 =	simm.s32 @p0 $0x1  }
0x13: {  	[smem:$0x3FB1] =	sst s0;
	s0 =	simm.s32 @!p1 $0x0  }
0x14: {  	s2 =	sld [smem:$0x3F95];
	s0 =	simm.s32 @p1 $0x1  }
0x15: {  	[smem:$0x3FB2] =	sst s0;
	s0 =	simm.s32 @!p2 $0x0  }
0x16: {  	s3 =	sld [smem:$0x3FDB];
	s0 =	simm.s32 @p2 $0x1  }
0x17: {  	s4 =	simm.s32 $0x1BF5;
	[smem:$0x3FB4] =	sst s0  }
0x18: {  	s0 =	sld [smem:$0x3F97];
	_ =	swait.ge [sflag:s4], $0x0  }
0x19: {  	s7 =	sld [smem:$0x3F98]  }
0x1a: {  	s8 =	sadd.s32 $0xFFFFE003, lr  }
0x1b: {  	s9 =	sadd.s32 $0xFFFFFEF7, lr;
	s5 =	simm.s32 $0xFFFFFFFF;
	p2 =	slt.u32 s8, $0xFFFFF086  }
0x1c: {  	p1 =	slt.u32 s9, $0xF7A;
	s5 =	simm.s32 @!p2 $0x0  }
0x1d: {  	s5 =	simm.s32 @p1 $0x1;
	p0 =	seq.s32 s7, s2  }
0x1e: {  	s7 =	smul.u32 @!p0 $0xF7A, s2;
	p2 =	seq.s32 @!p0 s5, $0x0  }
0x1f: {  	s9 =	smul.u32 $0xF7A, s1;
	s8 =	simm.s32 @!p0 $0x1BF5;
	p2 =	por !p2, p0  }
0x20: {  	[sflag:s8] =	ssyncset.s32 @!p0 $0xFFFFF086;
	s6 =	sadd.s32 @!p0 s3, s7;
	s7 =	simm.s32 @!p0 $0x108  }
0x21: {  	s3 =	sadd.s32 s3, s9;
	s6 =	sadd.s32 @!p0 $0x88, s6;
	s7 =	simm.s32 @p2 $0x1082  }
0x22: {  	[simem:s7], [sflag:s8] =	dma.local @!p0 [hbm:s6], $0xF7A  }
0x23: {  	s9 =	sor.u32 $0xD0000000, s2;
	s6 =	simm.s32 $0x108;
	_ =	swait.ge @!p0 [sflag:s8], $0x0  }
0x24: {  	s3 =	sadd.s32 $0x88, s3;
	s6 =	simm.s32 @!p1 $0x1082;
	[sflag:s4] =	ssyncset.s32 $0xFFFFF086  }
0x25: {  	[simem:s6], [sflag:s4] =	dma.local [hbm:s3], $0xF7A  }
0x26: {  	[smem:$0x3F98] =	sst s1;
	(tag) =	ssettag s2;
	_ =	strace s9  }
0x27: {  	s1 =	sld [smem:$0x3FA8]  }
0x28: {  	s2 =	sld [smem:$0x3FA9]  }
0x29: {  	s4 =	sld [smem:$0x3FAB]  }
0x2a: {  	p0 =	seq.s32 s5, $0x0;
	s5 =	sld [smem:$0x3FAC]  }
0x2b: {  	s6 =	sld [smem:$0x3FAD]  }
0x2c: {  	s7 =	sld [smem:$0x3FAE]  }
0x2d: {  	s3 =	simm.s32 $0x108;
	s8 =	sld [smem:$0x3FAF]  }
0x2e: {  	s3 =	simm.s32 @!p0 $0x1082;
	s9 =	sld [smem:$0x3FB0]  }
0x2f: {  	lr =	sadd.s32 s0, s3;
	s0 =	sld [smem:$0x3FA7]  }
0x30: {  	s3 =	sld [smem:$0x3FAA]  }
0x31: {  	[smem:$0x3FB3] =	sst s10  }
0x32: {  	s10 =	sld [smem:$0x3FB1];
	_ =	sdelay $0x3  }
0x33: {  	p0 =	seq.s32 s10, $0x1;
	s10 =	sld [smem:$0x3FB3];
	_ =	sdelay $0x3  }
0x34: {  	[smem:$0x3FB3] =	sst s10  }
0x35: {  	s10 =	sld [smem:$0x3FB2];
	_ =	sdelay $0x3  }
0x36: {  	p1 =	seq.s32 s10, $0x1;
	s10 =	sld [smem:$0x3FB3];
	_ =	sdelay $0x3  }
0x37: {  	[smem:$0x3FB3] =	sst s10  }
0x38: {  	s10 =	sld [smem:$0x3FB4]  }
0x39: {  	_ = 	snop;
	(pc) =	sbr.ind lr, $3  }
0x3a: {  	_ = 	snop  }
0x3b: {  	_ = 	snop  }
0x3c: {  	p2 =	seq.s32 s10, $0x1;
	s10 =	sld [smem:$0x3FB3]  }
0x3d: {  	_ =	shalt  }
0x3e: {  	_ =	shalt  }
0x3f: {  	_ =	shalt  }
0x40: {  	_ =	shalt  }
0x41: {  	_ =	shalt  }
0x42: {  	_ =	shalt  }
0x43: {  	_ =	shalt  }
0x44: {  	_ =	shalt  }
0x45: {  	_ =	shalt  }
0x46: {  	_ =	shalt  }
0x47: {  	_ =	shalt  }
0x48: {  	_ =	shalt  }
0x49: {  	_ =	shalt  }
0x4a: {  	_ =	shalt  }
0x4b: {  	_ =	shalt  }
0x4c: {  	_ =	shalt  }
0x4d: {  	_ =	shalt  }
0x4e: {  	_ =	shalt  }
0x4f: {  	_ =	shalt  }
0x50: {  	_ =	shalt  }
0x51: {  	_ =	shalt  }
0x52: {  	_ =	shalt  }
0x53: {  	_ =	shalt  }
0x54: {  	_ =	shalt  }
0x55: {  	_ =	shalt  }
0x56: {  	_ =	shalt  }
0x57: {  	_ =	shalt  }
0x58: {  	_ =	shalt  }
0x59: {  	_ =	shalt  }
0x5a: {  	_ =	shalt  }
0x5b: {  	_ =	shalt  }
0x5c: {  	_ =	shalt  }
0x5d: {  	_ =	shalt  }
0x5e: {  	_ =	shalt  }
0x5f: {  	_ =	shalt  }
0x60: {  	_ =	shalt  }
0x61: {  	_ =	shalt  }
0x62: {  	_ =	shalt  }
0x63: {  	_ =	shalt  }
0x64: {  	_ =	shalt  }
0x65: {  	_ =	shalt  }
0x66: {  	_ =	shalt  }
0x67: {  	_ =	shalt  }
0x68: {  	_ =	shalt  }
0x69: {  	_ =	shalt  }
0x6a: {  	_ =	shalt  }
0x6b: {  	_ =	shalt  }
0x6c: {  	_ =	shalt  }
0x6d: {  	_ =	shalt  }
0x6e: {  	_ =	shalt  }
0x6f: {  	_ =	shalt  }
0x70: {  	_ =	shalt  }
0x71: {  	_ =	shalt  }
0x72: {  	_ =	shalt  }
0x73: {  	_ =	shalt  }
0x74: {  	_ =	shalt  }
0x75: {  	_ =	shalt  }
0x76: {  	_ =	shalt  }
0x77: {  	_ =	shalt  }
0x78: {  	_ =	shalt  }
0x79: {  	_ =	shalt  }
0x7a: {  	_ =	shalt  }
0x7b: {  	_ =	shalt  }
0x7c: {  	_ =	shalt  }
0x7d: {  	_ =	shalt  }
0x7e: {  	_ =	shalt  }
0x7f: {  	_ =	shalt  }
0x80: {  	_ =	shalt  }
0x81: {  	_ =	shalt  }
0x82: {  	_ =	shalt  }
0x83: {  	_ =	shalt  }
0x84: {  	_ =	shalt  }
0x85: {  	_ =	shalt  }
0x86: {  	_ =	shalt  }
0x87: {  	_ =	shalt  }
.Lfunc_end0:
.L_simem_size_0:
called_computation.3_lowered:
.L_overlay_start_0:
0x88: {  	s2 =	sld [smem:$0x3FD9]  }
0x89: {  	s3 =	sld [smem:$0x3FFE];
	_ =	sdelay $0x1  }
0x8a: {  	s1 =	srdreg.scid  }
0x8b: {  	s0 =	sand.u32 $0x1, s1  }
0x8c: {  	s17 =	sshll.u32 s0, $0xA;
	s2 =	sadd.s32 s3, s2  }
0x8d: {  	s2 =	sadd.s32 s2, s17  }
0x8e: {  	[smem:$0x3FBF] =	sst s2  }
0x8f: {  	_ = 	snop  }
0x90: {  	s2 =	sld [smem:$0x3FD0];
	(tm) =	ssettm $0x1  }
0x91: {  	s18 =	sld [smem:$0x3FFB];
	_ =	sdelay $0x3  }
0x92: {  	_ =	strace s18  }
0x93: {  	s3 =	sld [smem:$0x3FFC];
	_ =	sdelay $0x3  }
0x94: {  	_ =	strace s3  }
0x95: {  	s3 =	sld [smem:$0x3FFD];
	_ =	sdelay $0x3  }
0x96: {  	_ =	strace s3  }
0x97: {  	_ =	strace $0x8FFFFFFF  }
0x98: {  	s19 =	sld [smem:$0x3FDB];
	_ =	sdelay $0x1  }
0x99: {  	s4 =	simm.s32 $_scs_section_size  }
0x9a: {  	s5 =	simm.s32 $_size__tile_overlayer_lowered;
	s6 =	simm.s32 $_tile_overlayer_lowered  }
0x9b: {  	s22 =	simm.s32 $0x1BFF;
	s21 =	sshll.u32 s6, $0x1;
	s3 =	sadd.s32 s4, s19  }
0x9c: {  	s7 =	simm.s32 $0x0;
	s20 =	sshll.u32 s5, $0x1;
	s5 =	sadd.s32 s21, s3  }
0x9d: {  	[timem:s7], [sflag:s22] =	dma.local [hbm:s5], s20  }
0x9e: {  	_ =	swait.ge [sflag:s22], s20  }
0x9f: {  	s4 =	ssub.s32 $0x0, s20;
	[sflag:s22] =	ssyncset.done $0x0  }
0xa0: {  	[sflag:s22] =	ssyncadd.s32 s4;
	_ =	sdelay $0x1  }
0xa1: {  	s23 =	simm.s32 $0x1B8B  }
0xa2: {  	_ =	swait.ge [sflag:s23], $0x1  }
0xa3: {  	[sflag:s23] =	ssyncset.done $0x0  }
0xa4: {  	s25 =	simm.s32 $0x1B8E;
	s24 =	sld [smem:$0x3FFE];
	[sflag:s23] =	ssyncadd.s32 $0xFFFFFFFF  }
0xa5: {  	s26 =	simm.s32 $execute0_lowered;
	[smem:$0x3FD2] =	sst s25  }
0xa6: {  	s5 =	sshll.u32 s26, $0x1;
	_ =	strace $0x8000004F;
	[dreg:$0x1] =	wrdreg $0xFFFFFFFF  }
0xa7: {  	s28 =	simm.s32 $_size_execute0_lowered;
	s3 =	sadd.s32 s3, s5;
	[dreg:$0x0] =	wrdreg $0x0  }
0xa8: {  	s5 =	sshll.u32 s28, $0x1;
	[dreg:$0x2] =	wrdreg s3  }
0xa9: {  	[dreg:$0x3] =	wrdreg s5  }
0xaa: {  	[dreg:$0x4] =	wrdreg $0xC0  }
0xab: {  	_ =	task [dreg:s7], $0x5FFFF  }
0xac: {  	[dreg:$0x1] =	wrdreg $0xFFFFFFFF  }
0xad: {  	[dreg:$0x0] =	wrdreg $0x60  }
0xae: {  	[dreg:$0x2] =	wrdreg s2  }
0xaf: {  	[dreg:$0x3] =	wrdreg s24  }
0xb0: {  	[dreg:$0x4] =	wrdreg $0xEF000  }
0xb1: {  	[dreg:$0x5] =	wrdreg $0x9  }
0xb2: {  	_ =	task.clear_ibuf [dreg:s7], $0x6FFFF;
	_ =	strace $0x9000004F  }
0xb3: {  	s29 =	simm.s32 $0x9;
	_ =	strace $0x80000051  }
0xb4: {  	_ =	swait.ge [sflag:s29], $0x1  }
0xb5: {  	[sflag:s29] =	ssyncadd.s32 $0xFFFFFFFF  }
0xb6: {  	_ =	strace $0x90000051  }
0xb7: {  	_ =	sfence  }
0xb8: {  	s30 =	sld [smem:$0x0];
	_ =	sdelay $0x2  }
0xb9: {  	s31 =	sshll.u32 s1, $0xD;
	s1 =	sshrl.u32 s1, $0x2  }
0xba: {  	s3 =	sand.u32 $0x4000, s31;
	s1 =	sadd.s32 s1, s30  }
0xbb: {  	s0 =	sor.u32 s3, s0;
	s1 =	sshll.u32 s1, $0x11  }
0xbc: {  	s0 =	sor.u32 s1, s0  }
0xbd: {  	s0 =	sadd.s32 $0x8F2B, s0  }
0xbe: {  	[sflag:s0] =	ssyncadd.remote.s32 $0x1  }
0xbf: {  	_ =	sfence.sel $0xFFFF  }
0xc0: {  	[dreg:$0x0] =	wrdreg $0xFFFFFFFF;
	(pc) =	sbr.abs _section_cstart, $3  }
0xc1: {  	[dreg:$0x1] =	wrdreg $0xFFFFFFFF  }
0xc2: {  	_ =	task.clear_ibuf [dreg:s7], $0x2FFFF;
	_ =	strace $0x9FFFFFFF  }
0xc3: {  	(tm) =	ssettm $0x7FFFFFFF  }
tec
execute0_lowered:
.L_overlay_start_1:
0x0: {  	(tag) =	ssettag $0x1  }
0x1: {  	s0 =	rddreg [dreg:$0x0]  }
0x2: {  	s1 =	srdreg.scid;
	s4 =	rddreg [dreg:$0x1]  }
0x3: {  	s2 =	rddreg [dreg:$0x2];
	s9 =	stileid.u32  }
0x4: {  	s3 =	simm.s32 $0x0;
	s11 =	simm.s32 $0x5000;
	s12 =	simm.s32 $0xA000  }
0x5: {  	s13 =	simm.s32 $0xC780;
	s14 =	simm.s32 $0x80;
	s5 =	sand.u32 $0x1, s1  }
0x6: {  	s16 =	simm.s32 $0x0;
	s1 =	rddreg [dreg:$0x3];
	s6 =	sshll.u32 s5, $0x4  }
0x7: {  	[smem:$0x7FF] =	sst s3;
	p0 =	sne.s32 s9, $0x0;
	s7 =	sor.u32 s9, s6  }
0x8: {  	_ =	strace $0x80000050;
	s5 =	ssub.s32 $0x2, s5;
	s7 =	smul.u32 $0x500, s7  }
0x9: {  	s15 =	sshrl.u32 @!p0 s2, $0x3;
	s8 =	sadd.s32 s6, s4;
	s31 =	sshrl.u32 s5, $0x1  }
0xa: {  	s9 =	simm.s32 $0x1;
	s10 =	ssub.s32 s5, s31;
	s7 =	sadd.s32 s7, s4  }
0xb: {  	s4 =	sadd.s32 $0x2200, s7;
	s5 =	sadd.s32 $0xC200, s7;
	s6 =	sadd.s32 $0x16200, s7  }
0xc: {  	v0 =	vimm.f32 $0.0e+00;
	s7 =	sadd.s32 $0x20200, s8;
	s8 =	smax.u32 s10, $0x1;
	s10 =	simm.s32 $0x2800  }
.LBB2_1:
0xd: {  	[tilespmem:s3], [sflag:$0x1] =	stream.linear.gather [hbm4b:s4+s3], $0x2800, $0x38;
	[tilespmem:$0xF178] =	vst v63  }
0xe: {  	_ =	swait.ge [sflag:s9], $0x2800  }
0xf: {  	[sflag:s9] =	ssyncset.done $0x0  }
0x10: {  	[sflag:s9] =	ssyncadd.s32 $0xFFFFD800  }
0x11: {  	[tilespmem:s10], [sflag:$0x1] =	stream.linear.gather [hbm4b:s5+s3], $0x2800, $0x38;
	[tilespmem:$0xF178] =	vst v63  }
0x12: {  	_ =	swait.ge [sflag:s9], $0x2800  }
0x13: {  	[sflag:s9] =	ssyncset.done $0x0  }
0x14: {  	[sflag:s9] =	ssyncadd.s32 $0xFFFFD800  }
0x15: {  	[tilespmem:s11], [sflag:$0x1] =	stream.linear.gather [hbm4b:s6+s3], $0x2800, $0x38;
	[tilespmem:$0xF178] =	vst v63  }
0x16: {  	_ =	swait.ge [sflag:s9], $0x2800  }
0x17: {  	[sflag:s9] =	ssyncset.done $0x0  }
.Ltmp0:
0x18: {  	[sflag:s9] =	ssyncadd.s32 $0xFFFFD800;
	(pc) =	sbr.rel @p0 .LBB2_5-.Ltmp0, $4  }
0x19: {  	[tilespmem:s12], [sflag:$0x1] =	stream.linear.gather [hbm4b:s0+s3], $0x2780, $0x38;
	[tilespmem:$0xF178] =	vst v63  }
0x1a: {  	_ =	swait.ge [sflag:s9], $0x2780  }
0x1b: {  	[sflag:s9] =	ssyncset.done $0x0  }
0x1c: {  	[sflag:s9] =	ssyncadd.s32 $0xFFFFD880  }
0x1d: {  	s17 =	simm.s32 $0x40;
	s18 =	simm.s32 $0x0  }
.LBB2_3:
0x1e: {  	p1 =	sne.s32 s17, $0x9C00;
	[tilespmem:s18+$0xC780] =	vst v0;
	s18 =	smov.u32 s17;
	s17 =	sadd.s32 $0x40, s17  }
.Ltmp1:
0x1f: {  	(pc) =	sbr.rel @p1 .LBB2_3-.Ltmp1, $2  }
0x20: {  	_ =	sdelay $0x2  }
0x21: {  	s18 =	sshra.s32 s18, $0x2  }
0x22: {  	[tilespmem:s18+$0xC780] =	vst v0  }
0x23: {  	[spmem:s2] =	stream.linear.scatter [tilespmem:s13], [sflag:$0x1], $0x2780, $0x38;
	[tilespmem:$0xF178] =	vst v63  }
0x24: {  	_ =	swait.ge [sflag:s9], $0x2780  }
0x25: {  	[sflag:s9] =	ssyncset.done $0x0  }
0x26: {  	[sflag:s9] =	ssyncadd.s32 $0xFFFFD880  }
.LBB2_5:
0x27: {  	[bflag:$0x0] =	sbarrier.arrive $0xFFFF;
	s17 =	simm.s32 $0x0  }
0x28: {  	v1 =	vld [tilespmem:s17+$0x0];
	_ =	sdelay $0x5  }
0x29: {  	v2 =	vld [tilespmem:s17+$0x10]  }
0x2a: {  	v3 =	vld [tilespmem:s17+$0x5000]  }
0x2b: {  	v1 =	vld.idx.msk [tilespmem:v1+s12+$0x0], $0xffff;
	_ =	sdelay $0x4  }
0x2c: {  	v1 =	vmul.f32 v3, v1  }
0x2d: {  	v3 =	vld [tilespmem:s17+$0x5010]  }
0x2e: {  	[tilespmem:s17+$0x7800] =	vst v1;
	v1 =	vld [tilespmem:s17+$0x20]  }
0x2f: {  	v2 =	vld.idx.msk [tilespmem:v2+s12+$0x0], $0xffff;
	_ =	sdelay $0x4  }
0x30: {  	v2 =	vmul.f32 v3, v2  }
0x31: {  	v3 =	vld [tilespmem:s17+$0x5020]  }
0x32: {  	[tilespmem:s17+$0x7810] =	vst v2;
	v2 =	vld [tilespmem:s17+$0x30]  }
0x33: {  	v1 =	vld.idx.msk [tilespmem:v1+s12+$0x0], $0xffff;
	_ =	sdelay $0x4  }
0x34: {  	v1 =	vmul.f32 v3, v1  }
0x35: {  	v3 =	vld [tilespmem:s17+$0x5030]  }
0x36: {  	[tilespmem:s17+$0x7820] =	vst v1;
	v1 =	vld [tilespmem:s17+$0x40]  }
0x37: {  	v2 =	vld.idx.msk [tilespmem:v2+s12+$0x0], $0xffff;
	_ =	sdelay $0x4  }
0x38: {  	v2 =	vmul.f32 v3, v2  }
0x39: {  	v3 =	vld [tilespmem:s17+$0x5040]  }
0x3a: {  	[tilespmem:s17+$0x7830] =	vst v2;
	v2 =	vld [tilespmem:s17+$0x50]  }
0x3b: {  	v1 =	vld.idx.msk [tilespmem:v1+s12+$0x0], $0xffff;
	_ =	sdelay $0x4  }
0x3c: {  	v1 =	vmul.f32 v3, v1  }
0x3d: {  	v3 =	vld [tilespmem:s17+$0x5050]  }
0x3e: {  	[tilespmem:s17+$0x7840] =	vst v1;
	v1 =	vld [tilespmem:s17+$0x60]  }
0x3f: {  	v2 =	vld.idx.msk [tilespmem:v2+s12+$0x0], $0xffff;
	_ =	sdelay $0x4  }
0x40: {  	v2 =	vmul.f32 v3, v2  }
0x41: {  	v3 =	vld [tilespmem:s17+$0x5060]  }
0x42: {  	[tilespmem:s17+$0x7850] =	vst v2;
	v2 =	vld [tilespmem:s17+$0x70]  }
0x43: {  	v1 =	vld.idx.msk [tilespmem:v1+s12+$0x0], $0xffff;
	_ =	sdelay $0x4  }
0x44: {  	v1 =	vmul.f32 v3, v1;
	_ =	sdelay $0x1  }
0x45: {  	[tilespmem:s17+$0x7860] =	vst v1  }
0x46: {  	v1 =	vld.idx.msk [tilespmem:v2+s12+$0x0], $0xffff  }
0x47: {  	v2 =	vld [tilespmem:s17+$0x5070];
	_ =	sdelay $0x4  }
0x48: {  	v1 =	vmul.f32 v2, v1;
	_ =	sdelay $0x1  }
0x49: {  	s18 =	simm.s32 $0x7800;
	s31 =	simm.s32 $0x2800;
	[tilespmem:s17+$0x7870] =	vst v1  }
0x4a: {  	[spmem:s2] =	stream.indirect.scatter.add.f32 [tilespmem:s18], [sflag:$0x1], $0x1, s31, s14, $0xb8;
	[tilespmem:$0xF178] =	vst v63  }
0x4b: {  	_ =	swait.ge [sflag:s9], $0x80  }
0x4c: {  	s20 =	simm.s32 $0x400;
	s17 =	simm.s32 $0x200;
	[sflag:s9] =	ssyncset.done $0x0  }
.LBB2_6:
0x4d: {  	s19 =	sshra.s32 s17, $0x2  }
0x4e: {  	[sflag:s9] =	ssyncadd.s32 $0xFFFFFF80;
	s17 =	smov.u32 s20;
	s18 =	sadd.s32 $0x200, s20  }
0x4f: {  	p1 =	sne.s32 s20, $0x9E00;
	v1 =	vld [tilespmem:s19+$0x0];
	_ =	sdelay $0x6  }
0x50: {  	v2 =	vld [tilespmem:s19+$0x10]  }
0x51: {  	v1 =	vld.idx.msk [tilespmem:v1+s12+$0x0], $0xffff  }
0x52: {  	v3 =	vld [tilespmem:s19+$0x5000];
	_ =	sdelay $0x4  }
0x53: {  	v1 =	vmul.f32 v3, v1;
	_ =	sdelay $0x1  }
0x54: {  	[tilespmem:s19+$0x7800] =	vst v1;
	v1 =	vld [tilespmem:s19+$0x20]  }
0x55: {  	v2 =	vld.idx.msk [tilespmem:v2+s12+$0x0], $0xffff  }
0x56: {  	v3 =	vld [tilespmem:s19+$0x5010];
	_ =	sdelay $0x4  }
0x57: {  	v2 =	vmul.f32 v3, v2;
	_ =	sdelay $0x1  }
0x58: {  	[tilespmem:s19+$0x7810] =	vst v2;
	v2 =	vld [tilespmem:s19+$0x30]  }
0x59: {  	v1 =	vld.idx.msk [tilespmem:v1+s12+$0x0], $0xffff  }
0x5a: {  	v3 =	vld [tilespmem:s19+$0x5020];
	_ =	sdelay $0x4  }
0x5b: {  	v1 =	vmul.f32 v3, v1;
	_ =	sdelay $0x1  }
0x5c: {  	[tilespmem:s19+$0x7820] =	vst v1;
	v1 =	vld [tilespmem:s19+$0x40]  }
0x5d: {  	v2 =	vld.idx.msk [tilespmem:v2+s12+$0x0], $0xffff  }
0x5e: {  	v3 =	vld [tilespmem:s19+$0x5030];
	_ =	sdelay $0x4  }
0x5f: {  	v2 =	vmul.f32 v3, v2;
	_ =	sdelay $0x1  }
0x60: {  	[tilespmem:s19+$0x7830] =	vst v2;
	v2 =	vld [tilespmem:s19+$0x50]  }
0x61: {  	v1 =	vld.idx.msk [tilespmem:v1+s12+$0x0], $0xffff  }
0x62: {  	v3 =	vld [tilespmem:s19+$0x5040];
	_ =	sdelay $0x4  }
0x63: {  	v1 =	vmul.f32 v3, v1;
	_ =	sdelay $0x1  }
0x64: {  	[tilespmem:s19+$0x7840] =	vst v1;
	v1 =	vld [tilespmem:s19+$0x60]  }
0x65: {  	v2 =	vld.idx.msk [tilespmem:v2+s12+$0x0], $0xffff  }
0x66: {  	v3 =	vld [tilespmem:s19+$0x5050];
	_ =	sdelay $0x4  }
0x67: {  	v2 =	vmul.f32 v3, v2;
	_ =	sdelay $0x1  }
0x68: {  	[tilespmem:s19+$0x7850] =	vst v2;
	v2 =	vld [tilespmem:s19+$0x70]  }
0x69: {  	v1 =	vld.idx.msk [tilespmem:v1+s12+$0x0], $0xffff  }
0x6a: {  	v3 =	vld [tilespmem:s19+$0x5060];
	_ =	sdelay $0x4  }
0x6b: {  	v1 =	vmul.f32 v3, v1;
	_ =	sdelay $0x1  }
0x6c: {  	[tilespmem:s19+$0x7860] =	vst v1  }
0x6d: {  	v1 =	vld.idx.msk [tilespmem:v2+s12+$0x0], $0xffff  }
0x6e: {  	v2 =	vld [tilespmem:s19+$0x5070];
	_ =	sdelay $0x4  }
0x6f: {  	v1 =	vmul.f32 v2, v1  }
.Ltmp2:
0x70: {  	(pc) =	sbr.rel @p1 .LBB2_6-.Ltmp2, $4  }
0x71: {  	s20 =	sadd.s32 $0x7800, s19;
	[tilespmem:s19+$0x7870] =	vst v1;
	s19 =	sadd.s32 $0x2800, s19  }
0x72: {  	[spmem:s2] =	stream.indirect.scatter.add.f32 [tilespmem:s20], [sflag:$0x1], $0x1, s19, s14, $0xb8;
	[tilespmem:$0xF178] =	vst v63  }
0x73: {  	_ =	swait.ge [sflag:s9], $0x80  }
0x74: {  	s20 =	smov.u32 s18;
	[sflag:s9] =	ssyncset.done $0x0  }
0x75: {  	s17 =	sshra.s32 s17, $0x2;
	[sflag:s9] =	ssyncadd.s32 $0xFFFFFF80  }
0x76: {  	v1 =	vld [tilespmem:s17+$0x0];
	_ =	sdelay $0x5  }
0x77: {  	v2 =	vld [tilespmem:s17+$0x10]  }
0x78: {  	v3 =	vld [tilespmem:s17+$0x5000]  }
0x79: {  	v1 =	vld.idx.msk [tilespmem:v1+s12+$0x0], $0xffff;
	_ =	sdelay $0x4  }
0x7a: {  	v1 =	vmul.f32 v3, v1  }
0x7b: {  	v3 =	vld [tilespmem:s17+$0x5010]  }
0x7c: {  	[tilespmem:s17+$0x7800] =	vst v1;
	v1 =	vld [tilespmem:s17+$0x20]  }
0x7d: {  	v2 =	vld.idx.msk [tilespmem:v2+s12+$0x0], $0xffff;
	_ =	sdelay $0x4  }
0x7e: {  	v2 =	vmul.f32 v3, v2  }
0x7f: {  	v3 =	vld [tilespmem:s17+$0x5020]  }
0x80: {  	[tilespmem:s17+$0x7810] =	vst v2;
	v2 =	vld [tilespmem:s17+$0x30]  }
0x81: {  	v1 =	vld.idx.msk [tilespmem:v1+s12+$0x0], $0xffff;
	_ =	sdelay $0x4  }
0x82: {  	v1 =	vmul.f32 v3, v1  }
0x83: {  	v3 =	vld [tilespmem:s17+$0x5030]  }
0x84: {  	[tilespmem:s17+$0x7820] =	vst v1;
	v1 =	vld [tilespmem:s17+$0x40]  }
0x85: {  	v2 =	vld.idx.msk [tilespmem:v2+s12+$0x0], $0xffff;
	_ =	sdelay $0x4  }
0x86: {  	v2 =	vmul.f32 v3, v2  }
0x87: {  	v3 =	vld [tilespmem:s17+$0x5040]  }
0x88: {  	[tilespmem:s17+$0x7830] =	vst v2;
	v2 =	vld [tilespmem:s17+$0x50]  }
0x89: {  	v1 =	vld.idx.msk [tilespmem:v1+s12+$0x0], $0xffff;
	_ =	sdelay $0x4  }
0x8a: {  	v1 =	vmul.f32 v3, v1  }
0x8b: {  	v3 =	vld [tilespmem:s17+$0x5050]  }
0x8c: {  	[tilespmem:s17+$0x7840] =	vst v1;
	v1 =	vld [tilespmem:s17+$0x60]  }
0x8d: {  	v2 =	vld.idx.msk [tilespmem:v2+s12+$0x0], $0xffff;
	_ =	sdelay $0x4  }
0x8e: {  	v2 =	vmul.f32 v3, v2  }
0x8f: {  	v3 =	vld [tilespmem:s17+$0x5060]  }
0x90: {  	[tilespmem:s17+$0x7850] =	vst v2;
	v2 =	vld [tilespmem:s17+$0x70]  }
0x91: {  	v1 =	vld.idx.msk [tilespmem:v1+s12+$0x0], $0xffff;
	_ =	sdelay $0x4  }
0x92: {  	v1 =	vmul.f32 v3, v1;
	_ =	sdelay $0x1  }
0x93: {  	[tilespmem:s17+$0x7860] =	vst v1  }
0x94: {  	v1 =	vld.idx.msk [tilespmem:v2+s12+$0x0], $0xffff  }
0x95: {  	v2 =	vld [tilespmem:s17+$0x5070];
	_ =	sdelay $0x4  }
0x96: {  	v1 =	vmul.f32 v2, v1;
	_ =	sdelay $0x1  }
0x97: {  	s18 =	sadd.s32 $0x7800, s17;
	[tilespmem:s17+$0x7870] =	vst v1;
	s17 =	sadd.s32 $0x2800, s17  }
0x98: {  	[spmem:s2] =	stream.indirect.scatter.add.f32 [tilespmem:s18], [sflag:$0x1], $0x1, s17, s14, $0xb8;
	[tilespmem:$0xF178] =	vst v63  }
0x99: {  	s19 =	simm.s32 @!p0 $0x10;
	_ =	swait.ge [sflag:s9], $0x80  }
0x9a: {  	s20 =	simm.s32 @!p0 $0x1C01;
	s16 =	sadd.s32 $0x1, s16;
	[sflag:s9] =	ssyncset.done $0x0  }
0x9b: {  	p1 =	sne.s32 s16, s8;
	s17 =	simm.s32 @!p0 $0x1;
	[sflag:s9] =	ssyncadd.s32 $0xFFFFFF80  }
.Ltmp3:
0x9c: {  	s18 =	simm.s32 @!p0 $0x20;
	[bflag:$0x0] =	sbarrier.arrive $0xFFFF;
	(pc) =	sbr.rel @p1 .LBB2_1-.Ltmp3, $4  }
0x9d: {  	[hbm:s7@s18], [sflag:s20] =	dma.strided @!p0 [spmem:s15@s19], $0x4F0, s17, $0x10   }
0x9e: {  	_ =	swait.ge @!p0 [sflag:s17], $0x4F0  }
0x9f: {  	[sflag:s17] =	ssyncset.done @!p0 $0x0  }
0xa0: {  	[sflag:s17] =	ssyncadd.s32 @!p0 $0xFFFFFB10  }
0xa1: {  	_ =	sfence.sel $0x180000  }
0xa2: {  	[bflag:$0x0] =	sbarrier.arrive $0xFFFF  }
0xa3: {  	_ =	strace $0x90000050  }
0xa4: {  	s0 =	sadd.s32 @!p0 $0x100000, s1;
	[bflag:$0x2] =	sbarrier.arrive $0xFFFF  }
0xa5: {  	[sflag:s0] =	ssyncadd.tile.s32 @!p0 $0x1;
	_ =	shalt  }
.Lfunc_end2:
_tile_overlayer_lowered:
.L_overlay_start_2:
0xa6: {  	(tag) =	ssettag $0x2  }
0xa7: {  	s0 =	rddreg [dreg:$0x0];
	s2 =	stileid.u32  }
0xa8: {  	s1 =	rddreg [dreg:$0x1];
	p0 =	sne.s32 s2, $0x0  }
0xa9: {  	s3 =	rddreg [dreg:$0x2];
	[bflag:$0x3] =	sbarrier.arrive $0xFFFF;
	s2 =	simm.s32 @!p0 $0x1C01  }
0xaa: {  	[timem:s3], [sflag:s2] =	dma.local @!p0 [hbm:s0], s1  }
0xab: {  	s0 =	simm.s32 @!p0 $0x1  }
0xac: {  	_ =	swait.ge @!p0 [sflag:s0], s1  }
0xad: {  	s1 =	ssub.s32 @!p0 $0x0, s1;
	[sflag:s0] =	ssyncset.done @!p0 $0x0  }
0xae: {  	[sflag:s0] =	ssyncadd.s32 @!p0 s1  }
0xaf: {  	[bflag:$0x3] =	sbarrier.arrive $0xFFFF  }
0xb0: {  	_ =	shalt  }

</sc_bundles>
